<compile_context>
chip_gen: v7x
topology: tpu7x:2x2x1
jax: 0.10.2.dev20260603
libtpu: 0.0.44.dev20260713+nightly
codegen_flags: <defaults>
</compile_context>

<pallas_src>
import functools

import jax
import jax.numpy as jnp
from jax import lax
from jax.experimental import pallas as pl
from jax.experimental.pallas import tpu as pltpu
from jax.experimental.pallas import tpu_sc as plsc

N = 10000
E = 320000
SF = 9
DF = 4
H = 128
T = 3

NC = 2
NS = 16
NP = 10240
ROWS = NP // NS
CH = 128
PADROW = NP - 8

K = 4

W1 = NC * NS
E1C = -(-(E // W1) // (CH * K)) * K
E1 = W1 * E1C * CH

_f32 = jnp.float32
_i32 = jnp.int32


def _stage1_body(s_hbm, z_hbm, src_hbm, dst_hbm, out_hbm, srcv, dstv, gbuf,
                 semg, sema, acc):
    cid = lax.axis_index("c")
    sid = lax.axis_index("s")
    wid = cid * NS + sid
    rows = pl.ds(sid * ROWS, ROWS)

    pltpu.sync_copy(z_hbm.at[rows, :], acc.at[rows, :])
    pltpu.sync_copy(src_hbm.at[wid], srcv)
    pltpu.sync_copy(dst_hbm.at[wid], dstv)
    plsc.subcore_barrier()

    def body(p, c):
        j = p * K
        hg = [pltpu.async_copy(s_hbm.at[srcv.at[j + b]], gbuf.at[b], semg)
              for b in range(K)]
        for h in hg:
            h.wait()
        ha = [pltpu.async_copy(gbuf.at[b], acc.at[dstv.at[j + b]], sema,
                               add=True)
              for b in range(K)]
        for h in ha:
            h.wait()
        return c
    lax.fori_loop(0, E1C // K, body, 0)
    plsc.subcore_barrier()

    pltpu.sync_copy(acc.at[rows, :], out_hbm.at[cid, rows, :])


@functools.cache
def _get_stage1():
    return functools.partial(
        pl.kernel,
        out_type=jax.ShapeDtypeStruct((NC, NP, 32), _f32),
        mesh=plsc.VectorSubcoreMesh(core_axis_name="c", subcore_axis_name="s",
                                    num_cores=NC, num_subcores=NS),
        compiler_params=pltpu.CompilerParams(use_tc_tiling_on_sc=False),
        scratch_types=[
            pltpu.VMEM((E1C, CH), _i32),
            pltpu.VMEM((E1C, CH), _i32),
            pltpu.VMEM((K, CH, 32), _f32),
            pltpu.SemaphoreType.DMA,
            pltpu.SemaphoreType.DMA,
            pltpu.VMEM_SHARED((NP, 32), _f32),
        ],
    )(_stage1_body)


def _tc_body(xs_ref, p0_ref, p1_ref, wxs_ref, wagg_ref, b_ref, wdtop_ref, out_ref):
    xsb = xs_ref[0]
    aggb = p0_ref[...] + p1_ref[...]
    pre = (jnp.dot(xsb, wxs_ref[...], preferred_element_type=_f32)
           + jnp.dot(aggb, wagg_ref[0], preferred_element_type=_f32)
           + b_ref[...])
    learned = jnp.maximum(pre, 0.0)
    out_ref[0] = jnp.dot(learned, wdtop_ref[...], preferred_element_type=_f32)


_NB = 10
_RB = NP // _NB


def _tc_call(xs_pad, p0, p1, wxs, wagg, bfe2, wdtop):
    return pl.pallas_call(
        _tc_body,
        grid=(T, _NB),
        in_specs=[
            pl.BlockSpec((1, _RB, 16), lambda t, nb: (t, nb, 0)),
            pl.BlockSpec((_RB, 32), lambda t, nb: (nb, 0)),
            pl.BlockSpec((_RB, 32), lambda t, nb: (nb, 0)),
            pl.BlockSpec((16, 128), lambda t, nb: (0, 0)),
            pl.BlockSpec((1, 32, 128), lambda t, nb: (t, 0, 0)),
            pl.BlockSpec((1, 128), lambda t, nb: (0, 0)),
            pl.BlockSpec((128, 16), lambda t, nb: (0, 0)),
        ],
        out_specs=pl.BlockSpec((1, _RB, 16), lambda t, nb: (t, nb, 0)),
        out_shape=jax.ShapeDtypeStruct((T, NP, 16), _f32),
    )(xs_pad, p0, p1, wxs, wagg, bfe2, wdtop)


def kernel(x, edge_index, Wfe_self, Wfe_nbr, bfe, Wd_self, Wd_nbr, bd,
           Wi_self, Wi_nbr, bi):
    f32 = _f32
    s = jnp.transpose(x[:, :, :SF], (1, 0, 2)).reshape(N, T * SF)
    s_pad = jnp.zeros((NP, 32), f32).at[:N, :T * SF].set(s)
    z32 = jnp.zeros((NP, 32), f32)

    src = edge_index[0]
    dst = edge_index[1]
    pad1 = jnp.full((E1 - E,), PADROW, _i32)
    src1 = jnp.concatenate([src, pad1]).reshape(W1, E1C, CH)
    dst1 = jnp.concatenate([dst, pad1]).reshape(W1, E1C, CH)

    xs_pad = jnp.zeros((T, NP, 16), f32).at[:, :N, :SF].set(x[:, :, :SF])
    wxs = jnp.zeros((16, H), f32).at[:SF].set(Wfe_self)
    wagg = jnp.zeros((T, 32, H), f32)
    for t in range(T):
        wagg = wagg.at[t, t * SF:(t + 1) * SF].set(Wfe_nbr)
    bfe2 = bfe.reshape(1, H)
    wdtop = jnp.concatenate(
        [Wd_self[:H], Wd_nbr[:H], jnp.zeros((H, 8), f32)], axis=1)

    partials = _get_stage1()(s_pad, z32, src1, dst1)
    ab = _tc_call(xs_pad, partials[0], partials[1], wxs, wagg, bfe2, wdtop)
    spmm = _get_stage1()

    def segsum4(h4):
        hp = jnp.zeros((NP, 32), f32).at[:N, :4].set(h4)
        parts = spmm(hp, z32, src1, dst1)
        return (parts[0] + parts[1])[:N, :4]

    abn = ab[:, :N, :]
    dyn = x[0, :, SF:SF + DF]
    preds = []
    for t in range(T):
        u = abn[t, :, 4:8] + dyn @ Wd_nbr[H:]
        agg1 = segsum4(u)
        t_dot = abn[t, :, 0:4] + dyn @ Wd_self[H:] + agg1 + bd
        v = t_dot @ Wi_nbr
        agg2 = segsum4(v)
        dyn = dyn + (t_dot @ Wi_self + agg2 + bi)
        preds.append(dyn)
    return jnp.stack(preds)

# --- scband reference (transcript-rebuilt; emitter-appended) ---
"""Pipeline reference for scband-gparc-river-v1-88510686036707 (READ-ONLY COPY).

The authoritative reference and input builder live on the scoring server;
editing this copy changes nothing except your own understanding.
"""

import jax, jax.numpy as jnp
import numpy as np

N = 10000
E = 320000
SF = 9
DF = 4
H = 128
T = 3

def setup_inputs(seed: int = 0) -> dict:
    key = jax.random.key(seed)
    ks = jax.random.split(key, 12)
    x = jax.random.normal(ks[0], (T, N, SF + DF), dtype=jnp.float32)
    edge_index = jax.random.randint(ks[1], (2, E), 0, N, dtype=jnp.int32)
    # feature_extractor GNN: static_feats [N,9] -> learned [N,128]
    Wfe_self = jax.random.normal(ks[2], (SF, H), dtype=jnp.float32) / np.sqrt(SF)
    Wfe_nbr = jax.random.normal(ks[3], (SF, H), dtype=jnp.float32) / np.sqrt(SF)
    bfe = jnp.zeros((H,), dtype=jnp.float32)
    # derivative GNN: [learned||dynamic] [N,132] -> t_dot [N,4]
    Wd_self = jax.random.normal(ks[4], (H + DF, DF), dtype=jnp.float32) / np.sqrt(H + DF)
    Wd_nbr = jax.random.normal(ks[5], (H + DF, DF), dtype=jnp.float32) / np.sqrt(H + DF)
    bd = jnp.zeros((DF,), dtype=jnp.float32)
    # integral GNN: t_dot [N,4] -> delta [N,4]
    Wi_self = jax.random.normal(ks[6], (DF, DF), dtype=jnp.float32) / np.sqrt(DF)
    Wi_nbr = jax.random.normal(ks[7], (DF, DF), dtype=jnp.float32) / np.sqrt(DF)
    bi = jnp.zeros((DF,), dtype=jnp.float32)
    return {"x": x, "edge_index": edge_index, "Wfe_self": Wfe_self, "Wfe_nbr": Wfe_nbr, "bfe": bfe, "Wd_self": Wd_self, "Wd_nbr": Wd_nbr, "bd": bd, "Wi_self": Wi_self, "Wi_nbr": Wi_nbr, "bi": bi}

def reference(x, edge_index, Wfe_self, Wfe_nbr, bfe, Wd_self, Wd_nbr, bd, Wi_self, Wi_nbr, bi):
    n = x.shape[1]
    src = edge_index[0]
    dst = edge_index[1]
    def mp(h, Ws, Wn, b):
        # message passing layer: self transform + neighbor scatter-add aggregation
        msg = jnp.take(h, src, axis=0) @ Wn
        agg = jax.ops.segment_sum(msg, dst, num_segments=n)
        return h @ Ws + agg + b
    dt = 1.0
    preds = []
    F_prev = None
    for i in range(x.shape[0]):
        static_feats = x[i, :, :SF]
        if i == 0:
            current_dynamic = x[i, :, SF:SF + DF]
        else:
            # inference path: F_prev.detach()
            current_dynamic = jax.lax.stop_gradient(F_prev)
        learned = jax.nn.relu(mp(static_feats, Wfe_self, Wfe_nbr, bfe))
        t_dot = mp(jnp.concatenate([learned, current_dynamic], axis=1), Wd_self, Wd_nbr, bd)
        delta = mp(t_dot, Wi_self, Wi_nbr, bi)
        F_next = current_dynamic + dt * delta
        preds.append(F_next)
        F_prev = F_next
    return jnp.stack(preds, axis=0)

if __name__ == "__main__":
    import jax
    _d = setup_inputs()
    print(jax.jit(kernel)(*tuple(_d.values())))

</pallas_src>

<mosaic_0001>
#map = affine_map<(d0, d1) -> (0, 0)>
#map1 = affine_map<(d0, d1) -> (0, 0, 0)>
module attributes {stable_mosaic.version = 14 : i64} {
  func.func @_stage1_body(%arg0: i32, %arg1: i32, %arg2: memref<10240x32xf32, #tpu.memory_space<hbm>>, %arg3: memref<10240x32xf32, #tpu.memory_space<hbm>>, %arg4: memref<32x80x128xi32, #tpu.memory_space<hbm>>, %arg5: memref<32x80x128xi32, #tpu.memory_space<hbm>>, %arg6: memref<2x10240x32xf32, #tpu.memory_space<hbm>>, %arg7: memref<80x128xi32, #tpu.memory_space<vmem>>, %arg8: memref<80x128xi32, #tpu.memory_space<vmem>>, %arg9: memref<4x128x32xf32, #tpu.memory_space<vmem>>, %arg10: memref<!tpu.dma_semaphore, #tpu.memory_space<semaphore_mem>>, %arg11: memref<!tpu.dma_semaphore, #tpu.memory_space<semaphore_mem>>, %arg12: memref<10240x32xf32, #tpu.memory_space<vmem_shared>>) attributes {dimension_semantics = [#tpu.dimension_semantics<core_parallel>, #tpu.dimension_semantics<subcore_parallel>], iteration_bounds = array<i64: 2, 16>, scalar_prefetch = 0 : i64, scratch_operands = 6 : i64, tpu.core_type = #tpu.core_type<sc_vector_subcore>, window_params = [{transform_indices = #map}, {transform_indices = #map}, {transform_indices = #map1}, {transform_indices = #map1}, {transform_indices = #map1}]} {
    %mul3A = arith.constant 16 : i32
    %mul3A_0 = arith.muli %arg0, %mul3A : i32
    %add3A = arith.addi %mul3A_0, %arg1 : i32
    %mul3A_1 = arith.constant 640 : i32
    %mul3A_2 = arith.muli %arg1, %mul3A_1 : i32
    "tpu.region"() ({
      %run_scoped3A = tpu.sem_alloc : memref<!tpu.dma_semaphore, #tpu.memory_space<semaphore_mem>>
      %dma_start3A = arith.constant 0 : i32
      %dma_start3A_9 = tpu.memref_slice %arg12[%mul3A_2, %dma_start3A] : memref<10240x32xf32, #tpu.memory_space<vmem_shared>> -> memref<640x32xf32, #tpu.memory_space<vmem_shared>>
      %dma_start3A_10 = arith.constant 0 : i32
      %dma_start3A_11 = tpu.memref_slice %arg3[%mul3A_2, %dma_start3A_10] : memref<10240x32xf32, #tpu.memory_space<hbm>> -> memref<640x32xf32, #tpu.memory_space<hbm>>
      tpu.enqueue_dma source(%dma_start3A_11 : memref<640x32xf32, #tpu.memory_space<hbm>>) target(%dma_start3A_9 : memref<640x32xf32, #tpu.memory_space<vmem_shared>>) target_semaphore(%run_scoped3A : memref<!tpu.dma_semaphore, #tpu.memory_space<semaphore_mem>>)
      %dma_wait3A = arith.constant 0 : i32
      %dma_wait3A_12 = tpu.memref_slice %arg12[%mul3A_2, %dma_wait3A] : memref<10240x32xf32, #tpu.memory_space<vmem_shared>> -> memref<640x32xf32, #tpu.memory_space<vmem_shared>>
      %dma_wait3A_13 = arith.constant 0 : i32
      %dma_wait3A_14 = tpu.memref_slice %arg3[%mul3A_2, %dma_wait3A_13] : memref<10240x32xf32, #tpu.memory_space<hbm>> -> memref<640x32xf32, #tpu.memory_space<hbm>>
      tpu.wait_dma2 semaphore(%run_scoped3A : memref<!tpu.dma_semaphore, #tpu.memory_space<semaphore_mem>>) src(%dma_wait3A_14 : memref<640x32xf32, #tpu.memory_space<hbm>>) dst(%dma_wait3A_12 : memref<640x32xf32, #tpu.memory_space<vmem_shared>>)
      tpu.yield
    }) : () -> ()
    "tpu.region"() ({
      %run_scoped3A = tpu.sem_alloc : memref<!tpu.dma_semaphore, #tpu.memory_space<semaphore_mem>>
      %dma_start3A = arith.constant 0 : i32
      %dma_start3A_9 = arith.constant 0 : i32
      %dma_start3A_10 = tpu.memref_slice %arg4[%add3A, %dma_start3A, %dma_start3A_9] : memref<32x80x128xi32, #tpu.memory_space<hbm>> -> memref<1x80x128xi32, #tpu.memory_space<hbm>>
      %dma_start3A_11 = tpu.memref_squeeze %dma_start3A_10 : memref<1x80x128xi32, #tpu.memory_space<hbm>> -> memref<80x128xi32, #tpu.memory_space<hbm>>
      %dma_start3A_12 = arith.constant 0 : i32
      %dma_start3A_13 = arith.constant 0 : i32
      %dma_start3A_14 = tpu.memref_slice %arg4[%add3A, %dma_start3A_12, %dma_start3A_13] : memref<32x80x128xi32, #tpu.memory_space<hbm>> -> memref<1x80x128xi32, #tpu.memory_space<hbm>>
      %dma_start3A_15 = tpu.memref_squeeze %dma_start3A_14 : memref<1x80x128xi32, #tpu.memory_space<hbm>> -> memref<80x128xi32, #tpu.memory_space<hbm>>
      tpu.enqueue_dma source(%dma_start3A_15 : memref<80x128xi32, #tpu.memory_space<hbm>>) target(%arg7 : memref<80x128xi32, #tpu.memory_space<vmem>>) target_semaphore(%run_scoped3A : memref<!tpu.dma_semaphore, #tpu.memory_space<semaphore_mem>>)
      %dma_wait3A = arith.constant 0 : i32
      %dma_wait3A_16 = arith.constant 0 : i32
      %dma_wait3A_17 = tpu.memref_slice %arg4[%add3A, %dma_wait3A, %dma_wait3A_16] : memref<32x80x128xi32, #tpu.memory_space<hbm>> -> memref<1x80x128xi32, #tpu.memory_space<hbm>>
      %dma_wait3A_18 = tpu.memref_squeeze %dma_wait3A_17 : memref<1x80x128xi32, #tpu.memory_space<hbm>> -> memref<80x128xi32, #tpu.memory_space<hbm>>
      %dma_wait3A_19 = arith.constant 0 : i32
      %dma_wait3A_20 = arith.constant 0 : i32
      %dma_wait3A_21 = tpu.memref_slice %arg4[%add3A, %dma_wait3A_19, %dma_wait3A_20] : memref<32x80x128xi32, #tpu.memory_space<hbm>> -> memref<1x80x128xi32, #tpu.memory_space<hbm>>
      %dma_wait3A_22 = tpu.memref_squeeze %dma_wait3A_21 : memref<1x80x128xi32, #tpu.memory_space<hbm>> -> memref<80x128xi32, #tpu.memory_space<hbm>>
      tpu.wait_dma2 semaphore(%run_scoped3A : memref<!tpu.dma_semaphore, #tpu.memory_space<semaphore_mem>>) src(%dma_wait3A_22 : memref<80x128xi32, #tpu.memory_space<hbm>>) dst(%arg7 : memref<80x128xi32, #tpu.memory_space<vmem>>)
      tpu.yield
    }) : () -> ()
    "tpu.region"() ({
      %run_scoped3A = tpu.sem_alloc : memref<!tpu.dma_semaphore, #tpu.memory_space<semaphore_mem>>
      %dma_start3A = arith.constant 0 : i32
      %dma_start3A_9 = arith.constant 0 : i32
      %dma_start3A_10 = tpu.memref_slice %arg5[%add3A, %dma_start3A, %dma_start3A_9] : memref<32x80x128xi32, #tpu.memory_space<hbm>> -> memref<1x80x128xi32, #tpu.memory_space<hbm>>
      %dma_start3A_11 = tpu.memref_squeeze %dma_start3A_10 : memref<1x80x128xi32, #tpu.memory_space<hbm>> -> memref<80x128xi32, #tpu.memory_space<hbm>>
      %dma_start3A_12 = arith.constant 0 : i32
      %dma_start3A_13 = arith.constant 0 : i32
      %dma_start3A_14 = tpu.memref_slice %arg5[%add3A, %dma_start3A_12, %dma_start3A_13] : memref<32x80x128xi32, #tpu.memory_space<hbm>> -> memref<1x80x128xi32, #tpu.memory_space<hbm>>
      %dma_start3A_15 = tpu.memref_squeeze %dma_start3A_14 : memref<1x80x128xi32, #tpu.memory_space<hbm>> -> memref<80x128xi32, #tpu.memory_space<hbm>>
      tpu.enqueue_dma source(%dma_start3A_15 : memref<80x128xi32, #tpu.memory_space<hbm>>) target(%arg8 : memref<80x128xi32, #tpu.memory_space<vmem>>) target_semaphore(%run_scoped3A : memref<!tpu.dma_semaphore, #tpu.memory_space<semaphore_mem>>)
      %dma_wait3A = arith.constant 0 : i32
      %dma_wait3A_16 = arith.constant 0 : i32
      %dma_wait3A_17 = tpu.memref_slice %arg5[%add3A, %dma_wait3A, %dma_wait3A_16] : memref<32x80x128xi32, #tpu.memory_space<hbm>> -> memref<1x80x128xi32, #tpu.memory_space<hbm>>
      %dma_wait3A_18 = tpu.memref_squeeze %dma_wait3A_17 : memref<1x80x128xi32, #tpu.memory_space<hbm>> -> memref<80x128xi32, #tpu.memory_space<hbm>>
      %dma_wait3A_19 = arith.constant 0 : i32
      %dma_wait3A_20 = arith.constant 0 : i32
      %dma_wait3A_21 = tpu.memref_slice %arg5[%add3A, %dma_wait3A_19, %dma_wait3A_20] : memref<32x80x128xi32, #tpu.memory_space<hbm>> -> memref<1x80x128xi32, #tpu.memory_space<hbm>>
      %dma_wait3A_22 = tpu.memref_squeeze %dma_wait3A_21 : memref<1x80x128xi32, #tpu.memory_space<hbm>> -> memref<80x128xi32, #tpu.memory_space<hbm>>
      tpu.wait_dma2 semaphore(%run_scoped3A : memref<!tpu.dma_semaphore, #tpu.memory_space<semaphore_mem>>) src(%dma_wait3A_22 : memref<80x128xi32, #tpu.memory_space<hbm>>) dst(%arg8 : memref<80x128xi32, #tpu.memory_space<vmem>>)
      tpu.yield
    }) : () -> ()
    %barrier3A = arith.constant 0 : index
    tpu.barrier barrier_id(%barrier3A)
    %scan3A = arith.constant 0 : i32
    %scan3A_3 = arith.constant 0 : i32
    %scan3A_4 = arith.constant 20 : i32
    %scan3A_5 = arith.addi %scan3A_3, %scan3A_4 : i32
    %scan3A_6 = arith.constant 1 : i32
    scf.for %scan3A_9 = %scan3A_3 to %scan3A_5 step %scan3A_6  : i32 {
      %mul3A_10 = arith.constant 4 : i32
      %mul3A_11 = arith.muli %scan3A_9, %mul3A_10 : i32
      %add3A_12 = arith.constant 0 : i32
      %add3A_13 = arith.addi %mul3A_11, %add3A_12 : i32
      %dma_start3A = arith.constant 0 : i32
      %dma_start3A_14 = arith.constant 0 : i32
      %dma_start3A_15 = arith.constant 0 : i32
      %dma_start3A_16 = tpu.memref_slice %arg9[%dma_start3A, %dma_start3A_14, %dma_start3A_15] : memref<4x128x32xf32, #tpu.memory_space<vmem>> -> memref<1x128x32xf32, #tpu.memory_space<vmem>>
      %dma_start3A_17 = tpu.memref_squeeze %dma_start3A_16 : memref<1x128x32xf32, #tpu.memory_space<vmem>> -> memref<128x32xf32, #tpu.memory_space<vmem>>
      %dma_start3A_18 = arith.constant 0 : i32
      %dma_start3A_19 = tpu.memref_slice %arg7[%add3A_13, %dma_start3A_18] : memref<80x128xi32, #tpu.memory_space<vmem>> -> memref<1x128xi32, #tpu.memory_space<vmem>>
      %dma_start3A_20 = tpu.memref_squeeze %dma_start3A_19 : memref<1x128xi32, #tpu.memory_space<vmem>> -> memref<128xi32, #tpu.memory_space<vmem>>
      %dma_start3A_21 = arith.constant 0 : i32
      %dma_start3A_22 = arith.constant 0 : i32
      %dma_start3A_23 = tpu.memref_slice %arg2[%dma_start3A_21, %dma_start3A_22] : memref<10240x32xf32, #tpu.memory_space<hbm>> -> memref<10240x32xf32, #tpu.memory_space<hbm>>
      tpu.enqueue_indirect_dma source(%dma_start3A_23 : memref<10240x32xf32, #tpu.memory_space<hbm>>) target(%dma_start3A_17 : memref<128x32xf32, #tpu.memory_space<vmem>>) offsets(%dma_start3A_20 : memref<128xi32, #tpu.memory_space<vmem>>) semaphore(%arg10 : memref<!tpu.dma_semaphore, #tpu.memory_space<semaphore_mem>>)
      %add3A_24 = arith.constant 1 : i32
      %add3A_25 = arith.addi %mul3A_11, %add3A_24 : i32
      %dma_start3A_26 = arith.constant 1 : i32
      %dma_start3A_27 = arith.constant 0 : i32
      %dma_start3A_28 = arith.constant 0 : i32
      %dma_start3A_29 = tpu.memref_slice %arg9[%dma_start3A_26, %dma_start3A_27, %dma_start3A_28] : memref<4x128x32xf32, #tpu.memory_space<vmem>> -> memref<1x128x32xf32, #tpu.memory_space<vmem>>
      %dma_start3A_30 = tpu.memref_squeeze %dma_start3A_29 : memref<1x128x32xf32, #tpu.memory_space<vmem>> -> memref<128x32xf32, #tpu.memory_space<vmem>>
      %dma_start3A_31 = arith.constant 0 : i32
      %dma_start3A_32 = tpu.memref_slice %arg7[%add3A_25, %dma_start3A_31] : memref<80x128xi32, #tpu.memory_space<vmem>> -> memref<1x128xi32, #tpu.memory_space<vmem>>
      %dma_start3A_33 = tpu.memref_squeeze %dma_start3A_32 : memref<1x128xi32, #tpu.memory_space<vmem>> -> memref<128xi32, #tpu.memory_space<vmem>>
      %dma_start3A_34 = arith.constant 0 : i32
      %dma_start3A_35 = arith.constant 0 : i32
      %dma_start3A_36 = tpu.memref_slice %arg2[%dma_start3A_34, %dma_start3A_35] : memref<10240x32xf32, #tpu.memory_space<hbm>> -> memref<10240x32xf32, #tpu.memory_space<hbm>>
      tpu.enqueue_indirect_dma source(%dma_start3A_36 : memref<10240x32xf32, #tpu.memory_space<hbm>>) target(%dma_start3A_30 : memref<128x32xf32, #tpu.memory_space<vmem>>) offsets(%dma_start3A_33 : memref<128xi32, #tpu.memory_space<vmem>>) semaphore(%arg10 : memref<!tpu.dma_semaphore, #tpu.memory_space<semaphore_mem>>)
      %add3A_37 = arith.constant 2 : i32
      %add3A_38 = arith.addi %mul3A_11, %add3A_37 : i32
      %dma_start3A_39 = arith.constant 2 : i32
      %dma_start3A_40 = arith.constant 0 : i32
      %dma_start3A_41 = arith.constant 0 : i32
      %dma_start3A_42 = tpu.memref_slice %arg9[%dma_start3A_39, %dma_start3A_40, %dma_start3A_41] : memref<4x128x32xf32, #tpu.memory_space<vmem>> -> memref<1x128x32xf32, #tpu.memory_space<vmem>>
      %dma_start3A_43 = tpu.memref_squeeze %dma_start3A_42 : memref<1x128x32xf32, #tpu.memory_space<vmem>> -> memref<128x32xf32, #tpu.memory_space<vmem>>
      %dma_start3A_44 = arith.constant 0 : i32
      %dma_start3A_45 = tpu.memref_slice %arg7[%add3A_38, %dma_start3A_44] : memref<80x128xi32, #tpu.memory_space<vmem>> -> memref<1x128xi32, #tpu.memory_space<vmem>>
      %dma_start3A_46 = tpu.memref_squeeze %dma_start3A_45 : memref<1x128xi32, #tpu.memory_space<vmem>> -> memref<128xi32, #tpu.memory_space<vmem>>
      %dma_start3A_47 = arith.constant 0 : i32
      %dma_start3A_48 = arith.constant 0 : i32
      %dma_start3A_49 = tpu.memref_slice %arg2[%dma_start3A_47, %dma_start3A_48] : memref<10240x32xf32, #tpu.memory_space<hbm>> -> memref<10240x32xf32, #tpu.memory_space<hbm>>
      tpu.enqueue_indirect_dma source(%dma_start3A_49 : memref<10240x32xf32, #tpu.memory_space<hbm>>) target(%dma_start3A_43 : memref<128x32xf32, #tpu.memory_space<vmem>>) offsets(%dma_start3A_46 : memref<128xi32, #tpu.memory_space<vmem>>) semaphore(%arg10 : memref<!tpu.dma_semaphore, #tpu.memory_space<semaphore_mem>>)
      %add3A_50 = arith.constant 3 : i32
      %add3A_51 = arith.addi %mul3A_11, %add3A_50 : i32
      %dma_start3A_52 = arith.constant 3 : i32
      %dma_start3A_53 = arith.constant 0 : i32
      %dma_start3A_54 = arith.constant 0 : i32
      %dma_start3A_55 = tpu.memref_slice %arg9[%dma_start3A_52, %dma_start3A_53, %dma_start3A_54] : memref<4x128x32xf32, #tpu.memory_space<vmem>> -> memref<1x128x32xf32, #tpu.memory_space<vmem>>
      %dma_start3A_56 = tpu.memref_squeeze %dma_start3A_55 : memref<1x128x32xf32, #tpu.memory_space<vmem>> -> memref<128x32xf32, #tpu.memory_space<vmem>>
      %dma_start3A_57 = arith.constant 0 : i32
      %dma_start3A_58 = tpu.memref_slice %arg7[%add3A_51, %dma_start3A_57] : memref<80x128xi32, #tpu.memory_space<vmem>> -> memref<1x128xi32, #tpu.memory_space<vmem>>
      %dma_start3A_59 = tpu.memref_squeeze %dma_start3A_58 : memref<1x128xi32, #tpu.memory_space<vmem>> -> memref<128xi32, #tpu.memory_space<vmem>>
      %dma_start3A_60 = arith.constant 0 : i32
      %dma_start3A_61 = arith.constant 0 : i32
      %dma_start3A_62 = tpu.memref_slice %arg2[%dma_start3A_60, %dma_start3A_61] : memref<10240x32xf32, #tpu.memory_space<hbm>> -> memref<10240x32xf32, #tpu.memory_space<hbm>>
      tpu.enqueue_indirect_dma source(%dma_start3A_62 : memref<10240x32xf32, #tpu.memory_space<hbm>>) target(%dma_start3A_56 : memref<128x32xf32, #tpu.memory_space<vmem>>) offsets(%dma_start3A_59 : memref<128xi32, #tpu.memory_space<vmem>>) semaphore(%arg10 : memref<!tpu.dma_semaphore, #tpu.memory_space<semaphore_mem>>)
      %dma_wait3A = arith.constant 0 : i32
      %dma_wait3A_63 = arith.constant 0 : i32
      %dma_wait3A_64 = arith.constant 0 : i32
      %dma_wait3A_65 = tpu.memref_slice %arg9[%dma_wait3A, %dma_wait3A_63, %dma_wait3A_64] : memref<4x128x32xf32, #tpu.memory_space<vmem>> -> memref<1x128x32xf32, #tpu.memory_space<vmem>>
      %dma_wait3A_66 = tpu.memref_squeeze %dma_wait3A_65 : memref<1x128x32xf32, #tpu.memory_space<vmem>> -> memref<128x32xf32, #tpu.memory_space<vmem>>
      %dma_wait3A_67 = arith.constant 0 : i32
      %dma_wait3A_68 = tpu.memref_slice %arg7[%add3A_13, %dma_wait3A_67] : memref<80x128xi32, #tpu.memory_space<vmem>> -> memref<1x128xi32, #tpu.memory_space<vmem>>
      %dma_wait3A_69 = tpu.memref_squeeze %dma_wait3A_68 : memref<1x128xi32, #tpu.memory_space<vmem>> -> memref<128xi32, #tpu.memory_space<vmem>>
      %dma_wait3A_70 = arith.constant 0 : i32
      %dma_wait3A_71 = arith.constant 0 : i32
      %dma_wait3A_72 = tpu.memref_slice %arg2[%dma_wait3A_70, %dma_wait3A_71] : memref<10240x32xf32, #tpu.memory_space<hbm>> -> memref<10240x32xf32, #tpu.memory_space<hbm>>
      tpu.wait_indirect_dma semaphore(%arg10 : memref<!tpu.dma_semaphore, #tpu.memory_space<semaphore_mem>>) src(%dma_wait3A_72 : memref<10240x32xf32, #tpu.memory_space<hbm>>) dst(%dma_wait3A_66 : memref<128x32xf32, #tpu.memory_space<vmem>>)
      %dma_wait3A_73 = arith.constant 1 : i32
      %dma_wait3A_74 = arith.constant 0 : i32
      %dma_wait3A_75 = arith.constant 0 : i32
      %dma_wait3A_76 = tpu.memref_slice %arg9[%dma_wait3A_73, %dma_wait3A_74, %dma_wait3A_75] : memref<4x128x32xf32, #tpu.memory_space<vmem>> -> memref<1x128x32xf32, #tpu.memory_space<vmem>>
      %dma_wait3A_77 = tpu.memref_squeeze %dma_wait3A_76 : memref<1x128x32xf32, #tpu.memory_space<vmem>> -> memref<128x32xf32, #tpu.memory_space<vmem>>
      %dma_wait3A_78 = arith.constant 0 : i32
      %dma_wait3A_79 = tpu.memref_slice %arg7[%add3A_25, %dma_wait3A_78] : memref<80x128xi32, #tpu.memory_space<vmem>> -> memref<1x128xi32, #tpu.memory_space<vmem>>
      %dma_wait3A_80 = tpu.memref_squeeze %dma_wait3A_79 : memref<1x128xi32, #tpu.memory_space<vmem>> -> memref<128xi32, #tpu.memory_space<vmem>>
      %dma_wait3A_81 = arith.constant 0 : i32
      %dma_wait3A_82 = arith.constant 0 : i32
      %dma_wait3A_83 = tpu.memref_slice %arg2[%dma_wait3A_81, %dma_wait3A_82] : memref<10240x32xf32, #tpu.memory_space<hbm>> -> memref<10240x32xf32, #tpu.memory_space<hbm>>
      tpu.wait_indirect_dma semaphore(%arg10 : memref<!tpu.dma_semaphore, #tpu.memory_space<semaphore_mem>>) src(%dma_wait3A_83 : memref<10240x32xf32, #tpu.memory_space<hbm>>) dst(%dma_wait3A_77 : memref<128x32xf32, #tpu.memory_space<vmem>>)
      %dma_wait3A_84 = arith.constant 2 : i32
      %dma_wait3A_85 = arith.constant 0 : i32
      %dma_wait3A_86 = arith.constant 0 : i32
      %dma_wait3A_87 = tpu.memref_slice %arg9[%dma_wait3A_84, %dma_wait3A_85, %dma_wait3A_86] : memref<4x128x32xf32, #tpu.memory_space<vmem>> -> memref<1x128x32xf32, #tpu.memory_space<vmem>>
      %dma_wait3A_88 = tpu.memref_squeeze %dma_wait3A_87 : memref<1x128x32xf32, #tpu.memory_space<vmem>> -> memref<128x32xf32, #tpu.memory_space<vmem>>
      %dma_wait3A_89 = arith.constant 0 : i32
      %dma_wait3A_90 = tpu.memref_slice %arg7[%add3A_38, %dma_wait3A_89] : memref<80x128xi32, #tpu.memory_space<vmem>> -> memref<1x128xi32, #tpu.memory_space<vmem>>
      %dma_wait3A_91 = tpu.memref_squeeze %dma_wait3A_90 : memref<1x128xi32, #tpu.memory_space<vmem>> -> memref<128xi32, #tpu.memory_space<vmem>>
      %dma_wait3A_92 = arith.constant 0 : i32
      %dma_wait3A_93 = arith.constant 0 : i32
      %dma_wait3A_94 = tpu.memref_slice %arg2[%dma_wait3A_92, %dma_wait3A_93] : memref<10240x32xf32, #tpu.memory_space<hbm>> -> memref<10240x32xf32, #tpu.memory_space<hbm>>
      tpu.wait_indirect_dma semaphore(%arg10 : memref<!tpu.dma_semaphore, #tpu.memory_space<semaphore_mem>>) src(%dma_wait3A_94 : memref<10240x32xf32, #tpu.memory_space<hbm>>) dst(%dma_wait3A_88 : memref<128x32xf32, #tpu.memory_space<vmem>>)
      %dma_wait3A_95 = arith.constant 3 : i32
      %dma_wait3A_96 = arith.constant 0 : i32
      %dma_wait3A_97 = arith.constant 0 : i32
      %dma_wait3A_98 = tpu.memref_slice %arg9[%dma_wait3A_95, %dma_wait3A_96, %dma_wait3A_97] : memref<4x128x32xf32, #tpu.memory_space<vmem>> -> memref<1x128x32xf32, #tpu.memory_space<vmem>>
      %dma_wait3A_99 = tpu.memref_squeeze %dma_wait3A_98 : memref<1x128x32xf32, #tpu.memory_space<vmem>> -> memref<128x32xf32, #tpu.memory_space<vmem>>
      %dma_wait3A_100 = arith.constant 0 : i32
      %dma_wait3A_101 = tpu.memref_slice %arg7[%add3A_51, %dma_wait3A_100] : memref<80x128xi32, #tpu.memory_space<vmem>> -> memref<1x128xi32, #tpu.memory_space<vmem>>
      %dma_wait3A_102 = tpu.memref_squeeze %dma_wait3A_101 : memref<1x128xi32, #tpu.memory_space<vmem>> -> memref<128xi32, #tpu.memory_space<vmem>>
      %dma_wait3A_103 = arith.constant 0 : i32
      %dma_wait3A_104 = arith.constant 0 : i32
      %dma_wait3A_105 = tpu.memref_slice %arg2[%dma_wait3A_103, %dma_wait3A_104] : memref<10240x32xf32, #tpu.memory_space<hbm>> -> memref<10240x32xf32, #tpu.memory_space<hbm>>
      tpu.wait_indirect_dma semaphore(%arg10 : memref<!tpu.dma_semaphore, #tpu.memory_space<semaphore_mem>>) src(%dma_wait3A_105 : memref<10240x32xf32, #tpu.memory_space<hbm>>) dst(%dma_wait3A_99 : memref<128x32xf32, #tpu.memory_space<vmem>>)
      %add3A_106 = arith.constant 0 : i32
      %add3A_107 = arith.addi %mul3A_11, %add3A_106 : i32
      %dma_start3A_108 = arith.constant 0 : i32
      %dma_start3A_109 = arith.constant 0 : i32
      %dma_start3A_110 = arith.constant 0 : i32
      %dma_start3A_111 = tpu.memref_slice %arg9[%dma_start3A_108, %dma_start3A_109, %dma_start3A_110] : memref<4x128x32xf32, #tpu.memory_space<vmem>> -> memref<1x128x32xf32, #tpu.memory_space<vmem>>
      %dma_start3A_112 = tpu.memref_squeeze %dma_start3A_111 : memref<1x128x32xf32, #tpu.memory_space<vmem>> -> memref<128x32xf32, #tpu.memory_space<vmem>>
      %dma_start3A_113 = arith.constant 0 : i32
      %dma_start3A_114 = tpu.memref_slice %arg8[%add3A_107, %dma_start3A_113] : memref<80x128xi32, #tpu.memory_space<vmem>> -> memref<1x128xi32, #tpu.memory_space<vmem>>
      %dma_start3A_115 = tpu.memref_squeeze %dma_start3A_114 : memref<1x128xi32, #tpu.memory_space<vmem>> -> memref<128xi32, #tpu.memory_space<vmem>>
      %dma_start3A_116 = arith.constant 0 : i32
      %dma_start3A_117 = arith.constant 0 : i32
      %dma_start3A_118 = tpu.memref_slice %arg12[%dma_start3A_116, %dma_start3A_117] : memref<10240x32xf32, #tpu.memory_space<vmem_shared>> -> memref<10240x32xf32, #tpu.memory_space<vmem_shared>>
      tpu.enqueue_indirect_dma source(%dma_start3A_112 : memref<128x32xf32, #tpu.memory_space<vmem>>) target(%dma_start3A_118 : memref<10240x32xf32, #tpu.memory_space<vmem_shared>>) offsets(%dma_start3A_115 : memref<128xi32, #tpu.memory_space<vmem>>) semaphore(%arg11 : memref<!tpu.dma_semaphore, #tpu.memory_space<semaphore_mem>>) {add = true}
      %add3A_119 = arith.constant 1 : i32
      %add3A_120 = arith.addi %mul3A_11, %add3A_119 : i32
      %dma_start3A_121 = arith.constant 1 : i32
      %dma_start3A_122 = arith.constant 0 : i32
      %dma_start3A_123 = arith.constant 0 : i32
      %dma_start3A_124 = tpu.memref_slice %arg9[%dma_start3A_121, %dma_start3A_122, %dma_start3A_123] : memref<4x128x32xf32, #tpu.memory_space<vmem>> -> memref<1x128x32xf32, #tpu.memory_space<vmem>>
      %dma_start3A_125 = tpu.memref_squeeze %dma_start3A_124 : memref<1x128x32xf32, #tpu.memory_space<vmem>> -> memref<128x32xf32, #tpu.memory_space<vmem>>
      %dma_start3A_126 = arith.constant 0 : i32
      %dma_start3A_127 = tpu.memref_slice %arg8[%add3A_120, %dma_start3A_126] : memref<80x128xi32, #tpu.memory_space<vmem>> -> memref<1x128xi32, #tpu.memory_space<vmem>>
      %dma_start3A_128 = tpu.memref_squeeze %dma_start3A_127 : memref<1x128xi32, #tpu.memory_space<vmem>> -> memref<128xi32, #tpu.memory_space<vmem>>
      %dma_start3A_129 = arith.constant 0 : i32
      %dma_start3A_130 = arith.constant 0 : i32
      %dma_start3A_131 = tpu.memref_slice %arg12[%dma_start3A_129, %dma_start3A_130] : memref<10240x32xf32, #tpu.memory_space<vmem_shared>> -> memref<10240x32xf32, #tpu.memory_space<vmem_shared>>
      tpu.enqueue_indirect_dma source(%dma_start3A_125 : memref<128x32xf32, #tpu.memory_space<vmem>>) target(%dma_start3A_131 : memref<10240x32xf32, #tpu.memory_space<vmem_shared>>) offsets(%dma_start3A_128 : memref<128xi32, #tpu.memory_space<vmem>>) semaphore(%arg11 : memref<!tpu.dma_semaphore, #tpu.memory_space<semaphore_mem>>) {add = true}
      %add3A_132 = arith.constant 2 : i32
      %add3A_133 = arith.addi %mul3A_11, %add3A_132 : i32
      %dma_start3A_134 = arith.constant 2 : i32
      %dma_start3A_135 = arith.constant 0 : i32
      %dma_start3A_136 = arith.constant 0 : i32
      %dma_start3A_137 = tpu.memref_slice %arg9[%dma_start3A_134, %dma_start3A_135, %dma_start3A_136] : memref<4x128x32xf32, #tpu.memory_space<vmem>> -> memref<1x128x32xf32, #tpu.memory_space<vmem>>
      %dma_start3A_138 = tpu.memref_squeeze %dma_start3A_137 : memref<1x128x32xf32, #tpu.memory_space<vmem>> -> memref<128x32xf32, #tpu.memory_space<vmem>>
      %dma_start3A_139 = arith.constant 0 : i32
      %dma_start3A_140 = tpu.memref_slice %arg8[%add3A_133, %dma_start3A_139] : memref<80x128xi32, #tpu.memory_space<vmem>> -> memref<1x128xi32, #tpu.memory_space<vmem>>
      %dma_start3A_141 = tpu.memref_squeeze %dma_start3A_140 : memref<1x128xi32, #tpu.memory_space<vmem>> -> memref<128xi32, #tpu.memory_space<vmem>>
      %dma_start3A_142 = arith.constant 0 : i32
      %dma_start3A_143 = arith.constant 0 : i32
      %dma_start3A_144 = tpu.memref_slice %arg12[%dma_start3A_142, %dma_start3A_143] : memref<10240x32xf32, #tpu.memory_space<vmem_shared>> -> memref<10240x32xf32, #tpu.memory_space<vmem_shared>>
      tpu.enqueue_indirect_dma source(%dma_start3A_138 : memref<128x32xf32, #tpu.memory_space<vmem>>) target(%dma_start3A_144 : memref<10240x32xf32, #tpu.memory_space<vmem_shared>>) offsets(%dma_start3A_141 : memref<128xi32, #tpu.memory_space<vmem>>) semaphore(%arg11 : memref<!tpu.dma_semaphore, #tpu.memory_space<semaphore_mem>>) {add = true}
      %add3A_145 = arith.constant 3 : i32
      %add3A_146 = arith.addi %mul3A_11, %add3A_145 : i32
      %dma_start3A_147 = arith.constant 3 : i32
      %dma_start3A_148 = arith.constant 0 : i32
      %dma_start3A_149 = arith.constant 0 : i32
      %dma_start3A_150 = tpu.memref_slice %arg9[%dma_start3A_147, %dma_start3A_148, %dma_start3A_149] : memref<4x128x32xf32, #tpu.memory_space<vmem>> -> memref<1x128x32xf32, #tpu.memory_space<vmem>>
      %dma_start3A_151 = tpu.memref_squeeze %dma_start3A_150 : memref<1x128x32xf32, #tpu.memory_space<vmem>> -> memref<128x32xf32, #tpu.memory_space<vmem>>
      %dma_start3A_152 = arith.constant 0 : i32
      %dma_start3A_153 = tpu.memref_slice %arg8[%add3A_146, %dma_start3A_152] : memref<80x128xi32, #tpu.memory_space<vmem>> -> memref<1x128xi32, #tpu.memory_space<vmem>>
      %dma_start3A_154 = tpu.memref_squeeze %dma_start3A_153 : memref<1x128xi32, #tpu.memory_space<vmem>> -> memref<128xi32, #tpu.memory_space<vmem>>
      %dma_start3A_155 = arith.constant 0 : i32
      %dma_start3A_156 = arith.constant 0 : i32
      %dma_start3A_157 = tpu.memref_slice %arg12[%dma_start3A_155, %dma_start3A_156] : memref<10240x32xf32, #tpu.memory_space<vmem_shared>> -> memref<10240x32xf32, #tpu.memory_space<vmem_shared>>
      tpu.enqueue_indirect_dma source(%dma_start3A_151 : memref<128x32xf32, #tpu.memory_space<vmem>>) target(%dma_start3A_157 : memref<10240x32xf32, #tpu.memory_space<vmem_shared>>) offsets(%dma_start3A_154 : memref<128xi32, #tpu.memory_space<vmem>>) semaphore(%arg11 : memref<!tpu.dma_semaphore, #tpu.memory_space<semaphore_mem>>) {add = true}
      %dma_wait3A_158 = arith.constant 0 : i32
      %dma_wait3A_159 = arith.constant 0 : i32
      %dma_wait3A_160 = arith.constant 0 : i32
      %dma_wait3A_161 = tpu.memref_slice %arg9[%dma_wait3A_158, %dma_wait3A_159, %dma_wait3A_160] : memref<4x128x32xf32, #tpu.memory_space<vmem>> -> memref<1x128x32xf32, #tpu.memory_space<vmem>>
      %dma_wait3A_162 = tpu.memref_squeeze %dma_wait3A_161 : memref<1x128x32xf32, #tpu.memory_space<vmem>> -> memref<128x32xf32, #tpu.memory_space<vmem>>
      %dma_wait3A_163 = arith.constant 0 : i32
      %dma_wait3A_164 = tpu.memref_slice %arg8[%add3A_107, %dma_wait3A_163] : memref<80x128xi32, #tpu.memory_space<vmem>> -> memref<1x128xi32, #tpu.memory_space<vmem>>
      %dma_wait3A_165 = tpu.memref_squeeze %dma_wait3A_164 : memref<1x128xi32, #tpu.memory_space<vmem>> -> memref<128xi32, #tpu.memory_space<vmem>>
      %dma_wait3A_166 = arith.constant 0 : i32
      %dma_wait3A_167 = arith.constant 0 : i32
      %dma_wait3A_168 = tpu.memref_slice %arg12[%dma_wait3A_166, %dma_wait3A_167] : memref<10240x32xf32, #tpu.memory_space<vmem_shared>> -> memref<10240x32xf32, #tpu.memory_space<vmem_shared>>
      tpu.wait_indirect_dma semaphore(%arg11 : memref<!tpu.dma_semaphore, #tpu.memory_space<semaphore_mem>>) src(%dma_wait3A_162 : memref<128x32xf32, #tpu.memory_space<vmem>>) dst(%dma_wait3A_168 : memref<10240x32xf32, #tpu.memory_space<vmem_shared>>)
      %dma_wait3A_169 = arith.constant 1 : i32
      %dma_wait3A_170 = arith.constant 0 : i32
      %dma_wait3A_171 = arith.constant 0 : i32
      %dma_wait3A_172 = tpu.memref_slice %arg9[%dma_wait3A_169, %dma_wait3A_170, %dma_wait3A_171] : memref<4x128x32xf32, #tpu.memory_space<vmem>> -> memref<1x128x32xf32, #tpu.memory_space<vmem>>
      %dma_wait3A_173 = tpu.memref_squeeze %dma_wait3A_172 : memref<1x128x32xf32, #tpu.memory_space<vmem>> -> memref<128x32xf32, #tpu.memory_space<vmem>>
      %dma_wait3A_174 = arith.constant 0 : i32
      %dma_wait3A_175 = tpu.memref_slice %arg8[%add3A_120, %dma_wait3A_174] : memref<80x128xi32, #tpu.memory_space<vmem>> -> memref<1x128xi32, #tpu.memory_space<vmem>>
      %dma_wait3A_176 = tpu.memref_squeeze %dma_wait3A_175 : memref<1x128xi32, #tpu.memory_space<vmem>> -> memref<128xi32, #tpu.memory_space<vmem>>
      %dma_wait3A_177 = arith.constant 0 : i32
      %dma_wait3A_178 = arith.constant 0 : i32
      %dma_wait3A_179 = tpu.memref_slice %arg12[%dma_wait3A_177, %dma_wait3A_178] : memref<10240x32xf32, #tpu.memory_space<vmem_shared>> -> memref<10240x32xf32, #tpu.memory_space<vmem_shared>>
      tpu.wait_indirect_dma semaphore(%arg11 : memref<!tpu.dma_semaphore, #tpu.memory_space<semaphore_mem>>) src(%dma_wait3A_173 : memref<128x32xf32, #tpu.memory_space<vmem>>) dst(%dma_wait3A_179 : memref<10240x32xf32, #tpu.memory_space<vmem_shared>>)
      %dma_wait3A_180 = arith.constant 2 : i32
      %dma_wait3A_181 = arith.constant 0 : i32
      %dma_wait3A_182 = arith.constant 0 : i32
      %dma_wait3A_183 = tpu.memref_slice %arg9[%dma_wait3A_180, %dma_wait3A_181, %dma_wait3A_182] : memref<4x128x32xf32, #tpu.memory_space<vmem>> -> memref<1x128x32xf32, #tpu.memory_space<vmem>>
      %dma_wait3A_184 = tpu.memref_squeeze %dma_wait3A_183 : memref<1x128x32xf32, #tpu.memory_space<vmem>> -> memref<128x32xf32, #tpu.memory_space<vmem>>
      %dma_wait3A_185 = arith.constant 0 : i32
      %dma_wait3A_186 = tpu.memref_slice %arg8[%add3A_133, %dma_wait3A_185] : memref<80x128xi32, #tpu.memory_space<vmem>> -> memref<1x128xi32, #tpu.memory_space<vmem>>
      %dma_wait3A_187 = tpu.memref_squeeze %dma_wait3A_186 : memref<1x128xi32, #tpu.memory_space<vmem>> -> memref<128xi32, #tpu.memory_space<vmem>>
      %dma_wait3A_188 = arith.constant 0 : i32
      %dma_wait3A_189 = arith.constant 0 : i32
      %dma_wait3A_190 = tpu.memref_slice %arg12[%dma_wait3A_188, %dma_wait3A_189] : memref<10240x32xf32, #tpu.memory_space<vmem_shared>> -> memref<10240x32xf32, #tpu.memory_space<vmem_shared>>
      tpu.wait_indirect_dma semaphore(%arg11 : memref<!tpu.dma_semaphore, #tpu.memory_space<semaphore_mem>>) src(%dma_wait3A_184 : memref<128x32xf32, #tpu.memory_space<vmem>>) dst(%dma_wait3A_190 : memref<10240x32xf32, #tpu.memory_space<vmem_shared>>)
      %dma_wait3A_191 = arith.constant 3 : i32
      %dma_wait3A_192 = arith.constant 0 : i32
      %dma_wait3A_193 = arith.constant 0 : i32
      %dma_wait3A_194 = tpu.memref_slice %arg9[%dma_wait3A_191, %dma_wait3A_192, %dma_wait3A_193] : memref<4x128x32xf32, #tpu.memory_space<vmem>> -> memref<1x128x32xf32, #tpu.memory_space<vmem>>
      %dma_wait3A_195 = tpu.memref_squeeze %dma_wait3A_194 : memref<1x128x32xf32, #tpu.memory_space<vmem>> -> memref<128x32xf32, #tpu.memory_space<vmem>>
      %dma_wait3A_196 = arith.constant 0 : i32
      %dma_wait3A_197 = tpu.memref_slice %arg8[%add3A_146, %dma_wait3A_196] : memref<80x128xi32, #tpu.memory_space<vmem>> -> memref<1x128xi32, #tpu.memory_space<vmem>>
      %dma_wait3A_198 = tpu.memref_squeeze %dma_wait3A_197 : memref<1x128xi32, #tpu.memory_space<vmem>> -> memref<128xi32, #tpu.memory_space<vmem>>
      %dma_wait3A_199 = arith.constant 0 : i32
      %dma_wait3A_200 = arith.constant 0 : i32
      %dma_wait3A_201 = tpu.memref_slice %arg12[%dma_wait3A_199, %dma_wait3A_200] : memref<10240x32xf32, #tpu.memory_space<vmem_shared>> -> memref<10240x32xf32, #tpu.memory_space<vmem_shared>>
      tpu.wait_indirect_dma semaphore(%arg11 : memref<!tpu.dma_semaphore, #tpu.memory_space<semaphore_mem>>) src(%dma_wait3A_195 : memref<128x32xf32, #tpu.memory_space<vmem>>) dst(%dma_wait3A_201 : memref<10240x32xf32, #tpu.memory_space<vmem_shared>>)
    }
    %scan3A_7 = arith.constant 20 : i32
    %barrier3A_8 = arith.constant 0 : index
    tpu.barrier barrier_id(%barrier3A_8)
    "tpu.region"() ({
      %run_scoped3A = tpu.sem_alloc : memref<!tpu.dma_semaphore, #tpu.memory_space<semaphore_mem>>
      %dma_start3A = arith.constant 0 : i32
      %dma_start3A_9 = tpu.memref_slice %arg6[%arg0, %mul3A_2, %dma_start3A] : memref<2x10240x32xf32, #tpu.memory_space<hbm>> -> memref<1x640x32xf32, #tpu.memory_space<hbm>>
      %dma_start3A_10 = tpu.memref_squeeze %dma_start3A_9 : memref<1x640x32xf32, #tpu.memory_space<hbm>> -> memref<640x32xf32, #tpu.memory_space<hbm>>
      %dma_start3A_11 = arith.constant 0 : i32
      %dma_start3A_12 = tpu.memref_slice %arg12[%mul3A_2, %dma_start3A_11] : memref<10240x32xf32, #tpu.memory_space<vmem_shared>> -> memref<640x32xf32, #tpu.memory_space<vmem_shared>>
      tpu.enqueue_dma source(%dma_start3A_12 : memref<640x32xf32, #tpu.memory_space<vmem_shared>>) target(%dma_start3A_10 : memref<640x32xf32, #tpu.memory_space<hbm>>) target_semaphore(%run_scoped3A : memref<!tpu.dma_semaphore, #tpu.memory_space<semaphore_mem>>)
      %dma_wait3A = arith.constant 0 : i32
      %dma_wait3A_13 = tpu.memref_slice %arg6[%arg0, %mul3A_2, %dma_wait3A] : memref<2x10240x32xf32, #tpu.memory_space<hbm>> -> memref<1x640x32xf32, #tpu.memory_space<hbm>>
      %dma_wait3A_14 = tpu.memref_squeeze %dma_wait3A_13 : memref<1x640x32xf32, #tpu.memory_space<hbm>> -> memref<640x32xf32, #tpu.memory_space<hbm>>
      %dma_wait3A_15 = arith.constant 0 : i32
      %dma_wait3A_16 = tpu.memref_slice %arg12[%mul3A_2, %dma_wait3A_15] : memref<10240x32xf32, #tpu.memory_space<vmem_shared>> -> memref<640x32xf32, #tpu.memory_space<vmem_shared>>
      tpu.wait_dma2 semaphore(%run_scoped3A : memref<!tpu.dma_semaphore, #tpu.memory_space<semaphore_mem>>) src(%dma_wait3A_16 : memref<640x32xf32, #tpu.memory_space<vmem_shared>>) dst(%dma_wait3A_14 : memref<640x32xf32, #tpu.memory_space<hbm>>)
      tpu.yield
    }) : () -> ()
    return
  }
}

#map = affine_map<(d0, d1) -> (0, 0)>
#map1 = affine_map<(d0, d1) -> (0, 0, 0)>
module attributes {stable_mosaic.version = 14 : i64} {
  func.func @_stage1_body(%arg0: i32, %arg1: i32, %arg2: memref<10240x32xf32, #tpu.memory_space<hbm>>, %arg3: memref<10240x32xf32, #tpu.memory_space<hbm>>, %arg4: memref<32x80x128xi32, #tpu.memory_space<hbm>>, %arg5: memref<32x80x128xi32, #tpu.memory_space<hbm>>, %arg6: memref<2x10240x32xf32, #tpu.memory_space<hbm>>, %arg7: memref<80x128xi32, #tpu.memory_space<vmem>>, %arg8: memref<80x128xi32, #tpu.memory_space<vmem>>, %arg9: memref<4x128x32xf32, #tpu.memory_space<vmem>>, %arg10: memref<!tpu.dma_semaphore, #tpu.memory_space<semaphore_mem>>, %arg11: memref<!tpu.dma_semaphore, #tpu.memory_space<semaphore_mem>>, %arg12: memref<10240x32xf32, #tpu.memory_space<vmem_shared>>) attributes {dimension_semantics = [#tpu.dimension_semantics<core_parallel>, #tpu.dimension_semantics<subcore_parallel>], iteration_bounds = array<i64: 2, 16>, scalar_prefetch = 0 : i64, scratch_operands = 6 : i64, tpu.core_type = #tpu.core_type<sc_vector_subcore>, window_params = [{transform_indices = #map}, {transform_indices = #map}, {transform_indices = #map1}, {transform_indices = #map1}, {transform_indices = #map1}]} {
    %mul3A = arith.constant 16 : i32
    %mul3A_0 = arith.muli %arg0, %mul3A : i32
    %add3A = arith.addi %mul3A_0, %arg1 : i32
    %mul3A_1 = arith.constant 640 : i32
    %mul3A_2 = arith.muli %arg1, %mul3A_1 : i32
    "tpu.region"() ({
      %run_scoped3A = tpu.sem_alloc : memref<!tpu.dma_semaphore, #tpu.memory_space<semaphore_mem>>
      %dma_start3A = arith.constant 0 : i32
      %dma_start3A_9 = tpu.memref_slice %arg12[%mul3A_2, %dma_start3A] : memref<10240x32xf32, #tpu.memory_space<vmem_shared>> -> memref<640x32xf32, #tpu.memory_space<vmem_shared>>
      %dma_start3A_10 = arith.constant 0 : i32
      %dma_start3A_11 = tpu.memref_slice %arg3[%mul3A_2, %dma_start3A_10] : memref<10240x32xf32, #tpu.memory_space<hbm>> -> memref<640x32xf32, #tpu.memory_space<hbm>>
      tpu.enqueue_dma source(%dma_start3A_11 : memref<640x32xf32, #tpu.memory_space<hbm>>) target(%dma_start3A_9 : memref<640x32xf32, #tpu.memory_space<vmem_shared>>) target_semaphore(%run_scoped3A : memref<!tpu.dma_semaphore, #tpu.memory_space<semaphore_mem>>)
      %dma_wait3A = arith.constant 0 : i32
      %dma_wait3A_12 = tpu.memref_slice %arg12[%mul3A_2, %dma_wait3A] : memref<10240x32xf32, #tpu.memory_space<vmem_shared>> -> memref<640x32xf32, #tpu.memory_space<vmem_shared>>
      %dma_wait3A_13 = arith.constant 0 : i32
      %dma_wait3A_14 = tpu.memref_slice %arg3[%mul3A_2, %dma_wait3A_13] : memref<10240x32xf32, #tpu.memory_space<hbm>> -> memref<640x32xf32, #tpu.memory_space<hbm>>
      tpu.wait_dma2 semaphore(%run_scoped3A : memref<!tpu.dma_semaphore, #tpu.memory_space<semaphore_mem>>) src(%dma_wait3A_14 : memref<640x32xf32, #tpu.memory_space<hbm>>) dst(%dma_wait3A_12 : memref<640x32xf32, #tpu.memory_space<vmem_shared>>)
      tpu.yield
    }) : () -> ()
    "tpu.region"() ({
      %run_scoped3A = tpu.sem_alloc : memref<!tpu.dma_semaphore, #tpu.memory_space<semaphore_mem>>
      %dma_start3A = arith.constant 0 : i32
      %dma_start3A_9 = arith.constant 0 : i32
      %dma_start3A_10 = tpu.memref_slice %arg4[%add3A, %dma_start3A, %dma_start3A_9] : memref<32x80x128xi32, #tpu.memory_space<hbm>> -> memref<1x80x128xi32, #tpu.memory_space<hbm>>
      %dma_start3A_11 = tpu.memref_squeeze %dma_start3A_10 : memref<1x80x128xi32, #tpu.memory_space<hbm>> -> memref<80x128xi32, #tpu.memory_space<hbm>>
      %dma_start3A_12 = arith.constant 0 : i32
      %dma_start3A_13 = arith.constant 0 : i32
      %dma_start3A_14 = tpu.memref_slice %arg4[%add3A, %dma_start3A_12, %dma_start3A_13] : memref<32x80x128xi32, #tpu.memory_space<hbm>> -> memref<1x80x128xi32, #tpu.memory_space<hbm>>
      %dma_start3A_15 = tpu.memref_squeeze %dma_start3A_14 : memref<1x80x128xi32, #tpu.memory_space<hbm>> -> memref<80x128xi32, #tpu.memory_space<hbm>>
      tpu.enqueue_dma source(%dma_start3A_15 : memref<80x128xi32, #tpu.memory_space<hbm>>) target(%arg7 : memref<80x128xi32, #tpu.memory_space<vmem>>) target_semaphore(%run_scoped3A : memref<!tpu.dma_semaphore, #tpu.memory_space<semaphore_mem>>)
      %dma_wait3A = arith.constant 0 : i32
      %dma_wait3A_16 = arith.constant 0 : i32
      %dma_wait3A_17 = tpu.memref_slice %arg4[%add3A, %dma_wait3A, %dma_wait3A_16] : memref<32x80x128xi32, #tpu.memory_space<hbm>> -> memref<1x80x128xi32, #tpu.memory_space<hbm>>
      %dma_wait3A_18 = tpu.memref_squeeze %dma_wait3A_17 : memref<1x80x128xi32, #tpu.memory_space<hbm>> -> memref<80x128xi32, #tpu.memory_space<hbm>>
      %dma_wait3A_19 = arith.constant 0 : i32
      %dma_wait3A_20 = arith.constant 0 : i32
      %dma_wait3A_21 = tpu.memref_slice %arg4[%add3A, %dma_wait3A_19, %dma_wait3A_20] : memref<32x80x128xi32, #tpu.memory_space<hbm>> -> memref<1x80x128xi32, #tpu.memory_space<hbm>>
      %dma_wait3A_22 = tpu.memref_squeeze %dma_wait3A_21 : memref<1x80x128xi32, #tpu.memory_space<hbm>> -> memref<80x128xi32, #tpu.memory_space<hbm>>
      tpu.wait_dma2 semaphore(%run_scoped3A : memref<!tpu.dma_semaphore, #tpu.memory_space<semaphore_mem>>) src(%dma_wait3A_22 : memref<80x128xi32, #tpu.memory_space<hbm>>) dst(%arg7 : memref<80x128xi32, #tpu.memory_space<vmem>>)
      tpu.yield
    }) : () -> ()
    "tpu.region"() ({
      %run_scoped3A = tpu.sem_alloc : memref<!tpu.dma_semaphore, #tpu.memory_space<semaphore_mem>>
      %dma_start3A = arith.constant 0 : i32
      %dma_start3A_9 = arith.constant 0 : i32
      %dma_start3A_10 = tpu.memref_slice %arg5[%add3A, %dma_start3A, %dma_start3A_9] : memref<32x80x128xi32, #tpu.memory_space<hbm>> -> memref<1x80x128xi32, #tpu.memory_space<hbm>>
      %dma_start3A_11 = tpu.memref_squeeze %dma_start3A_10 : memref<1x80x128xi32, #tpu.memory_space<hbm>> -> memref<80x128xi32, #tpu.memory_space<hbm>>
      %dma_start3A_12 = arith.constant 0 : i32
      %dma_start3A_13 = arith.constant 0 : i32
      %dma_start3A_14 = tpu.memref_slice %arg5[%add3A, %dma_start3A_12, %dma_start3A_13] : memref<32x80x128xi32, #tpu.memory_space<hbm>> -> memref<1x80x128xi32, #tpu.memory_space<hbm>>
      %dma_start3A_15 = tpu.memref_squeeze %dma_start3A_14 : memref<1x80x128xi32, #tpu.memory_space<hbm>> -> memref<80x128xi32, #tpu.memory_space<hbm>>
      tpu.enqueue_dma source(%dma_start3A_15 : memref<80x128xi32, #tpu.memory_space<hbm>>) target(%arg8 : memref<80x128xi32, #tpu.memory_space<vmem>>) target_semaphore(%run_scoped3A : memref<!tpu.dma_semaphore, #tpu.memory_space<semaphore_mem>>)
      %dma_wait3A = arith.constant 0 : i32
      %dma_wait3A_16 = arith.constant 0 : i32
      %dma_wait3A_17 = tpu.memref_slice %arg5[%add3A, %dma_wait3A, %dma_wait3A_16] : memref<32x80x128xi32, #tpu.memory_space<hbm>> -> memref<1x80x128xi32, #tpu.memory_space<hbm>>
      %dma_wait3A_18 = tpu.memref_squeeze %dma_wait3A_17 : memref<1x80x128xi32, #tpu.memory_space<hbm>> -> memref<80x128xi32, #tpu.memory_space<hbm>>
      %dma_wait3A_19 = arith.constant 0 : i32
      %dma_wait3A_20 = arith.constant 0 : i32
      %dma_wait3A_21 = tpu.memref_slice %arg5[%add3A, %dma_wait3A_19, %dma_wait3A_20] : memref<32x80x128xi32, #tpu.memory_space<hbm>> -> memref<1x80x128xi32, #tpu.memory_space<hbm>>
      %dma_wait3A_22 = tpu.memref_squeeze %dma_wait3A_21 : memref<1x80x128xi32, #tpu.memory_space<hbm>> -> memref<80x128xi32, #tpu.memory_space<hbm>>
      tpu.wait_dma2 semaphore(%run_scoped3A : memref<!tpu.dma_semaphore, #tpu.memory_space<semaphore_mem>>) src(%dma_wait3A_22 : memref<80x128xi32, #tpu.memory_space<hbm>>) dst(%arg8 : memref<80x128xi32, #tpu.memory_space<vmem>>)
      tpu.yield
    }) : () -> ()
    %barrier3A = arith.constant 0 : index
    tpu.barrier barrier_id(%barrier3A)
    %scan3A = arith.constant 0 : i32
    %scan3A_3 = arith.constant 0 : i32
    %scan3A_4 = arith.constant 20 : i32
    %scan3A_5 = arith.addi %scan3A_3, %scan3A_4 : i32
    %scan3A_6 = arith.constant 1 : i32
    scf.for %scan3A_9 = %scan3A_3 to %scan3A_5 step %scan3A_6  : i32 {
      %mul3A_10 = arith.constant 4 : i32
      %mul3A_11 = arith.muli %scan3A_9, %mul3A_10 : i32
      %add3A_12 = arith.constant 0 : i32
      %add3A_13 = arith.addi %mul3A_11, %add3A_12 : i32
      %dma_start3A = arith.constant 0 : i32
      %dma_start3A_14 = arith.constant 0 : i32
      %dma_start3A_15 = arith.constant 0 : i32
      %dma_start3A_16 = tpu.memref_slice %arg9[%dma_start3A, %dma_start3A_14, %dma_start3A_15] : memref<4x128x32xf32, #tpu.memory_space<vmem>> -> memref<1x128x32xf32, #tpu.memory_space<vmem>>
      %dma_start3A_17 = tpu.memref_squeeze %dma_start3A_16 : memref<1x128x32xf32, #tpu.memory_space<vmem>> -> memref<128x32xf32, #tpu.memory_space<vmem>>
      %dma_start3A_18 = arith.constant 0 : i32
      %dma_start3A_19 = tpu.memref_slice %arg7[%add3A_13, %dma_start3A_18] : memref<80x128xi32, #tpu.memory_space<vmem>> -> memref<1x128xi32, #tpu.memory_space<vmem>>
      %dma_start3A_20 = tpu.memref_squeeze %dma_start3A_19 : memref<1x128xi32, #tpu.memory_space<vmem>> -> memref<128xi32, #tpu.memory_space<vmem>>
      %dma_start3A_21 = arith.constant 0 : i32
      %dma_start3A_22 = arith.constant 0 : i32
      %dma_start3A_23 = tpu.memref_slice %arg2[%dma_start3A_21, %dma_start3A_22] : memref<10240x32xf32, #tpu.memory_space<hbm>> -> memref<10240x32xf32, #tpu.memory_space<hbm>>
      tpu.enqueue_indirect_dma source(%dma_start3A_23 : memref<10240x32xf32, #tpu.memory_space<hbm>>) target(%dma_start3A_17 : memref<128x32xf32, #tpu.memory_space<vmem>>) offsets(%dma_start3A_20 : memref<128xi32, #tpu.memory_space<vmem>>) semaphore(%arg10 : memref<!tpu.dma_semaphore, #tpu.memory_space<semaphore_mem>>)
      %add3A_24 = arith.constant 1 : i32
      %add3A_25 = arith.addi %mul3A_11, %add3A_24 : i32
      %dma_start3A_26 = arith.constant 1 : i32
      %dma_start3A_27 = arith.constant 0 : i32
      %dma_start3A_28 = arith.constant 0 : i32
      %dma_start3A_29 = tpu.memref_slice %arg9[%dma_start3A_26, %dma_start3A_27, %dma_start3A_28] : memref<4x128x32xf32, #tpu.memory_space<vmem>> -> memref<1x128x32xf32, #tpu.memory_space<vmem>>
      %dma_start3A_30 = tpu.memref_squeeze %dma_start3A_29 : memref<1x128x32xf32, #tpu.memory_space<vmem>> -> memref<128x32xf32, #tpu.memory_space<vmem>>
      %dma_start3A_31 = arith.constant 0 : i32
      %dma_start3A_32 = tpu.memref_slice %arg7[%add3A_25, %dma_start3A_31] : memref<80x128xi32, #tpu.memory_space<vmem>> -> memref<1x128xi32, #tpu.memory_space<vmem>>
      %dma_start3A_33 = tpu.memref_squeeze %dma_start3A_32 : memref<1x128xi32, #tpu.memory_space<vmem>> -> memref<128xi32, #tpu.memory_space<vmem>>
      %dma_start3A_34 = arith.constant 0 : i32
      %dma_start3A_35 = arith.constant 0 : i32
      %dma_start3A_36 = tpu.memref_slice %arg2[%dma_start3A_34, %dma_start3A_35] : memref<10240x32xf32, #tpu.memory_space<hbm>> -> memref<10240x32xf32, #tpu.memory_space<hbm>>
      tpu.enqueue_indirect_dma source(%dma_start3A_36 : memref<10240x32xf32, #tpu.memory_space<hbm>>) target(%dma_start3A_30 : memref<128x32xf32, #tpu.memory_space<vmem>>) offsets(%dma_start3A_33 : memref<128xi32, #tpu.memory_space<vmem>>) semaphore(%arg10 : memref<!tpu.dma_semaphore, #tpu.memory_space<semaphore_mem>>)
      %add3A_37 = arith.constant 2 : i32
      %add3A_38 = arith.addi %mul3A_11, %add3A_37 : i32
      %dma_start3A_39 = arith.constant 2 : i32
      %dma_start3A_40 = arith.constant 0 : i32
      %dma_start3A_41 = arith.constant 0 : i32
      %dma_start3A_42 = tpu.memref_slice %arg9[%dma_start3A_39, %dma_start3A_40, %dma_start3A_41] : memref<4x128x32xf32, #tpu.memory_space<vmem>> -> memref<1x128x32xf32, #tpu.memory_space<vmem>>
      %dma_start3A_43 = tpu.memref_squeeze %dma_start3A_42 : memref<1x128x32xf32, #tpu.memory_space<vmem>> -> memref<128x32xf32, #tpu.memory_space<vmem>>
      %dma_start3A_44 = arith.constant 0 : i32
      %dma_start3A_45 = tpu.memref_slice %arg7[%add3A_38, %dma_start3A_44] : memref<80x128xi32, #tpu.memory_space<vmem>> -> memref<1x128xi32, #tpu.memory_space<vmem>>
      %dma_start3A_46 = tpu.memref_squeeze %dma_start3A_45 : memref<1x128xi32, #tpu.memory_space<vmem>> -> memref<128xi32, #tpu.memory_space<vmem>>
      %dma_start3A_47 = arith.constant 0 : i32
      %dma_start3A_48 = arith.constant 0 : i32
      %dma_start3A_49 = tpu.memref_slice %arg2[%dma_start3A_47, %dma_start3A_48] : memref<10240x32xf32, #tpu.memory_space<hbm>> -> memref<10240x32xf32, #tpu.memory_space<hbm>>
      tpu.enqueue_indirect_dma source(%dma_start3A_49 : memref<10240x32xf32, #tpu.memory_space<hbm>>) target(%dma_start3A_43 : memref<128x32xf32, #tpu.memory_space<vmem>>) offsets(%dma_start3A_46 : memref<128xi32, #tpu.memory_space<vmem>>) semaphore(%arg10 : memref<!tpu.dma_semaphore, #tpu.memory_space<semaphore_mem>>)
      %add3A_50 = arith.constant 3 : i32
      %add3A_51 = arith.addi %mul3A_11, %add3A_50 : i32
      %dma_start3A_52 = arith.constant 3 : i32
      %dma_start3A_53 = arith.constant 0 : i32
      %dma_start3A_54 = arith.constant 0 : i32
      %dma_start3A_55 = tpu.memref_slice %arg9[%dma_start3A_52, %dma_start3A_53, %dma_start3A_54] : memref<4x128x32xf32, #tpu.memory_space<vmem>> -> memref<1x128x32xf32, #tpu.memory_space<vmem>>
      %dma_start3A_56 = tpu.memref_squeeze %dma_start3A_55 : memref<1x128x32xf32, #tpu.memory_space<vmem>> -> memref<128x32xf32, #tpu.memory_space<vmem>>
      %dma_start3A_57 = arith.constant 0 : i32
      %dma_start3A_58 = tpu.memref_slice %arg7[%add3A_51, %dma_start3A_57] : memref<80x128xi32, #tpu.memory_space<vmem>> -> memref<1x128xi32, #tpu.memory_space<vmem>>
      %dma_start3A_59 = tpu.memref_squeeze %dma_start3A_58 : memref<1x128xi32, #tpu.memory_space<vmem>> -> memref<128xi32, #tpu.memory_space<vmem>>
      %dma_start3A_60 = arith.constant 0 : i32
      %dma_start3A_61 = arith.constant 0 : i32
      %dma_start3A_62 = tpu.memref_slice %arg2[%dma_start3A_60, %dma_start3A_61] : memref<10240x32xf32, #tpu.memory_space<hbm>> -> memref<10240x32xf32, #tpu.memory_space<hbm>>
      tpu.enqueue_indirect_dma source(%dma_start3A_62 : memref<10240x32xf32, #tpu.memory_space<hbm>>) target(%dma_start3A_56 : memref<128x32xf32, #tpu.memory_space<vmem>>) offsets(%dma_start3A_59 : memref<128xi32, #tpu.memory_space<vmem>>) semaphore(%arg10 : memref<!tpu.dma_semaphore, #tpu.memory_space<semaphore_mem>>)
      %dma_wait3A = arith.constant 0 : i32
      %dma_wait3A_63 = arith.constant 0 : i32
      %dma_wait3A_64 = arith.constant 0 : i32
      %dma_wait3A_65 = tpu.memref_slice %arg9[%dma_wait3A, %dma_wait3A_63, %dma_wait3A_64] : memref<4x128x32xf32, #tpu.memory_space<vmem>> -> memref<1x128x32xf32, #tpu.memory_space<vmem>>
      %dma_wait3A_66 = tpu.memref_squeeze %dma_wait3A_65 : memref<1x128x32xf32, #tpu.memory_space<vmem>> -> memref<128x32xf32, #tpu.memory_space<vmem>>
      %dma_wait3A_67 = arith.constant 0 : i32
      %dma_wait3A_68 = tpu.memref_slice %arg7[%add3A_13, %dma_wait3A_67] : memref<80x128xi32, #tpu.memory_space<vmem>> -> memref<1x128xi32, #tpu.memory_space<vmem>>
      %dma_wait3A_69 = tpu.memref_squeeze %dma_wait3A_68 : memref<1x128xi32, #tpu.memory_space<vmem>> -> memref<128xi32, #tpu.memory_space<vmem>>
      %dma_wait3A_70 = arith.constant 0 : i32
      %dma_wait3A_71 = arith.constant 0 : i32
      %dma_wait3A_72 = tpu.memref_slice %arg2[%dma_wait3A_70, %dma_wait3A_71] : memref<10240x32xf32, #tpu.memory_space<hbm>> -> memref<10240x32xf32, #tpu.memory_space<hbm>>
      tpu.wait_indirect_dma semaphore(%arg10 : memref<!tpu.dma_semaphore, #tpu.memory_space<semaphore_mem>>) src(%dma_wait3A_72 : memref<10240x32xf32, #tpu.memory_space<hbm>>) dst(%dma_wait3A_66 : memref<128x32xf32, #tpu.memory_space<vmem>>)
      %dma_wait3A_73 = arith.constant 1 : i32
      %dma_wait3A_74 = arith.constant 0 : i32
      %dma_wait3A_75 = arith.constant 0 : i32
      %dma_wait3A_76 = tpu.memref_slice %arg9[%dma_wait3A_73, %dma_wait3A_74, %dma_wait3A_75] : memref<4x128x32xf32, #tpu.memory_space<vmem>> -> memref<1x128x32xf32, #tpu.memory_space<vmem>>
      %dma_wait3A_77 = tpu.memref_squeeze %dma_wait3A_76 : memref<1x128x32xf32, #tpu.memory_space<vmem>> -> memref<128x32xf32, #tpu.memory_space<vmem>>
      %dma_wait3A_78 = arith.constant 0 : i32
      %dma_wait3A_79 = tpu.memref_slice %arg7[%add3A_25, %dma_wait3A_78] : memref<80x128xi32, #tpu.memory_space<vmem>> -> memref<1x128xi32, #tpu.memory_space<vmem>>
      %dma_wait3A_80 = tpu.memref_squeeze %dma_wait3A_79 : memref<1x128xi32, #tpu.memory_space<vmem>> -> memref<128xi32, #tpu.memory_space<vmem>>
      %dma_wait3A_81 = arith.constant 0 : i32
      %dma_wait3A_82 = arith.constant 0 : i32
      %dma_wait3A_83 = tpu.memref_slice %arg2[%dma_wait3A_81, %dma_wait3A_82] : memref<10240x32xf32, #tpu.memory_space<hbm>> -> memref<10240x32xf32, #tpu.memory_space<hbm>>
      tpu.wait_indirect_dma semaphore(%arg10 : memref<!tpu.dma_semaphore, #tpu.memory_space<semaphore_mem>>) src(%dma_wait3A_83 : memref<10240x32xf32, #tpu.memory_space<hbm>>) dst(%dma_wait3A_77 : memref<128x32xf32, #tpu.memory_space<vmem>>)
      %dma_wait3A_84 = arith.constant 2 : i32
      %dma_wait3A_85 = arith.constant 0 : i32
      %dma_wait3A_86 = arith.constant 0 : i32
      %dma_wait3A_87 = tpu.memref_slice %arg9[%dma_wait3A_84, %dma_wait3A_85, %dma_wait3A_86] : memref<4x128x32xf32, #tpu.memory_space<vmem>> -> memref<1x128x32xf32, #tpu.memory_space<vmem>>
      %dma_wait3A_88 = tpu.memref_squeeze %dma_wait3A_87 : memref<1x128x32xf32, #tpu.memory_space<vmem>> -> memref<128x32xf32, #tpu.memory_space<vmem>>
      %dma_wait3A_89 = arith.constant 0 : i32
      %dma_wait3A_90 = tpu.memref_slice %arg7[%add3A_38, %dma_wait3A_89] : memref<80x128xi32, #tpu.memory_space<vmem>> -> memref<1x128xi32, #tpu.memory_space<vmem>>
      %dma_wait3A_91 = tpu.memref_squeeze %dma_wait3A_90 : memref<1x128xi32, #tpu.memory_space<vmem>> -> memref<128xi32, #tpu.memory_space<vmem>>
      %dma_wait3A_92 = arith.constant 0 : i32
      %dma_wait3A_93 = arith.constant 0 : i32
      %dma_wait3A_94 = tpu.memref_slice %arg2[%dma_wait3A_92, %dma_wait3A_93] : memref<10240x32xf32, #tpu.memory_space<hbm>> -> memref<10240x32xf32, #tpu.memory_space<hbm>>
      tpu.wait_indirect_dma semaphore(%arg10 : memref<!tpu.dma_semaphore, #tpu.memory_space<semaphore_mem>>) src(%dma_wait3A_94 : memref<10240x32xf32, #tpu.memory_space<hbm>>) dst(%dma_wait3A_88 : memref<128x32xf32, #tpu.memory_space<vmem>>)
      %dma_wait3A_95 = arith.constant 3 : i32
      %dma_wait3A_96 = arith.constant 0 : i32
      %dma_wait3A_97 = arith.constant 0 : i32
      %dma_wait3A_98 = tpu.memref_slice %arg9[%dma_wait3A_95, %dma_wait3A_96, %dma_wait3A_97] : memref<4x128x32xf32, #tpu.memory_space<vmem>> -> memref<1x128x32xf32, #tpu.memory_space<vmem>>
      %dma_wait3A_99 = tpu.memref_squeeze %dma_wait3A_98 : memref<1x128x32xf32, #tpu.memory_space<vmem>> -> memref<128x32xf32, #tpu.memory_space<vmem>>
      %dma_wait3A_100 = arith.constant 0 : i32
      %dma_wait3A_101 = tpu.memref_slice %arg7[%add3A_51, %dma_wait3A_100] : memref<80x128xi32, #tpu.memory_space<vmem>> -> memref<1x128xi32, #tpu.memory_space<vmem>>
      %dma_wait3A_102 = tpu.memref_squeeze %dma_wait3A_101 : memref<1x128xi32, #tpu.memory_space<vmem>> -> memref<128xi32, #tpu.memory_space<vmem>>
      %dma_wait3A_103 = arith.constant 0 : i32
      %dma_wait3A_104 = arith.constant 0 : i32
      %dma_wait3A_105 = tpu.memref_slice %arg2[%dma_wait3A_103, %dma_wait3A_104] : memref<10240x32xf32, #tpu.memory_space<hbm>> -> memref<10240x32xf32, #tpu.memory_space<hbm>>
      tpu.wait_indirect_dma semaphore(%arg10 : memref<!tpu.dma_semaphore, #tpu.memory_space<semaphore_mem>>) src(%dma_wait3A_105 : memref<10240x32xf32, #tpu.memory_space<hbm>>) dst(%dma_wait3A_99 : memref<128x32xf32, #tpu.memory_space<vmem>>)
      %add3A_106 = arith.constant 0 : i32
      %add3A_107 = arith.addi %mul3A_11, %add3A_106 : i32
      %dma_start3A_108 = arith.constant 0 : i32
      %dma_start3A_109 = arith.constant 0 : i32
      %dma_start3A_110 = arith.constant 0 : i32
      %dma_start3A_111 = tpu.memref_slice %arg9[%dma_start3A_108, %dma_start3A_109, %dma_start3A_110] : memref<4x128x32xf32, #tpu.memory_space<vmem>> -> memref<1x128x32xf32, #tpu.memory_space<vmem>>
      %dma_start3A_112 = tpu.memref_squeeze %dma_start3A_111 : memref<1x128x32xf32, #tpu.memory_space<vmem>> -> memref<128x32xf32, #tpu.memory_space<vmem>>
      %dma_start3A_113 = arith.constant 0 : i32
      %dma_start3A_114 = tpu.memref_slice %arg8[%add3A_107, %dma_start3A_113] : memref<80x128xi32, #tpu.memory_space<vmem>> -> memref<1x128xi32, #tpu.memory_space<vmem>>
      %dma_start3A_115 = tpu.memref_squeeze %dma_start3A_114 : memref<1x128xi32, #tpu.memory_space<vmem>> -> memref<128xi32, #tpu.memory_space<vmem>>
      %dma_start3A_116 = arith.constant 0 : i32
      %dma_start3A_117 = arith.constant 0 : i32
      %dma_start3A_118 = tpu.memref_slice %arg12[%dma_start3A_116, %dma_start3A_117] : memref<10240x32xf32, #tpu.memory_space<vmem_shared>> -> memref<10240x32xf32, #tpu.memory_space<vmem_shared>>
      tpu.enqueue_indirect_dma source(%dma_start3A_112 : memref<128x32xf32, #tpu.memory_space<vmem>>) target(%dma_start3A_118 : memref<10240x32xf32, #tpu.memory_space<vmem_shared>>) offsets(%dma_start3A_115 : memref<128xi32, #tpu.memory_space<vmem>>) semaphore(%arg11 : memref<!tpu.dma_semaphore, #tpu.memory_space<semaphore_mem>>) {add = true}
      %add3A_119 = arith.constant 1 : i32
      %add3A_120 = arith.addi %mul3A_11, %add3A_119 : i32
      %dma_start3A_121 = arith.constant 1 : i32
      %dma_start3A_122 = arith.constant 0 : i32
      %dma_start3A_123 = arith.constant 0 : i32
      %dma_start3A_124 = tpu.memref_slice %arg9[%dma_start3A_121, %dma_start3A_122, %dma_start3A_123] : memref<4x128x32xf32, #tpu.memory_space<vmem>> -> memref<1x128x32xf32, #tpu.memory_space<vmem>>
      %dma_start3A_125 = tpu.memref_squeeze %dma_start3A_124 : memref<1x128x32xf32, #tpu.memory_space<vmem>> -> memref<128x32xf32, #tpu.memory_space<vmem>>
      %dma_start3A_126 = arith.constant 0 : i32
      %dma_start3A_127 = tpu.memref_slice %arg8[%add3A_120, %dma_start3A_126] : memref<80x128xi32, #tpu.memory_space<vmem>> -> memref<1x128xi32, #tpu.memory_space<vmem>>
      %dma_start3A_128 = tpu.memref_squeeze %dma_start3A_127 : memref<1x128xi32, #tpu.memory_space<vmem>> -> memref<128xi32, #tpu.memory_space<vmem>>
      %dma_start3A_129 = arith.constant 0 : i32
      %dma_start3A_130 = arith.constant 0 : i32
      %dma_start3A_131 = tpu.memref_slice %arg12[%dma_start3A_129, %dma_start3A_130] : memref<10240x32xf32, #tpu.memory_space<vmem_shared>> -> memref<10240x32xf32, #tpu.memory_space<vmem_shared>>
      tpu.enqueue_indirect_dma source(%dma_start3A_125 : memref<128x32xf32, #tpu.memory_space<vmem>>) target(%dma_start3A_131 : memref<10240x32xf32, #tpu.memory_space<vmem_shared>>) offsets(%dma_start3A_128 : memref<128xi32, #tpu.memory_space<vmem>>) semaphore(%arg11 : memref<!tpu.dma_semaphore, #tpu.memory_space<semaphore_mem>>) {add = true}
      %add3A_132 = arith.constant 2 : i32
      %add3A_133 = arith.addi %mul3A_11, %add3A_132 : i32
      %dma_start3A_134 = arith.constant 2 : i32
      %dma_start3A_135 = arith.constant 0 : i32
      %dma_start3A_136 = arith.constant 0 : i32
      %dma_start3A_137 = tpu.memref_slice %arg9[%dma_start3A_134, %dma_start3A_135, %dma_start3A_136] : memref<4x128x32xf32, #tpu.memory_space<vmem>> -> memref<1x128x32xf32, #tpu.memory_space<vmem>>
      %dma_start3A_138 = tpu.memref_squeeze %dma_start3A_137 : memref<1x128x32xf32, #tpu.memory_space<vmem>> -> memref<128x32xf32, #tpu.memory_space<vmem>>
      %dma_start3A_139 = arith.constant 0 : i32
      %dma_start3A_140 = tpu.memref_slice %arg8[%add3A_133, %dma_start3A_139] : memref<80x128xi32, #tpu.memory_space<vmem>> -> memref<1x128xi32, #tpu.memory_space<vmem>>
      %dma_start3A_141 = tpu.memref_squeeze %dma_start3A_140 : memref<1x128xi32, #tpu.memory_space<vmem>> -> memref<128xi32, #tpu.memory_space<vmem>>
      %dma_start3A_142 = arith.constant 0 : i32
      %dma_start3A_143 = arith.constant 0 : i32
      %dma_start3A_144 = tpu.memref_slice %arg12[%dma_start3A_142, %dma_start3A_143] : memref<10240x32xf32, #tpu.memory_space<vmem_shared>> -> memref<10240x32xf32, #tpu.memory_space<vmem_shared>>
      tpu.enqueue_indirect_dma source(%dma_start3A_138 : memref<128x32xf32, #tpu.memory_space<vmem>>) target(%dma_start3A_144 : memref<10240x32xf32, #tpu.memory_space<vmem_shared>>) offsets(%dma_start3A_141 : memref<128xi32, #tpu.memory_space<vmem>>) semaphore(%arg11 : memref<!tpu.dma_semaphore, #tpu.memory_space<semaphore_mem>>) {add = true}
      %add3A_145 = arith.constant 3 : i32
      %add3A_146 = arith.addi %mul3A_11, %add3A_145 : i32
      %dma_start3A_147 = arith.constant 3 : i32
      %dma_start3A_148 = arith.constant 0 : i32
      %dma_start3A_149 = arith.constant 0 : i32
      %dma_start3A_150 = tpu.memref_slice %arg9[%dma_start3A_147, %dma_start3A_148, %dma_start3A_149] : memref<4x128x32xf32, #tpu.memory_space<vmem>> -> memref<1x128x32xf32, #tpu.memory_space<vmem>>
      %dma_start3A_151 = tpu.memref_squeeze %dma_start3A_150 : memref<1x128x32xf32, #tpu.memory_space<vmem>> -> memref<128x32xf32, #tpu.memory_space<vmem>>
      %dma_start3A_152 = arith.constant 0 : i32
      %dma_start3A_153 = tpu.memref_slice %arg8[%add3A_146, %dma_start3A_152] : memref<80x128xi32, #tpu.memory_space<vmem>> -> memref<1x128xi32, #tpu.memory_space<vmem>>
      %dma_start3A_154 = tpu.memref_squeeze %dma_start3A_153 : memref<1x128xi32, #tpu.memory_space<vmem>> -> memref<128xi32, #tpu.memory_space<vmem>>
      %dma_start3A_155 = arith.constant 0 : i32
      %dma_start3A_156 = arith.constant 0 : i32
      %dma_start3A_157 = tpu.memref_slice %arg12[%dma_start3A_155, %dma_start3A_156] : memref<10240x32xf32, #tpu.memory_space<vmem_shared>> -> memref<10240x32xf32, #tpu.memory_space<vmem_shared>>
      tpu.enqueue_indirect_dma source(%dma_start3A_151 : memref<128x32xf32, #tpu.memory_space<vmem>>) target(%dma_start3A_157 : memref<10240x32xf32, #tpu.memory_space<vmem_shared>>) offsets(%dma_start3A_154 : memref<128xi32, #tpu.memory_space<vmem>>) semaphore(%arg11 : memref<!tpu.dma_semaphore, #tpu.memory_space<semaphore_mem>>) {add = true}
      %dma_wait3A_158 = arith.constant 0 : i32
      %dma_wait3A_159 = arith.constant 0 : i32
      %dma_wait3A_160 = arith.constant 0 : i32
      %dma_wait3A_161 = tpu.memref_slice %arg9[%dma_wait3A_158, %dma_wait3A_159, %dma_wait3A_160] : memref<4x128x32xf32, #tpu.memory_space<vmem>> -> memref<1x128x32xf32, #tpu.memory_space<vmem>>
      %dma_wait3A_162 = tpu.memref_squeeze %dma_wait3A_161 : memref<1x128x32xf32, #tpu.memory_space<vmem>> -> memref<128x32xf32, #tpu.memory_space<vmem>>
      %dma_wait3A_163 = arith.constant 0 : i32
      %dma_wait3A_164 = tpu.memref_slice %arg8[%add3A_107, %dma_wait3A_163] : memref<80x128xi32, #tpu.memory_space<vmem>> -> memref<1x128xi32, #tpu.memory_space<vmem>>
      %dma_wait3A_165 = tpu.memref_squeeze %dma_wait3A_164 : memref<1x128xi32, #tpu.memory_space<vmem>> -> memref<128xi32, #tpu.memory_space<vmem>>
      %dma_wait3A_166 = arith.constant 0 : i32
      %dma_wait3A_167 = arith.constant 0 : i32
      %dma_wait3A_168 = tpu.memref_slice %arg12[%dma_wait3A_166, %dma_wait3A_167] : memref<10240x32xf32, #tpu.memory_space<vmem_shared>> -> memref<10240x32xf32, #tpu.memory_space<vmem_shared>>
      tpu.wait_indirect_dma semaphore(%arg11 : memref<!tpu.dma_semaphore, #tpu.memory_space<semaphore_mem>>) src(%dma_wait3A_162 : memref<128x32xf32, #tpu.memory_space<vmem>>) dst(%dma_wait3A_168 : memref<10240x32xf32, #tpu.memory_space<vmem_shared>>)
      %dma_wait3A_169 = arith.constant 1 : i32
      %dma_wait3A_170 = arith.constant 0 : i32
      %dma_wait3A_171 = arith.constant 0 : i32
      %dma_wait3A_172 = tpu.memref_slice %arg9[%dma_wait3A_169, %dma_wait3A_170, %dma_wait3A_171] : memref<4x128x32xf32, #tpu.memory_space<vmem>> -> memref<1x128x32xf32, #tpu.memory_space<vmem>>
      %dma_wait3A_173 = tpu.memref_squeeze %dma_wait3A_172 : memref<1x128x32xf32, #tpu.memory_space<vmem>> -> memref<128x32xf32, #tpu.memory_space<vmem>>
      %dma_wait3A_174 = arith.constant 0 : i32
      %dma_wait3A_175 = tpu.memref_slice %arg8[%add3A_120, %dma_wait3A_174] : memref<80x128xi32, #tpu.memory_space<vmem>> -> memref<1x128xi32, #tpu.memory_space<vmem>>
      %dma_wait3A_176 = tpu.memref_squeeze %dma_wait3A_175 : memref<1x128xi32, #tpu.memory_space<vmem>> -> memref<128xi32, #tpu.memory_space<vmem>>
      %dma_wait3A_177 = arith.constant 0 : i32
      %dma_wait3A_178 = arith.constant 0 : i32
      %dma_wait3A_179 = tpu.memref_slice %arg12[%dma_wait3A_177, %dma_wait3A_178] : memref<10240x32xf32, #tpu.memory_space<vmem_shared>> -> memref<10240x32xf32, #tpu.memory_space<vmem_shared>>
      tpu.wait_indirect_dma semaphore(%arg11 : memref<!tpu.dma_semaphore, #tpu.memory_space<semaphore_mem>>) src(%dma_wait3A_173 : memref<128x32xf32, #tpu.memory_space<vmem>>) dst(%dma_wait3A_179 : memref<10240x32xf32, #tpu.memory_space<vmem_shared>>)
      %dma_wait3A_180 = arith.constant 2 : i32
      %dma_wait3A_181 = arith.constant 0 : i32
      %dma_wait3A_182 = arith.constant 0 : i32
      %dma_wait3A_183 = tpu.memref_slice %arg9[%dma_wait3A_180, %dma_wait3A_181, %dma_wait3A_182] : memref<4x128x32xf32, #tpu.memory_space<vmem>> -> memref<1x128x32xf32, #tpu.memory_space<vmem>>
      %dma_wait3A_184 = tpu.memref_squeeze %dma_wait3A_183 : memref<1x128x32xf32, #tpu.memory_space<vmem>> -> memref<128x32xf32, #tpu.memory_space<vmem>>
      %dma_wait3A_185 = arith.constant 0 : i32
      %dma_wait3A_186 = tpu.memref_slice %arg8[%add3A_133, %dma_wait3A_185] : memref<80x128xi32, #tpu.memory_space<vmem>> -> memref<1x128xi32, #tpu.memory_space<vmem>>
      %dma_wait3A_187 = tpu.memref_squeeze %dma_wait3A_186 : memref<1x128xi32, #tpu.memory_space<vmem>> -> memref<128xi32, #tpu.memory_space<vmem>>
      %dma_wait3A_188 = arith.constant 0 : i32
      %dma_wait3A_189 = arith.constant 0 : i32
      %dma_wait3A_190 = tpu.memref_slice %arg12[%dma_wait3A_188, %dma_wait3A_189] : memref<10240x32xf32, #tpu.memory_space<vmem_shared>> -> memref<10240x32xf32, #tpu.memory_space<vmem_shared>>
      tpu.wait_indirect_dma semaphore(%arg11 : memref<!tpu.dma_semaphore, #tpu.memory_space<semaphore_mem>>) src(%dma_wait3A_184 : memref<128x32xf32, #tpu.memory_space<vmem>>) dst(%dma_wait3A_190 : memref<10240x32xf32, #tpu.memory_space<vmem_shared>>)
      %dma_wait3A_191 = arith.constant 3 : i32
      %dma_wait3A_192 = arith.constant 0 : i32
      %dma_wait3A_193 = arith.constant 0 : i32
      %dma_wait3A_194 = tpu.memref_slice %arg9[%dma_wait3A_191, %dma_wait3A_192, %dma_wait3A_193] : memref<4x128x32xf32, #tpu.memory_space<vmem>> -> memref<1x128x32xf32, #tpu.memory_space<vmem>>
      %dma_wait3A_195 = tpu.memref_squeeze %dma_wait3A_194 : memref<1x128x32xf32, #tpu.memory_space<vmem>> -> memref<128x32xf32, #tpu.memory_space<vmem>>
      %dma_wait3A_196 = arith.constant 0 : i32
      %dma_wait3A_197 = tpu.memref_slice %arg8[%add3A_146, %dma_wait3A_196] : memref<80x128xi32, #tpu.memory_space<vmem>> -> memref<1x128xi32, #tpu.memory_space<vmem>>
      %dma_wait3A_198 = tpu.memref_squeeze %dma_wait3A_197 : memref<1x128xi32, #tpu.memory_space<vmem>> -> memref<128xi32, #tpu.memory_space<vmem>>
      %dma_wait3A_199 = arith.constant 0 : i32
      %dma_wait3A_200 = arith.constant 0 : i32
      %dma_wait3A_201 = tpu.memref_slice %arg12[%dma_wait3A_199, %dma_wait3A_200] : memref<10240x32xf32, #tpu.memory_space<vmem_shared>> -> memref<10240x32xf32, #tpu.memory_space<vmem_shared>>
      tpu.wait_indirect_dma semaphore(%arg11 : memref<!tpu.dma_semaphore, #tpu.memory_space<semaphore_mem>>) src(%dma_wait3A_195 : memref<128x32xf32, #tpu.memory_space<vmem>>) dst(%dma_wait3A_201 : memref<10240x32xf32, #tpu.memory_space<vmem_shared>>)
    }
    %scan3A_7 = arith.constant 20 : i32
    %barrier3A_8 = arith.constant 0 : index
    tpu.barrier barrier_id(%barrier3A_8)
    "tpu.region"() ({
      %run_scoped3A = tpu.sem_alloc : memref<!tpu.dma_semaphore, #tpu.memory_space<semaphore_mem>>
      %dma_start3A = arith.constant 0 : i32
      %dma_start3A_9 = tpu.memref_slice %arg6[%arg0, %mul3A_2, %dma_start3A] : memref<2x10240x32xf32, #tpu.memory_space<hbm>> -> memref<1x640x32xf32, #tpu.memory_space<hbm>>
      %dma_start3A_10 = tpu.memref_squeeze %dma_start3A_9 : memref<1x640x32xf32, #tpu.memory_space<hbm>> -> memref<640x32xf32, #tpu.memory_space<hbm>>
      %dma_start3A_11 = arith.constant 0 : i32
      %dma_start3A_12 = tpu.memref_slice %arg12[%mul3A_2, %dma_start3A_11] : memref<10240x32xf32, #tpu.memory_space<vmem_shared>> -> memref<640x32xf32, #tpu.memory_space<vmem_shared>>
      tpu.enqueue_dma source(%dma_start3A_12 : memref<640x32xf32, #tpu.memory_space<vmem_shared>>) target(%dma_start3A_10 : memref<640x32xf32, #tpu.memory_space<hbm>>) target_semaphore(%run_scoped3A : memref<!tpu.dma_semaphore, #tpu.memory_space<semaphore_mem>>)
      %dma_wait3A = arith.constant 0 : i32
      %dma_wait3A_13 = tpu.memref_slice %arg6[%arg0, %mul3A_2, %dma_wait3A] : memref<2x10240x32xf32, #tpu.memory_space<hbm>> -> memref<1x640x32xf32, #tpu.memory_space<hbm>>
      %dma_wait3A_14 = tpu.memref_squeeze %dma_wait3A_13 : memref<1x640x32xf32, #tpu.memory_space<hbm>> -> memref<640x32xf32, #tpu.memory_space<hbm>>
      %dma_wait3A_15 = arith.constant 0 : i32
      %dma_wait3A_16 = tpu.memref_slice %arg12[%mul3A_2, %dma_wait3A_15] : memref<10240x32xf32, #tpu.memory_space<vmem_shared>> -> memref<640x32xf32, #tpu.memory_space<vmem_shared>>
      tpu.wait_dma2 semaphore(%run_scoped3A : memref<!tpu.dma_semaphore, #tpu.memory_space<semaphore_mem>>) src(%dma_wait3A_16 : memref<640x32xf32, #tpu.memory_space<vmem_shared>>) dst(%dma_wait3A_14 : memref<640x32xf32, #tpu.memory_space<hbm>>)
      tpu.yield
    }) : () -> ()
    return
  }
}

#map = affine_map<(d0, d1) -> (0, 0)>
#map1 = affine_map<(d0, d1) -> (0, 0, 0)>
module attributes {stable_mosaic.version = 14 : i64} {
  func.func @_stage1_body(%arg0: i32, %arg1: i32, %arg2: memref<10240x32xf32, #tpu.memory_space<hbm>>, %arg3: memref<10240x32xf32, #tpu.memory_space<hbm>>, %arg4: memref<32x80x128xi32, #tpu.memory_space<hbm>>, %arg5: memref<32x80x128xi32, #tpu.memory_space<hbm>>, %arg6: memref<2x10240x32xf32, #tpu.memory_space<hbm>>, %arg7: memref<80x128xi32, #tpu.memory_space<vmem>>, %arg8: memref<80x128xi32, #tpu.memory_space<vmem>>, %arg9: memref<4x128x32xf32, #tpu.memory_space<vmem>>, %arg10: memref<!tpu.dma_semaphore, #tpu.memory_space<semaphore_mem>>, %arg11: memref<!tpu.dma_semaphore, #tpu.memory_space<semaphore_mem>>, %arg12: memref<10240x32xf32, #tpu.memory_space<vmem_shared>>) attributes {dimension_semantics = [#tpu.dimension_semantics<core_parallel>, #tpu.dimension_semantics<subcore_parallel>], iteration_bounds = array<i64: 2, 16>, scalar_prefetch = 0 : i64, scratch_operands = 6 : i64, tpu.core_type = #tpu.core_type<sc_vector_subcore>, window_params = [{transform_indices = #map}, {transform_indices = #map}, {transform_indices = #map1}, {transform_indices = #map1}, {transform_indices = #map1}]} {
    %mul3A = arith.constant 16 : i32
    %mul3A_0 = arith.muli %arg0, %mul3A : i32
    %add3A = arith.addi %mul3A_0, %arg1 : i32
    %mul3A_1 = arith.constant 640 : i32
    %mul3A_2 = arith.muli %arg1, %mul3A_1 : i32
    "tpu.region"() ({
      %run_scoped3A = tpu.sem_alloc : memref<!tpu.dma_semaphore, #tpu.memory_space<semaphore_mem>>
      %dma_start3A = arith.constant 0 : i32
      %dma_start3A_9 = tpu.memref_slice %arg12[%mul3A_2, %dma_start3A] : memref<10240x32xf32, #tpu.memory_space<vmem_shared>> -> memref<640x32xf32, #tpu.memory_space<vmem_shared>>
      %dma_start3A_10 = arith.constant 0 : i32
      %dma_start3A_11 = tpu.memref_slice %arg3[%mul3A_2, %dma_start3A_10] : memref<10240x32xf32, #tpu.memory_space<hbm>> -> memref<640x32xf32, #tpu.memory_space<hbm>>
      tpu.enqueue_dma source(%dma_start3A_11 : memref<640x32xf32, #tpu.memory_space<hbm>>) target(%dma_start3A_9 : memref<640x32xf32, #tpu.memory_space<vmem_shared>>) target_semaphore(%run_scoped3A : memref<!tpu.dma_semaphore, #tpu.memory_space<semaphore_mem>>)
      %dma_wait3A = arith.constant 0 : i32
      %dma_wait3A_12 = tpu.memref_slice %arg12[%mul3A_2, %dma_wait3A] : memref<10240x32xf32, #tpu.memory_space<vmem_shared>> -> memref<640x32xf32, #tpu.memory_space<vmem_shared>>
      %dma_wait3A_13 = arith.constant 0 : i32
      %dma_wait3A_14 = tpu.memref_slice %arg3[%mul3A_2, %dma_wait3A_13] : memref<10240x32xf32, #tpu.memory_space<hbm>> -> memref<640x32xf32, #tpu.memory_space<hbm>>
      tpu.wait_dma2 semaphore(%run_scoped3A : memref<!tpu.dma_semaphore, #tpu.memory_space<semaphore_mem>>) src(%dma_wait3A_14 : memref<640x32xf32, #tpu.memory_space<hbm>>) dst(%dma_wait3A_12 : memref<640x32xf32, #tpu.memory_space<vmem_shared>>)
      tpu.yield
    }) : () -> ()
    "tpu.region"() ({
      %run_scoped3A = tpu.sem_alloc : memref<!tpu.dma_semaphore, #tpu.memory_space<semaphore_mem>>
      %dma_start3A = arith.constant 0 : i32
      %dma_start3A_9 = arith.constant 0 : i32
      %dma_start3A_10 = tpu.memref_slice %arg4[%add3A, %dma_start3A, %dma_start3A_9] : memref<32x80x128xi32, #tpu.memory_space<hbm>> -> memref<1x80x128xi32, #tpu.memory_space<hbm>>
      %dma_start3A_11 = tpu.memref_squeeze %dma_start3A_10 : memref<1x80x128xi32, #tpu.memory_space<hbm>> -> memref<80x128xi32, #tpu.memory_space<hbm>>
      %dma_start3A_12 = arith.constant 0 : i32
      %dma_start3A_13 = arith.constant 0 : i32
      %dma_start3A_14 = tpu.memref_slice %arg4[%add3A, %dma_start3A_12, %dma_start3A_13] : memref<32x80x128xi32, #tpu.memory_space<hbm>> -> memref<1x80x128xi32, #tpu.memory_space<hbm>>
      %dma_start3A_15 = tpu.memref_squeeze %dma_start3A_14 : memref<1x80x128xi32, #tpu.memory_space<hbm>> -> memref<80x128xi32, #tpu.memory_space<hbm>>
      tpu.enqueue_dma source(%dma_start3A_15 : memref<80x128xi32, #tpu.memory_space<hbm>>) target(%arg7 : memref<80x128xi32, #tpu.memory_space<vmem>>) target_semaphore(%run_scoped3A : memref<!tpu.dma_semaphore, #tpu.memory_space<semaphore_mem>>)
      %dma_wait3A = arith.constant 0 : i32
      %dma_wait3A_16 = arith.constant 0 : i32
      %dma_wait3A_17 = tpu.memref_slice %arg4[%add3A, %dma_wait3A, %dma_wait3A_16] : memref<32x80x128xi32, #tpu.memory_space<hbm>> -> memref<1x80x128xi32, #tpu.memory_space<hbm>>
      %dma_wait3A_18 = tpu.memref_squeeze %dma_wait3A_17 : memref<1x80x128xi32, #tpu.memory_space<hbm>> -> memref<80x128xi32, #tpu.memory_space<hbm>>
      %dma_wait3A_19 = arith.constant 0 : i32
      %dma_wait3A_20 = arith.constant 0 : i32
      %dma_wait3A_21 = tpu.memref_slice %arg4[%add3A, %dma_wait3A_19, %dma_wait3A_20] : memref<32x80x128xi32, #tpu.memory_space<hbm>> -> memref<1x80x128xi32, #tpu.memory_space<hbm>>
      %dma_wait3A_22 = tpu.memref_squeeze %dma_wait3A_21 : memref<1x80x128xi32, #tpu.memory_space<hbm>> -> memref<80x128xi32, #tpu.memory_space<hbm>>
      tpu.wait_dma2 semaphore(%run_scoped3A : memref<!tpu.dma_semaphore, #tpu.memory_space<semaphore_mem>>) src(%dma_wait3A_22 : memref<80x128xi32, #tpu.memory_space<hbm>>) dst(%arg7 : memref<80x128xi32, #tpu.memory_space<vmem>>)
      tpu.yield
    }) : () -> ()
    "tpu.region"() ({
      %run_scoped3A = tpu.sem_alloc : memref<!tpu.dma_semaphore, #tpu.memory_space<semaphore_mem>>
      %dma_start3A = arith.constant 0 : i32
      %dma_start3A_9 = arith.constant 0 : i32
      %dma_start3A_10 = tpu.memref_slice %arg5[%add3A, %dma_start3A, %dma_start3A_9] : memref<32x80x128xi32, #tpu.memory_space<hbm>> -> memref<1x80x128xi32, #tpu.memory_space<hbm>>
      %dma_start3A_11 = tpu.memref_squeeze %dma_start3A_10 : memref<1x80x128xi32, #tpu.memory_space<hbm>> -> memref<80x128xi32, #tpu.memory_space<hbm>>
      %dma_start3A_12 = arith.constant 0 : i32
      %dma_start3A_13 = arith.constant 0 : i32
      %dma_start3A_14 = tpu.memref_slice %arg5[%add3A, %dma_start3A_12, %dma_start3A_13] : memref<32x80x128xi32, #tpu.memory_space<hbm>> -> memref<1x80x128xi32, #tpu.memory_space<hbm>>
      %dma_start3A_15 = tpu.memref_squeeze %dma_start3A_14 : memref<1x80x128xi32, #tpu.memory_space<hbm>> -> memref<80x128xi32, #tpu.memory_space<hbm>>
      tpu.enqueue_dma source(%dma_start3A_15 : memref<80x128xi32, #tpu.memory_space<hbm>>) target(%arg8 : memref<80x128xi32, #tpu.memory_space<vmem>>) target_semaphore(%run_scoped3A : memref<!tpu.dma_semaphore, #tpu.memory_space<semaphore_mem>>)
      %dma_wait3A = arith.constant 0 : i32
      %dma_wait3A_16 = arith.constant 0 : i32
      %dma_wait3A_17 = tpu.memref_slice %arg5[%add3A, %dma_wait3A, %dma_wait3A_16] : memref<32x80x128xi32, #tpu.memory_space<hbm>> -> memref<1x80x128xi32, #tpu.memory_space<hbm>>
      %dma_wait3A_18 = tpu.memref_squeeze %dma_wait3A_17 : memref<1x80x128xi32, #tpu.memory_space<hbm>> -> memref<80x128xi32, #tpu.memory_space<hbm>>
      %dma_wait3A_19 = arith.constant 0 : i32
      %dma_wait3A_20 = arith.constant 0 : i32
      %dma_wait3A_21 = tpu.memref_slice %arg5[%add3A, %dma_wait3A_19, %dma_wait3A_20] : memref<32x80x128xi32, #tpu.memory_space<hbm>> -> memref<1x80x128xi32, #tpu.memory_space<hbm>>
      %dma_wait3A_22 = tpu.memref_squeeze %dma_wait3A_21 : memref<1x80x128xi32, #tpu.memory_space<hbm>> -> memref<80x128xi32, #tpu.memory_space<hbm>>
      tpu.wait_dma2 semaphore(%run_scoped3A : memref<!tpu.dma_semaphore, #tpu.memory_space<semaphore_mem>>) src(%dma_wait3A_22 : memref<80x128xi32, #tpu.memory_space<hbm>>) dst(%arg8 : memref<80x128xi32, #tpu.memory_space<vmem>>)
      tpu.yield
    }) : () -> ()
    %barrier3A = arith.constant 0 : index
    tpu.barrier barrier_id(%barrier3A)
    %scan3A = arith.constant 0 : i32
    %scan3A_3 = arith.constant 0 : i32
    %scan3A_4 = arith.constant 20 : i32
    %scan3A_5 = arith.addi %scan3A_3, %scan3A_4 : i32
    %scan3A_6 = arith.constant 1 : i32
    scf.for %scan3A_9 = %scan3A_3 to %scan3A_5 step %scan3A_6  : i32 {
      %mul3A_10 = arith.constant 4 : i32
      %mul3A_11 = arith.muli %scan3A_9, %mul3A_10 : i32
      %add3A_12 = arith.constant 0 : i32
      %add3A_13 = arith.addi %mul3A_11, %add3A_12 : i32
      %dma_start3A = arith.constant 0 : i32
      %dma_start3A_14 = arith.constant 0 : i32
      %dma_start3A_15 = arith.constant 0 : i32
      %dma_start3A_16 = tpu.memref_slice %arg9[%dma_start3A, %dma_start3A_14, %dma_start3A_15] : memref<4x128x32xf32, #tpu.memory_space<vmem>> -> memref<1x128x32xf32, #tpu.memory_space<vmem>>
      %dma_start3A_17 = tpu.memref_squeeze %dma_start3A_16 : memref<1x128x32xf32, #tpu.memory_space<vmem>> -> memref<128x32xf32, #tpu.memory_space<vmem>>
      %dma_start3A_18 = arith.constant 0 : i32
      %dma_start3A_19 = tpu.memref_slice %arg7[%add3A_13, %dma_start3A_18] : memref<80x128xi32, #tpu.memory_space<vmem>> -> memref<1x128xi32, #tpu.memory_space<vmem>>
      %dma_start3A_20 = tpu.memref_squeeze %dma_start3A_19 : memref<1x128xi32, #tpu.memory_space<vmem>> -> memref<128xi32, #tpu.memory_space<vmem>>
      %dma_start3A_21 = arith.constant 0 : i32
      %dma_start3A_22 = arith.constant 0 : i32
      %dma_start3A_23 = tpu.memref_slice %arg2[%dma_start3A_21, %dma_start3A_22] : memref<10240x32xf32, #tpu.memory_space<hbm>> -> memref<10240x32xf32, #tpu.memory_space<hbm>>
      tpu.enqueue_indirect_dma source(%dma_start3A_23 : memref<10240x32xf32, #tpu.memory_space<hbm>>) target(%dma_start3A_17 : memref<128x32xf32, #tpu.memory_space<vmem>>) offsets(%dma_start3A_20 : memref<128xi32, #tpu.memory_space<vmem>>) semaphore(%arg10 : memref<!tpu.dma_semaphore, #tpu.memory_space<semaphore_mem>>)
      %add3A_24 = arith.constant 1 : i32
      %add3A_25 = arith.addi %mul3A_11, %add3A_24 : i32
      %dma_start3A_26 = arith.constant 1 : i32
      %dma_start3A_27 = arith.constant 0 : i32
      %dma_start3A_28 = arith.constant 0 : i32
      %dma_start3A_29 = tpu.memref_slice %arg9[%dma_start3A_26, %dma_start3A_27, %dma_start3A_28] : memref<4x128x32xf32, #tpu.memory_space<vmem>> -> memref<1x128x32xf32, #tpu.memory_space<vmem>>
      %dma_start3A_30 = tpu.memref_squeeze %dma_start3A_29 : memref<1x128x32xf32, #tpu.memory_space<vmem>> -> memref<128x32xf32, #tpu.memory_space<vmem>>
      %dma_start3A_31 = arith.constant 0 : i32
      %dma_start3A_32 = tpu.memref_slice %arg7[%add3A_25, %dma_start3A_31] : memref<80x128xi32, #tpu.memory_space<vmem>> -> memref<1x128xi32, #tpu.memory_space<vmem>>
      %dma_start3A_33 = tpu.memref_squeeze %dma_start3A_32 : memref<1x128xi32, #tpu.memory_space<vmem>> -> memref<128xi32, #tpu.memory_space<vmem>>
      %dma_start3A_34 = arith.constant 0 : i32
      %dma_start3A_35 = arith.constant 0 : i32
      %dma_start3A_36 = tpu.memref_slice %arg2[%dma_start3A_34, %dma_start3A_35] : memref<10240x32xf32, #tpu.memory_space<hbm>> -> memref<10240x32xf32, #tpu.memory_space<hbm>>
      tpu.enqueue_indirect_dma source(%dma_start3A_36 : memref<10240x32xf32, #tpu.memory_space<hbm>>) target(%dma_start3A_30 : memref<128x32xf32, #tpu.memory_space<vmem>>) offsets(%dma_start3A_33 : memref<128xi32, #tpu.memory_space<vmem>>) semaphore(%arg10 : memref<!tpu.dma_semaphore, #tpu.memory_space<semaphore_mem>>)
      %add3A_37 = arith.constant 2 : i32
      %add3A_38 = arith.addi %mul3A_11, %add3A_37 : i32
      %dma_start3A_39 = arith.constant 2 : i32
      %dma_start3A_40 = arith.constant 0 : i32
      %dma_start3A_41 = arith.constant 0 : i32
      %dma_start3A_42 = tpu.memref_slice %arg9[%dma_start3A_39, %dma_start3A_40, %dma_start3A_41] : memref<4x128x32xf32, #tpu.memory_space<vmem>> -> memref<1x128x32xf32, #tpu.memory_space<vmem>>
      %dma_start3A_43 = tpu.memref_squeeze %dma_start3A_42 : memref<1x128x32xf32, #tpu.memory_space<vmem>> -> memref<128x32xf32, #tpu.memory_space<vmem>>
      %dma_start3A_44 = arith.constant 0 : i32
      %dma_start3A_45 = tpu.memref_slice %arg7[%add3A_38, %dma_start3A_44] : memref<80x128xi32, #tpu.memory_space<vmem>> -> memref<1x128xi32, #tpu.memory_space<vmem>>
      %dma_start3A_46 = tpu.memref_squeeze %dma_start3A_45 : memref<1x128xi32, #tpu.memory_space<vmem>> -> memref<128xi32, #tpu.memory_space<vmem>>
      %dma_start3A_47 = arith.constant 0 : i32
      %dma_start3A_48 = arith.constant 0 : i32
      %dma_start3A_49 = tpu.memref_slice %arg2[%dma_start3A_47, %dma_start3A_48] : memref<10240x32xf32, #tpu.memory_space<hbm>> -> memref<10240x32xf32, #tpu.memory_space<hbm>>
      tpu.enqueue_indirect_dma source(%dma_start3A_49 : memref<10240x32xf32, #tpu.memory_space<hbm>>) target(%dma_start3A_43 : memref<128x32xf32, #tpu.memory_space<vmem>>) offsets(%dma_start3A_46 : memref<128xi32, #tpu.memory_space<vmem>>) semaphore(%arg10 : memref<!tpu.dma_semaphore, #tpu.memory_space<semaphore_mem>>)
      %add3A_50 = arith.constant 3 : i32
      %add3A_51 = arith.addi %mul3A_11, %add3A_50 : i32
      %dma_start3A_52 = arith.constant 3 : i32
      %dma_start3A_53 = arith.constant 0 : i32
      %dma_start3A_54 = arith.constant 0 : i32
      %dma_start3A_55 = tpu.memref_slice %arg9[%dma_start3A_52, %dma_start3A_53, %dma_start3A_54] : memref<4x128x32xf32, #tpu.memory_space<vmem>> -> memref<1x128x32xf32, #tpu.memory_space<vmem>>
      %dma_start3A_56 = tpu.memref_squeeze %dma_start3A_55 : memref<1x128x32xf32, #tpu.memory_space<vmem>> -> memref<128x32xf32, #tpu.memory_space<vmem>>
      %dma_start3A_57 = arith.constant 0 : i32
      %dma_start3A_58 = tpu.memref_slice %arg7[%add3A_51, %dma_start3A_57] : memref<80x128xi32, #tpu.memory_space<vmem>> -> memref<1x128xi32, #tpu.memory_space<vmem>>
      %dma_start3A_59 = tpu.memref_squeeze %dma_start3A_58 : memref<1x128xi32, #tpu.memory_space<vmem>> -> memref<128xi32, #tpu.memory_space<vmem>>
      %dma_start3A_60 = arith.constant 0 : i32
      %dma_start3A_61 = arith.constant 0 : i32
      %dma_start3A_62 = tpu.memref_slice %arg2[%dma_start3A_60, %dma_start3A_61] : memref<10240x32xf32, #tpu.memory_space<hbm>> -> memref<10240x32xf32, #tpu.memory_space<hbm>>
      tpu.enqueue_indirect_dma source(%dma_start3A_62 : memref<10240x32xf32, #tpu.memory_space<hbm>>) target(%dma_start3A_56 : memref<128x32xf32, #tpu.memory_space<vmem>>) offsets(%dma_start3A_59 : memref<128xi32, #tpu.memory_space<vmem>>) semaphore(%arg10 : memref<!tpu.dma_semaphore, #tpu.memory_space<semaphore_mem>>)
      %dma_wait3A = arith.constant 0 : i32
      %dma_wait3A_63 = arith.constant 0 : i32
      %dma_wait3A_64 = arith.constant 0 : i32
      %dma_wait3A_65 = tpu.memref_slice %arg9[%dma_wait3A, %dma_wait3A_63, %dma_wait3A_64] : memref<4x128x32xf32, #tpu.memory_space<vmem>> -> memref<1x128x32xf32, #tpu.memory_space<vmem>>
      %dma_wait3A_66 = tpu.memref_squeeze %dma_wait3A_65 : memref<1x128x32xf32, #tpu.memory_space<vmem>> -> memref<128x32xf32, #tpu.memory_space<vmem>>
      %dma_wait3A_67 = arith.constant 0 : i32
      %dma_wait3A_68 = tpu.memref_slice %arg7[%add3A_13, %dma_wait3A_67] : memref<80x128xi32, #tpu.memory_space<vmem>> -> memref<1x128xi32, #tpu.memory_space<vmem>>
      %dma_wait3A_69 = tpu.memref_squeeze %dma_wait3A_68 : memref<1x128xi32, #tpu.memory_space<vmem>> -> memref<128xi32, #tpu.memory_space<vmem>>
      %dma_wait3A_70 = arith.constant 0 : i32
      %dma_wait3A_71 = arith.constant 0 : i32
      %dma_wait3A_72 = tpu.memref_slice %arg2[%dma_wait3A_70, %dma_wait3A_71] : memref<10240x32xf32, #tpu.memory_space<hbm>> -> memref<10240x32xf32, #tpu.memory_space<hbm>>
      tpu.wait_indirect_dma semaphore(%arg10 : memref<!tpu.dma_semaphore, #tpu.memory_space<semaphore_mem>>) src(%dma_wait3A_72 : memref<10240x32xf32, #tpu.memory_space<hbm>>) dst(%dma_wait3A_66 : memref<128x32xf32, #tpu.memory_space<vmem>>)
      %dma_wait3A_73 = arith.constant 1 : i32
      %dma_wait3A_74 = arith.constant 0 : i32
      %dma_wait3A_75 = arith.constant 0 : i32
      %dma_wait3A_76 = tpu.memref_slice %arg9[%dma_wait3A_73, %dma_wait3A_74, %dma_wait3A_75] : memref<4x128x32xf32, #tpu.memory_space<vmem>> -> memref<1x128x32xf32, #tpu.memory_space<vmem>>
      %dma_wait3A_77 = tpu.memref_squeeze %dma_wait3A_76 : memref<1x128x32xf32, #tpu.memory_space<vmem>> -> memref<128x32xf32, #tpu.memory_space<vmem>>
      %dma_wait3A_78 = arith.constant 0 : i32
      %dma_wait3A_79 = tpu.memref_slice %arg7[%add3A_25, %dma_wait3A_78] : memref<80x128xi32, #tpu.memory_space<vmem>> -> memref<1x128xi32, #tpu.memory_space<vmem>>
      %dma_wait3A_80 = tpu.memref_squeeze %dma_wait3A_79 : memref<1x128xi32, #tpu.memory_space<vmem>> -> memref<128xi32, #tpu.memory_space<vmem>>
      %dma_wait3A_81 = arith.constant 0 : i32
      %dma_wait3A_82 = arith.constant 0 : i32
      %dma_wait3A_83 = tpu.memref_slice %arg2[%dma_wait3A_81, %dma_wait3A_82] : memref<10240x32xf32, #tpu.memory_space<hbm>> -> memref<10240x32xf32, #tpu.memory_space<hbm>>
      tpu.wait_indirect_dma semaphore(%arg10 : memref<!tpu.dma_semaphore, #tpu.memory_space<semaphore_mem>>) src(%dma_wait3A_83 : memref<10240x32xf32, #tpu.memory_space<hbm>>) dst(%dma_wait3A_77 : memref<128x32xf32, #tpu.memory_space<vmem>>)
      %dma_wait3A_84 = arith.constant 2 : i32
      %dma_wait3A_85 = arith.constant 0 : i32
      %dma_wait3A_86 = arith.constant 0 : i32
      %dma_wait3A_87 = tpu.memref_slice %arg9[%dma_wait3A_84, %dma_wait3A_85, %dma_wait3A_86] : memref<4x128x32xf32, #tpu.memory_space<vmem>> -> memref<1x128x32xf32, #tpu.memory_space<vmem>>
      %dma_wait3A_88 = tpu.memref_squeeze %dma_wait3A_87 : memref<1x128x32xf32, #tpu.memory_space<vmem>> -> memref<128x32xf32, #tpu.memory_space<vmem>>
      %dma_wait3A_89 = arith.constant 0 : i32
      %dma_wait3A_90 = tpu.memref_slice %arg7[%add3A_38, %dma_wait3A_89] : memref<80x128xi32, #tpu.memory_space<vmem>> -> memref<1x128xi32, #tpu.memory_space<vmem>>
      %dma_wait3A_91 = tpu.memref_squeeze %dma_wait3A_90 : memref<1x128xi32, #tpu.memory_space<vmem>> -> memref<128xi32, #tpu.memory_space<vmem>>
      %dma_wait3A_92 = arith.constant 0 : i32
      %dma_wait3A_93 = arith.constant 0 : i32
      %dma_wait3A_94 = tpu.memref_slice %arg2[%dma_wait3A_92, %dma_wait3A_93] : memref<10240x32xf32, #tpu.memory_space<hbm>> -> memref<10240x32xf32, #tpu.memory_space<hbm>>
      tpu.wait_indirect_dma semaphore(%arg10 : memref<!tpu.dma_semaphore, #tpu.memory_space<semaphore_mem>>) src(%dma_wait3A_94 : memref<10240x32xf32, #tpu.memory_space<hbm>>) dst(%dma_wait3A_88 : memref<128x32xf32, #tpu.memory_space<vmem>>)
      %dma_wait3A_95 = arith.constant 3 : i32
      %dma_wait3A_96 = arith.constant 0 : i32
      %dma_wait3A_97 = arith.constant 0 : i32
      %dma_wait3A_98 = tpu.memref_slice %arg9[%dma_wait3A_95, %dma_wait3A_96, %dma_wait3A_97] : memref<4x128x32xf32, #tpu.memory_space<vmem>> -> memref<1x128x32xf32, #tpu.memory_space<vmem>>
      %dma_wait3A_99 = tpu.memref_squeeze %dma_wait3A_98 : memref<1x128x32xf32, #tpu.memory_space<vmem>> -> memref<128x32xf32, #tpu.memory_space<vmem>>
      %dma_wait3A_100 = arith.constant 0 : i32
      %dma_wait3A_101 = tpu.memref_slice %arg7[%add3A_51, %dma_wait3A_100] : memref<80x128xi32, #tpu.memory_space<vmem>> -> memref<1x128xi32, #tpu.memory_space<vmem>>
      %dma_wait3A_102 = tpu.memref_squeeze %dma_wait3A_101 : memref<1x128xi32, #tpu.memory_space<vmem>> -> memref<128xi32, #tpu.memory_space<vmem>>
      %dma_wait3A_103 = arith.constant 0 : i32
      %dma_wait3A_104 = arith.constant 0 : i32
      %dma_wait3A_105 = tpu.memref_slice %arg2[%dma_wait3A_103, %dma_wait3A_104] : memref<10240x32xf32, #tpu.memory_space<hbm>> -> memref<10240x32xf32, #tpu.memory_space<hbm>>
      tpu.wait_indirect_dma semaphore(%arg10 : memref<!tpu.dma_semaphore, #tpu.memory_space<semaphore_mem>>) src(%dma_wait3A_105 : memref<10240x32xf32, #tpu.memory_space<hbm>>) dst(%dma_wait3A_99 : memref<128x32xf32, #tpu.memory_space<vmem>>)
      %add3A_106 = arith.constant 0 : i32
      %add3A_107 = arith.addi %mul3A_11, %add3A_106 : i32
      %dma_start3A_108 = arith.constant 0 : i32
      %dma_start3A_109 = arith.constant 0 : i32
      %dma_start3A_110 = arith.constant 0 : i32
      %dma_start3A_111 = tpu.memref_slice %arg9[%dma_start3A_108, %dma_start3A_109, %dma_start3A_110] : memref<4x128x32xf32, #tpu.memory_space<vmem>> -> memref<1x128x32xf32, #tpu.memory_space<vmem>>
      %dma_start3A_112 = tpu.memref_squeeze %dma_start3A_111 : memref<1x128x32xf32, #tpu.memory_space<vmem>> -> memref<128x32xf32, #tpu.memory_space<vmem>>
      %dma_start3A_113 = arith.constant 0 : i32
      %dma_start3A_114 = tpu.memref_slice %arg8[%add3A_107, %dma_start3A_113] : memref<80x128xi32, #tpu.memory_space<vmem>> -> memref<1x128xi32, #tpu.memory_space<vmem>>
      %dma_start3A_115 = tpu.memref_squeeze %dma_start3A_114 : memref<1x128xi32, #tpu.memory_space<vmem>> -> memref<128xi32, #tpu.memory_space<vmem>>
      %dma_start3A_116 = arith.constant 0 : i32
      %dma_start3A_117 = arith.constant 0 : i32
      %dma_start3A_118 = tpu.memref_slice %arg12[%dma_start3A_116, %dma_start3A_117] : memref<10240x32xf32, #tpu.memory_space<vmem_shared>> -> memref<10240x32xf32, #tpu.memory_space<vmem_shared>>
      tpu.enqueue_indirect_dma source(%dma_start3A_112 : memref<128x32xf32, #tpu.memory_space<vmem>>) target(%dma_start3A_118 : memref<10240x32xf32, #tpu.memory_space<vmem_shared>>) offsets(%dma_start3A_115 : memref<128xi32, #tpu.memory_space<vmem>>) semaphore(%arg11 : memref<!tpu.dma_semaphore, #tpu.memory_space<semaphore_mem>>) {add = true}
      %add3A_119 = arith.constant 1 : i32
      %add3A_120 = arith.addi %mul3A_11, %add3A_119 : i32
      %dma_start3A_121 = arith.constant 1 : i32
      %dma_start3A_122 = arith.constant 0 : i32
      %dma_start3A_123 = arith.constant 0 : i32
      %dma_start3A_124 = tpu.memref_slice %arg9[%dma_start3A_121, %dma_start3A_122, %dma_start3A_123] : memref<4x128x32xf32, #tpu.memory_space<vmem>> -> memref<1x128x32xf32, #tpu.memory_space<vmem>>
      %dma_start3A_125 = tpu.memref_squeeze %dma_start3A_124 : memref<1x128x32xf32, #tpu.memory_space<vmem>> -> memref<128x32xf32, #tpu.memory_space<vmem>>
      %dma_start3A_126 = arith.constant 0 : i32
      %dma_start3A_127 = tpu.memref_slice %arg8[%add3A_120, %dma_start3A_126] : memref<80x128xi32, #tpu.memory_space<vmem>> -> memref<1x128xi32, #tpu.memory_space<vmem>>
      %dma_start3A_128 = tpu.memref_squeeze %dma_start3A_127 : memref<1x128xi32, #tpu.memory_space<vmem>> -> memref<128xi32, #tpu.memory_space<vmem>>
      %dma_start3A_129 = arith.constant 0 : i32
      %dma_start3A_130 = arith.constant 0 : i32
      %dma_start3A_131 = tpu.memref_slice %arg12[%dma_start3A_129, %dma_start3A_130] : memref<10240x32xf32, #tpu.memory_space<vmem_shared>> -> memref<10240x32xf32, #tpu.memory_space<vmem_shared>>
      tpu.enqueue_indirect_dma source(%dma_start3A_125 : memref<128x32xf32, #tpu.memory_space<vmem>>) target(%dma_start3A_131 : memref<10240x32xf32, #tpu.memory_space<vmem_shared>>) offsets(%dma_start3A_128 : memref<128xi32, #tpu.memory_space<vmem>>) semaphore(%arg11 : memref<!tpu.dma_semaphore, #tpu.memory_space<semaphore_mem>>) {add = true}
      %add3A_132 = arith.constant 2 : i32
      %add3A_133 = arith.addi %mul3A_11, %add3A_132 : i32
      %dma_start3A_134 = arith.constant 2 : i32
      %dma_start3A_135 = arith.constant 0 : i32
      %dma_start3A_136 = arith.constant 0 : i32
      %dma_start3A_137 = tpu.memref_slice %arg9[%dma_start3A_134, %dma_start3A_135, %dma_start3A_136] : memref<4x128x32xf32, #tpu.memory_space<vmem>> -> memref<1x128x32xf32, #tpu.memory_space<vmem>>
      %dma_start3A_138 = tpu.memref_squeeze %dma_start3A_137 : memref<1x128x32xf32, #tpu.memory_space<vmem>> -> memref<128x32xf32, #tpu.memory_space<vmem>>
      %dma_start3A_139 = arith.constant 0 : i32
      %dma_start3A_140 = tpu.memref_slice %arg8[%add3A_133, %dma_start3A_139] : memref<80x128xi32, #tpu.memory_space<vmem>> -> memref<1x128xi32, #tpu.memory_space<vmem>>
      %dma_start3A_141 = tpu.memref_squeeze %dma_start3A_140 : memref<1x128xi32, #tpu.memory_space<vmem>> -> memref<128xi32, #tpu.memory_space<vmem>>
      %dma_start3A_142 = arith.constant 0 : i32
      %dma_start3A_143 = arith.constant 0 : i32
      %dma_start3A_144 = tpu.memref_slice %arg12[%dma_start3A_142, %dma_start3A_143] : memref<10240x32xf32, #tpu.memory_space<vmem_shared>> -> memref<10240x32xf32, #tpu.memory_space<vmem_shared>>
      tpu.enqueue_indirect_dma source(%dma_start3A_138 : memref<128x32xf32, #tpu.memory_space<vmem>>) target(%dma_start3A_144 : memref<10240x32xf32, #tpu.memory_space<vmem_shared>>) offsets(%dma_start3A_141 : memref<128xi32, #tpu.memory_space<vmem>>) semaphore(%arg11 : memref<!tpu.dma_semaphore, #tpu.memory_space<semaphore_mem>>) {add = true}
      %add3A_145 = arith.constant 3 : i32
      %add3A_146 = arith.addi %mul3A_11, %add3A_145 : i32
      %dma_start3A_147 = arith.constant 3 : i32
      %dma_start3A_148 = arith.constant 0 : i32
      %dma_start3A_149 = arith.constant 0 : i32
      %dma_start3A_150 = tpu.memref_slice %arg9[%dma_start3A_147, %dma_start3A_148, %dma_start3A_149] : memref<4x128x32xf32, #tpu.memory_space<vmem>> -> memref<1x128x32xf32, #tpu.memory_space<vmem>>
      %dma_start3A_151 = tpu.memref_squeeze %dma_start3A_150 : memref<1x128x32xf32, #tpu.memory_space<vmem>> -> memref<128x32xf32, #tpu.memory_space<vmem>>
      %dma_start3A_152 = arith.constant 0 : i32
      %dma_start3A_153 = tpu.memref_slice %arg8[%add3A_146, %dma_start3A_152] : memref<80x128xi32, #tpu.memory_space<vmem>> -> memref<1x128xi32, #tpu.memory_space<vmem>>
      %dma_start3A_154 = tpu.memref_squeeze %dma_start3A_153 : memref<1x128xi32, #tpu.memory_space<vmem>> -> memref<128xi32, #tpu.memory_space<vmem>>
      %dma_start3A_155 = arith.constant 0 : i32
      %dma_start3A_156 = arith.constant 0 : i32
      %dma_start3A_157 = tpu.memref_slice %arg12[%dma_start3A_155, %dma_start3A_156] : memref<10240x32xf32, #tpu.memory_space<vmem_shared>> -> memref<10240x32xf32, #tpu.memory_space<vmem_shared>>
      tpu.enqueue_indirect_dma source(%dma_start3A_151 : memref<128x32xf32, #tpu.memory_space<vmem>>) target(%dma_start3A_157 : memref<10240x32xf32, #tpu.memory_space<vmem_shared>>) offsets(%dma_start3A_154 : memref<128xi32, #tpu.memory_space<vmem>>) semaphore(%arg11 : memref<!tpu.dma_semaphore, #tpu.memory_space<semaphore_mem>>) {add = true}
      %dma_wait3A_158 = arith.constant 0 : i32
      %dma_wait3A_159 = arith.constant 0 : i32
      %dma_wait3A_160 = arith.constant 0 : i32
      %dma_wait3A_161 = tpu.memref_slice %arg9[%dma_wait3A_158, %dma_wait3A_159, %dma_wait3A_160] : memref<4x128x32xf32, #tpu.memory_space<vmem>> -> memref<1x128x32xf32, #tpu.memory_space<vmem>>
      %dma_wait3A_162 = tpu.memref_squeeze %dma_wait3A_161 : memref<1x128x32xf32, #tpu.memory_space<vmem>> -> memref<128x32xf32, #tpu.memory_space<vmem>>
      %dma_wait3A_163 = arith.constant 0 : i32
      %dma_wait3A_164 = tpu.memref_slice %arg8[%add3A_107, %dma_wait3A_163] : memref<80x128xi32, #tpu.memory_space<vmem>> -> memref<1x128xi32, #tpu.memory_space<vmem>>
      %dma_wait3A_165 = tpu.memref_squeeze %dma_wait3A_164 : memref<1x128xi32, #tpu.memory_space<vmem>> -> memref<128xi32, #tpu.memory_space<vmem>>
      %dma_wait3A_166 = arith.constant 0 : i32
      %dma_wait3A_167 = arith.constant 0 : i32
      %dma_wait3A_168 = tpu.memref_slice %arg12[%dma_wait3A_166, %dma_wait3A_167] : memref<10240x32xf32, #tpu.memory_space<vmem_shared>> -> memref<10240x32xf32, #tpu.memory_space<vmem_shared>>
      tpu.wait_indirect_dma semaphore(%arg11 : memref<!tpu.dma_semaphore, #tpu.memory_space<semaphore_mem>>) src(%dma_wait3A_162 : memref<128x32xf32, #tpu.memory_space<vmem>>) dst(%dma_wait3A_168 : memref<10240x32xf32, #tpu.memory_space<vmem_shared>>)
      %dma_wait3A_169 = arith.constant 1 : i32
      %dma_wait3A_170 = arith.constant 0 : i32
      %dma_wait3A_171 = arith.constant 0 : i32
      %dma_wait3A_172 = tpu.memref_slice %arg9[%dma_wait3A_169, %dma_wait3A_170, %dma_wait3A_171] : memref<4x128x32xf32, #tpu.memory_space<vmem>> -> memref<1x128x32xf32, #tpu.memory_space<vmem>>
      %dma_wait3A_173 = tpu.memref_squeeze %dma_wait3A_172 : memref<1x128x32xf32, #tpu.memory_space<vmem>> -> memref<128x32xf32, #tpu.memory_space<vmem>>
      %dma_wait3A_174 = arith.constant 0 : i32
      %dma_wait3A_175 = tpu.memref_slice %arg8[%add3A_120, %dma_wait3A_174] : memref<80x128xi32, #tpu.memory_space<vmem>> -> memref<1x128xi32, #tpu.memory_space<vmem>>
      %dma_wait3A_176 = tpu.memref_squeeze %dma_wait3A_175 : memref<1x128xi32, #tpu.memory_space<vmem>> -> memref<128xi32, #tpu.memory_space<vmem>>
      %dma_wait3A_177 = arith.constant 0 : i32
      %dma_wait3A_178 = arith.constant 0 : i32
      %dma_wait3A_179 = tpu.memref_slice %arg12[%dma_wait3A_177, %dma_wait3A_178] : memref<10240x32xf32, #tpu.memory_space<vmem_shared>> -> memref<10240x32xf32, #tpu.memory_space<vmem_shared>>
      tpu.wait_indirect_dma semaphore(%arg11 : memref<!tpu.dma_semaphore, #tpu.memory_space<semaphore_mem>>) src(%dma_wait3A_173 : memref<128x32xf32, #tpu.memory_space<vmem>>) dst(%dma_wait3A_179 : memref<10240x32xf32, #tpu.memory_space<vmem_shared>>)
      %dma_wait3A_180 = arith.constant 2 : i32
      %dma_wait3A_181 = arith.constant 0 : i32
      %dma_wait3A_182 = arith.constant 0 : i32
      %dma_wait3A_183 = tpu.memref_slice %arg9[%dma_wait3A_180, %dma_wait3A_181, %dma_wait3A_182] : memref<4x128x32xf32, #tpu.memory_space<vmem>> -> memref<1x128x32xf32, #tpu.memory_space<vmem>>
      %dma_wait3A_184 = tpu.memref_squeeze %dma_wait3A_183 : memref<1x128x32xf32, #tpu.memory_space<vmem>> -> memref<128x32xf32, #tpu.memory_space<vmem>>
      %dma_wait3A_185 = arith.constant 0 : i32
      %dma_wait3A_186 = tpu.memref_slice %arg8[%add3A_133, %dma_wait3A_185] : memref<80x128xi32, #tpu.memory_space<vmem>> -> memref<1x128xi32, #tpu.memory_space<vmem>>
      %dma_wait3A_187 = tpu.memref_squeeze %dma_wait3A_186 : memref<1x128xi32, #tpu.memory_space<vmem>> -> memref<128xi32, #tpu.memory_space<vmem>>
      %dma_wait3A_188 = arith.constant 0 : i32
      %dma_wait3A_189 = arith.constant 0 : i32
      %dma_wait3A_190 = tpu.memref_slice %arg12[%dma_wait3A_188, %dma_wait3A_189] : memref<10240x32xf32, #tpu.memory_space<vmem_shared>> -> memref<10240x32xf32, #tpu.memory_space<vmem_shared>>
      tpu.wait_indirect_dma semaphore(%arg11 : memref<!tpu.dma_semaphore, #tpu.memory_space<semaphore_mem>>) src(%dma_wait3A_184 : memref<128x32xf32, #tpu.memory_space<vmem>>) dst(%dma_wait3A_190 : memref<10240x32xf32, #tpu.memory_space<vmem_shared>>)
      %dma_wait3A_191 = arith.constant 3 : i32
      %dma_wait3A_192 = arith.constant 0 : i32
      %dma_wait3A_193 = arith.constant 0 : i32
      %dma_wait3A_194 = tpu.memref_slice %arg9[%dma_wait3A_191, %dma_wait3A_192, %dma_wait3A_193] : memref<4x128x32xf32, #tpu.memory_space<vmem>> -> memref<1x128x32xf32, #tpu.memory_space<vmem>>
      %dma_wait3A_195 = tpu.memref_squeeze %dma_wait3A_194 : memref<1x128x32xf32, #tpu.memory_space<vmem>> -> memref<128x32xf32, #tpu.memory_space<vmem>>
      %dma_wait3A_196 = arith.constant 0 : i32
      %dma_wait3A_197 = tpu.memref_slice %arg8[%add3A_146, %dma_wait3A_196] : memref<80x128xi32, #tpu.memory_space<vmem>> -> memref<1x128xi32, #tpu.memory_space<vmem>>
      %dma_wait3A_198 = tpu.memref_squeeze %dma_wait3A_197 : memref<1x128xi32, #tpu.memory_space<vmem>> -> memref<128xi32, #tpu.memory_space<vmem>>
      %dma_wait3A_199 = arith.constant 0 : i32
      %dma_wait3A_200 = arith.constant 0 : i32
      %dma_wait3A_201 = tpu.memref_slice %arg12[%dma_wait3A_199, %dma_wait3A_200] : memref<10240x32xf32, #tpu.memory_space<vmem_shared>> -> memref<10240x32xf32, #tpu.memory_space<vmem_shared>>
      tpu.wait_indirect_dma semaphore(%arg11 : memref<!tpu.dma_semaphore, #tpu.memory_space<semaphore_mem>>) src(%dma_wait3A_195 : memref<128x32xf32, #tpu.memory_space<vmem>>) dst(%dma_wait3A_201 : memref<10240x32xf32, #tpu.memory_space<vmem_shared>>)
    }
    %scan3A_7 = arith.constant 20 : i32
    %barrier3A_8 = arith.constant 0 : index
    tpu.barrier barrier_id(%barrier3A_8)
    "tpu.region"() ({
      %run_scoped3A = tpu.sem_alloc : memref<!tpu.dma_semaphore, #tpu.memory_space<semaphore_mem>>
      %dma_start3A = arith.constant 0 : i32
      %dma_start3A_9 = tpu.memref_slice %arg6[%arg0, %mul3A_2, %dma_start3A] : memref<2x10240x32xf32, #tpu.memory_space<hbm>> -> memref<1x640x32xf32, #tpu.memory_space<hbm>>
      %dma_start3A_10 = tpu.memref_squeeze %dma_start3A_9 : memref<1x640x32xf32, #tpu.memory_space<hbm>> -> memref<640x32xf32, #tpu.memory_space<hbm>>
      %dma_start3A_11 = arith.constant 0 : i32
      %dma_start3A_12 = tpu.memref_slice %arg12[%mul3A_2, %dma_start3A_11] : memref<10240x32xf32, #tpu.memory_space<vmem_shared>> -> memref<640x32xf32, #tpu.memory_space<vmem_shared>>
      tpu.enqueue_dma source(%dma_start3A_12 : memref<640x32xf32, #tpu.memory_space<vmem_shared>>) target(%dma_start3A_10 : memref<640x32xf32, #tpu.memory_space<hbm>>) target_semaphore(%run_scoped3A : memref<!tpu.dma_semaphore, #tpu.memory_space<semaphore_mem>>)
      %dma_wait3A = arith.constant 0 : i32
      %dma_wait3A_13 = tpu.memref_slice %arg6[%arg0, %mul3A_2, %dma_wait3A] : memref<2x10240x32xf32, #tpu.memory_space<hbm>> -> memref<1x640x32xf32, #tpu.memory_space<hbm>>
      %dma_wait3A_14 = tpu.memref_squeeze %dma_wait3A_13 : memref<1x640x32xf32, #tpu.memory_space<hbm>> -> memref<640x32xf32, #tpu.memory_space<hbm>>
      %dma_wait3A_15 = arith.constant 0 : i32
      %dma_wait3A_16 = tpu.memref_slice %arg12[%mul3A_2, %dma_wait3A_15] : memref<10240x32xf32, #tpu.memory_space<vmem_shared>> -> memref<640x32xf32, #tpu.memory_space<vmem_shared>>
      tpu.wait_dma2 semaphore(%run_scoped3A : memref<!tpu.dma_semaphore, #tpu.memory_space<semaphore_mem>>) src(%dma_wait3A_16 : memref<640x32xf32, #tpu.memory_space<vmem_shared>>) dst(%dma_wait3A_14 : memref<640x32xf32, #tpu.memory_space<hbm>>)
      tpu.yield
    }) : () -> ()
    return
  }
}

#map = affine_map<(d0, d1) -> (0, 0)>
#map1 = affine_map<(d0, d1) -> (0, 0, 0)>
module attributes {stable_mosaic.version = 14 : i64} {
  func.func @_stage1_body(%arg0: i32, %arg1: i32, %arg2: memref<10240x32xf32, #tpu.memory_space<hbm>>, %arg3: memref<10240x32xf32, #tpu.memory_space<hbm>>, %arg4: memref<32x80x128xi32, #tpu.memory_space<hbm>>, %arg5: memref<32x80x128xi32, #tpu.memory_space<hbm>>, %arg6: memref<2x10240x32xf32, #tpu.memory_space<hbm>>, %arg7: memref<80x128xi32, #tpu.memory_space<vmem>>, %arg8: memref<80x128xi32, #tpu.memory_space<vmem>>, %arg9: memref<4x128x32xf32, #tpu.memory_space<vmem>>, %arg10: memref<!tpu.dma_semaphore, #tpu.memory_space<semaphore_mem>>, %arg11: memref<!tpu.dma_semaphore, #tpu.memory_space<semaphore_mem>>, %arg12: memref<10240x32xf32, #tpu.memory_space<vmem_shared>>) attributes {dimension_semantics = [#tpu.dimension_semantics<core_parallel>, #tpu.dimension_semantics<subcore_parallel>], iteration_bounds = array<i64: 2, 16>, scalar_prefetch = 0 : i64, scratch_operands = 6 : i64, tpu.core_type = #tpu.core_type<sc_vector_subcore>, window_params = [{transform_indices = #map}, {transform_indices = #map}, {transform_indices = #map1}, {transform_indices = #map1}, {transform_indices = #map1}]} {
    %mul3A = arith.constant 16 : i32
    %mul3A_0 = arith.muli %arg0, %mul3A : i32
    %add3A = arith.addi %mul3A_0, %arg1 : i32
    %mul3A_1 = arith.constant 640 : i32
    %mul3A_2 = arith.muli %arg1, %mul3A_1 : i32
    "tpu.region"() ({
      %run_scoped3A = tpu.sem_alloc : memref<!tpu.dma_semaphore, #tpu.memory_space<semaphore_mem>>
      %dma_start3A = arith.constant 0 : i32
      %dma_start3A_9 = tpu.memref_slice %arg12[%mul3A_2, %dma_start3A] : memref<10240x32xf32, #tpu.memory_space<vmem_shared>> -> memref<640x32xf32, #tpu.memory_space<vmem_shared>>
      %dma_start3A_10 = arith.constant 0 : i32
      %dma_start3A_11 = tpu.memref_slice %arg3[%mul3A_2, %dma_start3A_10] : memref<10240x32xf32, #tpu.memory_space<hbm>> -> memref<640x32xf32, #tpu.memory_space<hbm>>
      tpu.enqueue_dma source(%dma_start3A_11 : memref<640x32xf32, #tpu.memory_space<hbm>>) target(%dma_start3A_9 : memref<640x32xf32, #tpu.memory_space<vmem_shared>>) target_semaphore(%run_scoped3A : memref<!tpu.dma_semaphore, #tpu.memory_space<semaphore_mem>>)
      %dma_wait3A = arith.constant 0 : i32
      %dma_wait3A_12 = tpu.memref_slice %arg12[%mul3A_2, %dma_wait3A] : memref<10240x32xf32, #tpu.memory_space<vmem_shared>> -> memref<640x32xf32, #tpu.memory_space<vmem_shared>>
      %dma_wait3A_13 = arith.constant 0 : i32
      %dma_wait3A_14 = tpu.memref_slice %arg3[%mul3A_2, %dma_wait3A_13] : memref<10240x32xf32, #tpu.memory_space<hbm>> -> memref<640x32xf32, #tpu.memory_space<hbm>>
      tpu.wait_dma2 semaphore(%run_scoped3A : memref<!tpu.dma_semaphore, #tpu.memory_space<semaphore_mem>>) src(%dma_wait3A_14 : memref<640x32xf32, #tpu.memory_space<hbm>>) dst(%dma_wait3A_12 : memref<640x32xf32, #tpu.memory_space<vmem_shared>>)
      tpu.yield
    }) : () -> ()
    "tpu.region"() ({
      %run_scoped3A = tpu.sem_alloc : memref<!tpu.dma_semaphore, #tpu.memory_space<semaphore_mem>>
      %dma_start3A = arith.constant 0 : i32
      %dma_start3A_9 = arith.constant 0 : i32
      %dma_start3A_10 = tpu.memref_slice %arg4[%add3A, %dma_start3A, %dma_start3A_9] : memref<32x80x128xi32, #tpu.memory_space<hbm>> -> memref<1x80x128xi32, #tpu.memory_space<hbm>>
      %dma_start3A_11 = tpu.memref_squeeze %dma_start3A_10 : memref<1x80x128xi32, #tpu.memory_space<hbm>> -> memref<80x128xi32, #tpu.memory_space<hbm>>
      %dma_start3A_12 = arith.constant 0 : i32
      %dma_start3A_13 = arith.constant 0 : i32
      %dma_start3A_14 = tpu.memref_slice %arg4[%add3A, %dma_start3A_12, %dma_start3A_13] : memref<32x80x128xi32, #tpu.memory_space<hbm>> -> memref<1x80x128xi32, #tpu.memory_space<hbm>>
      %dma_start3A_15 = tpu.memref_squeeze %dma_start3A_14 : memref<1x80x128xi32, #tpu.memory_space<hbm>> -> memref<80x128xi32, #tpu.memory_space<hbm>>
      tpu.enqueue_dma source(%dma_start3A_15 : memref<80x128xi32, #tpu.memory_space<hbm>>) target(%arg7 : memref<80x128xi32, #tpu.memory_space<vmem>>) target_semaphore(%run_scoped3A : memref<!tpu.dma_semaphore, #tpu.memory_space<semaphore_mem>>)
      %dma_wait3A = arith.constant 0 : i32
      %dma_wait3A_16 = arith.constant 0 : i32
      %dma_wait3A_17 = tpu.memref_slice %arg4[%add3A, %dma_wait3A, %dma_wait3A_16] : memref<32x80x128xi32, #tpu.memory_space<hbm>> -> memref<1x80x128xi32, #tpu.memory_space<hbm>>
      %dma_wait3A_18 = tpu.memref_squeeze %dma_wait3A_17 : memref<1x80x128xi32, #tpu.memory_space<hbm>> -> memref<80x128xi32, #tpu.memory_space<hbm>>
      %dma_wait3A_19 = arith.constant 0 : i32
      %dma_wait3A_20 = arith.constant 0 : i32
      %dma_wait3A_21 = tpu.memref_slice %arg4[%add3A, %dma_wait3A_19, %dma_wait3A_20] : memref<32x80x128xi32, #tpu.memory_space<hbm>> -> memref<1x80x128xi32, #tpu.memory_space<hbm>>
      %dma_wait3A_22 = tpu.memref_squeeze %dma_wait3A_21 : memref<1x80x128xi32, #tpu.memory_space<hbm>> -> memref<80x128xi32, #tpu.memory_space<hbm>>
      tpu.wait_dma2 semaphore(%run_scoped3A : memref<!tpu.dma_semaphore, #tpu.memory_space<semaphore_mem>>) src(%dma_wait3A_22 : memref<80x128xi32, #tpu.memory_space<hbm>>) dst(%arg7 : memref<80x128xi32, #tpu.memory_space<vmem>>)
      tpu.yield
    }) : () -> ()
    "tpu.region"() ({
      %run_scoped3A = tpu.sem_alloc : memref<!tpu.dma_semaphore, #tpu.memory_space<semaphore_mem>>
      %dma_start3A = arith.constant 0 : i32
      %dma_start3A_9 = arith.constant 0 : i32
      %dma_start3A_10 = tpu.memref_slice %arg5[%add3A, %dma_start3A, %dma_start3A_9] : memref<32x80x128xi32, #tpu.memory_space<hbm>> -> memref<1x80x128xi32, #tpu.memory_space<hbm>>
      %dma_start3A_11 = tpu.memref_squeeze %dma_start3A_10 : memref<1x80x128xi32, #tpu.memory_space<hbm>> -> memref<80x128xi32, #tpu.memory_space<hbm>>
      %dma_start3A_12 = arith.constant 0 : i32
      %dma_start3A_13 = arith.constant 0 : i32
      %dma_start3A_14 = tpu.memref_slice %arg5[%add3A, %dma_start3A_12, %dma_start3A_13] : memref<32x80x128xi32, #tpu.memory_space<hbm>> -> memref<1x80x128xi32, #tpu.memory_space<hbm>>
      %dma_start3A_15 = tpu.memref_squeeze %dma_start3A_14 : memref<1x80x128xi32, #tpu.memory_space<hbm>> -> memref<80x128xi32, #tpu.memory_space<hbm>>
      tpu.enqueue_dma source(%dma_start3A_15 : memref<80x128xi32, #tpu.memory_space<hbm>>) target(%arg8 : memref<80x128xi32, #tpu.memory_space<vmem>>) target_semaphore(%run_scoped3A : memref<!tpu.dma_semaphore, #tpu.memory_space<semaphore_mem>>)
      %dma_wait3A = arith.constant 0 : i32
      %dma_wait3A_16 = arith.constant 0 : i32
      %dma_wait3A_17 = tpu.memref_slice %arg5[%add3A, %dma_wait3A, %dma_wait3A_16] : memref<32x80x128xi32, #tpu.memory_space<hbm>> -> memref<1x80x128xi32, #tpu.memory_space<hbm>>
      %dma_wait3A_18 = tpu.memref_squeeze %dma_wait3A_17 : memref<1x80x128xi32, #tpu.memory_space<hbm>> -> memref<80x128xi32, #tpu.memory_space<hbm>>
      %dma_wait3A_19 = arith.constant 0 : i32
      %dma_wait3A_20 = arith.constant 0 : i32
      %dma_wait3A_21 = tpu.memref_slice %arg5[%add3A, %dma_wait3A_19, %dma_wait3A_20] : memref<32x80x128xi32, #tpu.memory_space<hbm>> -> memref<1x80x128xi32, #tpu.memory_space<hbm>>
      %dma_wait3A_22 = tpu.memref_squeeze %dma_wait3A_21 : memref<1x80x128xi32, #tpu.memory_space<hbm>> -> memref<80x128xi32, #tpu.memory_space<hbm>>
      tpu.wait_dma2 semaphore(%run_scoped3A : memref<!tpu.dma_semaphore, #tpu.memory_space<semaphore_mem>>) src(%dma_wait3A_22 : memref<80x128xi32, #tpu.memory_space<hbm>>) dst(%arg8 : memref<80x128xi32, #tpu.memory_space<vmem>>)
      tpu.yield
    }) : () -> ()
    %barrier3A = arith.constant 0 : index
    tpu.barrier barrier_id(%barrier3A)
    %scan3A = arith.constant 0 : i32
    %scan3A_3 = arith.constant 0 : i32
    %scan3A_4 = arith.constant 20 : i32
    %scan3A_5 = arith.addi %scan3A_3, %scan3A_4 : i32
    %scan3A_6 = arith.constant 1 : i32
    scf.for %scan3A_9 = %scan3A_3 to %scan3A_5 step %scan3A_6  : i32 {
      %mul3A_10 = arith.constant 4 : i32
      %mul3A_11 = arith.muli %scan3A_9, %mul3A_10 : i32
      %add3A_12 = arith.constant 0 : i32
      %add3A_13 = arith.addi %mul3A_11, %add3A_12 : i32
      %dma_start3A = arith.constant 0 : i32
      %dma_start3A_14 = arith.constant 0 : i32
      %dma_start3A_15 = arith.constant 0 : i32
      %dma_start3A_16 = tpu.memref_slice %arg9[%dma_start3A, %dma_start3A_14, %dma_start3A_15] : memref<4x128x32xf32, #tpu.memory_space<vmem>> -> memref<1x128x32xf32, #tpu.memory_space<vmem>>
      %dma_start3A_17 = tpu.memref_squeeze %dma_start3A_16 : memref<1x128x32xf32, #tpu.memory_space<vmem>> -> memref<128x32xf32, #tpu.memory_space<vmem>>
      %dma_start3A_18 = arith.constant 0 : i32
      %dma_start3A_19 = tpu.memref_slice %arg7[%add3A_13, %dma_start3A_18] : memref<80x128xi32, #tpu.memory_space<vmem>> -> memref<1x128xi32, #tpu.memory_space<vmem>>
      %dma_start3A_20 = tpu.memref_squeeze %dma_start3A_19 : memref<1x128xi32, #tpu.memory_space<vmem>> -> memref<128xi32, #tpu.memory_space<vmem>>
      %dma_start3A_21 = arith.constant 0 : i32
      %dma_start3A_22 = arith.constant 0 : i32
      %dma_start3A_23 = tpu.memref_slice %arg2[%dma_start3A_21, %dma_start3A_22] : memref<10240x32xf32, #tpu.memory_space<hbm>> -> memref<10240x32xf32, #tpu.memory_space<hbm>>
      tpu.enqueue_indirect_dma source(%dma_start3A_23 : memref<10240x32xf32, #tpu.memory_space<hbm>>) target(%dma_start3A_17 : memref<128x32xf32, #tpu.memory_space<vmem>>) offsets(%dma_start3A_20 : memref<128xi32, #tpu.memory_space<vmem>>) semaphore(%arg10 : memref<!tpu.dma_semaphore, #tpu.memory_space<semaphore_mem>>)
      %add3A_24 = arith.constant 1 : i32
      %add3A_25 = arith.addi %mul3A_11, %add3A_24 : i32
      %dma_start3A_26 = arith.constant 1 : i32
      %dma_start3A_27 = arith.constant 0 : i32
      %dma_start3A_28 = arith.constant 0 : i32
      %dma_start3A_29 = tpu.memref_slice %arg9[%dma_start3A_26, %dma_start3A_27, %dma_start3A_28] : memref<4x128x32xf32, #tpu.memory_space<vmem>> -> memref<1x128x32xf32, #tpu.memory_space<vmem>>
      %dma_start3A_30 = tpu.memref_squeeze %dma_start3A_29 : memref<1x128x32xf32, #tpu.memory_space<vmem>> -> memref<128x32xf32, #tpu.memory_space<vmem>>
      %dma_start3A_31 = arith.constant 0 : i32
      %dma_start3A_32 = tpu.memref_slice %arg7[%add3A_25, %dma_start3A_31] : memref<80x128xi32, #tpu.memory_space<vmem>> -> memref<1x128xi32, #tpu.memory_space<vmem>>
      %dma_start3A_33 = tpu.memref_squeeze %dma_start3A_32 : memref<1x128xi32, #tpu.memory_space<vmem>> -> memref<128xi32, #tpu.memory_space<vmem>>
      %dma_start3A_34 = arith.constant 0 : i32
      %dma_start3A_35 = arith.constant 0 : i32
      %dma_start3A_36 = tpu.memref_slice %arg2[%dma_start3A_34, %dma_start3A_35] : memref<10240x32xf32, #tpu.memory_space<hbm>> -> memref<10240x32xf32, #tpu.memory_space<hbm>>
      tpu.enqueue_indirect_dma source(%dma_start3A_36 : memref<10240x32xf32, #tpu.memory_space<hbm>>) target(%dma_start3A_30 : memref<128x32xf32, #tpu.memory_space<vmem>>) offsets(%dma_start3A_33 : memref<128xi32, #tpu.memory_space<vmem>>) semaphore(%arg10 : memref<!tpu.dma_semaphore, #tpu.memory_space<semaphore_mem>>)
      %add3A_37 = arith.constant 2 : i32
      %add3A_38 = arith.addi %mul3A_11, %add3A_37 : i32
      %dma_start3A_39 = arith.constant 2 : i32
      %dma_start3A_40 = arith.constant 0 : i32
      %dma_start3A_41 = arith.constant 0 : i32
      %dma_start3A_42 = tpu.memref_slice %arg9[%dma_start3A_39, %dma_start3A_40, %dma_start3A_41] : memref<4x128x32xf32, #tpu.memory_space<vmem>> -> memref<1x128x32xf32, #tpu.memory_space<vmem>>
      %dma_start3A_43 = tpu.memref_squeeze %dma_start3A_42 : memref<1x128x32xf32, #tpu.memory_space<vmem>> -> memref<128x32xf32, #tpu.memory_space<vmem>>
      %dma_start3A_44 = arith.constant 0 : i32
      %dma_start3A_45 = tpu.memref_slice %arg7[%add3A_38, %dma_start3A_44] : memref<80x128xi32, #tpu.memory_space<vmem>> -> memref<1x128xi32, #tpu.memory_space<vmem>>
      %dma_start3A_46 = tpu.memref_squeeze %dma_start3A_45 : memref<1x128xi32, #tpu.memory_space<vmem>> -> memref<128xi32, #tpu.memory_space<vmem>>
      %dma_start3A_47 = arith.constant 0 : i32
      %dma_start3A_48 = arith.constant 0 : i32
      %dma_start3A_49 = tpu.memref_slice %arg2[%dma_start3A_47, %dma_start3A_48] : memref<10240x32xf32, #tpu.memory_space<hbm>> -> memref<10240x32xf32, #tpu.memory_space<hbm>>
      tpu.enqueue_indirect_dma source(%dma_start3A_49 : memref<10240x32xf32, #tpu.memory_space<hbm>>) target(%dma_start3A_43 : memref<128x32xf32, #tpu.memory_space<vmem>>) offsets(%dma_start3A_46 : memref<128xi32, #tpu.memory_space<vmem>>) semaphore(%arg10 : memref<!tpu.dma_semaphore, #tpu.memory_space<semaphore_mem>>)
      %add3A_50 = arith.constant 3 : i32
      %add3A_51 = arith.addi %mul3A_11, %add3A_50 : i32
      %dma_start3A_52 = arith.constant 3 : i32
      %dma_start3A_53 = arith.constant 0 : i32
      %dma_start3A_54 = arith.constant 0 : i32
      %dma_start3A_55 = tpu.memref_slice %arg9[%dma_start3A_52, %dma_start3A_53, %dma_start3A_54] : memref<4x128x32xf32, #tpu.memory_space<vmem>> -> memref<1x128x32xf32, #tpu.memory_space<vmem>>
      %dma_start3A_56 = tpu.memref_squeeze %dma_start3A_55 : memref<1x128x32xf32, #tpu.memory_space<vmem>> -> memref<128x32xf32, #tpu.memory_space<vmem>>
      %dma_start3A_57 = arith.constant 0 : i32
      %dma_start3A_58 = tpu.memref_slice %arg7[%add3A_51, %dma_start3A_57] : memref<80x128xi32, #tpu.memory_space<vmem>> -> memref<1x128xi32, #tpu.memory_space<vmem>>
      %dma_start3A_59 = tpu.memref_squeeze %dma_start3A_58 : memref<1x128xi32, #tpu.memory_space<vmem>> -> memref<128xi32, #tpu.memory_space<vmem>>
      %dma_start3A_60 = arith.constant 0 : i32
      %dma_start3A_61 = arith.constant 0 : i32
      %dma_start3A_62 = tpu.memref_slice %arg2[%dma_start3A_60, %dma_start3A_61] : memref<10240x32xf32, #tpu.memory_space<hbm>> -> memref<10240x32xf32, #tpu.memory_space<hbm>>
      tpu.enqueue_indirect_dma source(%dma_start3A_62 : memref<10240x32xf32, #tpu.memory_space<hbm>>) target(%dma_start3A_56 : memref<128x32xf32, #tpu.memory_space<vmem>>) offsets(%dma_start3A_59 : memref<128xi32, #tpu.memory_space<vmem>>) semaphore(%arg10 : memref<!tpu.dma_semaphore, #tpu.memory_space<semaphore_mem>>)
      %dma_wait3A = arith.constant 0 : i32
      %dma_wait3A_63 = arith.constant 0 : i32
      %dma_wait3A_64 = arith.constant 0 : i32
      %dma_wait3A_65 = tpu.memref_slice %arg9[%dma_wait3A, %dma_wait3A_63, %dma_wait3A_64] : memref<4x128x32xf32, #tpu.memory_space<vmem>> -> memref<1x128x32xf32, #tpu.memory_space<vmem>>
      %dma_wait3A_66 = tpu.memref_squeeze %dma_wait3A_65 : memref<1x128x32xf32, #tpu.memory_space<vmem>> -> memref<128x32xf32, #tpu.memory_space<vmem>>
      %dma_wait3A_67 = arith.constant 0 : i32
      %dma_wait3A_68 = tpu.memref_slice %arg7[%add3A_13, %dma_wait3A_67] : memref<80x128xi32, #tpu.memory_space<vmem>> -> memref<1x128xi32, #tpu.memory_space<vmem>>
      %dma_wait3A_69 = tpu.memref_squeeze %dma_wait3A_68 : memref<1x128xi32, #tpu.memory_space<vmem>> -> memref<128xi32, #tpu.memory_space<vmem>>
      %dma_wait3A_70 = arith.constant 0 : i32
      %dma_wait3A_71 = arith.constant 0 : i32
      %dma_wait3A_72 = tpu.memref_slice %arg2[%dma_wait3A_70, %dma_wait3A_71] : memref<10240x32xf32, #tpu.memory_space<hbm>> -> memref<10240x32xf32, #tpu.memory_space<hbm>>
      tpu.wait_indirect_dma semaphore(%arg10 : memref<!tpu.dma_semaphore, #tpu.memory_space<semaphore_mem>>) src(%dma_wait3A_72 : memref<10240x32xf32, #tpu.memory_space<hbm>>) dst(%dma_wait3A_66 : memref<128x32xf32, #tpu.memory_space<vmem>>)
      %dma_wait3A_73 = arith.constant 1 : i32
      %dma_wait3A_74 = arith.constant 0 : i32
      %dma_wait3A_75 = arith.constant 0 : i32
      %dma_wait3A_76 = tpu.memref_slice %arg9[%dma_wait3A_73, %dma_wait3A_74, %dma_wait3A_75] : memref<4x128x32xf32, #tpu.memory_space<vmem>> -> memref<1x128x32xf32, #tpu.memory_space<vmem>>
      %dma_wait3A_77 = tpu.memref_squeeze %dma_wait3A_76 : memref<1x128x32xf32, #tpu.memory_space<vmem>> -> memref<128x32xf32, #tpu.memory_space<vmem>>
      %dma_wait3A_78 = arith.constant 0 : i32
      %dma_wait3A_79 = tpu.memref_slice %arg7[%add3A_25, %dma_wait3A_78] : memref<80x128xi32, #tpu.memory_space<vmem>> -> memref<1x128xi32, #tpu.memory_space<vmem>>
      %dma_wait3A_80 = tpu.memref_squeeze %dma_wait3A_79 : memref<1x128xi32, #tpu.memory_space<vmem>> -> memref<128xi32, #tpu.memory_space<vmem>>
      %dma_wait3A_81 = arith.constant 0 : i32
      %dma_wait3A_82 = arith.constant 0 : i32
      %dma_wait3A_83 = tpu.memref_slice %arg2[%dma_wait3A_81, %dma_wait3A_82] : memref<10240x32xf32, #tpu.memory_space<hbm>> -> memref<10240x32xf32, #tpu.memory_space<hbm>>
      tpu.wait_indirect_dma semaphore(%arg10 : memref<!tpu.dma_semaphore, #tpu.memory_space<semaphore_mem>>) src(%dma_wait3A_83 : memref<10240x32xf32, #tpu.memory_space<hbm>>) dst(%dma_wait3A_77 : memref<128x32xf32, #tpu.memory_space<vmem>>)
      %dma_wait3A_84 = arith.constant 2 : i32
      %dma_wait3A_85 = arith.constant 0 : i32
      %dma_wait3A_86 = arith.constant 0 : i32
      %dma_wait3A_87 = tpu.memref_slice %arg9[%dma_wait3A_84, %dma_wait3A_85, %dma_wait3A_86] : memref<4x128x32xf32, #tpu.memory_space<vmem>> -> memref<1x128x32xf32, #tpu.memory_space<vmem>>
      %dma_wait3A_88 = tpu.memref_squeeze %dma_wait3A_87 : memref<1x128x32xf32, #tpu.memory_space<vmem>> -> memref<128x32xf32, #tpu.memory_space<vmem>>
      %dma_wait3A_89 = arith.constant 0 : i32
      %dma_wait3A_90 = tpu.memref_slice %arg7[%add3A_38, %dma_wait3A_89] : memref<80x128xi32, #tpu.memory_space<vmem>> -> memref<1x128xi32, #tpu.memory_space<vmem>>
      %dma_wait3A_91 = tpu.memref_squeeze %dma_wait3A_90 : memref<1x128xi32, #tpu.memory_space<vmem>> -> memref<128xi32, #tpu.memory_space<vmem>>
      %dma_wait3A_92 = arith.constant 0 : i32
      %dma_wait3A_93 = arith.constant 0 : i32
      %dma_wait3A_94 = tpu.memref_slice %arg2[%dma_wait3A_92, %dma_wait3A_93] : memref<10240x32xf32, #tpu.memory_space<hbm>> -> memref<10240x32xf32, #tpu.memory_space<hbm>>
      tpu.wait_indirect_dma semaphore(%arg10 : memref<!tpu.dma_semaphore, #tpu.memory_space<semaphore_mem>>) src(%dma_wait3A_94 : memref<10240x32xf32, #tpu.memory_space<hbm>>) dst(%dma_wait3A_88 : memref<128x32xf32, #tpu.memory_space<vmem>>)
      %dma_wait3A_95 = arith.constant 3 : i32
      %dma_wait3A_96 = arith.constant 0 : i32
      %dma_wait3A_97 = arith.constant 0 : i32
      %dma_wait3A_98 = tpu.memref_slice %arg9[%dma_wait3A_95, %dma_wait3A_96, %dma_wait3A_97] : memref<4x128x32xf32, #tpu.memory_space<vmem>> -> memref<1x128x32xf32, #tpu.memory_space<vmem>>
      %dma_wait3A_99 = tpu.memref_squeeze %dma_wait3A_98 : memref<1x128x32xf32, #tpu.memory_space<vmem>> -> memref<128x32xf32, #tpu.memory_space<vmem>>
      %dma_wait3A_100 = arith.constant 0 : i32
      %dma_wait3A_101 = tpu.memref_slice %arg7[%add3A_51, %dma_wait3A_100] : memref<80x128xi32, #tpu.memory_space<vmem>> -> memref<1x128xi32, #tpu.memory_space<vmem>>
      %dma_wait3A_102 = tpu.memref_squeeze %dma_wait3A_101 : memref<1x128xi32, #tpu.memory_space<vmem>> -> memref<128xi32, #tpu.memory_space<vmem>>
      %dma_wait3A_103 = arith.constant 0 : i32
      %dma_wait3A_104 = arith.constant 0 : i32
      %dma_wait3A_105 = tpu.memref_slice %arg2[%dma_wait3A_103, %dma_wait3A_104] : memref<10240x32xf32, #tpu.memory_space<hbm>> -> memref<10240x32xf32, #tpu.memory_space<hbm>>
      tpu.wait_indirect_dma semaphore(%arg10 : memref<!tpu.dma_semaphore, #tpu.memory_space<semaphore_mem>>) src(%dma_wait3A_105 : memref<10240x32xf32, #tpu.memory_space<hbm>>) dst(%dma_wait3A_99 : memref<128x32xf32, #tpu.memory_space<vmem>>)
      %add3A_106 = arith.constant 0 : i32
      %add3A_107 = arith.addi %mul3A_11, %add3A_106 : i32
      %dma_start3A_108 = arith.constant 0 : i32
      %dma_start3A_109 = arith.constant 0 : i32
      %dma_start3A_110 = arith.constant 0 : i32
      %dma_start3A_111 = tpu.memref_slice %arg9[%dma_start3A_108, %dma_start3A_109, %dma_start3A_110] : memref<4x128x32xf32, #tpu.memory_space<vmem>> -> memref<1x128x32xf32, #tpu.memory_space<vmem>>
      %dma_start3A_112 = tpu.memref_squeeze %dma_start3A_111 : memref<1x128x32xf32, #tpu.memory_space<vmem>> -> memref<128x32xf32, #tpu.memory_space<vmem>>
      %dma_start3A_113 = arith.constant 0 : i32
      %dma_start3A_114 = tpu.memref_slice %arg8[%add3A_107, %dma_start3A_113] : memref<80x128xi32, #tpu.memory_space<vmem>> -> memref<1x128xi32, #tpu.memory_space<vmem>>
      %dma_start3A_115 = tpu.memref_squeeze %dma_start3A_114 : memref<1x128xi32, #tpu.memory_space<vmem>> -> memref<128xi32, #tpu.memory_space<vmem>>
      %dma_start3A_116 = arith.constant 0 : i32
      %dma_start3A_117 = arith.constant 0 : i32
      %dma_start3A_118 = tpu.memref_slice %arg12[%dma_start3A_116, %dma_start3A_117] : memref<10240x32xf32, #tpu.memory_space<vmem_shared>> -> memref<10240x32xf32, #tpu.memory_space<vmem_shared>>
      tpu.enqueue_indirect_dma source(%dma_start3A_112 : memref<128x32xf32, #tpu.memory_space<vmem>>) target(%dma_start3A_118 : memref<10240x32xf32, #tpu.memory_space<vmem_shared>>) offsets(%dma_start3A_115 : memref<128xi32, #tpu.memory_space<vmem>>) semaphore(%arg11 : memref<!tpu.dma_semaphore, #tpu.memory_space<semaphore_mem>>) {add = true}
      %add3A_119 = arith.constant 1 : i32
      %add3A_120 = arith.addi %mul3A_11, %add3A_119 : i32
      %dma_start3A_121 = arith.constant 1 : i32
      %dma_start3A_122 = arith.constant 0 : i32
      %dma_start3A_123 = arith.constant 0 : i32
      %dma_start3A_124 = tpu.memref_slice %arg9[%dma_start3A_121, %dma_start3A_122, %dma_start3A_123] : memref<4x128x32xf32, #tpu.memory_space<vmem>> -> memref<1x128x32xf32, #tpu.memory_space<vmem>>
      %dma_start3A_125 = tpu.memref_squeeze %dma_start3A_124 : memref<1x128x32xf32, #tpu.memory_space<vmem>> -> memref<128x32xf32, #tpu.memory_space<vmem>>
      %dma_start3A_126 = arith.constant 0 : i32
      %dma_start3A_127 = tpu.memref_slice %arg8[%add3A_120, %dma_start3A_126] : memref<80x128xi32, #tpu.memory_space<vmem>> -> memref<1x128xi32, #tpu.memory_space<vmem>>
      %dma_start3A_128 = tpu.memref_squeeze %dma_start3A_127 : memref<1x128xi32, #tpu.memory_space<vmem>> -> memref<128xi32, #tpu.memory_space<vmem>>
      %dma_start3A_129 = arith.constant 0 : i32
      %dma_start3A_130 = arith.constant 0 : i32
      %dma_start3A_131 = tpu.memref_slice %arg12[%dma_start3A_129, %dma_start3A_130] : memref<10240x32xf32, #tpu.memory_space<vmem_shared>> -> memref<10240x32xf32, #tpu.memory_space<vmem_shared>>
      tpu.enqueue_indirect_dma source(%dma_start3A_125 : memref<128x32xf32, #tpu.memory_space<vmem>>) target(%dma_start3A_131 : memref<10240x32xf32, #tpu.memory_space<vmem_shared>>) offsets(%dma_start3A_128 : memref<128xi32, #tpu.memory_space<vmem>>) semaphore(%arg11 : memref<!tpu.dma_semaphore, #tpu.memory_space<semaphore_mem>>) {add = true}
      %add3A_132 = arith.constant 2 : i32
      %add3A_133 = arith.addi %mul3A_11, %add3A_132 : i32
      %dma_start3A_134 = arith.constant 2 : i32
      %dma_start3A_135 = arith.constant 0 : i32
      %dma_start3A_136 = arith.constant 0 : i32
      %dma_start3A_137 = tpu.memref_slice %arg9[%dma_start3A_134, %dma_start3A_135, %dma_start3A_136] : memref<4x128x32xf32, #tpu.memory_space<vmem>> -> memref<1x128x32xf32, #tpu.memory_space<vmem>>
      %dma_start3A_138 = tpu.memref_squeeze %dma_start3A_137 : memref<1x128x32xf32, #tpu.memory_space<vmem>> -> memref<128x32xf32, #tpu.memory_space<vmem>>
      %dma_start3A_139 = arith.constant 0 : i32
      %dma_start3A_140 = tpu.memref_slice %arg8[%add3A_133, %dma_start3A_139] : memref<80x128xi32, #tpu.memory_space<vmem>> -> memref<1x128xi32, #tpu.memory_space<vmem>>
      %dma_start3A_141 = tpu.memref_squeeze %dma_start3A_140 : memref<1x128xi32, #tpu.memory_space<vmem>> -> memref<128xi32, #tpu.memory_space<vmem>>
      %dma_start3A_142 = arith.constant 0 : i32
      %dma_start3A_143 = arith.constant 0 : i32
      %dma_start3A_144 = tpu.memref_slice %arg12[%dma_start3A_142, %dma_start3A_143] : memref<10240x32xf32, #tpu.memory_space<vmem_shared>> -> memref<10240x32xf32, #tpu.memory_space<vmem_shared>>
      tpu.enqueue_indirect_dma source(%dma_start3A_138 : memref<128x32xf32, #tpu.memory_space<vmem>>) target(%dma_start3A_144 : memref<10240x32xf32, #tpu.memory_space<vmem_shared>>) offsets(%dma_start3A_141 : memref<128xi32, #tpu.memory_space<vmem>>) semaphore(%arg11 : memref<!tpu.dma_semaphore, #tpu.memory_space<semaphore_mem>>) {add = true}
      %add3A_145 = arith.constant 3 : i32
      %add3A_146 = arith.addi %mul3A_11, %add3A_145 : i32
      %dma_start3A_147 = arith.constant 3 : i32
      %dma_start3A_148 = arith.constant 0 : i32
      %dma_start3A_149 = arith.constant 0 : i32
      %dma_start3A_150 = tpu.memref_slice %arg9[%dma_start3A_147, %dma_start3A_148, %dma_start3A_149] : memref<4x128x32xf32, #tpu.memory_space<vmem>> -> memref<1x128x32xf32, #tpu.memory_space<vmem>>
      %dma_start3A_151 = tpu.memref_squeeze %dma_start3A_150 : memref<1x128x32xf32, #tpu.memory_space<vmem>> -> memref<128x32xf32, #tpu.memory_space<vmem>>
      %dma_start3A_152 = arith.constant 0 : i32
      %dma_start3A_153 = tpu.memref_slice %arg8[%add3A_146, %dma_start3A_152] : memref<80x128xi32, #tpu.memory_space<vmem>> -> memref<1x128xi32, #tpu.memory_space<vmem>>
      %dma_start3A_154 = tpu.memref_squeeze %dma_start3A_153 : memref<1x128xi32, #tpu.memory_space<vmem>> -> memref<128xi32, #tpu.memory_space<vmem>>
      %dma_start3A_155 = arith.constant 0 : i32
      %dma_start3A_156 = arith.constant 0 : i32
      %dma_start3A_157 = tpu.memref_slice %arg12[%dma_start3A_155, %dma_start3A_156] : memref<10240x32xf32, #tpu.memory_space<vmem_shared>> -> memref<10240x32xf32, #tpu.memory_space<vmem_shared>>
      tpu.enqueue_indirect_dma source(%dma_start3A_151 : memref<128x32xf32, #tpu.memory_space<vmem>>) target(%dma_start3A_157 : memref<10240x32xf32, #tpu.memory_space<vmem_shared>>) offsets(%dma_start3A_154 : memref<128xi32, #tpu.memory_space<vmem>>) semaphore(%arg11 : memref<!tpu.dma_semaphore, #tpu.memory_space<semaphore_mem>>) {add = true}
      %dma_wait3A_158 = arith.constant 0 : i32
      %dma_wait3A_159 = arith.constant 0 : i32
      %dma_wait3A_160 = arith.constant 0 : i32
      %dma_wait3A_161 = tpu.memref_slice %arg9[%dma_wait3A_158, %dma_wait3A_159, %dma_wait3A_160] : memref<4x128x32xf32, #tpu.memory_space<vmem>> -> memref<1x128x32xf32, #tpu.memory_space<vmem>>
      %dma_wait3A_162 = tpu.memref_squeeze %dma_wait3A_161 : memref<1x128x32xf32, #tpu.memory_space<vmem>> -> memref<128x32xf32, #tpu.memory_space<vmem>>
      %dma_wait3A_163 = arith.constant 0 : i32
      %dma_wait3A_164 = tpu.memref_slice %arg8[%add3A_107, %dma_wait3A_163] : memref<80x128xi32, #tpu.memory_space<vmem>> -> memref<1x128xi32, #tpu.memory_space<vmem>>
      %dma_wait3A_165 = tpu.memref_squeeze %dma_wait3A_164 : memref<1x128xi32, #tpu.memory_space<vmem>> -> memref<128xi32, #tpu.memory_space<vmem>>
      %dma_wait3A_166 = arith.constant 0 : i32
      %dma_wait3A_167 = arith.constant 0 : i32
      %dma_wait3A_168 = tpu.memref_slice %arg12[%dma_wait3A_166, %dma_wait3A_167] : memref<10240x32xf32, #tpu.memory_space<vmem_shared>> -> memref<10240x32xf32, #tpu.memory_space<vmem_shared>>
      tpu.wait_indirect_dma semaphore(%arg11 : memref<!tpu.dma_semaphore, #tpu.memory_space<semaphore_mem>>) src(%dma_wait3A_162 : memref<128x32xf32, #tpu.memory_space<vmem>>) dst(%dma_wait3A_168 : memref<10240x32xf32, #tpu.memory_space<vmem_shared>>)
      %dma_wait3A_169 = arith.constant 1 : i32
      %dma_wait3A_170 = arith.constant 0 : i32
      %dma_wait3A_171 = arith.constant 0 : i32
      %dma_wait3A_172 = tpu.memref_slice %arg9[%dma_wait3A_169, %dma_wait3A_170, %dma_wait3A_171] : memref<4x128x32xf32, #tpu.memory_space<vmem>> -> memref<1x128x32xf32, #tpu.memory_space<vmem>>
      %dma_wait3A_173 = tpu.memref_squeeze %dma_wait3A_172 : memref<1x128x32xf32, #tpu.memory_space<vmem>> -> memref<128x32xf32, #tpu.memory_space<vmem>>
      %dma_wait3A_174 = arith.constant 0 : i32
      %dma_wait3A_175 = tpu.memref_slice %arg8[%add3A_120, %dma_wait3A_174] : memref<80x128xi32, #tpu.memory_space<vmem>> -> memref<1x128xi32, #tpu.memory_space<vmem>>
      %dma_wait3A_176 = tpu.memref_squeeze %dma_wait3A_175 : memref<1x128xi32, #tpu.memory_space<vmem>> -> memref<128xi32, #tpu.memory_space<vmem>>
      %dma_wait3A_177 = arith.constant 0 : i32
      %dma_wait3A_178 = arith.constant 0 : i32
      %dma_wait3A_179 = tpu.memref_slice %arg12[%dma_wait3A_177, %dma_wait3A_178] : memref<10240x32xf32, #tpu.memory_space<vmem_shared>> -> memref<10240x32xf32, #tpu.memory_space<vmem_shared>>
      tpu.wait_indirect_dma semaphore(%arg11 : memref<!tpu.dma_semaphore, #tpu.memory_space<semaphore_mem>>) src(%dma_wait3A_173 : memref<128x32xf32, #tpu.memory_space<vmem>>) dst(%dma_wait3A_179 : memref<10240x32xf32, #tpu.memory_space<vmem_shared>>)
      %dma_wait3A_180 = arith.constant 2 : i32
      %dma_wait3A_181 = arith.constant 0 : i32
      %dma_wait3A_182 = arith.constant 0 : i32
      %dma_wait3A_183 = tpu.memref_slice %arg9[%dma_wait3A_180, %dma_wait3A_181, %dma_wait3A_182] : memref<4x128x32xf32, #tpu.memory_space<vmem>> -> memref<1x128x32xf32, #tpu.memory_space<vmem>>
      %dma_wait3A_184 = tpu.memref_squeeze %dma_wait3A_183 : memref<1x128x32xf32, #tpu.memory_space<vmem>> -> memref<128x32xf32, #tpu.memory_space<vmem>>
      %dma_wait3A_185 = arith.constant 0 : i32
      %dma_wait3A_186 = tpu.memref_slice %arg8[%add3A_133, %dma_wait3A_185] : memref<80x128xi32, #tpu.memory_space<vmem>> -> memref<1x128xi32, #tpu.memory_space<vmem>>
      %dma_wait3A_187 = tpu.memref_squeeze %dma_wait3A_186 : memref<1x128xi32, #tpu.memory_space<vmem>> -> memref<128xi32, #tpu.memory_space<vmem>>
      %dma_wait3A_188 = arith.constant 0 : i32
      %dma_wait3A_189 = arith.constant 0 : i32
      %dma_wait3A_190 = tpu.memref_slice %arg12[%dma_wait3A_188, %dma_wait3A_189] : memref<10240x32xf32, #tpu.memory_space<vmem_shared>> -> memref<10240x32xf32, #tpu.memory_space<vmem_shared>>
      tpu.wait_indirect_dma semaphore(%arg11 : memref<!tpu.dma_semaphore, #tpu.memory_space<semaphore_mem>>) src(%dma_wait3A_184 : memref<128x32xf32, #tpu.memory_space<vmem>>) dst(%dma_wait3A_190 : memref<10240x32xf32, #tpu.memory_space<vmem_shared>>)
      %dma_wait3A_191 = arith.constant 3 : i32
      %dma_wait3A_192 = arith.constant 0 : i32
      %dma_wait3A_193 = arith.constant 0 : i32
      %dma_wait3A_194 = tpu.memref_slice %arg9[%dma_wait3A_191, %dma_wait3A_192, %dma_wait3A_193] : memref<4x128x32xf32, #tpu.memory_space<vmem>> -> memref<1x128x32xf32, #tpu.memory_space<vmem>>
      %dma_wait3A_195 = tpu.memref_squeeze %dma_wait3A_194 : memref<1x128x32xf32, #tpu.memory_space<vmem>> -> memref<128x32xf32, #tpu.memory_space<vmem>>
      %dma_wait3A_196 = arith.constant 0 : i32
      %dma_wait3A_197 = tpu.memref_slice %arg8[%add3A_146, %dma_wait3A_196] : memref<80x128xi32, #tpu.memory_space<vmem>> -> memref<1x128xi32, #tpu.memory_space<vmem>>
      %dma_wait3A_198 = tpu.memref_squeeze %dma_wait3A_197 : memref<1x128xi32, #tpu.memory_space<vmem>> -> memref<128xi32, #tpu.memory_space<vmem>>
      %dma_wait3A_199 = arith.constant 0 : i32
      %dma_wait3A_200 = arith.constant 0 : i32
      %dma_wait3A_201 = tpu.memref_slice %arg12[%dma_wait3A_199, %dma_wait3A_200] : memref<10240x32xf32, #tpu.memory_space<vmem_shared>> -> memref<10240x32xf32, #tpu.memory_space<vmem_shared>>
      tpu.wait_indirect_dma semaphore(%arg11 : memref<!tpu.dma_semaphore, #tpu.memory_space<semaphore_mem>>) src(%dma_wait3A_195 : memref<128x32xf32, #tpu.memory_space<vmem>>) dst(%dma_wait3A_201 : memref<10240x32xf32, #tpu.memory_space<vmem_shared>>)
    }
    %scan3A_7 = arith.constant 20 : i32
    %barrier3A_8 = arith.constant 0 : index
    tpu.barrier barrier_id(%barrier3A_8)
    "tpu.region"() ({
      %run_scoped3A = tpu.sem_alloc : memref<!tpu.dma_semaphore, #tpu.memory_space<semaphore_mem>>
      %dma_start3A = arith.constant 0 : i32
      %dma_start3A_9 = tpu.memref_slice %arg6[%arg0, %mul3A_2, %dma_start3A] : memref<2x10240x32xf32, #tpu.memory_space<hbm>> -> memref<1x640x32xf32, #tpu.memory_space<hbm>>
      %dma_start3A_10 = tpu.memref_squeeze %dma_start3A_9 : memref<1x640x32xf32, #tpu.memory_space<hbm>> -> memref<640x32xf32, #tpu.memory_space<hbm>>
      %dma_start3A_11 = arith.constant 0 : i32
      %dma_start3A_12 = tpu.memref_slice %arg12[%mul3A_2, %dma_start3A_11] : memref<10240x32xf32, #tpu.memory_space<vmem_shared>> -> memref<640x32xf32, #tpu.memory_space<vmem_shared>>
      tpu.enqueue_dma source(%dma_start3A_12 : memref<640x32xf32, #tpu.memory_space<vmem_shared>>) target(%dma_start3A_10 : memref<640x32xf32, #tpu.memory_space<hbm>>) target_semaphore(%run_scoped3A : memref<!tpu.dma_semaphore, #tpu.memory_space<semaphore_mem>>)
      %dma_wait3A = arith.constant 0 : i32
      %dma_wait3A_13 = tpu.memref_slice %arg6[%arg0, %mul3A_2, %dma_wait3A] : memref<2x10240x32xf32, #tpu.memory_space<hbm>> -> memref<1x640x32xf32, #tpu.memory_space<hbm>>
      %dma_wait3A_14 = tpu.memref_squeeze %dma_wait3A_13 : memref<1x640x32xf32, #tpu.memory_space<hbm>> -> memref<640x32xf32, #tpu.memory_space<hbm>>
      %dma_wait3A_15 = arith.constant 0 : i32
      %dma_wait3A_16 = tpu.memref_slice %arg12[%mul3A_2, %dma_wait3A_15] : memref<10240x32xf32, #tpu.memory_space<vmem_shared>> -> memref<640x32xf32, #tpu.memory_space<vmem_shared>>
      tpu.wait_dma2 semaphore(%run_scoped3A : memref<!tpu.dma_semaphore, #tpu.memory_space<semaphore_mem>>) src(%dma_wait3A_16 : memref<640x32xf32, #tpu.memory_space<vmem_shared>>) dst(%dma_wait3A_14 : memref<640x32xf32, #tpu.memory_space<hbm>>)
      tpu.yield
    }) : () -> ()
    return
  }
}

#map = affine_map<(d0, d1) -> (0, 0)>
#map1 = affine_map<(d0, d1) -> (0, 0, 0)>
module attributes {stable_mosaic.version = 14 : i64} {
  func.func @_stage1_body(%arg0: i32, %arg1: i32, %arg2: memref<10240x32xf32, #tpu.memory_space<hbm>>, %arg3: memref<10240x32xf32, #tpu.memory_space<hbm>>, %arg4: memref<32x80x128xi32, #tpu.memory_space<hbm>>, %arg5: memref<32x80x128xi32, #tpu.memory_space<hbm>>, %arg6: memref<2x10240x32xf32, #tpu.memory_space<hbm>>, %arg7: memref<80x128xi32, #tpu.memory_space<vmem>>, %arg8: memref<80x128xi32, #tpu.memory_space<vmem>>, %arg9: memref<4x128x32xf32, #tpu.memory_space<vmem>>, %arg10: memref<!tpu.dma_semaphore, #tpu.memory_space<semaphore_mem>>, %arg11: memref<!tpu.dma_semaphore, #tpu.memory_space<semaphore_mem>>, %arg12: memref<10240x32xf32, #tpu.memory_space<vmem_shared>>) attributes {dimension_semantics = [#tpu.dimension_semantics<core_parallel>, #tpu.dimension_semantics<subcore_parallel>], iteration_bounds = array<i64: 2, 16>, scalar_prefetch = 0 : i64, scratch_operands = 6 : i64, tpu.core_type = #tpu.core_type<sc_vector_subcore>, window_params = [{transform_indices = #map}, {transform_indices = #map}, {transform_indices = #map1}, {transform_indices = #map1}, {transform_indices = #map1}]} {
    %mul3A = arith.constant 16 : i32
    %mul3A_0 = arith.muli %arg0, %mul3A : i32
    %add3A = arith.addi %mul3A_0, %arg1 : i32
    %mul3A_1 = arith.constant 640 : i32
    %mul3A_2 = arith.muli %arg1, %mul3A_1 : i32
    "tpu.region"() ({
      %run_scoped3A = tpu.sem_alloc : memref<!tpu.dma_semaphore, #tpu.memory_space<semaphore_mem>>
      %dma_start3A = arith.constant 0 : i32
      %dma_start3A_9 = tpu.memref_slice %arg12[%mul3A_2, %dma_start3A] : memref<10240x32xf32, #tpu.memory_space<vmem_shared>> -> memref<640x32xf32, #tpu.memory_space<vmem_shared>>
      %dma_start3A_10 = arith.constant 0 : i32
      %dma_start3A_11 = tpu.memref_slice %arg3[%mul3A_2, %dma_start3A_10] : memref<10240x32xf32, #tpu.memory_space<hbm>> -> memref<640x32xf32, #tpu.memory_space<hbm>>
      tpu.enqueue_dma source(%dma_start3A_11 : memref<640x32xf32, #tpu.memory_space<hbm>>) target(%dma_start3A_9 : memref<640x32xf32, #tpu.memory_space<vmem_shared>>) target_semaphore(%run_scoped3A : memref<!tpu.dma_semaphore, #tpu.memory_space<semaphore_mem>>)
      %dma_wait3A = arith.constant 0 : i32
      %dma_wait3A_12 = tpu.memref_slice %arg12[%mul3A_2, %dma_wait3A] : memref<10240x32xf32, #tpu.memory_space<vmem_shared>> -> memref<640x32xf32, #tpu.memory_space<vmem_shared>>
      %dma_wait3A_13 = arith.constant 0 : i32
      %dma_wait3A_14 = tpu.memref_slice %arg3[%mul3A_2, %dma_wait3A_13] : memref<10240x32xf32, #tpu.memory_space<hbm>> -> memref<640x32xf32, #tpu.memory_space<hbm>>
      tpu.wait_dma2 semaphore(%run_scoped3A : memref<!tpu.dma_semaphore, #tpu.memory_space<semaphore_mem>>) src(%dma_wait3A_14 : memref<640x32xf32, #tpu.memory_space<hbm>>) dst(%dma_wait3A_12 : memref<640x32xf32, #tpu.memory_space<vmem_shared>>)
      tpu.yield
    }) : () -> ()
    "tpu.region"() ({
      %run_scoped3A = tpu.sem_alloc : memref<!tpu.dma_semaphore, #tpu.memory_space<semaphore_mem>>
      %dma_start3A = arith.constant 0 : i32
      %dma_start3A_9 = arith.constant 0 : i32
      %dma_start3A_10 = tpu.memref_slice %arg4[%add3A, %dma_start3A, %dma_start3A_9] : memref<32x80x128xi32, #tpu.memory_space<hbm>> -> memref<1x80x128xi32, #tpu.memory_space<hbm>>
      %dma_start3A_11 = tpu.memref_squeeze %dma_start3A_10 : memref<1x80x128xi32, #tpu.memory_space<hbm>> -> memref<80x128xi32, #tpu.memory_space<hbm>>
      %dma_start3A_12 = arith.constant 0 : i32
      %dma_start3A_13 = arith.constant 0 : i32
      %dma_start3A_14 = tpu.memref_slice %arg4[%add3A, %dma_start3A_12, %dma_start3A_13] : memref<32x80x128xi32, #tpu.memory_space<hbm>> -> memref<1x80x128xi32, #tpu.memory_space<hbm>>
      %dma_start3A_15 = tpu.memref_squeeze %dma_start3A_14 : memref<1x80x128xi32, #tpu.memory_space<hbm>> -> memref<80x128xi32, #tpu.memory_space<hbm>>
      tpu.enqueue_dma source(%dma_start3A_15 : memref<80x128xi32, #tpu.memory_space<hbm>>) target(%arg7 : memref<80x128xi32, #tpu.memory_space<vmem>>) target_semaphore(%run_scoped3A : memref<!tpu.dma_semaphore, #tpu.memory_space<semaphore_mem>>)
      %dma_wait3A = arith.constant 0 : i32
      %dma_wait3A_16 = arith.constant 0 : i32
      %dma_wait3A_17 = tpu.memref_slice %arg4[%add3A, %dma_wait3A, %dma_wait3A_16] : memref<32x80x128xi32, #tpu.memory_space<hbm>> -> memref<1x80x128xi32, #tpu.memory_space<hbm>>
      %dma_wait3A_18 = tpu.memref_squeeze %dma_wait3A_17 : memref<1x80x128xi32, #tpu.memory_space<hbm>> -> memref<80x128xi32, #tpu.memory_space<hbm>>
      %dma_wait3A_19 = arith.constant 0 : i32
      %dma_wait3A_20 = arith.constant 0 : i32
      %dma_wait3A_21 = tpu.memref_slice %arg4[%add3A, %dma_wait3A_19, %dma_wait3A_20] : memref<32x80x128xi32, #tpu.memory_space<hbm>> -> memref<1x80x128xi32, #tpu.memory_space<hbm>>
      %dma_wait3A_22 = tpu.memref_squeeze %dma_wait3A_21 : memref<1x80x128xi32, #tpu.memory_space<hbm>> -> memref<80x128xi32, #tpu.memory_space<hbm>>
      tpu.wait_dma2 semaphore(%run_scoped3A : memref<!tpu.dma_semaphore, #tpu.memory_space<semaphore_mem>>) src(%dma_wait3A_22 : memref<80x128xi32, #tpu.memory_space<hbm>>) dst(%arg7 : memref<80x128xi32, #tpu.memory_space<vmem>>)
      tpu.yield
    }) : () -> ()
    "tpu.region"() ({
      %run_scoped3A = tpu.sem_alloc : memref<!tpu.dma_semaphore, #tpu.memory_space<semaphore_mem>>
      %dma_start3A = arith.constant 0 : i32
      %dma_start3A_9 = arith.constant 0 : i32
      %dma_start3A_10 = tpu.memref_slice %arg5[%add3A, %dma_start3A, %dma_start3A_9] : memref<32x80x128xi32, #tpu.memory_space<hbm>> -> memref<1x80x128xi32, #tpu.memory_space<hbm>>
      %dma_start3A_11 = tpu.memref_squeeze %dma_start3A_10 : memref<1x80x128xi32, #tpu.memory_space<hbm>> -> memref<80x128xi32, #tpu.memory_space<hbm>>
      %dma_start3A_12 = arith.constant 0 : i32
      %dma_start3A_13 = arith.constant 0 : i32
      %dma_start3A_14 = tpu.memref_slice %arg5[%add3A, %dma_start3A_12, %dma_start3A_13] : memref<32x80x128xi32, #tpu.memory_space<hbm>> -> memref<1x80x128xi32, #tpu.memory_space<hbm>>
      %dma_start3A_15 = tpu.memref_squeeze %dma_start3A_14 : memref<1x80x128xi32, #tpu.memory_space<hbm>> -> memref<80x128xi32, #tpu.memory_space<hbm>>
      tpu.enqueue_dma source(%dma_start3A_15 : memref<80x128xi32, #tpu.memory_space<hbm>>) target(%arg8 : memref<80x128xi32, #tpu.memory_space<vmem>>) target_semaphore(%run_scoped3A : memref<!tpu.dma_semaphore, #tpu.memory_space<semaphore_mem>>)
      %dma_wait3A = arith.constant 0 : i32
      %dma_wait3A_16 = arith.constant 0 : i32
      %dma_wait3A_17 = tpu.memref_slice %arg5[%add3A, %dma_wait3A, %dma_wait3A_16] : memref<32x80x128xi32, #tpu.memory_space<hbm>> -> memref<1x80x128xi32, #tpu.memory_space<hbm>>
      %dma_wait3A_18 = tpu.memref_squeeze %dma_wait3A_17 : memref<1x80x128xi32, #tpu.memory_space<hbm>> -> memref<80x128xi32, #tpu.memory_space<hbm>>
      %dma_wait3A_19 = arith.constant 0 : i32
      %dma_wait3A_20 = arith.constant 0 : i32
      %dma_wait3A_21 = tpu.memref_slice %arg5[%add3A, %dma_wait3A_19, %dma_wait3A_20] : memref<32x80x128xi32, #tpu.memory_space<hbm>> -> memref<1x80x128xi32, #tpu.memory_space<hbm>>
      %dma_wait3A_22 = tpu.memref_squeeze %dma_wait3A_21 : memref<1x80x128xi32, #tpu.memory_space<hbm>> -> memref<80x128xi32, #tpu.memory_space<hbm>>
      tpu.wait_dma2 semaphore(%run_scoped3A : memref<!tpu.dma_semaphore, #tpu.memory_space<semaphore_mem>>) src(%dma_wait3A_22 : memref<80x128xi32, #tpu.memory_space<hbm>>) dst(%arg8 : memref<80x128xi32, #tpu.memory_space<vmem>>)
      tpu.yield
    }) : () -> ()
    %barrier3A = arith.constant 0 : index
    tpu.barrier barrier_id(%barrier3A)
    %scan3A = arith.constant 0 : i32
    %scan3A_3 = arith.constant 0 : i32
    %scan3A_4 = arith.constant 20 : i32
    %scan3A_5 = arith.addi %scan3A_3, %scan3A_4 : i32
    %scan3A_6 = arith.constant 1 : i32
    scf.for %scan3A_9 = %scan3A_3 to %scan3A_5 step %scan3A_6  : i32 {
      %mul3A_10 = arith.constant 4 : i32
      %mul3A_11 = arith.muli %scan3A_9, %mul3A_10 : i32
      %add3A_12 = arith.constant 0 : i32
      %add3A_13 = arith.addi %mul3A_11, %add3A_12 : i32
      %dma_start3A = arith.constant 0 : i32
      %dma_start3A_14 = arith.constant 0 : i32
      %dma_start3A_15 = arith.constant 0 : i32
      %dma_start3A_16 = tpu.memref_slice %arg9[%dma_start3A, %dma_start3A_14, %dma_start3A_15] : memref<4x128x32xf32, #tpu.memory_space<vmem>> -> memref<1x128x32xf32, #tpu.memory_space<vmem>>
      %dma_start3A_17 = tpu.memref_squeeze %dma_start3A_16 : memref<1x128x32xf32, #tpu.memory_space<vmem>> -> memref<128x32xf32, #tpu.memory_space<vmem>>
      %dma_start3A_18 = arith.constant 0 : i32
      %dma_start3A_19 = tpu.memref_slice %arg7[%add3A_13, %dma_start3A_18] : memref<80x128xi32, #tpu.memory_space<vmem>> -> memref<1x128xi32, #tpu.memory_space<vmem>>
      %dma_start3A_20 = tpu.memref_squeeze %dma_start3A_19 : memref<1x128xi32, #tpu.memory_space<vmem>> -> memref<128xi32, #tpu.memory_space<vmem>>
      %dma_start3A_21 = arith.constant 0 : i32
      %dma_start3A_22 = arith.constant 0 : i32
      %dma_start3A_23 = tpu.memref_slice %arg2[%dma_start3A_21, %dma_start3A_22] : memref<10240x32xf32, #tpu.memory_space<hbm>> -> memref<10240x32xf32, #tpu.memory_space<hbm>>
      tpu.enqueue_indirect_dma source(%dma_start3A_23 : memref<10240x32xf32, #tpu.memory_space<hbm>>) target(%dma_start3A_17 : memref<128x32xf32, #tpu.memory_space<vmem>>) offsets(%dma_start3A_20 : memref<128xi32, #tpu.memory_space<vmem>>) semaphore(%arg10 : memref<!tpu.dma_semaphore, #tpu.memory_space<semaphore_mem>>)
      %add3A_24 = arith.constant 1 : i32
      %add3A_25 = arith.addi %mul3A_11, %add3A_24 : i32
      %dma_start3A_26 = arith.constant 1 : i32
      %dma_start3A_27 = arith.constant 0 : i32
      %dma_start3A_28 = arith.constant 0 : i32
      %dma_start3A_29 = tpu.memref_slice %arg9[%dma_start3A_26, %dma_start3A_27, %dma_start3A_28] : memref<4x128x32xf32, #tpu.memory_space<vmem>> -> memref<1x128x32xf32, #tpu.memory_space<vmem>>
      %dma_start3A_30 = tpu.memref_squeeze %dma_start3A_29 : memref<1x128x32xf32, #tpu.memory_space<vmem>> -> memref<128x32xf32, #tpu.memory_space<vmem>>
      %dma_start3A_31 = arith.constant 0 : i32
      %dma_start3A_32 = tpu.memref_slice %arg7[%add3A_25, %dma_start3A_31] : memref<80x128xi32, #tpu.memory_space<vmem>> -> memref<1x128xi32, #tpu.memory_space<vmem>>
      %dma_start3A_33 = tpu.memref_squeeze %dma_start3A_32 : memref<1x128xi32, #tpu.memory_space<vmem>> -> memref<128xi32, #tpu.memory_space<vmem>>
      %dma_start3A_34 = arith.constant 0 : i32
      %dma_start3A_35 = arith.constant 0 : i32
      %dma_start3A_36 = tpu.memref_slice %arg2[%dma_start3A_34, %dma_start3A_35] : memref<10240x32xf32, #tpu.memory_space<hbm>> -> memref<10240x32xf32, #tpu.memory_space<hbm>>
      tpu.enqueue_indirect_dma source(%dma_start3A_36 : memref<10240x32xf32, #tpu.memory_space<hbm>>) target(%dma_start3A_30 : memref<128x32xf32, #tpu.memory_space<vmem>>) offsets(%dma_start3A_33 : memref<128xi32, #tpu.memory_space<vmem>>) semaphore(%arg10 : memref<!tpu.dma_semaphore, #tpu.memory_space<semaphore_mem>>)
      %add3A_37 = arith.constant 2 : i32
      %add3A_38 = arith.addi %mul3A_11, %add3A_37 : i32
      %dma_start3A_39 = arith.constant 2 : i32
      %dma_start3A_40 = arith.constant 0 : i32
      %dma_start3A_41 = arith.constant 0 : i32
      %dma_start3A_42 = tpu.memref_slice %arg9[%dma_start3A_39, %dma_start3A_40, %dma_start3A_41] : memref<4x128x32xf32, #tpu.memory_space<vmem>> -> memref<1x128x32xf32, #tpu.memory_space<vmem>>
      %dma_start3A_43 = tpu.memref_squeeze %dma_start3A_42 : memref<1x128x32xf32, #tpu.memory_space<vmem>> -> memref<128x32xf32, #tpu.memory_space<vmem>>
      %dma_start3A_44 = arith.constant 0 : i32
      %dma_start3A_45 = tpu.memref_slice %arg7[%add3A_38, %dma_start3A_44] : memref<80x128xi32, #tpu.memory_space<vmem>> -> memref<1x128xi32, #tpu.memory_space<vmem>>
      %dma_start3A_46 = tpu.memref_squeeze %dma_start3A_45 : memref<1x128xi32, #tpu.memory_space<vmem>> -> memref<128xi32, #tpu.memory_space<vmem>>
      %dma_start3A_47 = arith.constant 0 : i32
      %dma_start3A_48 = arith.constant 0 : i32
      %dma_start3A_49 = tpu.memref_slice %arg2[%dma_start3A_47, %dma_start3A_48] : memref<10240x32xf32, #tpu.memory_space<hbm>> -> memref<10240x32xf32, #tpu.memory_space<hbm>>
      tpu.enqueue_indirect_dma source(%dma_start3A_49 : memref<10240x32xf32, #tpu.memory_space<hbm>>) target(%dma_start3A_43 : memref<128x32xf32, #tpu.memory_space<vmem>>) offsets(%dma_start3A_46 : memref<128xi32, #tpu.memory_space<vmem>>) semaphore(%arg10 : memref<!tpu.dma_semaphore, #tpu.memory_space<semaphore_mem>>)
      %add3A_50 = arith.constant 3 : i32
      %add3A_51 = arith.addi %mul3A_11, %add3A_50 : i32
      %dma_start3A_52 = arith.constant 3 : i32
      %dma_start3A_53 = arith.constant 0 : i32
      %dma_start3A_54 = arith.constant 0 : i32
      %dma_start3A_55 = tpu.memref_slice %arg9[%dma_start3A_52, %dma_start3A_53, %dma_start3A_54] : memref<4x128x32xf32, #tpu.memory_space<vmem>> -> memref<1x128x32xf32, #tpu.memory_space<vmem>>
      %dma_start3A_56 = tpu.memref_squeeze %dma_start3A_55 : memref<1x128x32xf32, #tpu.memory_space<vmem>> -> memref<128x32xf32, #tpu.memory_space<vmem>>
      %dma_start3A_57 = arith.constant 0 : i32
      %dma_start3A_58 = tpu.memref_slice %arg7[%add3A_51, %dma_start3A_57] : memref<80x128xi32, #tpu.memory_space<vmem>> -> memref<1x128xi32, #tpu.memory_space<vmem>>
      %dma_start3A_59 = tpu.memref_squeeze %dma_start3A_58 : memref<1x128xi32, #tpu.memory_space<vmem>> -> memref<128xi32, #tpu.memory_space<vmem>>
      %dma_start3A_60 = arith.constant 0 : i32
      %dma_start3A_61 = arith.constant 0 : i32
      %dma_start3A_62 = tpu.memref_slice %arg2[%dma_start3A_60, %dma_start3A_61] : memref<10240x32xf32, #tpu.memory_space<hbm>> -> memref<10240x32xf32, #tpu.memory_space<hbm>>
      tpu.enqueue_indirect_dma source(%dma_start3A_62 : memref<10240x32xf32, #tpu.memory_space<hbm>>) target(%dma_start3A_56 : memref<128x32xf32, #tpu.memory_space<vmem>>) offsets(%dma_start3A_59 : memref<128xi32, #tpu.memory_space<vmem>>) semaphore(%arg10 : memref<!tpu.dma_semaphore, #tpu.memory_space<semaphore_mem>>)
      %dma_wait3A = arith.constant 0 : i32
      %dma_wait3A_63 = arith.constant 0 : i32
      %dma_wait3A_64 = arith.constant 0 : i32
      %dma_wait3A_65 = tpu.memref_slice %arg9[%dma_wait3A, %dma_wait3A_63, %dma_wait3A_64] : memref<4x128x32xf32, #tpu.memory_space<vmem>> -> memref<1x128x32xf32, #tpu.memory_space<vmem>>
      %dma_wait3A_66 = tpu.memref_squeeze %dma_wait3A_65 : memref<1x128x32xf32, #tpu.memory_space<vmem>> -> memref<128x32xf32, #tpu.memory_space<vmem>>
      %dma_wait3A_67 = arith.constant 0 : i32
      %dma_wait3A_68 = tpu.memref_slice %arg7[%add3A_13, %dma_wait3A_67] : memref<80x128xi32, #tpu.memory_space<vmem>> -> memref<1x128xi32, #tpu.memory_space<vmem>>
      %dma_wait3A_69 = tpu.memref_squeeze %dma_wait3A_68 : memref<1x128xi32, #tpu.memory_space<vmem>> -> memref<128xi32, #tpu.memory_space<vmem>>
      %dma_wait3A_70 = arith.constant 0 : i32
      %dma_wait3A_71 = arith.constant 0 : i32
      %dma_wait3A_72 = tpu.memref_slice %arg2[%dma_wait3A_70, %dma_wait3A_71] : memref<10240x32xf32, #tpu.memory_space<hbm>> -> memref<10240x32xf32, #tpu.memory_space<hbm>>
      tpu.wait_indirect_dma semaphore(%arg10 : memref<!tpu.dma_semaphore, #tpu.memory_space<semaphore_mem>>) src(%dma_wait3A_72 : memref<10240x32xf32, #tpu.memory_space<hbm>>) dst(%dma_wait3A_66 : memref<128x32xf32, #tpu.memory_space<vmem>>)
      %dma_wait3A_73 = arith.constant 1 : i32
      %dma_wait3A_74 = arith.constant 0 : i32
      %dma_wait3A_75 = arith.constant 0 : i32
      %dma_wait3A_76 = tpu.memref_slice %arg9[%dma_wait3A_73, %dma_wait3A_74, %dma_wait3A_75] : memref<4x128x32xf32, #tpu.memory_space<vmem>> -> memref<1x128x32xf32, #tpu.memory_space<vmem>>
      %dma_wait3A_77 = tpu.memref_squeeze %dma_wait3A_76 : memref<1x128x32xf32, #tpu.memory_space<vmem>> -> memref<128x32xf32, #tpu.memory_space<vmem>>
      %dma_wait3A_78 = arith.constant 0 : i32
      %dma_wait3A_79 = tpu.memref_slice %arg7[%add3A_25, %dma_wait3A_78] : memref<80x128xi32, #tpu.memory_space<vmem>> -> memref<1x128xi32, #tpu.memory_space<vmem>>
      %dma_wait3A_80 = tpu.memref_squeeze %dma_wait3A_79 : memref<1x128xi32, #tpu.memory_space<vmem>> -> memref<128xi32, #tpu.memory_space<vmem>>
      %dma_wait3A_81 = arith.constant 0 : i32
      %dma_wait3A_82 = arith.constant 0 : i32
      %dma_wait3A_83 = tpu.memref_slice %arg2[%dma_wait3A_81, %dma_wait3A_82] : memref<10240x32xf32, #tpu.memory_space<hbm>> -> memref<10240x32xf32, #tpu.memory_space<hbm>>
      tpu.wait_indirect_dma semaphore(%arg10 : memref<!tpu.dma_semaphore, #tpu.memory_space<semaphore_mem>>) src(%dma_wait3A_83 : memref<10240x32xf32, #tpu.memory_space<hbm>>) dst(%dma_wait3A_77 : memref<128x32xf32, #tpu.memory_space<vmem>>)
      %dma_wait3A_84 = arith.constant 2 : i32
      %dma_wait3A_85 = arith.constant 0 : i32
      %dma_wait3A_86 = arith.constant 0 : i32
      %dma_wait3A_87 = tpu.memref_slice %arg9[%dma_wait3A_84, %dma_wait3A_85, %dma_wait3A_86] : memref<4x128x32xf32, #tpu.memory_space<vmem>> -> memref<1x128x32xf32, #tpu.memory_space<vmem>>
      %dma_wait3A_88 = tpu.memref_squeeze %dma_wait3A_87 : memref<1x128x32xf32, #tpu.memory_space<vmem>> -> memref<128x32xf32, #tpu.memory_space<vmem>>
      %dma_wait3A_89 = arith.constant 0 : i32
      %dma_wait3A_90 = tpu.memref_slice %arg7[%add3A_38, %dma_wait3A_89] : memref<80x128xi32, #tpu.memory_space<vmem>> -> memref<1x128xi32, #tpu.memory_space<vmem>>
      %dma_wait3A_91 = tpu.memref_squeeze %dma_wait3A_90 : memref<1x128xi32, #tpu.memory_space<vmem>> -> memref<128xi32, #tpu.memory_space<vmem>>
      %dma_wait3A_92 = arith.constant 0 : i32
      %dma_wait3A_93 = arith.constant 0 : i32
      %dma_wait3A_94 = tpu.memref_slice %arg2[%dma_wait3A_92, %dma_wait3A_93] : memref<10240x32xf32, #tpu.memory_space<hbm>> -> memref<10240x32xf32, #tpu.memory_space<hbm>>
      tpu.wait_indirect_dma semaphore(%arg10 : memref<!tpu.dma_semaphore, #tpu.memory_space<semaphore_mem>>) src(%dma_wait3A_94 : memref<10240x32xf32, #tpu.memory_space<hbm>>) dst(%dma_wait3A_88 : memref<128x32xf32, #tpu.memory_space<vmem>>)
      %dma_wait3A_95 = arith.constant 3 : i32
      %dma_wait3A_96 = arith.constant 0 : i32
      %dma_wait3A_97 = arith.constant 0 : i32
      %dma_wait3A_98 = tpu.memref_slice %arg9[%dma_wait3A_95, %dma_wait3A_96, %dma_wait3A_97] : memref<4x128x32xf32, #tpu.memory_space<vmem>> -> memref<1x128x32xf32, #tpu.memory_space<vmem>>
      %dma_wait3A_99 = tpu.memref_squeeze %dma_wait3A_98 : memref<1x128x32xf32, #tpu.memory_space<vmem>> -> memref<128x32xf32, #tpu.memory_space<vmem>>
      %dma_wait3A_100 = arith.constant 0 : i32
      %dma_wait3A_101 = tpu.memref_slice %arg7[%add3A_51, %dma_wait3A_100] : memref<80x128xi32, #tpu.memory_space<vmem>> -> memref<1x128xi32, #tpu.memory_space<vmem>>
      %dma_wait3A_102 = tpu.memref_squeeze %dma_wait3A_101 : memref<1x128xi32, #tpu.memory_space<vmem>> -> memref<128xi32, #tpu.memory_space<vmem>>
      %dma_wait3A_103 = arith.constant 0 : i32
      %dma_wait3A_104 = arith.constant 0 : i32
      %dma_wait3A_105 = tpu.memref_slice %arg2[%dma_wait3A_103, %dma_wait3A_104] : memref<10240x32xf32, #tpu.memory_space<hbm>> -> memref<10240x32xf32, #tpu.memory_space<hbm>>
      tpu.wait_indirect_dma semaphore(%arg10 : memref<!tpu.dma_semaphore, #tpu.memory_space<semaphore_mem>>) src(%dma_wait3A_105 : memref<10240x32xf32, #tpu.memory_space<hbm>>) dst(%dma_wait3A_99 : memref<128x32xf32, #tpu.memory_space<vmem>>)
      %add3A_106 = arith.constant 0 : i32
      %add3A_107 = arith.addi %mul3A_11, %add3A_106 : i32
      %dma_start3A_108 = arith.constant 0 : i32
      %dma_start3A_109 = arith.constant 0 : i32
      %dma_start3A_110 = arith.constant 0 : i32
      %dma_start3A_111 = tpu.memref_slice %arg9[%dma_start3A_108, %dma_start3A_109, %dma_start3A_110] : memref<4x128x32xf32, #tpu.memory_space<vmem>> -> memref<1x128x32xf32, #tpu.memory_space<vmem>>
      %dma_start3A_112 = tpu.memref_squeeze %dma_start3A_111 : memref<1x128x32xf32, #tpu.memory_space<vmem>> -> memref<128x32xf32, #tpu.memory_space<vmem>>
      %dma_start3A_113 = arith.constant 0 : i32
      %dma_start3A_114 = tpu.memref_slice %arg8[%add3A_107, %dma_start3A_113] : memref<80x128xi32, #tpu.memory_space<vmem>> -> memref<1x128xi32, #tpu.memory_space<vmem>>
      %dma_start3A_115 = tpu.memref_squeeze %dma_start3A_114 : memref<1x128xi32, #tpu.memory_space<vmem>> -> memref<128xi32, #tpu.memory_space<vmem>>
      %dma_start3A_116 = arith.constant 0 : i32
      %dma_start3A_117 = arith.constant 0 : i32
      %dma_start3A_118 = tpu.memref_slice %arg12[%dma_start3A_116, %dma_start3A_117] : memref<10240x32xf32, #tpu.memory_space<vmem_shared>> -> memref<10240x32xf32, #tpu.memory_space<vmem_shared>>
      tpu.enqueue_indirect_dma source(%dma_start3A_112 : memref<128x32xf32, #tpu.memory_space<vmem>>) target(%dma_start3A_118 : memref<10240x32xf32, #tpu.memory_space<vmem_shared>>) offsets(%dma_start3A_115 : memref<128xi32, #tpu.memory_space<vmem>>) semaphore(%arg11 : memref<!tpu.dma_semaphore, #tpu.memory_space<semaphore_mem>>) {add = true}
      %add3A_119 = arith.constant 1 : i32
      %add3A_120 = arith.addi %mul3A_11, %add3A_119 : i32
      %dma_start3A_121 = arith.constant 1 : i32
      %dma_start3A_122 = arith.constant 0 : i32
      %dma_start3A_123 = arith.constant 0 : i32
      %dma_start3A_124 = tpu.memref_slice %arg9[%dma_start3A_121, %dma_start3A_122, %dma_start3A_123] : memref<4x128x32xf32, #tpu.memory_space<vmem>> -> memref<1x128x32xf32, #tpu.memory_space<vmem>>
      %dma_start3A_125 = tpu.memref_squeeze %dma_start3A_124 : memref<1x128x32xf32, #tpu.memory_space<vmem>> -> memref<128x32xf32, #tpu.memory_space<vmem>>
      %dma_start3A_126 = arith.constant 0 : i32
      %dma_start3A_127 = tpu.memref_slice %arg8[%add3A_120, %dma_start3A_126] : memref<80x128xi32, #tpu.memory_space<vmem>> -> memref<1x128xi32, #tpu.memory_space<vmem>>
      %dma_start3A_128 = tpu.memref_squeeze %dma_start3A_127 : memref<1x128xi32, #tpu.memory_space<vmem>> -> memref<128xi32, #tpu.memory_space<vmem>>
      %dma_start3A_129 = arith.constant 0 : i32
      %dma_start3A_130 = arith.constant 0 : i32
      %dma_start3A_131 = tpu.memref_slice %arg12[%dma_start3A_129, %dma_start3A_130] : memref<10240x32xf32, #tpu.memory_space<vmem_shared>> -> memref<10240x32xf32, #tpu.memory_space<vmem_shared>>
      tpu.enqueue_indirect_dma source(%dma_start3A_125 : memref<128x32xf32, #tpu.memory_space<vmem>>) target(%dma_start3A_131 : memref<10240x32xf32, #tpu.memory_space<vmem_shared>>) offsets(%dma_start3A_128 : memref<128xi32, #tpu.memory_space<vmem>>) semaphore(%arg11 : memref<!tpu.dma_semaphore, #tpu.memory_space<semaphore_mem>>) {add = true}
      %add3A_132 = arith.constant 2 : i32
      %add3A_133 = arith.addi %mul3A_11, %add3A_132 : i32
      %dma_start3A_134 = arith.constant 2 : i32
      %dma_start3A_135 = arith.constant 0 : i32
      %dma_start3A_136 = arith.constant 0 : i32
      %dma_start3A_137 = tpu.memref_slice %arg9[%dma_start3A_134, %dma_start3A_135, %dma_start3A_136] : memref<4x128x32xf32, #tpu.memory_space<vmem>> -> memref<1x128x32xf32, #tpu.memory_space<vmem>>
      %dma_start3A_138 = tpu.memref_squeeze %dma_start3A_137 : memref<1x128x32xf32, #tpu.memory_space<vmem>> -> memref<128x32xf32, #tpu.memory_space<vmem>>
      %dma_start3A_139 = arith.constant 0 : i32
      %dma_start3A_140 = tpu.memref_slice %arg8[%add3A_133, %dma_start3A_139] : memref<80x128xi32, #tpu.memory_space<vmem>> -> memref<1x128xi32, #tpu.memory_space<vmem>>
      %dma_start3A_141 = tpu.memref_squeeze %dma_start3A_140 : memref<1x128xi32, #tpu.memory_space<vmem>> -> memref<128xi32, #tpu.memory_space<vmem>>
      %dma_start3A_142 = arith.constant 0 : i32
      %dma_start3A_143 = arith.constant 0 : i32
      %dma_start3A_144 = tpu.memref_slice %arg12[%dma_start3A_142, %dma_start3A_143] : memref<10240x32xf32, #tpu.memory_space<vmem_shared>> -> memref<10240x32xf32, #tpu.memory_space<vmem_shared>>
      tpu.enqueue_indirect_dma source(%dma_start3A_138 : memref<128x32xf32, #tpu.memory_space<vmem>>) target(%dma_start3A_144 : memref<10240x32xf32, #tpu.memory_space<vmem_shared>>) offsets(%dma_start3A_141 : memref<128xi32, #tpu.memory_space<vmem>>) semaphore(%arg11 : memref<!tpu.dma_semaphore, #tpu.memory_space<semaphore_mem>>) {add = true}
      %add3A_145 = arith.constant 3 : i32
      %add3A_146 = arith.addi %mul3A_11, %add3A_145 : i32
      %dma_start3A_147 = arith.constant 3 : i32
      %dma_start3A_148 = arith.constant 0 : i32
      %dma_start3A_149 = arith.constant 0 : i32
      %dma_start3A_150 = tpu.memref_slice %arg9[%dma_start3A_147, %dma_start3A_148, %dma_start3A_149] : memref<4x128x32xf32, #tpu.memory_space<vmem>> -> memref<1x128x32xf32, #tpu.memory_space<vmem>>
      %dma_start3A_151 = tpu.memref_squeeze %dma_start3A_150 : memref<1x128x32xf32, #tpu.memory_space<vmem>> -> memref<128x32xf32, #tpu.memory_space<vmem>>
      %dma_start3A_152 = arith.constant 0 : i32
      %dma_start3A_153 = tpu.memref_slice %arg8[%add3A_146, %dma_start3A_152] : memref<80x128xi32, #tpu.memory_space<vmem>> -> memref<1x128xi32, #tpu.memory_space<vmem>>
      %dma_start3A_154 = tpu.memref_squeeze %dma_start3A_153 : memref<1x128xi32, #tpu.memory_space<vmem>> -> memref<128xi32, #tpu.memory_space<vmem>>
      %dma_start3A_155 = arith.constant 0 : i32
      %dma_start3A_156 = arith.constant 0 : i32
      %dma_start3A_157 = tpu.memref_slice %arg12[%dma_start3A_155, %dma_start3A_156] : memref<10240x32xf32, #tpu.memory_space<vmem_shared>> -> memref<10240x32xf32, #tpu.memory_space<vmem_shared>>
      tpu.enqueue_indirect_dma source(%dma_start3A_151 : memref<128x32xf32, #tpu.memory_space<vmem>>) target(%dma_start3A_157 : memref<10240x32xf32, #tpu.memory_space<vmem_shared>>) offsets(%dma_start3A_154 : memref<128xi32, #tpu.memory_space<vmem>>) semaphore(%arg11 : memref<!tpu.dma_semaphore, #tpu.memory_space<semaphore_mem>>) {add = true}
      %dma_wait3A_158 = arith.constant 0 : i32
      %dma_wait3A_159 = arith.constant 0 : i32
      %dma_wait3A_160 = arith.constant 0 : i32
      %dma_wait3A_161 = tpu.memref_slice %arg9[%dma_wait3A_158, %dma_wait3A_159, %dma_wait3A_160] : memref<4x128x32xf32, #tpu.memory_space<vmem>> -> memref<1x128x32xf32, #tpu.memory_space<vmem>>
      %dma_wait3A_162 = tpu.memref_squeeze %dma_wait3A_161 : memref<1x128x32xf32, #tpu.memory_space<vmem>> -> memref<128x32xf32, #tpu.memory_space<vmem>>
      %dma_wait3A_163 = arith.constant 0 : i32
      %dma_wait3A_164 = tpu.memref_slice %arg8[%add3A_107, %dma_wait3A_163] : memref<80x128xi32, #tpu.memory_space<vmem>> -> memref<1x128xi32, #tpu.memory_space<vmem>>
      %dma_wait3A_165 = tpu.memref_squeeze %dma_wait3A_164 : memref<1x128xi32, #tpu.memory_space<vmem>> -> memref<128xi32, #tpu.memory_space<vmem>>
      %dma_wait3A_166 = arith.constant 0 : i32
      %dma_wait3A_167 = arith.constant 0 : i32
      %dma_wait3A_168 = tpu.memref_slice %arg12[%dma_wait3A_166, %dma_wait3A_167] : memref<10240x32xf32, #tpu.memory_space<vmem_shared>> -> memref<10240x32xf32, #tpu.memory_space<vmem_shared>>
      tpu.wait_indirect_dma semaphore(%arg11 : memref<!tpu.dma_semaphore, #tpu.memory_space<semaphore_mem>>) src(%dma_wait3A_162 : memref<128x32xf32, #tpu.memory_space<vmem>>) dst(%dma_wait3A_168 : memref<10240x32xf32, #tpu.memory_space<vmem_shared>>)
      %dma_wait3A_169 = arith.constant 1 : i32
      %dma_wait3A_170 = arith.constant 0 : i32
      %dma_wait3A_171 = arith.constant 0 : i32
      %dma_wait3A_172 = tpu.memref_slice %arg9[%dma_wait3A_169, %dma_wait3A_170, %dma_wait3A_171] : memref<4x128x32xf32, #tpu.memory_space<vmem>> -> memref<1x128x32xf32, #tpu.memory_space<vmem>>
      %dma_wait3A_173 = tpu.memref_squeeze %dma_wait3A_172 : memref<1x128x32xf32, #tpu.memory_space<vmem>> -> memref<128x32xf32, #tpu.memory_space<vmem>>
      %dma_wait3A_174 = arith.constant 0 : i32
      %dma_wait3A_175 = tpu.memref_slice %arg8[%add3A_120, %dma_wait3A_174] : memref<80x128xi32, #tpu.memory_space<vmem>> -> memref<1x128xi32, #tpu.memory_space<vmem>>
      %dma_wait3A_176 = tpu.memref_squeeze %dma_wait3A_175 : memref<1x128xi32, #tpu.memory_space<vmem>> -> memref<128xi32, #tpu.memory_space<vmem>>
      %dma_wait3A_177 = arith.constant 0 : i32
      %dma_wait3A_178 = arith.constant 0 : i32
      %dma_wait3A_179 = tpu.memref_slice %arg12[%dma_wait3A_177, %dma_wait3A_178] : memref<10240x32xf32, #tpu.memory_space<vmem_shared>> -> memref<10240x32xf32, #tpu.memory_space<vmem_shared>>
      tpu.wait_indirect_dma semaphore(%arg11 : memref<!tpu.dma_semaphore, #tpu.memory_space<semaphore_mem>>) src(%dma_wait3A_173 : memref<128x32xf32, #tpu.memory_space<vmem>>) dst(%dma_wait3A_179 : memref<10240x32xf32, #tpu.memory_space<vmem_shared>>)
      %dma_wait3A_180 = arith.constant 2 : i32
      %dma_wait3A_181 = arith.constant 0 : i32
      %dma_wait3A_182 = arith.constant 0 : i32
      %dma_wait3A_183 = tpu.memref_slice %arg9[%dma_wait3A_180, %dma_wait3A_181, %dma_wait3A_182] : memref<4x128x32xf32, #tpu.memory_space<vmem>> -> memref<1x128x32xf32, #tpu.memory_space<vmem>>
      %dma_wait3A_184 = tpu.memref_squeeze %dma_wait3A_183 : memref<1x128x32xf32, #tpu.memory_space<vmem>> -> memref<128x32xf32, #tpu.memory_space<vmem>>
      %dma_wait3A_185 = arith.constant 0 : i32
      %dma_wait3A_186 = tpu.memref_slice %arg8[%add3A_133, %dma_wait3A_185] : memref<80x128xi32, #tpu.memory_space<vmem>> -> memref<1x128xi32, #tpu.memory_space<vmem>>
      %dma_wait3A_187 = tpu.memref_squeeze %dma_wait3A_186 : memref<1x128xi32, #tpu.memory_space<vmem>> -> memref<128xi32, #tpu.memory_space<vmem>>
      %dma_wait3A_188 = arith.constant 0 : i32
      %dma_wait3A_189 = arith.constant 0 : i32
      %dma_wait3A_190 = tpu.memref_slice %arg12[%dma_wait3A_188, %dma_wait3A_189] : memref<10240x32xf32, #tpu.memory_space<vmem_shared>> -> memref<10240x32xf32, #tpu.memory_space<vmem_shared>>
      tpu.wait_indirect_dma semaphore(%arg11 : memref<!tpu.dma_semaphore, #tpu.memory_space<semaphore_mem>>) src(%dma_wait3A_184 : memref<128x32xf32, #tpu.memory_space<vmem>>) dst(%dma_wait3A_190 : memref<10240x32xf32, #tpu.memory_space<vmem_shared>>)
      %dma_wait3A_191 = arith.constant 3 : i32
      %dma_wait3A_192 = arith.constant 0 : i32
      %dma_wait3A_193 = arith.constant 0 : i32
      %dma_wait3A_194 = tpu.memref_slice %arg9[%dma_wait3A_191, %dma_wait3A_192, %dma_wait3A_193] : memref<4x128x32xf32, #tpu.memory_space<vmem>> -> memref<1x128x32xf32, #tpu.memory_space<vmem>>
      %dma_wait3A_195 = tpu.memref_squeeze %dma_wait3A_194 : memref<1x128x32xf32, #tpu.memory_space<vmem>> -> memref<128x32xf32, #tpu.memory_space<vmem>>
      %dma_wait3A_196 = arith.constant 0 : i32
      %dma_wait3A_197 = tpu.memref_slice %arg8[%add3A_146, %dma_wait3A_196] : memref<80x128xi32, #tpu.memory_space<vmem>> -> memref<1x128xi32, #tpu.memory_space<vmem>>
      %dma_wait3A_198 = tpu.memref_squeeze %dma_wait3A_197 : memref<1x128xi32, #tpu.memory_space<vmem>> -> memref<128xi32, #tpu.memory_space<vmem>>
      %dma_wait3A_199 = arith.constant 0 : i32
      %dma_wait3A_200 = arith.constant 0 : i32
      %dma_wait3A_201 = tpu.memref_slice %arg12[%dma_wait3A_199, %dma_wait3A_200] : memref<10240x32xf32, #tpu.memory_space<vmem_shared>> -> memref<10240x32xf32, #tpu.memory_space<vmem_shared>>
      tpu.wait_indirect_dma semaphore(%arg11 : memref<!tpu.dma_semaphore, #tpu.memory_space<semaphore_mem>>) src(%dma_wait3A_195 : memref<128x32xf32, #tpu.memory_space<vmem>>) dst(%dma_wait3A_201 : memref<10240x32xf32, #tpu.memory_space<vmem_shared>>)
    }
    %scan3A_7 = arith.constant 20 : i32
    %barrier3A_8 = arith.constant 0 : index
    tpu.barrier barrier_id(%barrier3A_8)
    "tpu.region"() ({
      %run_scoped3A = tpu.sem_alloc : memref<!tpu.dma_semaphore, #tpu.memory_space<semaphore_mem>>
      %dma_start3A = arith.constant 0 : i32
      %dma_start3A_9 = tpu.memref_slice %arg6[%arg0, %mul3A_2, %dma_start3A] : memref<2x10240x32xf32, #tpu.memory_space<hbm>> -> memref<1x640x32xf32, #tpu.memory_space<hbm>>
      %dma_start3A_10 = tpu.memref_squeeze %dma_start3A_9 : memref<1x640x32xf32, #tpu.memory_space<hbm>> -> memref<640x32xf32, #tpu.memory_space<hbm>>
      %dma_start3A_11 = arith.constant 0 : i32
      %dma_start3A_12 = tpu.memref_slice %arg12[%mul3A_2, %dma_start3A_11] : memref<10240x32xf32, #tpu.memory_space<vmem_shared>> -> memref<640x32xf32, #tpu.memory_space<vmem_shared>>
      tpu.enqueue_dma source(%dma_start3A_12 : memref<640x32xf32, #tpu.memory_space<vmem_shared>>) target(%dma_start3A_10 : memref<640x32xf32, #tpu.memory_space<hbm>>) target_semaphore(%run_scoped3A : memref<!tpu.dma_semaphore, #tpu.memory_space<semaphore_mem>>)
      %dma_wait3A = arith.constant 0 : i32
      %dma_wait3A_13 = tpu.memref_slice %arg6[%arg0, %mul3A_2, %dma_wait3A] : memref<2x10240x32xf32, #tpu.memory_space<hbm>> -> memref<1x640x32xf32, #tpu.memory_space<hbm>>
      %dma_wait3A_14 = tpu.memref_squeeze %dma_wait3A_13 : memref<1x640x32xf32, #tpu.memory_space<hbm>> -> memref<640x32xf32, #tpu.memory_space<hbm>>
      %dma_wait3A_15 = arith.constant 0 : i32
      %dma_wait3A_16 = tpu.memref_slice %arg12[%mul3A_2, %dma_wait3A_15] : memref<10240x32xf32, #tpu.memory_space<vmem_shared>> -> memref<640x32xf32, #tpu.memory_space<vmem_shared>>
      tpu.wait_dma2 semaphore(%run_scoped3A : memref<!tpu.dma_semaphore, #tpu.memory_space<semaphore_mem>>) src(%dma_wait3A_16 : memref<640x32xf32, #tpu.memory_space<vmem_shared>>) dst(%dma_wait3A_14 : memref<640x32xf32, #tpu.memory_space<hbm>>)
      tpu.yield
    }) : () -> ()
    return
  }
}

#map = affine_map<(d0, d1) -> (0, 0)>
#map1 = affine_map<(d0, d1) -> (0, 0, 0)>
module attributes {stable_mosaic.version = 14 : i64} {
  func.func @_stage1_body(%arg0: i32, %arg1: i32, %arg2: memref<10240x32xf32, #tpu.memory_space<hbm>>, %arg3: memref<10240x32xf32, #tpu.memory_space<hbm>>, %arg4: memref<32x80x128xi32, #tpu.memory_space<hbm>>, %arg5: memref<32x80x128xi32, #tpu.memory_space<hbm>>, %arg6: memref<2x10240x32xf32, #tpu.memory_space<hbm>>, %arg7: memref<80x128xi32, #tpu.memory_space<vmem>>, %arg8: memref<80x128xi32, #tpu.memory_space<vmem>>, %arg9: memref<4x128x32xf32, #tpu.memory_space<vmem>>, %arg10: memref<!tpu.dma_semaphore, #tpu.memory_space<semaphore_mem>>, %arg11: memref<!tpu.dma_semaphore, #tpu.memory_space<semaphore_mem>>, %arg12: memref<10240x32xf32, #tpu.memory_space<vmem_shared>>) attributes {dimension_semantics = [#tpu.dimension_semantics<core_parallel>, #tpu.dimension_semantics<subcore_parallel>], iteration_bounds = array<i64: 2, 16>, scalar_prefetch = 0 : i64, scratch_operands = 6 : i64, tpu.core_type = #tpu.core_type<sc_vector_subcore>, window_params = [{transform_indices = #map}, {transform_indices = #map}, {transform_indices = #map1}, {transform_indices = #map1}, {transform_indices = #map1}]} {
    %mul3A = arith.constant 16 : i32
    %mul3A_0 = arith.muli %arg0, %mul3A : i32
    %add3A = arith.addi %mul3A_0, %arg1 : i32
    %mul3A_1 = arith.constant 640 : i32
    %mul3A_2 = arith.muli %arg1, %mul3A_1 : i32
    "tpu.region"() ({
      %run_scoped3A = tpu.sem_alloc : memref<!tpu.dma_semaphore, #tpu.memory_space<semaphore_mem>>
      %dma_start3A = arith.constant 0 : i32
      %dma_start3A_9 = tpu.memref_slice %arg12[%mul3A_2, %dma_start3A] : memref<10240x32xf32, #tpu.memory_space<vmem_shared>> -> memref<640x32xf32, #tpu.memory_space<vmem_shared>>
      %dma_start3A_10 = arith.constant 0 : i32
      %dma_start3A_11 = tpu.memref_slice %arg3[%mul3A_2, %dma_start3A_10] : memref<10240x32xf32, #tpu.memory_space<hbm>> -> memref<640x32xf32, #tpu.memory_space<hbm>>
      tpu.enqueue_dma source(%dma_start3A_11 : memref<640x32xf32, #tpu.memory_space<hbm>>) target(%dma_start3A_9 : memref<640x32xf32, #tpu.memory_space<vmem_shared>>) target_semaphore(%run_scoped3A : memref<!tpu.dma_semaphore, #tpu.memory_space<semaphore_mem>>)
      %dma_wait3A = arith.constant 0 : i32
      %dma_wait3A_12 = tpu.memref_slice %arg12[%mul3A_2, %dma_wait3A] : memref<10240x32xf32, #tpu.memory_space<vmem_shared>> -> memref<640x32xf32, #tpu.memory_space<vmem_shared>>
      %dma_wait3A_13 = arith.constant 0 : i32
      %dma_wait3A_14 = tpu.memref_slice %arg3[%mul3A_2, %dma_wait3A_13] : memref<10240x32xf32, #tpu.memory_space<hbm>> -> memref<640x32xf32, #tpu.memory_space<hbm>>
      tpu.wait_dma2 semaphore(%run_scoped3A : memref<!tpu.dma_semaphore, #tpu.memory_space<semaphore_mem>>) src(%dma_wait3A_14 : memref<640x32xf32, #tpu.memory_space<hbm>>) dst(%dma_wait3A_12 : memref<640x32xf32, #tpu.memory_space<vmem_shared>>)
      tpu.yield
    }) : () -> ()
    "tpu.region"() ({
      %run_scoped3A = tpu.sem_alloc : memref<!tpu.dma_semaphore, #tpu.memory_space<semaphore_mem>>
      %dma_start3A = arith.constant 0 : i32
      %dma_start3A_9 = arith.constant 0 : i32
      %dma_start3A_10 = tpu.memref_slice %arg4[%add3A, %dma_start3A, %dma_start3A_9] : memref<32x80x128xi32, #tpu.memory_space<hbm>> -> memref<1x80x128xi32, #tpu.memory_space<hbm>>
      %dma_start3A_11 = tpu.memref_squeeze %dma_start3A_10 : memref<1x80x128xi32, #tpu.memory_space<hbm>> -> memref<80x128xi32, #tpu.memory_space<hbm>>
      %dma_start3A_12 = arith.constant 0 : i32
      %dma_start3A_13 = arith.constant 0 : i32
      %dma_start3A_14 = tpu.memref_slice %arg4[%add3A, %dma_start3A_12, %dma_start3A_13] : memref<32x80x128xi32, #tpu.memory_space<hbm>> -> memref<1x80x128xi32, #tpu.memory_space<hbm>>
      %dma_start3A_15 = tpu.memref_squeeze %dma_start3A_14 : memref<1x80x128xi32, #tpu.memory_space<hbm>> -> memref<80x128xi32, #tpu.memory_space<hbm>>
      tpu.enqueue_dma source(%dma_start3A_15 : memref<80x128xi32, #tpu.memory_space<hbm>>) target(%arg7 : memref<80x128xi32, #tpu.memory_space<vmem>>) target_semaphore(%run_scoped3A : memref<!tpu.dma_semaphore, #tpu.memory_space<semaphore_mem>>)
      %dma_wait3A = arith.constant 0 : i32
      %dma_wait3A_16 = arith.constant 0 : i32
      %dma_wait3A_17 = tpu.memref_slice %arg4[%add3A, %dma_wait3A, %dma_wait3A_16] : memref<32x80x128xi32, #tpu.memory_space<hbm>> -> memref<1x80x128xi32, #tpu.memory_space<hbm>>
      %dma_wait3A_18 = tpu.memref_squeeze %dma_wait3A_17 : memref<1x80x128xi32, #tpu.memory_space<hbm>> -> memref<80x128xi32, #tpu.memory_space<hbm>>
      %dma_wait3A_19 = arith.constant 0 : i32
      %dma_wait3A_20 = arith.constant 0 : i32
      %dma_wait3A_21 = tpu.memref_slice %arg4[%add3A, %dma_wait3A_19, %dma_wait3A_20] : memref<32x80x128xi32, #tpu.memory_space<hbm>> -> memref<1x80x128xi32, #tpu.memory_space<hbm>>
      %dma_wait3A_22 = tpu.memref_squeeze %dma_wait3A_21 : memref<1x80x128xi32, #tpu.memory_space<hbm>> -> memref<80x128xi32, #tpu.memory_space<hbm>>
      tpu.wait_dma2 semaphore(%run_scoped3A : memref<!tpu.dma_semaphore, #tpu.memory_space<semaphore_mem>>) src(%dma_wait3A_22 : memref<80x128xi32, #tpu.memory_space<hbm>>) dst(%arg7 : memref<80x128xi32, #tpu.memory_space<vmem>>)
      tpu.yield
    }) : () -> ()
    "tpu.region"() ({
      %run_scoped3A = tpu.sem_alloc : memref<!tpu.dma_semaphore, #tpu.memory_space<semaphore_mem>>
      %dma_start3A = arith.constant 0 : i32
      %dma_start3A_9 = arith.constant 0 : i32
      %dma_start3A_10 = tpu.memref_slice %arg5[%add3A, %dma_start3A, %dma_start3A_9] : memref<32x80x128xi32, #tpu.memory_space<hbm>> -> memref<1x80x128xi32, #tpu.memory_space<hbm>>
      %dma_start3A_11 = tpu.memref_squeeze %dma_start3A_10 : memref<1x80x128xi32, #tpu.memory_space<hbm>> -> memref<80x128xi32, #tpu.memory_space<hbm>>
      %dma_start3A_12 = arith.constant 0 : i32
      %dma_start3A_13 = arith.constant 0 : i32
      %dma_start3A_14 = tpu.memref_slice %arg5[%add3A, %dma_start3A_12, %dma_start3A_13] : memref<32x80x128xi32, #tpu.memory_space<hbm>> -> memref<1x80x128xi32, #tpu.memory_space<hbm>>
      %dma_start3A_15 = tpu.memref_squeeze %dma_start3A_14 : memref<1x80x128xi32, #tpu.memory_space<hbm>> -> memref<80x128xi32, #tpu.memory_space<hbm>>
      tpu.enqueue_dma source(%dma_start3A_15 : memref<80x128xi32, #tpu.memory_space<hbm>>) target(%arg8 : memref<80x128xi32, #tpu.memory_space<vmem>>) target_semaphore(%run_scoped3A : memref<!tpu.dma_semaphore, #tpu.memory_space<semaphore_mem>>)
      %dma_wait3A = arith.constant 0 : i32
      %dma_wait3A_16 = arith.constant 0 : i32
      %dma_wait3A_17 = tpu.memref_slice %arg5[%add3A, %dma_wait3A, %dma_wait3A_16] : memref<32x80x128xi32, #tpu.memory_space<hbm>> -> memref<1x80x128xi32, #tpu.memory_space<hbm>>
      %dma_wait3A_18 = tpu.memref_squeeze %dma_wait3A_17 : memref<1x80x128xi32, #tpu.memory_space<hbm>> -> memref<80x128xi32, #tpu.memory_space<hbm>>
      %dma_wait3A_19 = arith.constant 0 : i32
      %dma_wait3A_20 = arith.constant 0 : i32
      %dma_wait3A_21 = tpu.memref_slice %arg5[%add3A, %dma_wait3A_19, %dma_wait3A_20] : memref<32x80x128xi32, #tpu.memory_space<hbm>> -> memref<1x80x128xi32, #tpu.memory_space<hbm>>
      %dma_wait3A_22 = tpu.memref_squeeze %dma_wait3A_21 : memref<1x80x128xi32, #tpu.memory_space<hbm>> -> memref<80x128xi32, #tpu.memory_space<hbm>>
      tpu.wait_dma2 semaphore(%run_scoped3A : memref<!tpu.dma_semaphore, #tpu.memory_space<semaphore_mem>>) src(%dma_wait3A_22 : memref<80x128xi32, #tpu.memory_space<hbm>>) dst(%arg8 : memref<80x128xi32, #tpu.memory_space<vmem>>)
      tpu.yield
    }) : () -> ()
    %barrier3A = arith.constant 0 : index
    tpu.barrier barrier_id(%barrier3A)
    %scan3A = arith.constant 0 : i32
    %scan3A_3 = arith.constant 0 : i32
    %scan3A_4 = arith.constant 20 : i32
    %scan3A_5 = arith.addi %scan3A_3, %scan3A_4 : i32
    %scan3A_6 = arith.constant 1 : i32
    scf.for %scan3A_9 = %scan3A_3 to %scan3A_5 step %scan3A_6  : i32 {
      %mul3A_10 = arith.constant 4 : i32
      %mul3A_11 = arith.muli %scan3A_9, %mul3A_10 : i32
      %add3A_12 = arith.constant 0 : i32
      %add3A_13 = arith.addi %mul3A_11, %add3A_12 : i32
      %dma_start3A = arith.constant 0 : i32
      %dma_start3A_14 = arith.constant 0 : i32
      %dma_start3A_15 = arith.constant 0 : i32
      %dma_start3A_16 = tpu.memref_slice %arg9[%dma_start3A, %dma_start3A_14, %dma_start3A_15] : memref<4x128x32xf32, #tpu.memory_space<vmem>> -> memref<1x128x32xf32, #tpu.memory_space<vmem>>
      %dma_start3A_17 = tpu.memref_squeeze %dma_start3A_16 : memref<1x128x32xf32, #tpu.memory_space<vmem>> -> memref<128x32xf32, #tpu.memory_space<vmem>>
      %dma_start3A_18 = arith.constant 0 : i32
      %dma_start3A_19 = tpu.memref_slice %arg7[%add3A_13, %dma_start3A_18] : memref<80x128xi32, #tpu.memory_space<vmem>> -> memref<1x128xi32, #tpu.memory_space<vmem>>
      %dma_start3A_20 = tpu.memref_squeeze %dma_start3A_19 : memref<1x128xi32, #tpu.memory_space<vmem>> -> memref<128xi32, #tpu.memory_space<vmem>>
      %dma_start3A_21 = arith.constant 0 : i32
      %dma_start3A_22 = arith.constant 0 : i32
      %dma_start3A_23 = tpu.memref_slice %arg2[%dma_start3A_21, %dma_start3A_22] : memref<10240x32xf32, #tpu.memory_space<hbm>> -> memref<10240x32xf32, #tpu.memory_space<hbm>>
      tpu.enqueue_indirect_dma source(%dma_start3A_23 : memref<10240x32xf32, #tpu.memory_space<hbm>>) target(%dma_start3A_17 : memref<128x32xf32, #tpu.memory_space<vmem>>) offsets(%dma_start3A_20 : memref<128xi32, #tpu.memory_space<vmem>>) semaphore(%arg10 : memref<!tpu.dma_semaphore, #tpu.memory_space<semaphore_mem>>)
      %add3A_24 = arith.constant 1 : i32
      %add3A_25 = arith.addi %mul3A_11, %add3A_24 : i32
      %dma_start3A_26 = arith.constant 1 : i32
      %dma_start3A_27 = arith.constant 0 : i32
      %dma_start3A_28 = arith.constant 0 : i32
      %dma_start3A_29 = tpu.memref_slice %arg9[%dma_start3A_26, %dma_start3A_27, %dma_start3A_28] : memref<4x128x32xf32, #tpu.memory_space<vmem>> -> memref<1x128x32xf32, #tpu.memory_space<vmem>>
      %dma_start3A_30 = tpu.memref_squeeze %dma_start3A_29 : memref<1x128x32xf32, #tpu.memory_space<vmem>> -> memref<128x32xf32, #tpu.memory_space<vmem>>
      %dma_start3A_31 = arith.constant 0 : i32
      %dma_start3A_32 = tpu.memref_slice %arg7[%add3A_25, %dma_start3A_31] : memref<80x128xi32, #tpu.memory_space<vmem>> -> memref<1x128xi32, #tpu.memory_space<vmem>>
      %dma_start3A_33 = tpu.memref_squeeze %dma_start3A_32 : memref<1x128xi32, #tpu.memory_space<vmem>> -> memref<128xi32, #tpu.memory_space<vmem>>
      %dma_start3A_34 = arith.constant 0 : i32
      %dma_start3A_35 = arith.constant 0 : i32
      %dma_start3A_36 = tpu.memref_slice %arg2[%dma_start3A_34, %dma_start3A_35] : memref<10240x32xf32, #tpu.memory_space<hbm>> -> memref<10240x32xf32, #tpu.memory_space<hbm>>
      tpu.enqueue_indirect_dma source(%dma_start3A_36 : memref<10240x32xf32, #tpu.memory_space<hbm>>) target(%dma_start3A_30 : memref<128x32xf32, #tpu.memory_space<vmem>>) offsets(%dma_start3A_33 : memref<128xi32, #tpu.memory_space<vmem>>) semaphore(%arg10 : memref<!tpu.dma_semaphore, #tpu.memory_space<semaphore_mem>>)
      %add3A_37 = arith.constant 2 : i32
      %add3A_38 = arith.addi %mul3A_11, %add3A_37 : i32
      %dma_start3A_39 = arith.constant 2 : i32
      %dma_start3A_40 = arith.constant 0 : i32
      %dma_start3A_41 = arith.constant 0 : i32
      %dma_start3A_42 = tpu.memref_slice %arg9[%dma_start3A_39, %dma_start3A_40, %dma_start3A_41] : memref<4x128x32xf32, #tpu.memory_space<vmem>> -> memref<1x128x32xf32, #tpu.memory_space<vmem>>
      %dma_start3A_43 = tpu.memref_squeeze %dma_start3A_42 : memref<1x128x32xf32, #tpu.memory_space<vmem>> -> memref<128x32xf32, #tpu.memory_space<vmem>>
      %dma_start3A_44 = arith.constant 0 : i32
      %dma_start3A_45 = tpu.memref_slice %arg7[%add3A_38, %dma_start3A_44] : memref<80x128xi32, #tpu.memory_space<vmem>> -> memref<1x128xi32, #tpu.memory_space<vmem>>
      %dma_start3A_46 = tpu.memref_squeeze %dma_start3A_45 : memref<1x128xi32, #tpu.memory_space<vmem>> -> memref<128xi32, #tpu.memory_space<vmem>>
      %dma_start3A_47 = arith.constant 0 : i32
      %dma_start3A_48 = arith.constant 0 : i32
      %dma_start3A_49 = tpu.memref_slice %arg2[%dma_start3A_47, %dma_start3A_48] : memref<10240x32xf32, #tpu.memory_space<hbm>> -> memref<10240x32xf32, #tpu.memory_space<hbm>>
      tpu.enqueue_indirect_dma source(%dma_start3A_49 : memref<10240x32xf32, #tpu.memory_space<hbm>>) target(%dma_start3A_43 : memref<128x32xf32, #tpu.memory_space<vmem>>) offsets(%dma_start3A_46 : memref<128xi32, #tpu.memory_space<vmem>>) semaphore(%arg10 : memref<!tpu.dma_semaphore, #tpu.memory_space<semaphore_mem>>)
      %add3A_50 = arith.constant 3 : i32
      %add3A_51 = arith.addi %mul3A_11, %add3A_50 : i32
      %dma_start3A_52 = arith.constant 3 : i32
      %dma_start3A_53 = arith.constant 0 : i32
      %dma_start3A_54 = arith.constant 0 : i32
      %dma_start3A_55 = tpu.memref_slice %arg9[%dma_start3A_52, %dma_start3A_53, %dma_start3A_54] : memref<4x128x32xf32, #tpu.memory_space<vmem>> -> memref<1x128x32xf32, #tpu.memory_space<vmem>>
      %dma_start3A_56 = tpu.memref_squeeze %dma_start3A_55 : memref<1x128x32xf32, #tpu.memory_space<vmem>> -> memref<128x32xf32, #tpu.memory_space<vmem>>
      %dma_start3A_57 = arith.constant 0 : i32
      %dma_start3A_58 = tpu.memref_slice %arg7[%add3A_51, %dma_start3A_57] : memref<80x128xi32, #tpu.memory_space<vmem>> -> memref<1x128xi32, #tpu.memory_space<vmem>>
      %dma_start3A_59 = tpu.memref_squeeze %dma_start3A_58 : memref<1x128xi32, #tpu.memory_space<vmem>> -> memref<128xi32, #tpu.memory_space<vmem>>
      %dma_start3A_60 = arith.constant 0 : i32
      %dma_start3A_61 = arith.constant 0 : i32
      %dma_start3A_62 = tpu.memref_slice %arg2[%dma_start3A_60, %dma_start3A_61] : memref<10240x32xf32, #tpu.memory_space<hbm>> -> memref<10240x32xf32, #tpu.memory_space<hbm>>
      tpu.enqueue_indirect_dma source(%dma_start3A_62 : memref<10240x32xf32, #tpu.memory_space<hbm>>) target(%dma_start3A_56 : memref<128x32xf32, #tpu.memory_space<vmem>>) offsets(%dma_start3A_59 : memref<128xi32, #tpu.memory_space<vmem>>) semaphore(%arg10 : memref<!tpu.dma_semaphore, #tpu.memory_space<semaphore_mem>>)
      %dma_wait3A = arith.constant 0 : i32
      %dma_wait3A_63 = arith.constant 0 : i32
      %dma_wait3A_64 = arith.constant 0 : i32
      %dma_wait3A_65 = tpu.memref_slice %arg9[%dma_wait3A, %dma_wait3A_63, %dma_wait3A_64] : memref<4x128x32xf32, #tpu.memory_space<vmem>> -> memref<1x128x32xf32, #tpu.memory_space<vmem>>
      %dma_wait3A_66 = tpu.memref_squeeze %dma_wait3A_65 : memref<1x128x32xf32, #tpu.memory_space<vmem>> -> memref<128x32xf32, #tpu.memory_space<vmem>>
      %dma_wait3A_67 = arith.constant 0 : i32
      %dma_wait3A_68 = tpu.memref_slice %arg7[%add3A_13, %dma_wait3A_67] : memref<80x128xi32, #tpu.memory_space<vmem>> -> memref<1x128xi32, #tpu.memory_space<vmem>>
      %dma_wait3A_69 = tpu.memref_squeeze %dma_wait3A_68 : memref<1x128xi32, #tpu.memory_space<vmem>> -> memref<128xi32, #tpu.memory_space<vmem>>
      %dma_wait3A_70 = arith.constant 0 : i32
      %dma_wait3A_71 = arith.constant 0 : i32
      %dma_wait3A_72 = tpu.memref_slice %arg2[%dma_wait3A_70, %dma_wait3A_71] : memref<10240x32xf32, #tpu.memory_space<hbm>> -> memref<10240x32xf32, #tpu.memory_space<hbm>>
      tpu.wait_indirect_dma semaphore(%arg10 : memref<!tpu.dma_semaphore, #tpu.memory_space<semaphore_mem>>) src(%dma_wait3A_72 : memref<10240x32xf32, #tpu.memory_space<hbm>>) dst(%dma_wait3A_66 : memref<128x32xf32, #tpu.memory_space<vmem>>)
      %dma_wait3A_73 = arith.constant 1 : i32
      %dma_wait3A_74 = arith.constant 0 : i32
      %dma_wait3A_75 = arith.constant 0 : i32
      %dma_wait3A_76 = tpu.memref_slice %arg9[%dma_wait3A_73, %dma_wait3A_74, %dma_wait3A_75] : memref<4x128x32xf32, #tpu.memory_space<vmem>> -> memref<1x128x32xf32, #tpu.memory_space<vmem>>
      %dma_wait3A_77 = tpu.memref_squeeze %dma_wait3A_76 : memref<1x128x32xf32, #tpu.memory_space<vmem>> -> memref<128x32xf32, #tpu.memory_space<vmem>>
      %dma_wait3A_78 = arith.constant 0 : i32
      %dma_wait3A_79 = tpu.memref_slice %arg7[%add3A_25, %dma_wait3A_78] : memref<80x128xi32, #tpu.memory_space<vmem>> -> memref<1x128xi32, #tpu.memory_space<vmem>>
      %dma_wait3A_80 = tpu.memref_squeeze %dma_wait3A_79 : memref<1x128xi32, #tpu.memory_space<vmem>> -> memref<128xi32, #tpu.memory_space<vmem>>
      %dma_wait3A_81 = arith.constant 0 : i32
      %dma_wait3A_82 = arith.constant 0 : i32
      %dma_wait3A_83 = tpu.memref_slice %arg2[%dma_wait3A_81, %dma_wait3A_82] : memref<10240x32xf32, #tpu.memory_space<hbm>> -> memref<10240x32xf32, #tpu.memory_space<hbm>>
      tpu.wait_indirect_dma semaphore(%arg10 : memref<!tpu.dma_semaphore, #tpu.memory_space<semaphore_mem>>) src(%dma_wait3A_83 : memref<10240x32xf32, #tpu.memory_space<hbm>>) dst(%dma_wait3A_77 : memref<128x32xf32, #tpu.memory_space<vmem>>)
      %dma_wait3A_84 = arith.constant 2 : i32
      %dma_wait3A_85 = arith.constant 0 : i32
      %dma_wait3A_86 = arith.constant 0 : i32
      %dma_wait3A_87 = tpu.memref_slice %arg9[%dma_wait3A_84, %dma_wait3A_85, %dma_wait3A_86] : memref<4x128x32xf32, #tpu.memory_space<vmem>> -> memref<1x128x32xf32, #tpu.memory_space<vmem>>
      %dma_wait3A_88 = tpu.memref_squeeze %dma_wait3A_87 : memref<1x128x32xf32, #tpu.memory_space<vmem>> -> memref<128x32xf32, #tpu.memory_space<vmem>>
      %dma_wait3A_89 = arith.constant 0 : i32
      %dma_wait3A_90 = tpu.memref_slice %arg7[%add3A_38, %dma_wait3A_89] : memref<80x128xi32, #tpu.memory_space<vmem>> -> memref<1x128xi32, #tpu.memory_space<vmem>>
      %dma_wait3A_91 = tpu.memref_squeeze %dma_wait3A_90 : memref<1x128xi32, #tpu.memory_space<vmem>> -> memref<128xi32, #tpu.memory_space<vmem>>
      %dma_wait3A_92 = arith.constant 0 : i32
      %dma_wait3A_93 = arith.constant 0 : i32
      %dma_wait3A_94 = tpu.memref_slice %arg2[%dma_wait3A_92, %dma_wait3A_93] : memref<10240x32xf32, #tpu.memory_space<hbm>> -> memref<10240x32xf32, #tpu.memory_space<hbm>>
      tpu.wait_indirect_dma semaphore(%arg10 : memref<!tpu.dma_semaphore, #tpu.memory_space<semaphore_mem>>) src(%dma_wait3A_94 : memref<10240x32xf32, #tpu.memory_space<hbm>>) dst(%dma_wait3A_88 : memref<128x32xf32, #tpu.memory_space<vmem>>)
      %dma_wait3A_95 = arith.constant 3 : i32
      %dma_wait3A_96 = arith.constant 0 : i32
      %dma_wait3A_97 = arith.constant 0 : i32
      %dma_wait3A_98 = tpu.memref_slice %arg9[%dma_wait3A_95, %dma_wait3A_96, %dma_wait3A_97] : memref<4x128x32xf32, #tpu.memory_space<vmem>> -> memref<1x128x32xf32, #tpu.memory_space<vmem>>
      %dma_wait3A_99 = tpu.memref_squeeze %dma_wait3A_98 : memref<1x128x32xf32, #tpu.memory_space<vmem>> -> memref<128x32xf32, #tpu.memory_space<vmem>>
      %dma_wait3A_100 = arith.constant 0 : i32
      %dma_wait3A_101 = tpu.memref_slice %arg7[%add3A_51, %dma_wait3A_100] : memref<80x128xi32, #tpu.memory_space<vmem>> -> memref<1x128xi32, #tpu.memory_space<vmem>>
      %dma_wait3A_102 = tpu.memref_squeeze %dma_wait3A_101 : memref<1x128xi32, #tpu.memory_space<vmem>> -> memref<128xi32, #tpu.memory_space<vmem>>
      %dma_wait3A_103 = arith.constant 0 : i32
      %dma_wait3A_104 = arith.constant 0 : i32
      %dma_wait3A_105 = tpu.memref_slice %arg2[%dma_wait3A_103, %dma_wait3A_104] : memref<10240x32xf32, #tpu.memory_space<hbm>> -> memref<10240x32xf32, #tpu.memory_space<hbm>>
      tpu.wait_indirect_dma semaphore(%arg10 : memref<!tpu.dma_semaphore, #tpu.memory_space<semaphore_mem>>) src(%dma_wait3A_105 : memref<10240x32xf32, #tpu.memory_space<hbm>>) dst(%dma_wait3A_99 : memref<128x32xf32, #tpu.memory_space<vmem>>)
      %add3A_106 = arith.constant 0 : i32
      %add3A_107 = arith.addi %mul3A_11, %add3A_106 : i32
      %dma_start3A_108 = arith.constant 0 : i32
      %dma_start3A_109 = arith.constant 0 : i32
      %dma_start3A_110 = arith.constant 0 : i32
      %dma_start3A_111 = tpu.memref_slice %arg9[%dma_start3A_108, %dma_start3A_109, %dma_start3A_110] : memref<4x128x32xf32, #tpu.memory_space<vmem>> -> memref<1x128x32xf32, #tpu.memory_space<vmem>>
      %dma_start3A_112 = tpu.memref_squeeze %dma_start3A_111 : memref<1x128x32xf32, #tpu.memory_space<vmem>> -> memref<128x32xf32, #tpu.memory_space<vmem>>
      %dma_start3A_113 = arith.constant 0 : i32
      %dma_start3A_114 = tpu.memref_slice %arg8[%add3A_107, %dma_start3A_113] : memref<80x128xi32, #tpu.memory_space<vmem>> -> memref<1x128xi32, #tpu.memory_space<vmem>>
      %dma_start3A_115 = tpu.memref_squeeze %dma_start3A_114 : memref<1x128xi32, #tpu.memory_space<vmem>> -> memref<128xi32, #tpu.memory_space<vmem>>
      %dma_start3A_116 = arith.constant 0 : i32
      %dma_start3A_117 = arith.constant 0 : i32
      %dma_start3A_118 = tpu.memref_slice %arg12[%dma_start3A_116, %dma_start3A_117] : memref<10240x32xf32, #tpu.memory_space<vmem_shared>> -> memref<10240x32xf32, #tpu.memory_space<vmem_shared>>
      tpu.enqueue_indirect_dma source(%dma_start3A_112 : memref<128x32xf32, #tpu.memory_space<vmem>>) target(%dma_start3A_118 : memref<10240x32xf32, #tpu.memory_space<vmem_shared>>) offsets(%dma_start3A_115 : memref<128xi32, #tpu.memory_space<vmem>>) semaphore(%arg11 : memref<!tpu.dma_semaphore, #tpu.memory_space<semaphore_mem>>) {add = true}
      %add3A_119 = arith.constant 1 : i32
      %add3A_120 = arith.addi %mul3A_11, %add3A_119 : i32
      %dma_start3A_121 = arith.constant 1 : i32
      %dma_start3A_122 = arith.constant 0 : i32
      %dma_start3A_123 = arith.constant 0 : i32
      %dma_start3A_124 = tpu.memref_slice %arg9[%dma_start3A_121, %dma_start3A_122, %dma_start3A_123] : memref<4x128x32xf32, #tpu.memory_space<vmem>> -> memref<1x128x32xf32, #tpu.memory_space<vmem>>
      %dma_start3A_125 = tpu.memref_squeeze %dma_start3A_124 : memref<1x128x32xf32, #tpu.memory_space<vmem>> -> memref<128x32xf32, #tpu.memory_space<vmem>>
      %dma_start3A_126 = arith.constant 0 : i32
      %dma_start3A_127 = tpu.memref_slice %arg8[%add3A_120, %dma_start3A_126] : memref<80x128xi32, #tpu.memory_space<vmem>> -> memref<1x128xi32, #tpu.memory_space<vmem>>
      %dma_start3A_128 = tpu.memref_squeeze %dma_start3A_127 : memref<1x128xi32, #tpu.memory_space<vmem>> -> memref<128xi32, #tpu.memory_space<vmem>>
      %dma_start3A_129 = arith.constant 0 : i32
      %dma_start3A_130 = arith.constant 0 : i32
      %dma_start3A_131 = tpu.memref_slice %arg12[%dma_start3A_129, %dma_start3A_130] : memref<10240x32xf32, #tpu.memory_space<vmem_shared>> -> memref<10240x32xf32, #tpu.memory_space<vmem_shared>>
      tpu.enqueue_indirect_dma source(%dma_start3A_125 : memref<128x32xf32, #tpu.memory_space<vmem>>) target(%dma_start3A_131 : memref<10240x32xf32, #tpu.memory_space<vmem_shared>>) offsets(%dma_start3A_128 : memref<128xi32, #tpu.memory_space<vmem>>) semaphore(%arg11 : memref<!tpu.dma_semaphore, #tpu.memory_space<semaphore_mem>>) {add = true}
      %add3A_132 = arith.constant 2 : i32
      %add3A_133 = arith.addi %mul3A_11, %add3A_132 : i32
      %dma_start3A_134 = arith.constant 2 : i32
      %dma_start3A_135 = arith.constant 0 : i32
      %dma_start3A_136 = arith.constant 0 : i32
      %dma_start3A_137 = tpu.memref_slice %arg9[%dma_start3A_134, %dma_start3A_135, %dma_start3A_136] : memref<4x128x32xf32, #tpu.memory_space<vmem>> -> memref<1x128x32xf32, #tpu.memory_space<vmem>>
      %dma_start3A_138 = tpu.memref_squeeze %dma_start3A_137 : memref<1x128x32xf32, #tpu.memory_space<vmem>> -> memref<128x32xf32, #tpu.memory_space<vmem>>
      %dma_start3A_139 = arith.constant 0 : i32
      %dma_start3A_140 = tpu.memref_slice %arg8[%add3A_133, %dma_start3A_139] : memref<80x128xi32, #tpu.memory_space<vmem>> -> memref<1x128xi32, #tpu.memory_space<vmem>>
      %dma_start3A_141 = tpu.memref_squeeze %dma_start3A_140 : memref<1x128xi32, #tpu.memory_space<vmem>> -> memref<128xi32, #tpu.memory_space<vmem>>
      %dma_start3A_142 = arith.constant 0 : i32
      %dma_start3A_143 = arith.constant 0 : i32
      %dma_start3A_144 = tpu.memref_slice %arg12[%dma_start3A_142, %dma_start3A_143] : memref<10240x32xf32, #tpu.memory_space<vmem_shared>> -> memref<10240x32xf32, #tpu.memory_space<vmem_shared>>
      tpu.enqueue_indirect_dma source(%dma_start3A_138 : memref<128x32xf32, #tpu.memory_space<vmem>>) target(%dma_start3A_144 : memref<10240x32xf32, #tpu.memory_space<vmem_shared>>) offsets(%dma_start3A_141 : memref<128xi32, #tpu.memory_space<vmem>>) semaphore(%arg11 : memref<!tpu.dma_semaphore, #tpu.memory_space<semaphore_mem>>) {add = true}
      %add3A_145 = arith.constant 3 : i32
      %add3A_146 = arith.addi %mul3A_11, %add3A_145 : i32
      %dma_start3A_147 = arith.constant 3 : i32
      %dma_start3A_148 = arith.constant 0 : i32
      %dma_start3A_149 = arith.constant 0 : i32
      %dma_start3A_150 = tpu.memref_slice %arg9[%dma_start3A_147, %dma_start3A_148, %dma_start3A_149] : memref<4x128x32xf32, #tpu.memory_space<vmem>> -> memref<1x128x32xf32, #tpu.memory_space<vmem>>
      %dma_start3A_151 = tpu.memref_squeeze %dma_start3A_150 : memref<1x128x32xf32, #tpu.memory_space<vmem>> -> memref<128x32xf32, #tpu.memory_space<vmem>>
      %dma_start3A_152 = arith.constant 0 : i32
      %dma_start3A_153 = tpu.memref_slice %arg8[%add3A_146, %dma_start3A_152] : memref<80x128xi32, #tpu.memory_space<vmem>> -> memref<1x128xi32, #tpu.memory_space<vmem>>
      %dma_start3A_154 = tpu.memref_squeeze %dma_start3A_153 : memref<1x128xi32, #tpu.memory_space<vmem>> -> memref<128xi32, #tpu.memory_space<vmem>>
      %dma_start3A_155 = arith.constant 0 : i32
      %dma_start3A_156 = arith.constant 0 : i32
      %dma_start3A_157 = tpu.memref_slice %arg12[%dma_start3A_155, %dma_start3A_156] : memref<10240x32xf32, #tpu.memory_space<vmem_shared>> -> memref<10240x32xf32, #tpu.memory_space<vmem_shared>>
      tpu.enqueue_indirect_dma source(%dma_start3A_151 : memref<128x32xf32, #tpu.memory_space<vmem>>) target(%dma_start3A_157 : memref<10240x32xf32, #tpu.memory_space<vmem_shared>>) offsets(%dma_start3A_154 : memref<128xi32, #tpu.memory_space<vmem>>) semaphore(%arg11 : memref<!tpu.dma_semaphore, #tpu.memory_space<semaphore_mem>>) {add = true}
      %dma_wait3A_158 = arith.constant 0 : i32
      %dma_wait3A_159 = arith.constant 0 : i32
      %dma_wait3A_160 = arith.constant 0 : i32
      %dma_wait3A_161 = tpu.memref_slice %arg9[%dma_wait3A_158, %dma_wait3A_159, %dma_wait3A_160] : memref<4x128x32xf32, #tpu.memory_space<vmem>> -> memref<1x128x32xf32, #tpu.memory_space<vmem>>
      %dma_wait3A_162 = tpu.memref_squeeze %dma_wait3A_161 : memref<1x128x32xf32, #tpu.memory_space<vmem>> -> memref<128x32xf32, #tpu.memory_space<vmem>>
      %dma_wait3A_163 = arith.constant 0 : i32
      %dma_wait3A_164 = tpu.memref_slice %arg8[%add3A_107, %dma_wait3A_163] : memref<80x128xi32, #tpu.memory_space<vmem>> -> memref<1x128xi32, #tpu.memory_space<vmem>>
      %dma_wait3A_165 = tpu.memref_squeeze %dma_wait3A_164 : memref<1x128xi32, #tpu.memory_space<vmem>> -> memref<128xi32, #tpu.memory_space<vmem>>
      %dma_wait3A_166 = arith.constant 0 : i32
      %dma_wait3A_167 = arith.constant 0 : i32
      %dma_wait3A_168 = tpu.memref_slice %arg12[%dma_wait3A_166, %dma_wait3A_167] : memref<10240x32xf32, #tpu.memory_space<vmem_shared>> -> memref<10240x32xf32, #tpu.memory_space<vmem_shared>>
      tpu.wait_indirect_dma semaphore(%arg11 : memref<!tpu.dma_semaphore, #tpu.memory_space<semaphore_mem>>) src(%dma_wait3A_162 : memref<128x32xf32, #tpu.memory_space<vmem>>) dst(%dma_wait3A_168 : memref<10240x32xf32, #tpu.memory_space<vmem_shared>>)
      %dma_wait3A_169 = arith.constant 1 : i32
      %dma_wait3A_170 = arith.constant 0 : i32
      %dma_wait3A_171 = arith.constant 0 : i32
      %dma_wait3A_172 = tpu.memref_slice %arg9[%dma_wait3A_169, %dma_wait3A_170, %dma_wait3A_171] : memref<4x128x32xf32, #tpu.memory_space<vmem>> -> memref<1x128x32xf32, #tpu.memory_space<vmem>>
      %dma_wait3A_173 = tpu.memref_squeeze %dma_wait3A_172 : memref<1x128x32xf32, #tpu.memory_space<vmem>> -> memref<128x32xf32, #tpu.memory_space<vmem>>
      %dma_wait3A_174 = arith.constant 0 : i32
      %dma_wait3A_175 = tpu.memref_slice %arg8[%add3A_120, %dma_wait3A_174] : memref<80x128xi32, #tpu.memory_space<vmem>> -> memref<1x128xi32, #tpu.memory_space<vmem>>
      %dma_wait3A_176 = tpu.memref_squeeze %dma_wait3A_175 : memref<1x128xi32, #tpu.memory_space<vmem>> -> memref<128xi32, #tpu.memory_space<vmem>>
      %dma_wait3A_177 = arith.constant 0 : i32
      %dma_wait3A_178 = arith.constant 0 : i32
      %dma_wait3A_179 = tpu.memref_slice %arg12[%dma_wait3A_177, %dma_wait3A_178] : memref<10240x32xf32, #tpu.memory_space<vmem_shared>> -> memref<10240x32xf32, #tpu.memory_space<vmem_shared>>
      tpu.wait_indirect_dma semaphore(%arg11 : memref<!tpu.dma_semaphore, #tpu.memory_space<semaphore_mem>>) src(%dma_wait3A_173 : memref<128x32xf32, #tpu.memory_space<vmem>>) dst(%dma_wait3A_179 : memref<10240x32xf32, #tpu.memory_space<vmem_shared>>)
      %dma_wait3A_180 = arith.constant 2 : i32
      %dma_wait3A_181 = arith.constant 0 : i32
      %dma_wait3A_182 = arith.constant 0 : i32
      %dma_wait3A_183 = tpu.memref_slice %arg9[%dma_wait3A_180, %dma_wait3A_181, %dma_wait3A_182] : memref<4x128x32xf32, #tpu.memory_space<vmem>> -> memref<1x128x32xf32, #tpu.memory_space<vmem>>
      %dma_wait3A_184 = tpu.memref_squeeze %dma_wait3A_183 : memref<1x128x32xf32, #tpu.memory_space<vmem>> -> memref<128x32xf32, #tpu.memory_space<vmem>>
      %dma_wait3A_185 = arith.constant 0 : i32
      %dma_wait3A_186 = tpu.memref_slice %arg8[%add3A_133, %dma_wait3A_185] : memref<80x128xi32, #tpu.memory_space<vmem>> -> memref<1x128xi32, #tpu.memory_space<vmem>>
      %dma_wait3A_187 = tpu.memref_squeeze %dma_wait3A_186 : memref<1x128xi32, #tpu.memory_space<vmem>> -> memref<128xi32, #tpu.memory_space<vmem>>
      %dma_wait3A_188 = arith.constant 0 : i32
      %dma_wait3A_189 = arith.constant 0 : i32
      %dma_wait3A_190 = tpu.memref_slice %arg12[%dma_wait3A_188, %dma_wait3A_189] : memref<10240x32xf32, #tpu.memory_space<vmem_shared>> -> memref<10240x32xf32, #tpu.memory_space<vmem_shared>>
      tpu.wait_indirect_dma semaphore(%arg11 : memref<!tpu.dma_semaphore, #tpu.memory_space<semaphore_mem>>) src(%dma_wait3A_184 : memref<128x32xf32, #tpu.memory_space<vmem>>) dst(%dma_wait3A_190 : memref<10240x32xf32, #tpu.memory_space<vmem_shared>>)
      %dma_wait3A_191 = arith.constant 3 : i32
      %dma_wait3A_192 = arith.constant 0 : i32
      %dma_wait3A_193 = arith.constant 0 : i32
      %dma_wait3A_194 = tpu.memref_slice %arg9[%dma_wait3A_191, %dma_wait3A_192, %dma_wait3A_193] : memref<4x128x32xf32, #tpu.memory_space<vmem>> -> memref<1x128x32xf32, #tpu.memory_space<vmem>>
      %dma_wait3A_195 = tpu.memref_squeeze %dma_wait3A_194 : memref<1x128x32xf32, #tpu.memory_space<vmem>> -> memref<128x32xf32, #tpu.memory_space<vmem>>
      %dma_wait3A_196 = arith.constant 0 : i32
      %dma_wait3A_197 = tpu.memref_slice %arg8[%add3A_146, %dma_wait3A_196] : memref<80x128xi32, #tpu.memory_space<vmem>> -> memref<1x128xi32, #tpu.memory_space<vmem>>
      %dma_wait3A_198 = tpu.memref_squeeze %dma_wait3A_197 : memref<1x128xi32, #tpu.memory_space<vmem>> -> memref<128xi32, #tpu.memory_space<vmem>>
      %dma_wait3A_199 = arith.constant 0 : i32
      %dma_wait3A_200 = arith.constant 0 : i32
      %dma_wait3A_201 = tpu.memref_slice %arg12[%dma_wait3A_199, %dma_wait3A_200] : memref<10240x32xf32, #tpu.memory_space<vmem_shared>> -> memref<10240x32xf32, #tpu.memory_space<vmem_shared>>
      tpu.wait_indirect_dma semaphore(%arg11 : memref<!tpu.dma_semaphore, #tpu.memory_space<semaphore_mem>>) src(%dma_wait3A_195 : memref<128x32xf32, #tpu.memory_space<vmem>>) dst(%dma_wait3A_201 : memref<10240x32xf32, #tpu.memory_space<vmem_shared>>)
    }
    %scan3A_7 = arith.constant 20 : i32
    %barrier3A_8 = arith.constant 0 : index
    tpu.barrier barrier_id(%barrier3A_8)
    "tpu.region"() ({
      %run_scoped3A = tpu.sem_alloc : memref<!tpu.dma_semaphore, #tpu.memory_space<semaphore_mem>>
      %dma_start3A = arith.constant 0 : i32
      %dma_start3A_9 = tpu.memref_slice %arg6[%arg0, %mul3A_2, %dma_start3A] : memref<2x10240x32xf32, #tpu.memory_space<hbm>> -> memref<1x640x32xf32, #tpu.memory_space<hbm>>
      %dma_start3A_10 = tpu.memref_squeeze %dma_start3A_9 : memref<1x640x32xf32, #tpu.memory_space<hbm>> -> memref<640x32xf32, #tpu.memory_space<hbm>>
      %dma_start3A_11 = arith.constant 0 : i32
      %dma_start3A_12 = tpu.memref_slice %arg12[%mul3A_2, %dma_start3A_11] : memref<10240x32xf32, #tpu.memory_space<vmem_shared>> -> memref<640x32xf32, #tpu.memory_space<vmem_shared>>
      tpu.enqueue_dma source(%dma_start3A_12 : memref<640x32xf32, #tpu.memory_space<vmem_shared>>) target(%dma_start3A_10 : memref<640x32xf32, #tpu.memory_space<hbm>>) target_semaphore(%run_scoped3A : memref<!tpu.dma_semaphore, #tpu.memory_space<semaphore_mem>>)
      %dma_wait3A = arith.constant 0 : i32
      %dma_wait3A_13 = tpu.memref_slice %arg6[%arg0, %mul3A_2, %dma_wait3A] : memref<2x10240x32xf32, #tpu.memory_space<hbm>> -> memref<1x640x32xf32, #tpu.memory_space<hbm>>
      %dma_wait3A_14 = tpu.memref_squeeze %dma_wait3A_13 : memref<1x640x32xf32, #tpu.memory_space<hbm>> -> memref<640x32xf32, #tpu.memory_space<hbm>>
      %dma_wait3A_15 = arith.constant 0 : i32
      %dma_wait3A_16 = tpu.memref_slice %arg12[%mul3A_2, %dma_wait3A_15] : memref<10240x32xf32, #tpu.memory_space<vmem_shared>> -> memref<640x32xf32, #tpu.memory_space<vmem_shared>>
      tpu.wait_dma2 semaphore(%run_scoped3A : memref<!tpu.dma_semaphore, #tpu.memory_space<semaphore_mem>>) src(%dma_wait3A_16 : memref<640x32xf32, #tpu.memory_space<vmem_shared>>) dst(%dma_wait3A_14 : memref<640x32xf32, #tpu.memory_space<hbm>>)
      tpu.yield
    }) : () -> ()
    return
  }
}

#map = affine_map<(d0, d1) -> (0, 0)>
#map1 = affine_map<(d0, d1) -> (0, 0, 0)>
module attributes {stable_mosaic.version = 14 : i64} {
  func.func @_stage1_body(%arg0: i32, %arg1: i32, %arg2: memref<10240x32xf32, #tpu.memory_space<hbm>>, %arg3: memref<10240x32xf32, #tpu.memory_space<hbm>>, %arg4: memref<32x80x128xi32, #tpu.memory_space<hbm>>, %arg5: memref<32x80x128xi32, #tpu.memory_space<hbm>>, %arg6: memref<2x10240x32xf32, #tpu.memory_space<hbm>>, %arg7: memref<80x128xi32, #tpu.memory_space<vmem>>, %arg8: memref<80x128xi32, #tpu.memory_space<vmem>>, %arg9: memref<4x128x32xf32, #tpu.memory_space<vmem>>, %arg10: memref<!tpu.dma_semaphore, #tpu.memory_space<semaphore_mem>>, %arg11: memref<!tpu.dma_semaphore, #tpu.memory_space<semaphore_mem>>, %arg12: memref<10240x32xf32, #tpu.memory_space<vmem_shared>>) attributes {dimension_semantics = [#tpu.dimension_semantics<core_parallel>, #tpu.dimension_semantics<subcore_parallel>], iteration_bounds = array<i64: 2, 16>, scalar_prefetch = 0 : i64, scratch_operands = 6 : i64, tpu.core_type = #tpu.core_type<sc_vector_subcore>, window_params = [{transform_indices = #map}, {transform_indices = #map}, {transform_indices = #map1}, {transform_indices = #map1}, {transform_indices = #map1}]} {
    %mul3A = arith.constant 16 : i32
    %mul3A_0 = arith.muli %arg0, %mul3A : i32
    %add3A = arith.addi %mul3A_0, %arg1 : i32
    %mul3A_1 = arith.constant 640 : i32
    %mul3A_2 = arith.muli %arg1, %mul3A_1 : i32
    "tpu.region"() ({
      %run_scoped3A = tpu.sem_alloc : memref<!tpu.dma_semaphore, #tpu.memory_space<semaphore_mem>>
      %dma_start3A = arith.constant 0 : i32
      %dma_start3A_9 = tpu.memref_slice %arg12[%mul3A_2, %dma_start3A] : memref<10240x32xf32, #tpu.memory_space<vmem_shared>> -> memref<640x32xf32, #tpu.memory_space<vmem_shared>>
      %dma_start3A_10 = arith.constant 0 : i32
      %dma_start3A_11 = tpu.memref_slice %arg3[%mul3A_2, %dma_start3A_10] : memref<10240x32xf32, #tpu.memory_space<hbm>> -> memref<640x32xf32, #tpu.memory_space<hbm>>
      tpu.enqueue_dma source(%dma_start3A_11 : memref<640x32xf32, #tpu.memory_space<hbm>>) target(%dma_start3A_9 : memref<640x32xf32, #tpu.memory_space<vmem_shared>>) target_semaphore(%run_scoped3A : memref<!tpu.dma_semaphore, #tpu.memory_space<semaphore_mem>>)
      %dma_wait3A = arith.constant 0 : i32
      %dma_wait3A_12 = tpu.memref_slice %arg12[%mul3A_2, %dma_wait3A] : memref<10240x32xf32, #tpu.memory_space<vmem_shared>> -> memref<640x32xf32, #tpu.memory_space<vmem_shared>>
      %dma_wait3A_13 = arith.constant 0 : i32
      %dma_wait3A_14 = tpu.memref_slice %arg3[%mul3A_2, %dma_wait3A_13] : memref<10240x32xf32, #tpu.memory_space<hbm>> -> memref<640x32xf32, #tpu.memory_space<hbm>>
      tpu.wait_dma2 semaphore(%run_scoped3A : memref<!tpu.dma_semaphore, #tpu.memory_space<semaphore_mem>>) src(%dma_wait3A_14 : memref<640x32xf32, #tpu.memory_space<hbm>>) dst(%dma_wait3A_12 : memref<640x32xf32, #tpu.memory_space<vmem_shared>>)
      tpu.yield
    }) : () -> ()
    "tpu.region"() ({
      %run_scoped3A = tpu.sem_alloc : memref<!tpu.dma_semaphore, #tpu.memory_space<semaphore_mem>>
      %dma_start3A = arith.constant 0 : i32
      %dma_start3A_9 = arith.constant 0 : i32
      %dma_start3A_10 = tpu.memref_slice %arg4[%add3A, %dma_start3A, %dma_start3A_9] : memref<32x80x128xi32, #tpu.memory_space<hbm>> -> memref<1x80x128xi32, #tpu.memory_space<hbm>>
      %dma_start3A_11 = tpu.memref_squeeze %dma_start3A_10 : memref<1x80x128xi32, #tpu.memory_space<hbm>> -> memref<80x128xi32, #tpu.memory_space<hbm>>
      %dma_start3A_12 = arith.constant 0 : i32
      %dma_start3A_13 = arith.constant 0 : i32
      %dma_start3A_14 = tpu.memref_slice %arg4[%add3A, %dma_start3A_12, %dma_start3A_13] : memref<32x80x128xi32, #tpu.memory_space<hbm>> -> memref<1x80x128xi32, #tpu.memory_space<hbm>>
      %dma_start3A_15 = tpu.memref_squeeze %dma_start3A_14 : memref<1x80x128xi32, #tpu.memory_space<hbm>> -> memref<80x128xi32, #tpu.memory_space<hbm>>
      tpu.enqueue_dma source(%dma_start3A_15 : memref<80x128xi32, #tpu.memory_space<hbm>>) target(%arg7 : memref<80x128xi32, #tpu.memory_space<vmem>>) target_semaphore(%run_scoped3A : memref<!tpu.dma_semaphore, #tpu.memory_space<semaphore_mem>>)
      %dma_wait3A = arith.constant 0 : i32
      %dma_wait3A_16 = arith.constant 0 : i32
      %dma_wait3A_17 = tpu.memref_slice %arg4[%add3A, %dma_wait3A, %dma_wait3A_16] : memref<32x80x128xi32, #tpu.memory_space<hbm>> -> memref<1x80x128xi32, #tpu.memory_space<hbm>>
      %dma_wait3A_18 = tpu.memref_squeeze %dma_wait3A_17 : memref<1x80x128xi32, #tpu.memory_space<hbm>> -> memref<80x128xi32, #tpu.memory_space<hbm>>
      %dma_wait3A_19 = arith.constant 0 : i32
      %dma_wait3A_20 = arith.constant 0 : i32
      %dma_wait3A_21 = tpu.memref_slice %arg4[%add3A, %dma_wait3A_19, %dma_wait3A_20] : memref<32x80x128xi32, #tpu.memory_space<hbm>> -> memref<1x80x128xi32, #tpu.memory_space<hbm>>
      %dma_wait3A_22 = tpu.memref_squeeze %dma_wait3A_21 : memref<1x80x128xi32, #tpu.memory_space<hbm>> -> memref<80x128xi32, #tpu.memory_space<hbm>>
      tpu.wait_dma2 semaphore(%run_scoped3A : memref<!tpu.dma_semaphore, #tpu.memory_space<semaphore_mem>>) src(%dma_wait3A_22 : memref<80x128xi32, #tpu.memory_space<hbm>>) dst(%arg7 : memref<80x128xi32, #tpu.memory_space<vmem>>)
      tpu.yield
    }) : () -> ()
    "tpu.region"() ({
      %run_scoped3A = tpu.sem_alloc : memref<!tpu.dma_semaphore, #tpu.memory_space<semaphore_mem>>
      %dma_start3A = arith.constant 0 : i32
      %dma_start3A_9 = arith.constant 0 : i32
      %dma_start3A_10 = tpu.memref_slice %arg5[%add3A, %dma_start3A, %dma_start3A_9] : memref<32x80x128xi32, #tpu.memory_space<hbm>> -> memref<1x80x128xi32, #tpu.memory_space<hbm>>
      %dma_start3A_11 = tpu.memref_squeeze %dma_start3A_10 : memref<1x80x128xi32, #tpu.memory_space<hbm>> -> memref<80x128xi32, #tpu.memory_space<hbm>>
      %dma_start3A_12 = arith.constant 0 : i32
      %dma_start3A_13 = arith.constant 0 : i32
      %dma_start3A_14 = tpu.memref_slice %arg5[%add3A, %dma_start3A_12, %dma_start3A_13] : memref<32x80x128xi32, #tpu.memory_space<hbm>> -> memref<1x80x128xi32, #tpu.memory_space<hbm>>
      %dma_start3A_15 = tpu.memref_squeeze %dma_start3A_14 : memref<1x80x128xi32, #tpu.memory_space<hbm>> -> memref<80x128xi32, #tpu.memory_space<hbm>>
      tpu.enqueue_dma source(%dma_start3A_15 : memref<80x128xi32, #tpu.memory_space<hbm>>) target(%arg8 : memref<80x128xi32, #tpu.memory_space<vmem>>) target_semaphore(%run_scoped3A : memref<!tpu.dma_semaphore, #tpu.memory_space<semaphore_mem>>)
      %dma_wait3A = arith.constant 0 : i32
      %dma_wait3A_16 = arith.constant 0 : i32
      %dma_wait3A_17 = tpu.memref_slice %arg5[%add3A, %dma_wait3A, %dma_wait3A_16] : memref<32x80x128xi32, #tpu.memory_space<hbm>> -> memref<1x80x128xi32, #tpu.memory_space<hbm>>
      %dma_wait3A_18 = tpu.memref_squeeze %dma_wait3A_17 : memref<1x80x128xi32, #tpu.memory_space<hbm>> -> memref<80x128xi32, #tpu.memory_space<hbm>>
      %dma_wait3A_19 = arith.constant 0 : i32
      %dma_wait3A_20 = arith.constant 0 : i32
      %dma_wait3A_21 = tpu.memref_slice %arg5[%add3A, %dma_wait3A_19, %dma_wait3A_20] : memref<32x80x128xi32, #tpu.memory_space<hbm>> -> memref<1x80x128xi32, #tpu.memory_space<hbm>>
      %dma_wait3A_22 = tpu.memref_squeeze %dma_wait3A_21 : memref<1x80x128xi32, #tpu.memory_space<hbm>> -> memref<80x128xi32, #tpu.memory_space<hbm>>
      tpu.wait_dma2 semaphore(%run_scoped3A : memref<!tpu.dma_semaphore, #tpu.memory_space<semaphore_mem>>) src(%dma_wait3A_22 : memref<80x128xi32, #tpu.memory_space<hbm>>) dst(%arg8 : memref<80x128xi32, #tpu.memory_space<vmem>>)
      tpu.yield
    }) : () -> ()
    %barrier3A = arith.constant 0 : index
    tpu.barrier barrier_id(%barrier3A)
    %scan3A = arith.constant 0 : i32
    %scan3A_3 = arith.constant 0 : i32
    %scan3A_4 = arith.constant 20 : i32
    %scan3A_5 = arith.addi %scan3A_3, %scan3A_4 : i32
    %scan3A_6 = arith.constant 1 : i32
    scf.for %scan3A_9 = %scan3A_3 to %scan3A_5 step %scan3A_6  : i32 {
      %mul3A_10 = arith.constant 4 : i32
      %mul3A_11 = arith.muli %scan3A_9, %mul3A_10 : i32
      %add3A_12 = arith.constant 0 : i32
      %add3A_13 = arith.addi %mul3A_11, %add3A_12 : i32
      %dma_start3A = arith.constant 0 : i32
      %dma_start3A_14 = arith.constant 0 : i32
      %dma_start3A_15 = arith.constant 0 : i32
      %dma_start3A_16 = tpu.memref_slice %arg9[%dma_start3A, %dma_start3A_14, %dma_start3A_15] : memref<4x128x32xf32, #tpu.memory_space<vmem>> -> memref<1x128x32xf32, #tpu.memory_space<vmem>>
      %dma_start3A_17 = tpu.memref_squeeze %dma_start3A_16 : memref<1x128x32xf32, #tpu.memory_space<vmem>> -> memref<128x32xf32, #tpu.memory_space<vmem>>
      %dma_start3A_18 = arith.constant 0 : i32
      %dma_start3A_19 = tpu.memref_slice %arg7[%add3A_13, %dma_start3A_18] : memref<80x128xi32, #tpu.memory_space<vmem>> -> memref<1x128xi32, #tpu.memory_space<vmem>>
      %dma_start3A_20 = tpu.memref_squeeze %dma_start3A_19 : memref<1x128xi32, #tpu.memory_space<vmem>> -> memref<128xi32, #tpu.memory_space<vmem>>
      %dma_start3A_21 = arith.constant 0 : i32
      %dma_start3A_22 = arith.constant 0 : i32
      %dma_start3A_23 = tpu.memref_slice %arg2[%dma_start3A_21, %dma_start3A_22] : memref<10240x32xf32, #tpu.memory_space<hbm>> -> memref<10240x32xf32, #tpu.memory_space<hbm>>
      tpu.enqueue_indirect_dma source(%dma_start3A_23 : memref<10240x32xf32, #tpu.memory_space<hbm>>) target(%dma_start3A_17 : memref<128x32xf32, #tpu.memory_space<vmem>>) offsets(%dma_start3A_20 : memref<128xi32, #tpu.memory_space<vmem>>) semaphore(%arg10 : memref<!tpu.dma_semaphore, #tpu.memory_space<semaphore_mem>>)
      %add3A_24 = arith.constant 1 : i32
      %add3A_25 = arith.addi %mul3A_11, %add3A_24 : i32
      %dma_start3A_26 = arith.constant 1 : i32
      %dma_start3A_27 = arith.constant 0 : i32
      %dma_start3A_28 = arith.constant 0 : i32
      %dma_start3A_29 = tpu.memref_slice %arg9[%dma_start3A_26, %dma_start3A_27, %dma_start3A_28] : memref<4x128x32xf32, #tpu.memory_space<vmem>> -> memref<1x128x32xf32, #tpu.memory_space<vmem>>
      %dma_start3A_30 = tpu.memref_squeeze %dma_start3A_29 : memref<1x128x32xf32, #tpu.memory_space<vmem>> -> memref<128x32xf32, #tpu.memory_space<vmem>>
      %dma_start3A_31 = arith.constant 0 : i32
      %dma_start3A_32 = tpu.memref_slice %arg7[%add3A_25, %dma_start3A_31] : memref<80x128xi32, #tpu.memory_space<vmem>> -> memref<1x128xi32, #tpu.memory_space<vmem>>
      %dma_start3A_33 = tpu.memref_squeeze %dma_start3A_32 : memref<1x128xi32, #tpu.memory_space<vmem>> -> memref<128xi32, #tpu.memory_space<vmem>>
      %dma_start3A_34 = arith.constant 0 : i32
      %dma_start3A_35 = arith.constant 0 : i32
      %dma_start3A_36 = tpu.memref_slice %arg2[%dma_start3A_34, %dma_start3A_35] : memref<10240x32xf32, #tpu.memory_space<hbm>> -> memref<10240x32xf32, #tpu.memory_space<hbm>>
      tpu.enqueue_indirect_dma source(%dma_start3A_36 : memref<10240x32xf32, #tpu.memory_space<hbm>>) target(%dma_start3A_30 : memref<128x32xf32, #tpu.memory_space<vmem>>) offsets(%dma_start3A_33 : memref<128xi32, #tpu.memory_space<vmem>>) semaphore(%arg10 : memref<!tpu.dma_semaphore, #tpu.memory_space<semaphore_mem>>)
      %add3A_37 = arith.constant 2 : i32
      %add3A_38 = arith.addi %mul3A_11, %add3A_37 : i32
      %dma_start3A_39 = arith.constant 2 : i32
      %dma_start3A_40 = arith.constant 0 : i32
      %dma_start3A_41 = arith.constant 0 : i32
      %dma_start3A_42 = tpu.memref_slice %arg9[%dma_start3A_39, %dma_start3A_40, %dma_start3A_41] : memref<4x128x32xf32, #tpu.memory_space<vmem>> -> memref<1x128x32xf32, #tpu.memory_space<vmem>>
      %dma_start3A_43 = tpu.memref_squeeze %dma_start3A_42 : memref<1x128x32xf32, #tpu.memory_space<vmem>> -> memref<128x32xf32, #tpu.memory_space<vmem>>
      %dma_start3A_44 = arith.constant 0 : i32
      %dma_start3A_45 = tpu.memref_slice %arg7[%add3A_38, %dma_start3A_44] : memref<80x128xi32, #tpu.memory_space<vmem>> -> memref<1x128xi32, #tpu.memory_space<vmem>>
      %dma_start3A_46 = tpu.memref_squeeze %dma_start3A_45 : memref<1x128xi32, #tpu.memory_space<vmem>> -> memref<128xi32, #tpu.memory_space<vmem>>
      %dma_start3A_47 = arith.constant 0 : i32
      %dma_start3A_48 = arith.constant 0 : i32
      %dma_start3A_49 = tpu.memref_slice %arg2[%dma_start3A_47, %dma_start3A_48] : memref<10240x32xf32, #tpu.memory_space<hbm>> -> memref<10240x32xf32, #tpu.memory_space<hbm>>
      tpu.enqueue_indirect_dma source(%dma_start3A_49 : memref<10240x32xf32, #tpu.memory_space<hbm>>) target(%dma_start3A_43 : memref<128x32xf32, #tpu.memory_space<vmem>>) offsets(%dma_start3A_46 : memref<128xi32, #tpu.memory_space<vmem>>) semaphore(%arg10 : memref<!tpu.dma_semaphore, #tpu.memory_space<semaphore_mem>>)
      %add3A_50 = arith.constant 3 : i32
      %add3A_51 = arith.addi %mul3A_11, %add3A_50 : i32
      %dma_start3A_52 = arith.constant 3 : i32
      %dma_start3A_53 = arith.constant 0 : i32
      %dma_start3A_54 = arith.constant 0 : i32
      %dma_start3A_55 = tpu.memref_slice %arg9[%dma_start3A_52, %dma_start3A_53, %dma_start3A_54] : memref<4x128x32xf32, #tpu.memory_space<vmem>> -> memref<1x128x32xf32, #tpu.memory_space<vmem>>
      %dma_start3A_56 = tpu.memref_squeeze %dma_start3A_55 : memref<1x128x32xf32, #tpu.memory_space<vmem>> -> memref<128x32xf32, #tpu.memory_space<vmem>>
      %dma_start3A_57 = arith.constant 0 : i32
      %dma_start3A_58 = tpu.memref_slice %arg7[%add3A_51, %dma_start3A_57] : memref<80x128xi32, #tpu.memory_space<vmem>> -> memref<1x128xi32, #tpu.memory_space<vmem>>
      %dma_start3A_59 = tpu.memref_squeeze %dma_start3A_58 : memref<1x128xi32, #tpu.memory_space<vmem>> -> memref<128xi32, #tpu.memory_space<vmem>>
      %dma_start3A_60 = arith.constant 0 : i32
      %dma_start3A_61 = arith.constant 0 : i32
      %dma_start3A_62 = tpu.memref_slice %arg2[%dma_start3A_60, %dma_start3A_61] : memref<10240x32xf32, #tpu.memory_space<hbm>> -> memref<10240x32xf32, #tpu.memory_space<hbm>>
      tpu.enqueue_indirect_dma source(%dma_start3A_62 : memref<10240x32xf32, #tpu.memory_space<hbm>>) target(%dma_start3A_56 : memref<128x32xf32, #tpu.memory_space<vmem>>) offsets(%dma_start3A_59 : memref<128xi32, #tpu.memory_space<vmem>>) semaphore(%arg10 : memref<!tpu.dma_semaphore, #tpu.memory_space<semaphore_mem>>)
      %dma_wait3A = arith.constant 0 : i32
      %dma_wait3A_63 = arith.constant 0 : i32
      %dma_wait3A_64 = arith.constant 0 : i32
      %dma_wait3A_65 = tpu.memref_slice %arg9[%dma_wait3A, %dma_wait3A_63, %dma_wait3A_64] : memref<4x128x32xf32, #tpu.memory_space<vmem>> -> memref<1x128x32xf32, #tpu.memory_space<vmem>>
      %dma_wait3A_66 = tpu.memref_squeeze %dma_wait3A_65 : memref<1x128x32xf32, #tpu.memory_space<vmem>> -> memref<128x32xf32, #tpu.memory_space<vmem>>
      %dma_wait3A_67 = arith.constant 0 : i32
      %dma_wait3A_68 = tpu.memref_slice %arg7[%add3A_13, %dma_wait3A_67] : memref<80x128xi32, #tpu.memory_space<vmem>> -> memref<1x128xi32, #tpu.memory_space<vmem>>
      %dma_wait3A_69 = tpu.memref_squeeze %dma_wait3A_68 : memref<1x128xi32, #tpu.memory_space<vmem>> -> memref<128xi32, #tpu.memory_space<vmem>>
      %dma_wait3A_70 = arith.constant 0 : i32
      %dma_wait3A_71 = arith.constant 0 : i32
      %dma_wait3A_72 = tpu.memref_slice %arg2[%dma_wait3A_70, %dma_wait3A_71] : memref<10240x32xf32, #tpu.memory_space<hbm>> -> memref<10240x32xf32, #tpu.memory_space<hbm>>
      tpu.wait_indirect_dma semaphore(%arg10 : memref<!tpu.dma_semaphore, #tpu.memory_space<semaphore_mem>>) src(%dma_wait3A_72 : memref<10240x32xf32, #tpu.memory_space<hbm>>) dst(%dma_wait3A_66 : memref<128x32xf32, #tpu.memory_space<vmem>>)
      %dma_wait3A_73 = arith.constant 1 : i32
      %dma_wait3A_74 = arith.constant 0 : i32
      %dma_wait3A_75 = arith.constant 0 : i32
      %dma_wait3A_76 = tpu.memref_slice %arg9[%dma_wait3A_73, %dma_wait3A_74, %dma_wait3A_75] : memref<4x128x32xf32, #tpu.memory_space<vmem>> -> memref<1x128x32xf32, #tpu.memory_space<vmem>>
      %dma_wait3A_77 = tpu.memref_squeeze %dma_wait3A_76 : memref<1x128x32xf32, #tpu.memory_space<vmem>> -> memref<128x32xf32, #tpu.memory_space<vmem>>
      %dma_wait3A_78 = arith.constant 0 : i32
      %dma_wait3A_79 = tpu.memref_slice %arg7[%add3A_25, %dma_wait3A_78] : memref<80x128xi32, #tpu.memory_space<vmem>> -> memref<1x128xi32, #tpu.memory_space<vmem>>
      %dma_wait3A_80 = tpu.memref_squeeze %dma_wait3A_79 : memref<1x128xi32, #tpu.memory_space<vmem>> -> memref<128xi32, #tpu.memory_space<vmem>>
      %dma_wait3A_81 = arith.constant 0 : i32
      %dma_wait3A_82 = arith.constant 0 : i32
      %dma_wait3A_83 = tpu.memref_slice %arg2[%dma_wait3A_81, %dma_wait3A_82] : memref<10240x32xf32, #tpu.memory_space<hbm>> -> memref<10240x32xf32, #tpu.memory_space<hbm>>
      tpu.wait_indirect_dma semaphore(%arg10 : memref<!tpu.dma_semaphore, #tpu.memory_space<semaphore_mem>>) src(%dma_wait3A_83 : memref<10240x32xf32, #tpu.memory_space<hbm>>) dst(%dma_wait3A_77 : memref<128x32xf32, #tpu.memory_space<vmem>>)
      %dma_wait3A_84 = arith.constant 2 : i32
      %dma_wait3A_85 = arith.constant 0 : i32
      %dma_wait3A_86 = arith.constant 0 : i32
      %dma_wait3A_87 = tpu.memref_slice %arg9[%dma_wait3A_84, %dma_wait3A_85, %dma_wait3A_86] : memref<4x128x32xf32, #tpu.memory_space<vmem>> -> memref<1x128x32xf32, #tpu.memory_space<vmem>>
      %dma_wait3A_88 = tpu.memref_squeeze %dma_wait3A_87 : memref<1x128x32xf32, #tpu.memory_space<vmem>> -> memref<128x32xf32, #tpu.memory_space<vmem>>
      %dma_wait3A_89 = arith.constant 0 : i32
      %dma_wait3A_90 = tpu.memref_slice %arg7[%add3A_38, %dma_wait3A_89] : memref<80x128xi32, #tpu.memory_space<vmem>> -> memref<1x128xi32, #tpu.memory_space<vmem>>
      %dma_wait3A_91 = tpu.memref_squeeze %dma_wait3A_90 : memref<1x128xi32, #tpu.memory_space<vmem>> -> memref<128xi32, #tpu.memory_space<vmem>>
      %dma_wait3A_92 = arith.constant 0 : i32
      %dma_wait3A_93 = arith.constant 0 : i32
      %dma_wait3A_94 = tpu.memref_slice %arg2[%dma_wait3A_92, %dma_wait3A_93] : memref<10240x32xf32, #tpu.memory_space<hbm>> -> memref<10240x32xf32, #tpu.memory_space<hbm>>
      tpu.wait_indirect_dma semaphore(%arg10 : memref<!tpu.dma_semaphore, #tpu.memory_space<semaphore_mem>>) src(%dma_wait3A_94 : memref<10240x32xf32, #tpu.memory_space<hbm>>) dst(%dma_wait3A_88 : memref<128x32xf32, #tpu.memory_space<vmem>>)
      %dma_wait3A_95 = arith.constant 3 : i32
      %dma_wait3A_96 = arith.constant 0 : i32
      %dma_wait3A_97 = arith.constant 0 : i32
      %dma_wait3A_98 = tpu.memref_slice %arg9[%dma_wait3A_95, %dma_wait3A_96, %dma_wait3A_97] : memref<4x128x32xf32, #tpu.memory_space<vmem>> -> memref<1x128x32xf32, #tpu.memory_space<vmem>>
      %dma_wait3A_99 = tpu.memref_squeeze %dma_wait3A_98 : memref<1x128x32xf32, #tpu.memory_space<vmem>> -> memref<128x32xf32, #tpu.memory_space<vmem>>
      %dma_wait3A_100 = arith.constant 0 : i32
      %dma_wait3A_101 = tpu.memref_slice %arg7[%add3A_51, %dma_wait3A_100] : memref<80x128xi32, #tpu.memory_space<vmem>> -> memref<1x128xi32, #tpu.memory_space<vmem>>
      %dma_wait3A_102 = tpu.memref_squeeze %dma_wait3A_101 : memref<1x128xi32, #tpu.memory_space<vmem>> -> memref<128xi32, #tpu.memory_space<vmem>>
      %dma_wait3A_103 = arith.constant 0 : i32
      %dma_wait3A_104 = arith.constant 0 : i32
      %dma_wait3A_105 = tpu.memref_slice %arg2[%dma_wait3A_103, %dma_wait3A_104] : memref<10240x32xf32, #tpu.memory_space<hbm>> -> memref<10240x32xf32, #tpu.memory_space<hbm>>
      tpu.wait_indirect_dma semaphore(%arg10 : memref<!tpu.dma_semaphore, #tpu.memory_space<semaphore_mem>>) src(%dma_wait3A_105 : memref<10240x32xf32, #tpu.memory_space<hbm>>) dst(%dma_wait3A_99 : memref<128x32xf32, #tpu.memory_space<vmem>>)
      %add3A_106 = arith.constant 0 : i32
      %add3A_107 = arith.addi %mul3A_11, %add3A_106 : i32
      %dma_start3A_108 = arith.constant 0 : i32
      %dma_start3A_109 = arith.constant 0 : i32
      %dma_start3A_110 = arith.constant 0 : i32
      %dma_start3A_111 = tpu.memref_slice %arg9[%dma_start3A_108, %dma_start3A_109, %dma_start3A_110] : memref<4x128x32xf32, #tpu.memory_space<vmem>> -> memref<1x128x32xf32, #tpu.memory_space<vmem>>
      %dma_start3A_112 = tpu.memref_squeeze %dma_start3A_111 : memref<1x128x32xf32, #tpu.memory_space<vmem>> -> memref<128x32xf32, #tpu.memory_space<vmem>>
      %dma_start3A_113 = arith.constant 0 : i32
      %dma_start3A_114 = tpu.memref_slice %arg8[%add3A_107, %dma_start3A_113] : memref<80x128xi32, #tpu.memory_space<vmem>> -> memref<1x128xi32, #tpu.memory_space<vmem>>
      %dma_start3A_115 = tpu.memref_squeeze %dma_start3A_114 : memref<1x128xi32, #tpu.memory_space<vmem>> -> memref<128xi32, #tpu.memory_space<vmem>>
      %dma_start3A_116 = arith.constant 0 : i32
      %dma_start3A_117 = arith.constant 0 : i32
      %dma_start3A_118 = tpu.memref_slice %arg12[%dma_start3A_116, %dma_start3A_117] : memref<10240x32xf32, #tpu.memory_space<vmem_shared>> -> memref<10240x32xf32, #tpu.memory_space<vmem_shared>>
      tpu.enqueue_indirect_dma source(%dma_start3A_112 : memref<128x32xf32, #tpu.memory_space<vmem>>) target(%dma_start3A_118 : memref<10240x32xf32, #tpu.memory_space<vmem_shared>>) offsets(%dma_start3A_115 : memref<128xi32, #tpu.memory_space<vmem>>) semaphore(%arg11 : memref<!tpu.dma_semaphore, #tpu.memory_space<semaphore_mem>>) {add = true}
      %add3A_119 = arith.constant 1 : i32
      %add3A_120 = arith.addi %mul3A_11, %add3A_119 : i32
      %dma_start3A_121 = arith.constant 1 : i32
      %dma_start3A_122 = arith.constant 0 : i32
      %dma_start3A_123 = arith.constant 0 : i32
      %dma_start3A_124 = tpu.memref_slice %arg9[%dma_start3A_121, %dma_start3A_122, %dma_start3A_123] : memref<4x128x32xf32, #tpu.memory_space<vmem>> -> memref<1x128x32xf32, #tpu.memory_space<vmem>>
      %dma_start3A_125 = tpu.memref_squeeze %dma_start3A_124 : memref<1x128x32xf32, #tpu.memory_space<vmem>> -> memref<128x32xf32, #tpu.memory_space<vmem>>
      %dma_start3A_126 = arith.constant 0 : i32
      %dma_start3A_127 = tpu.memref_slice %arg8[%add3A_120, %dma_start3A_126] : memref<80x128xi32, #tpu.memory_space<vmem>> -> memref<1x128xi32, #tpu.memory_space<vmem>>
      %dma_start3A_128 = tpu.memref_squeeze %dma_start3A_127 : memref<1x128xi32, #tpu.memory_space<vmem>> -> memref<128xi32, #tpu.memory_space<vmem>>
      %dma_start3A_129 = arith.constant 0 : i32
      %dma_start3A_130 = arith.constant 0 : i32
      %dma_start3A_131 = tpu.memref_slice %arg12[%dma_start3A_129, %dma_start3A_130] : memref<10240x32xf32, #tpu.memory_space<vmem_shared>> -> memref<10240x32xf32, #tpu.memory_space<vmem_shared>>
      tpu.enqueue_indirect_dma source(%dma_start3A_125 : memref<128x32xf32, #tpu.memory_space<vmem>>) target(%dma_start3A_131 : memref<10240x32xf32, #tpu.memory_space<vmem_shared>>) offsets(%dma_start3A_128 : memref<128xi32, #tpu.memory_space<vmem>>) semaphore(%arg11 : memref<!tpu.dma_semaphore, #tpu.memory_space<semaphore_mem>>) {add = true}
      %add3A_132 = arith.constant 2 : i32
      %add3A_133 = arith.addi %mul3A_11, %add3A_132 : i32
      %dma_start3A_134 = arith.constant 2 : i32
      %dma_start3A_135 = arith.constant 0 : i32
      %dma_start3A_136 = arith.constant 0 : i32
      %dma_start3A_137 = tpu.memref_slice %arg9[%dma_start3A_134, %dma_start3A_135, %dma_start3A_136] : memref<4x128x32xf32, #tpu.memory_space<vmem>> -> memref<1x128x32xf32, #tpu.memory_space<vmem>>
      %dma_start3A_138 = tpu.memref_squeeze %dma_start3A_137 : memref<1x128x32xf32, #tpu.memory_space<vmem>> -> memref<128x32xf32, #tpu.memory_space<vmem>>
      %dma_start3A_139 = arith.constant 0 : i32
      %dma_start3A_140 = tpu.memref_slice %arg8[%add3A_133, %dma_start3A_139] : memref<80x128xi32, #tpu.memory_space<vmem>> -> memref<1x128xi32, #tpu.memory_space<vmem>>
      %dma_start3A_141 = tpu.memref_squeeze %dma_start3A_140 : memref<1x128xi32, #tpu.memory_space<vmem>> -> memref<128xi32, #tpu.memory_space<vmem>>
      %dma_start3A_142 = arith.constant 0 : i32
      %dma_start3A_143 = arith.constant 0 : i32
      %dma_start3A_144 = tpu.memref_slice %arg12[%dma_start3A_142, %dma_start3A_143] : memref<10240x32xf32, #tpu.memory_space<vmem_shared>> -> memref<10240x32xf32, #tpu.memory_space<vmem_shared>>
      tpu.enqueue_indirect_dma source(%dma_start3A_138 : memref<128x32xf32, #tpu.memory_space<vmem>>) target(%dma_start3A_144 : memref<10240x32xf32, #tpu.memory_space<vmem_shared>>) offsets(%dma_start3A_141 : memref<128xi32, #tpu.memory_space<vmem>>) semaphore(%arg11 : memref<!tpu.dma_semaphore, #tpu.memory_space<semaphore_mem>>) {add = true}
      %add3A_145 = arith.constant 3 : i32
      %add3A_146 = arith.addi %mul3A_11, %add3A_145 : i32
      %dma_start3A_147 = arith.constant 3 : i32
      %dma_start3A_148 = arith.constant 0 : i32
      %dma_start3A_149 = arith.constant 0 : i32
      %dma_start3A_150 = tpu.memref_slice %arg9[%dma_start3A_147, %dma_start3A_148, %dma_start3A_149] : memref<4x128x32xf32, #tpu.memory_space<vmem>> -> memref<1x128x32xf32, #tpu.memory_space<vmem>>
      %dma_start3A_151 = tpu.memref_squeeze %dma_start3A_150 : memref<1x128x32xf32, #tpu.memory_space<vmem>> -> memref<128x32xf32, #tpu.memory_space<vmem>>
      %dma_start3A_152 = arith.constant 0 : i32
      %dma_start3A_153 = tpu.memref_slice %arg8[%add3A_146, %dma_start3A_152] : memref<80x128xi32, #tpu.memory_space<vmem>> -> memref<1x128xi32, #tpu.memory_space<vmem>>
      %dma_start3A_154 = tpu.memref_squeeze %dma_start3A_153 : memref<1x128xi32, #tpu.memory_space<vmem>> -> memref<128xi32, #tpu.memory_space<vmem>>
      %dma_start3A_155 = arith.constant 0 : i32
      %dma_start3A_156 = arith.constant 0 : i32
      %dma_start3A_157 = tpu.memref_slice %arg12[%dma_start3A_155, %dma_start3A_156] : memref<10240x32xf32, #tpu.memory_space<vmem_shared>> -> memref<10240x32xf32, #tpu.memory_space<vmem_shared>>
      tpu.enqueue_indirect_dma source(%dma_start3A_151 : memref<128x32xf32, #tpu.memory_space<vmem>>) target(%dma_start3A_157 : memref<10240x32xf32, #tpu.memory_space<vmem_shared>>) offsets(%dma_start3A_154 : memref<128xi32, #tpu.memory_space<vmem>>) semaphore(%arg11 : memref<!tpu.dma_semaphore, #tpu.memory_space<semaphore_mem>>) {add = true}
      %dma_wait3A_158 = arith.constant 0 : i32
      %dma_wait3A_159 = arith.constant 0 : i32
      %dma_wait3A_160 = arith.constant 0 : i32
      %dma_wait3A_161 = tpu.memref_slice %arg9[%dma_wait3A_158, %dma_wait3A_159, %dma_wait3A_160] : memref<4x128x32xf32, #tpu.memory_space<vmem>> -> memref<1x128x32xf32, #tpu.memory_space<vmem>>
      %dma_wait3A_162 = tpu.memref_squeeze %dma_wait3A_161 : memref<1x128x32xf32, #tpu.memory_space<vmem>> -> memref<128x32xf32, #tpu.memory_space<vmem>>
      %dma_wait3A_163 = arith.constant 0 : i32
      %dma_wait3A_164 = tpu.memref_slice %arg8[%add3A_107, %dma_wait3A_163] : memref<80x128xi32, #tpu.memory_space<vmem>> -> memref<1x128xi32, #tpu.memory_space<vmem>>
      %dma_wait3A_165 = tpu.memref_squeeze %dma_wait3A_164 : memref<1x128xi32, #tpu.memory_space<vmem>> -> memref<128xi32, #tpu.memory_space<vmem>>
      %dma_wait3A_166 = arith.constant 0 : i32
      %dma_wait3A_167 = arith.constant 0 : i32
      %dma_wait3A_168 = tpu.memref_slice %arg12[%dma_wait3A_166, %dma_wait3A_167] : memref<10240x32xf32, #tpu.memory_space<vmem_shared>> -> memref<10240x32xf32, #tpu.memory_space<vmem_shared>>
      tpu.wait_indirect_dma semaphore(%arg11 : memref<!tpu.dma_semaphore, #tpu.memory_space<semaphore_mem>>) src(%dma_wait3A_162 : memref<128x32xf32, #tpu.memory_space<vmem>>) dst(%dma_wait3A_168 : memref<10240x32xf32, #tpu.memory_space<vmem_shared>>)
      %dma_wait3A_169 = arith.constant 1 : i32
      %dma_wait3A_170 = arith.constant 0 : i32
      %dma_wait3A_171 = arith.constant 0 : i32
      %dma_wait3A_172 = tpu.memref_slice %arg9[%dma_wait3A_169, %dma_wait3A_170, %dma_wait3A_171] : memref<4x128x32xf32, #tpu.memory_space<vmem>> -> memref<1x128x32xf32, #tpu.memory_space<vmem>>
      %dma_wait3A_173 = tpu.memref_squeeze %dma_wait3A_172 : memref<1x128x32xf32, #tpu.memory_space<vmem>> -> memref<128x32xf32, #tpu.memory_space<vmem>>
      %dma_wait3A_174 = arith.constant 0 : i32
      %dma_wait3A_175 = tpu.memref_slice %arg8[%add3A_120, %dma_wait3A_174] : memref<80x128xi32, #tpu.memory_space<vmem>> -> memref<1x128xi32, #tpu.memory_space<vmem>>
      %dma_wait3A_176 = tpu.memref_squeeze %dma_wait3A_175 : memref<1x128xi32, #tpu.memory_space<vmem>> -> memref<128xi32, #tpu.memory_space<vmem>>
      %dma_wait3A_177 = arith.constant 0 : i32
      %dma_wait3A_178 = arith.constant 0 : i32
      %dma_wait3A_179 = tpu.memref_slice %arg12[%dma_wait3A_177, %dma_wait3A_178] : memref<10240x32xf32, #tpu.memory_space<vmem_shared>> -> memref<10240x32xf32, #tpu.memory_space<vmem_shared>>
      tpu.wait_indirect_dma semaphore(%arg11 : memref<!tpu.dma_semaphore, #tpu.memory_space<semaphore_mem>>) src(%dma_wait3A_173 : memref<128x32xf32, #tpu.memory_space<vmem>>) dst(%dma_wait3A_179 : memref<10240x32xf32, #tpu.memory_space<vmem_shared>>)
      %dma_wait3A_180 = arith.constant 2 : i32
      %dma_wait3A_181 = arith.constant 0 : i32
      %dma_wait3A_182 = arith.constant 0 : i32
      %dma_wait3A_183 = tpu.memref_slice %arg9[%dma_wait3A_180, %dma_wait3A_181, %dma_wait3A_182] : memref<4x128x32xf32, #tpu.memory_space<vmem>> -> memref<1x128x32xf32, #tpu.memory_space<vmem>>
      %dma_wait3A_184 = tpu.memref_squeeze %dma_wait3A_183 : memref<1x128x32xf32, #tpu.memory_space<vmem>> -> memref<128x32xf32, #tpu.memory_space<vmem>>
      %dma_wait3A_185 = arith.constant 0 : i32
      %dma_wait3A_186 = tpu.memref_slice %arg8[%add3A_133, %dma_wait3A_185] : memref<80x128xi32, #tpu.memory_space<vmem>> -> memref<1x128xi32, #tpu.memory_space<vmem>>
      %dma_wait3A_187 = tpu.memref_squeeze %dma_wait3A_186 : memref<1x128xi32, #tpu.memory_space<vmem>> -> memref<128xi32, #tpu.memory_space<vmem>>
      %dma_wait3A_188 = arith.constant 0 : i32
      %dma_wait3A_189 = arith.constant 0 : i32
      %dma_wait3A_190 = tpu.memref_slice %arg12[%dma_wait3A_188, %dma_wait3A_189] : memref<10240x32xf32, #tpu.memory_space<vmem_shared>> -> memref<10240x32xf32, #tpu.memory_space<vmem_shared>>
      tpu.wait_indirect_dma semaphore(%arg11 : memref<!tpu.dma_semaphore, #tpu.memory_space<semaphore_mem>>) src(%dma_wait3A_184 : memref<128x32xf32, #tpu.memory_space<vmem>>) dst(%dma_wait3A_190 : memref<10240x32xf32, #tpu.memory_space<vmem_shared>>)
      %dma_wait3A_191 = arith.constant 3 : i32
      %dma_wait3A_192 = arith.constant 0 : i32
      %dma_wait3A_193 = arith.constant 0 : i32
      %dma_wait3A_194 = tpu.memref_slice %arg9[%dma_wait3A_191, %dma_wait3A_192, %dma_wait3A_193] : memref<4x128x32xf32, #tpu.memory_space<vmem>> -> memref<1x128x32xf32, #tpu.memory_space<vmem>>
      %dma_wait3A_195 = tpu.memref_squeeze %dma_wait3A_194 : memref<1x128x32xf32, #tpu.memory_space<vmem>> -> memref<128x32xf32, #tpu.memory_space<vmem>>
      %dma_wait3A_196 = arith.constant 0 : i32
      %dma_wait3A_197 = tpu.memref_slice %arg8[%add3A_146, %dma_wait3A_196] : memref<80x128xi32, #tpu.memory_space<vmem>> -> memref<1x128xi32, #tpu.memory_space<vmem>>
      %dma_wait3A_198 = tpu.memref_squeeze %dma_wait3A_197 : memref<1x128xi32, #tpu.memory_space<vmem>> -> memref<128xi32, #tpu.memory_space<vmem>>
      %dma_wait3A_199 = arith.constant 0 : i32
      %dma_wait3A_200 = arith.constant 0 : i32
      %dma_wait3A_201 = tpu.memref_slice %arg12[%dma_wait3A_199, %dma_wait3A_200] : memref<10240x32xf32, #tpu.memory_space<vmem_shared>> -> memref<10240x32xf32, #tpu.memory_space<vmem_shared>>
      tpu.wait_indirect_dma semaphore(%arg11 : memref<!tpu.dma_semaphore, #tpu.memory_space<semaphore_mem>>) src(%dma_wait3A_195 : memref<128x32xf32, #tpu.memory_space<vmem>>) dst(%dma_wait3A_201 : memref<10240x32xf32, #tpu.memory_space<vmem_shared>>)
    }
    %scan3A_7 = arith.constant 20 : i32
    %barrier3A_8 = arith.constant 0 : index
    tpu.barrier barrier_id(%barrier3A_8)
    "tpu.region"() ({
      %run_scoped3A = tpu.sem_alloc : memref<!tpu.dma_semaphore, #tpu.memory_space<semaphore_mem>>
      %dma_start3A = arith.constant 0 : i32
      %dma_start3A_9 = tpu.memref_slice %arg6[%arg0, %mul3A_2, %dma_start3A] : memref<2x10240x32xf32, #tpu.memory_space<hbm>> -> memref<1x640x32xf32, #tpu.memory_space<hbm>>
      %dma_start3A_10 = tpu.memref_squeeze %dma_start3A_9 : memref<1x640x32xf32, #tpu.memory_space<hbm>> -> memref<640x32xf32, #tpu.memory_space<hbm>>
      %dma_start3A_11 = arith.constant 0 : i32
      %dma_start3A_12 = tpu.memref_slice %arg12[%mul3A_2, %dma_start3A_11] : memref<10240x32xf32, #tpu.memory_space<vmem_shared>> -> memref<640x32xf32, #tpu.memory_space<vmem_shared>>
      tpu.enqueue_dma source(%dma_start3A_12 : memref<640x32xf32, #tpu.memory_space<vmem_shared>>) target(%dma_start3A_10 : memref<640x32xf32, #tpu.memory_space<hbm>>) target_semaphore(%run_scoped3A : memref<!tpu.dma_semaphore, #tpu.memory_space<semaphore_mem>>)
      %dma_wait3A = arith.constant 0 : i32
      %dma_wait3A_13 = tpu.memref_slice %arg6[%arg0, %mul3A_2, %dma_wait3A] : memref<2x10240x32xf32, #tpu.memory_space<hbm>> -> memref<1x640x32xf32, #tpu.memory_space<hbm>>
      %dma_wait3A_14 = tpu.memref_squeeze %dma_wait3A_13 : memref<1x640x32xf32, #tpu.memory_space<hbm>> -> memref<640x32xf32, #tpu.memory_space<hbm>>
      %dma_wait3A_15 = arith.constant 0 : i32
      %dma_wait3A_16 = tpu.memref_slice %arg12[%mul3A_2, %dma_wait3A_15] : memref<10240x32xf32, #tpu.memory_space<vmem_shared>> -> memref<640x32xf32, #tpu.memory_space<vmem_shared>>
      tpu.wait_dma2 semaphore(%run_scoped3A : memref<!tpu.dma_semaphore, #tpu.memory_space<semaphore_mem>>) src(%dma_wait3A_16 : memref<640x32xf32, #tpu.memory_space<vmem_shared>>) dst(%dma_wait3A_14 : memref<640x32xf32, #tpu.memory_space<hbm>>)
      tpu.yield
    }) : () -> ()
    return
  }
}

module attributes {stable_mosaic.version = 14 : i64} {
  func.func @_tc_body(%arg0: i32, %arg1: i32, %arg2: memref<1x1024x16xf32, #tpu.memory_space<vmem>>, %arg3: memref<1024x32xf32, #tpu.memory_space<vmem>>, %arg4: memref<1024x32xf32, #tpu.memory_space<vmem>>, %arg5: memref<16x128xf32, #tpu.memory_space<vmem>>, %arg6: memref<1x32x128xf32, #tpu.memory_space<vmem>>, %arg7: memref<1x128xf32, #tpu.memory_space<vmem>>, %arg8: memref<128x16xf32, #tpu.memory_space<vmem>>, %arg9: memref<1x1024x16xf32, #tpu.memory_space<vmem>>) attributes {dimension_semantics = [#tpu.dimension_semantics<arbitrary>, #tpu.dimension_semantics<arbitrary>], iteration_bounds = array<i64: 3, 10>, scalar_prefetch = 0 : i64, scratch_operands = 0 : i64, tpu.core_type = #tpu.core_type<tc>, window_params = [{transform_indices = @transform_0, window_bounds = array<i64: 1, 1024, 16>}, {transform_indices = @transform_1, window_bounds = array<i64: 1024, 32>}, {transform_indices = @transform_2, window_bounds = array<i64: 1024, 32>}, {pipeline_mode = #tpu.pipeline_mode<synchronous>, transform_indices = @transform_3, window_bounds = array<i64: 16, 128>}, {transform_indices = @transform_4, window_bounds = array<i64: 1, 32, 128>}, {pipeline_mode = #tpu.pipeline_mode<synchronous>, transform_indices = @transform_5, window_bounds = array<i64: 1, 128>}, {pipeline_mode = #tpu.pipeline_mode<synchronous>, transform_indices = @transform_6, window_bounds = array<i64: 128, 16>}, {transform_indices = @transform_7, window_bounds = array<i64: 1, 1024, 16>}]} {
    %get3A = arith.constant 0 : index
    %get3A_0 = arith.constant 0 : index
    %get3A_1 = arith.constant 0 : index
    %get3A_2 = vector.load %arg2[%get3A, %get3A_0, %get3A_1] : memref<1x1024x16xf32, #tpu.memory_space<vmem>>, vector<1x1024x16xf32>
    %get3A_3 = vector.shape_cast %get3A_2 : vector<1x1024x16xf32> to vector<1024x16xf32>
    %get3A_4 = arith.constant 0 : index
    %get3A_5 = arith.constant 0 : index
    %get3A_6 = vector.load %arg3[%get3A_4, %get3A_5] : memref<1024x32xf32, #tpu.memory_space<vmem>>, vector<1024x32xf32>
    %get3A_7 = arith.constant 0 : index
    %get3A_8 = arith.constant 0 : index
    %get3A_9 = vector.load %arg4[%get3A_7, %get3A_8] : memref<1024x32xf32, #tpu.memory_space<vmem>>, vector<1024x32xf32>
    %add3A = arith.addf %get3A_6, %get3A_9 : vector<1024x32xf32>
    %get3A_10 = arith.constant 0 : index
    %get3A_11 = arith.constant 0 : index
    %get3A_12 = vector.load %arg5[%get3A_10, %get3A_11] : memref<16x128xf32, #tpu.memory_space<vmem>>, vector<16x128xf32>
    %dot_general3A = arith.constant dense<0.000000e+00> : vector<1024x128xf32>
    %dot_general3A_13 = tpu.matmul %get3A_3, %get3A_12, %dot_general3A {dimension_numbers = #tpu.dot_dimension_numbers<[1], [0], [0], [1], [0, 0, 1, 1], [], []>, transpose_lhs_hint = false} : vector<1024x16xf32>, vector<16x128xf32>, vector<1024x128xf32> -> vector<1024x128xf32>
    %get3A_14 = arith.constant 0 : index
    %get3A_15 = arith.constant 0 : index
    %get3A_16 = arith.constant 0 : index
    %get3A_17 = vector.load %arg6[%get3A_14, %get3A_15, %get3A_16] : memref<1x32x128xf32, #tpu.memory_space<vmem>>, vector<1x32x128xf32>
    %get3A_18 = vector.shape_cast %get3A_17 : vector<1x32x128xf32> to vector<32x128xf32>
    %dot_general3A_19 = arith.constant dense<0.000000e+00> : vector<1024x128xf32>
    %dot_general3A_20 = tpu.matmul %add3A, %get3A_18, %dot_general3A_19 {dimension_numbers = #tpu.dot_dimension_numbers<[1], [0], [0], [1], [0, 0, 1, 1], [], []>, transpose_lhs_hint = false} : vector<1024x32xf32>, vector<32x128xf32>, vector<1024x128xf32> -> vector<1024x128xf32>
    %add3A_21 = arith.addf %dot_general3A_13, %dot_general3A_20 : vector<1024x128xf32>
    %get3A_22 = arith.constant 0 : index
    %get3A_23 = arith.constant 0 : index
    %get3A_24 = vector.load %arg7[%get3A_22, %get3A_23] : memref<1x128xf32, #tpu.memory_space<vmem>>, vector<1x128xf32>
    %add3A_25 = vector.broadcast %get3A_24 : vector<1x128xf32> to vector<1024x128xf32>
    %add3A_26 = arith.addf %add3A_21, %add3A_25 : vector<1024x128xf32>
    %max3A = arith.constant 0.000000e+00 : f32
    %max3A_27 = vector.broadcast %max3A : f32 to vector<1024x128xf32>
    %max3A_28 = arith.maximumf %add3A_26, %max3A_27 : vector<1024x128xf32>
    %get3A_29 = arith.constant 0 : index
    %get3A_30 = arith.constant 0 : index
    %get3A_31 = vector.load %arg8[%get3A_29, %get3A_30] : memref<128x16xf32, #tpu.memory_space<vmem>>, vector<128x16xf32>
    %dot_general3A_32 = arith.constant dense<0.000000e+00> : vector<1024x16xf32>
    %dot_general3A_33 = tpu.matmul %max3A_28, %get3A_31, %dot_general3A_32 {dimension_numbers = #tpu.dot_dimension_numbers<[1], [0], [0], [1], [0, 0, 1, 1], [], []>, transpose_lhs_hint = false} : vector<1024x128xf32>, vector<128x16xf32>, vector<1024x16xf32> -> vector<1024x16xf32>
    %swap3A = arith.constant 0 : index
    %swap3A_34 = arith.constant 0 : index
    %swap3A_35 = arith.constant 0 : index
    %swap3A_36 = vector.load %arg9[%swap3A, %swap3A_34, %swap3A_35] : memref<1x1024x16xf32, #tpu.memory_space<vmem>>, vector<1x1024x16xf32>
    %swap3A_37 = vector.shape_cast %swap3A_36 : vector<1x1024x16xf32> to vector<1024x16xf32>
    %swap3A_38 = vector.shape_cast %dot_general3A_33 : vector<1024x16xf32> to vector<1x1024x16xf32>
    tpu.vector_store %arg9[%swap3A, %swap3A_34, %swap3A_35], %swap3A_38 {strides = array<i32>} : memref<1x1024x16xf32, #tpu.memory_space<vmem>>, vector<1x1024x16xf32>,
    return
  }
  func.func @transform_0(%arg0: i32, %arg1: i32) -> (i32, i32, i32) {
    %c0_i32 = arith.constant 0 : i32
    %c0_i32_0 = arith.constant 0 : i32
    return %arg0, %arg1, %c0_i32 : i32, i32, i32
  }
  func.func @transform_1(%arg0: i32, %arg1: i32) -> (i32, i32) {
    %c0_i32 = arith.constant 0 : i32
    %c0_i32_0 = arith.constant 0 : i32
    return %arg1, %c0_i32 : i32, i32
  }
  func.func @transform_2(%arg0: i32, %arg1: i32) -> (i32, i32) {
    %c0_i32 = arith.constant 0 : i32
    %c0_i32_0 = arith.constant 0 : i32
    return %arg1, %c0_i32 : i32, i32
  }
  func.func @transform_3(%arg0: i32, %arg1: i32) -> (i32, i32) {
    %c0_i32 = arith.constant 0 : i32
    %c0_i32_0 = arith.constant 0 : i32
    %c0_i32_1 = arith.constant 0 : i32
    return %c0_i32, %c0_i32_0 : i32, i32
  }
  func.func @transform_4(%arg0: i32, %arg1: i32) -> (i32, i32, i32) {
    %c0_i32 = arith.constant 0 : i32
    %c0_i32_0 = arith.constant 0 : i32
    %c0_i32_1 = arith.constant 0 : i32
    return %arg0, %c0_i32, %c0_i32_0 : i32, i32, i32
  }
  func.func @transform_5(%arg0: i32, %arg1: i32) -> (i32, i32) {
    %c0_i32 = arith.constant 0 : i32
    %c0_i32_0 = arith.constant 0 : i32
    %c0_i32_1 = arith.constant 0 : i32
    return %c0_i32, %c0_i32_0 : i32, i32
  }
  func.func @transform_6(%arg0: i32, %arg1: i32) -> (i32, i32) {
    %c0_i32 = arith.constant 0 : i32
    %c0_i32_0 = arith.constant 0 : i32
    %c0_i32_1 = arith.constant 0 : i32
    return %c0_i32, %c0_i32_0 : i32, i32
  }
  func.func @transform_7(%arg0: i32, %arg1: i32) -> (i32, i32, i32) {
    %c0_i32 = arith.constant 0 : i32
    %c0_i32_0 = arith.constant 0 : i32
    return %arg0, %arg1, %c0_i32 : i32, i32, i32
  }
}

</mosaic_0001>

<sc_bundles>
// kernel: kernel.10.cloned.1.call-start
scs
__scs_entry_jumppad:
0x0: {  	(pc) =	sbr.rel $0x88, $3  }
0x1: {  	(tag) =	ssettag $0x0;
	lr =	simm.s32 $0x1  }
0x2: {  	[smem:$0x3F96] =	sst lr;
	_ =	strace $0xD0000000  }
0x3: {  	_ = 	snop  }
0x4: {  	_ = 	snop  }
0x5: {  	_ = 	snop  }
0x6: {  	_ = 	snop  }
0x7: {  	_ = 	snop  }
__scs_overlays_trampoline_lowered:
0x8: {  	[smem:$0x3FA5] =	sst s0  }
0x9: {  	[smem:$0x3FA6] =	sst s1  }
0xa: {  	[smem:$0x3FA7] =	sst s2  }
0xb: {  	[smem:$0x3FA8] =	sst s3  }
0xc: {  	[smem:$0x3FA9] =	sst s4  }
0xd: {  	[smem:$0x3FAA] =	sst s5  }
0xe: {  	[smem:$0x3FAB] =	sst s6  }
0xf: {  	[smem:$0x3FAC] =	sst s7  }
0x10: {  	[smem:$0x3FAD] =	sst s8  }
0x11: {  	[smem:$0x3FAE] =	sst s9;
	s0 =	simm.s32 @!p0 $0x0  }
0x12: {  	s1 =	sld [smem:$0x3F94];
	s0 =	simm.s32 @p0 $0x1  }
0x13: {  	[smem:$0x3FAF] =	sst s0;
	s0 =	simm.s32 @!p1 $0x0  }
0x14: {  	s2 =	sld [smem:$0x3F93];
	s0 =	simm.s32 @p1 $0x1  }
0x15: {  	[smem:$0x3FB0] =	sst s0;
	s0 =	simm.s32 @!p2 $0x0  }
0x16: {  	s3 =	sld [smem:$0x3FDB];
	s0 =	simm.s32 @p2 $0x1  }
0x17: {  	s4 =	simm.s32 $0x1BF5;
	[smem:$0x3FB2] =	sst s0  }
0x18: {  	s0 =	sld [smem:$0x3F95];
	_ =	swait.ge [sflag:s4], $0x0  }
0x19: {  	s7 =	sld [smem:$0x3F96]  }
0x1a: {  	s8 =	sadd.s32 $0xFFFFE003, lr  }
0x1b: {  	s9 =	sadd.s32 $0xFFFFFEF7, lr;
	s5 =	simm.s32 $0xFFFFFFFF;
	p2 =	slt.u32 s8, $0xFFFFF086  }
0x1c: {  	p1 =	slt.u32 s9, $0xF7A;
	s5 =	simm.s32 @!p2 $0x0  }
0x1d: {  	s5 =	simm.s32 @p1 $0x1;
	p0 =	seq.s32 s7, s2  }
0x1e: {  	s7 =	smul.u32 @!p0 $0xF7A, s2;
	p2 =	seq.s32 @!p0 s5, $0x0  }
0x1f: {  	s9 =	smul.u32 $0xF7A, s1;
	s8 =	simm.s32 @!p0 $0x1BF5;
	p2 =	por !p2, p0  }
0x20: {  	[sflag:s8] =	ssyncset.s32 @!p0 $0xFFFFF086;
	s6 =	sadd.s32 @!p0 s3, s7;
	s7 =	simm.s32 @!p0 $0x108  }
0x21: {  	s3 =	sadd.s32 s3, s9;
	s6 =	sadd.s32 @!p0 $0x88, s6;
	s7 =	simm.s32 @p2 $0x1082  }
0x22: {  	[simem:s7], [sflag:s8] =	dma.local @!p0 [hbm:s6], $0xF7A  }
0x23: {  	s9 =	sor.u32 $0xD0000000, s2;
	s6 =	simm.s32 $0x108;
	_ =	swait.ge @!p0 [sflag:s8], $0x0  }
0x24: {  	s3 =	sadd.s32 $0x88, s3;
	s6 =	simm.s32 @!p1 $0x1082;
	[sflag:s4] =	ssyncset.s32 $0xFFFFF086  }
0x25: {  	[simem:s6], [sflag:s4] =	dma.local [hbm:s3], $0xF7A  }
0x26: {  	[smem:$0x3F96] =	sst s1;
	(tag) =	ssettag s2;
	_ =	strace s9  }
0x27: {  	s1 =	sld [smem:$0x3FA6]  }
0x28: {  	s2 =	sld [smem:$0x3FA7]  }
0x29: {  	s4 =	sld [smem:$0x3FA9]  }
0x2a: {  	p0 =	seq.s32 s5, $0x0;
	s5 =	sld [smem:$0x3FAA]  }
0x2b: {  	s6 =	sld [smem:$0x3FAB]  }
0x2c: {  	s7 =	sld [smem:$0x3FAC]  }
0x2d: {  	s3 =	simm.s32 $0x108;
	s8 =	sld [smem:$0x3FAD]  }
0x2e: {  	s3 =	simm.s32 @!p0 $0x1082;
	s9 =	sld [smem:$0x3FAE]  }
0x2f: {  	lr =	sadd.s32 s0, s3;
	s0 =	sld [smem:$0x3FA5]  }
0x30: {  	s3 =	sld [smem:$0x3FA8]  }
0x31: {  	[smem:$0x3FB1] =	sst s10  }
0x32: {  	s10 =	sld [smem:$0x3FAF];
	_ =	sdelay $0x3  }
0x33: {  	p0 =	seq.s32 s10, $0x1;
	s10 =	sld [smem:$0x3FB1];
	_ =	sdelay $0x3  }
0x34: {  	[smem:$0x3FB1] =	sst s10  }
0x35: {  	s10 =	sld [smem:$0x3FB0];
	_ =	sdelay $0x3  }
0x36: {  	p1 =	seq.s32 s10, $0x1;
	s10 =	sld [smem:$0x3FB1];
	_ =	sdelay $0x3  }
0x37: {  	[smem:$0x3FB1] =	sst s10  }
0x38: {  	s10 =	sld [smem:$0x3FB2]  }
0x39: {  	_ = 	snop;
	(pc) =	sbr.ind lr, $3  }
0x3a: {  	_ = 	snop  }
0x3b: {  	_ = 	snop  }
0x3c: {  	p2 =	seq.s32 s10, $0x1;
	s10 =	sld [smem:$0x3FB1]  }
0x3d: {  	_ =	shalt  }
0x3e: {  	_ =	shalt  }
0x3f: {  	_ =	shalt  }
0x40: {  	_ =	shalt  }
0x41: {  	_ =	shalt  }
0x42: {  	_ =	shalt  }
0x43: {  	_ =	shalt  }
0x44: {  	_ =	shalt  }
0x45: {  	_ =	shalt  }
0x46: {  	_ =	shalt  }
0x47: {  	_ =	shalt  }
0x48: {  	_ =	shalt  }
0x49: {  	_ =	shalt  }
0x4a: {  	_ =	shalt  }
0x4b: {  	_ =	shalt  }
0x4c: {  	_ =	shalt  }
0x4d: {  	_ =	shalt  }
0x4e: {  	_ =	shalt  }
0x4f: {  	_ =	shalt  }
0x50: {  	_ =	shalt  }
0x51: {  	_ =	shalt  }
0x52: {  	_ =	shalt  }
0x53: {  	_ =	shalt  }
0x54: {  	_ =	shalt  }
0x55: {  	_ =	shalt  }
0x56: {  	_ =	shalt  }
0x57: {  	_ =	shalt  }
0x58: {  	_ =	shalt  }
0x59: {  	_ =	shalt  }
0x5a: {  	_ =	shalt  }
0x5b: {  	_ =	shalt  }
0x5c: {  	_ =	shalt  }
0x5d: {  	_ =	shalt  }
0x5e: {  	_ =	shalt  }
0x5f: {  	_ =	shalt  }
0x60: {  	_ =	shalt  }
0x61: {  	_ =	shalt  }
0x62: {  	_ =	shalt  }
0x63: {  	_ =	shalt  }
0x64: {  	_ =	shalt  }
0x65: {  	_ =	shalt  }
0x66: {  	_ =	shalt  }
0x67: {  	_ =	shalt  }
0x68: {  	_ =	shalt  }
0x69: {  	_ =	shalt  }
0x6a: {  	_ =	shalt  }
0x6b: {  	_ =	shalt  }
0x6c: {  	_ =	shalt  }
0x6d: {  	_ =	shalt  }
0x6e: {  	_ =	shalt  }
0x6f: {  	_ =	shalt  }
0x70: {  	_ =	shalt  }
0x71: {  	_ =	shalt  }
0x72: {  	_ =	shalt  }
0x73: {  	_ =	shalt  }
0x74: {  	_ =	shalt  }
0x75: {  	_ =	shalt  }
0x76: {  	_ =	shalt  }
0x77: {  	_ =	shalt  }
0x78: {  	_ =	shalt  }
0x79: {  	_ =	shalt  }
0x7a: {  	_ =	shalt  }
0x7b: {  	_ =	shalt  }
0x7c: {  	_ =	shalt  }
0x7d: {  	_ =	shalt  }
0x7e: {  	_ =	shalt  }
0x7f: {  	_ =	shalt  }
0x80: {  	_ =	shalt  }
0x81: {  	_ =	shalt  }
0x82: {  	_ =	shalt  }
0x83: {  	_ =	shalt  }
0x84: {  	_ =	shalt  }
0x85: {  	_ =	shalt  }
0x86: {  	_ =	shalt  }
0x87: {  	_ =	shalt  }
.Lfunc_end0:
.L_simem_size_0:
called_computation_lowered:
.L_overlay_start_0:
0x88: {  	s2 =	sld [smem:$0x3FD9]  }
0x89: {  	s3 =	sld [smem:$0x3FFE];
	_ =	sdelay $0x1  }
0x8a: {  	s1 =	srdreg.scid  }
0x8b: {  	s0 =	sand.u32 $0x1, s1  }
0x8c: {  	s16 =	sshll.u32 s0, $0xA;
	s2 =	sadd.s32 s3, s2  }
0x8d: {  	s2 =	sadd.s32 s2, s16  }
0x8e: {  	[smem:$0x3FBD] =	sst s2  }
0x8f: {  	_ = 	snop  }
0x90: {  	(tm) =	ssettm $0x1  }
0x91: {  	s17 =	sld [smem:$0x3FFB];
	_ =	sdelay $0x3  }
0x92: {  	_ =	strace s17  }
0x93: {  	s2 =	sld [smem:$0x3FFC];
	_ =	sdelay $0x3  }
0x94: {  	_ =	strace s2  }
0x95: {  	s2 =	sld [smem:$0x3FFD];
	_ =	sdelay $0x3  }
0x96: {  	_ =	strace s2  }
0x97: {  	_ =	strace $0x8FFFFFFF  }
0x98: {  	s18 =	sld [smem:$0x3FDB];
	_ =	sdelay $0x1  }
0x99: {  	s19 =	simm.s32 $_scs_section_size  }
0x9a: {  	s4 =	simm.s32 $_size__tile_overlayer_lowered;
	s5 =	simm.s32 $_tile_overlayer_lowered  }
0x9b: {  	s22 =	simm.s32 $0x1BFF;
	s21 =	sshll.u32 s5, $0x1;
	s2 =	sadd.s32 s19, s18  }
0x9c: {  	s6 =	simm.s32 $0x0;
	s20 =	sshll.u32 s4, $0x1;
	s4 =	sadd.s32 s21, s2  }
0x9d: {  	[timem:s6], [sflag:s22] =	dma.local [hbm:s4], s20  }
0x9e: {  	_ =	swait.ge [sflag:s22], s20  }
0x9f: {  	s3 =	ssub.s32 $0x0, s20;
	[sflag:s22] =	ssyncset.done $0x0  }
0xa0: {  	[sflag:s22] =	ssyncadd.s32 s3;
	_ =	sdelay $0x1  }
0xa1: {  	s23 =	simm.s32 $0x1B8B  }
0xa2: {  	_ =	swait.ge [sflag:s23], $0x1  }
0xa3: {  	[sflag:s23] =	ssyncset.done $0x0  }
0xa4: {  	s25 =	simm.s32 $0x1B8E;
	s24 =	sld [smem:$0x3FFE];
	[sflag:s23] =	ssyncadd.s32 $0xFFFFFFFF  }
0xa5: {  	s26 =	simm.s32 $execute0_lowered;
	[smem:$0x3FD2] =	sst s25  }
0xa6: {  	s4 =	sshll.u32 s26, $0x1;
	_ =	strace $0x80000046;
	[dreg:$0x1] =	wrdreg $0xFFFFFFFF  }
0xa7: {  	s28 =	simm.s32 $_size_execute0_lowered;
	s2 =	sadd.s32 s2, s4;
	[dreg:$0x0] =	wrdreg $0x0  }
0xa8: {  	s4 =	sshll.u32 s28, $0x1;
	[dreg:$0x2] =	wrdreg s2  }
0xa9: {  	[dreg:$0x3] =	wrdreg s4  }
0xaa: {  	[dreg:$0x4] =	wrdreg $0xC0  }
0xab: {  	_ =	task [dreg:s6], $0x5FFFF  }
0xac: {  	[dreg:$0x1] =	wrdreg $0xFFFFFFFF  }
0xad: {  	[dreg:$0x0] =	wrdreg $0x60  }
0xae: {  	[dreg:$0x2] =	wrdreg s24  }
0xaf: {  	[dreg:$0x3] =	wrdreg $0x90000  }
0xb0: {  	[dreg:$0x4] =	wrdreg $0x9  }
0xb1: {  	_ =	task.clear_ibuf [dreg:s6], $0x5FFFF;
	_ =	strace $0x90000046  }
0xb2: {  	s29 =	simm.s32 $0x9;
	_ =	strace $0x80000048  }
0xb3: {  	_ =	swait.ge [sflag:s29], $0x1  }
0xb4: {  	[sflag:s29] =	ssyncadd.s32 $0xFFFFFFFF  }
0xb5: {  	_ =	strace $0x90000048  }
0xb6: {  	_ =	sfence  }
0xb7: {  	s30 =	sld [smem:$0x0];
	_ =	sdelay $0x2  }
0xb8: {  	s31 =	sshll.u32 s1, $0xD;
	s1 =	sshrl.u32 s1, $0x2  }
0xb9: {  	s3 =	sand.u32 $0x4000, s31;
	s1 =	sadd.s32 s1, s30  }
0xba: {  	s0 =	sor.u32 s3, s0;
	s1 =	sshll.u32 s1, $0x11  }
0xbb: {  	s0 =	sor.u32 s1, s0  }
0xbc: {  	s0 =	sadd.s32 $0x8F2B, s0  }
0xbd: {  	[sflag:s0] =	ssyncadd.remote.s32 $0x1  }
0xbe: {  	_ =	sfence.sel $0xFFFF  }
0xbf: {  	[dreg:$0x0] =	wrdreg $0xFFFFFFFF;
	(pc) =	sbr.abs _section_cstart, $3  }
0xc0: {  	[dreg:$0x1] =	wrdreg $0xFFFFFFFF  }
0xc1: {  	_ =	task.clear_ibuf [dreg:s6], $0x2FFFF;
	_ =	strace $0x9FFFFFFF  }
0xc2: {  	(tm) =	ssettm $0x7FFFFFFF  }
0xc3: {  	_ =	shalt  }
tec
execute0_lowered:
.L_overlay_start_1:
0x0: {  	(tag) =	ssettag $0x1  }
0x1: {  	s5 =	rddreg [dreg:$0x0]  }
0x2: {  	s2 =	rddreg [dreg:$0x1]  }
0x3: {  	s0 =	rddreg [dreg:$0x2];
	s4 =	srdreg.scid  }
0x4: {  	s3 =	simm.s32 $0x0;
	s1 =	stileid.u32;
	s13 =	simm.s32 $0x2800  }
0x5: {  	s14 =	simm.s32 $0x80;
	s15 =	simm.s32 $0x5000;
	s16 =	simm.s32 $0x6000  }
0x6: {  	s17 =	simm.s32 $0x7000;
	s18 =	simm.s32 $0x8000;
	s19 =	simm.s32 $0x1  }
0x7: {  	s20 =	simm.s32 $0x2;
	s21 =	simm.s32 $0x0;
	s6 =	sand.u32 $0x1, s4  }
0x8: {  	[smem:$0x7FF] =	sst s3;
	s7 =	smul.u32 $0x5000, s1;
	s31 =	sshll.u32 s1, $0x6  }
0x9: {  	s4 =	sshll.u32 s6, $0x4;
	_ =	strace $0x80000047;
	s9 =	smul.u32 $0x50000, s6  }
0xa: {  	s6 =	ssub.s32 $0x2, s6;
	s8 =	sor.u32 s1, s4;
	s4 =	sadd.s32 $0x18800, s5  }
0xb: {  	s10 =	sshrl.u32 s7, $0x3;
	s11 =	sshrl.u32 s6, $0x1;
	s12 =	sadd.s32 s7, s2  }
0xc: {  	s8 =	smul.u32 $0x500, s8;
	s10 =	sadd.s32 s10, s5;
	s9 =	sadd.s32 s7, s9  }
0xd: {  	s11 =	ssub.s32 s6, s11;
	s6 =	sor.u32 $0x1C03, s31;
	s9 =	sshrl.u32 s9, $0x3  }
0xe: {  	s8 =	sadd.s32 s8, s5;
	s9 =	sadd.s32 s9, s5;
	s5 =	sadd.s32 $0x22800, s10  }
0xf: {  	s10 =	smax.u32 s11, $0x1;
	s11 =	sshrl.u32 s12, $0x3;
	s12 =	simm.s32 $0x3  }
0x10: {  	s7 =	sadd.s32 $0xE800, s8;
	s8 =	sadd.s32 $0x4800, s8;
	s9 =	sadd.s32 $0x2C800, s9  }
.LBB2_1:
0x11: {  	[spmem:s11], [sflag:s6] =	dma.local [hbm:s5], $0xA00  }
0x12: {  	_ =	swait.ge [sflag:s12], $0xA00  }
0x13: {  	[sflag:s12] =	ssyncset.done $0x0  }
0x14: {  	[sflag:s12] =	ssyncadd.s32 $0xFFFFF600  }
0x15: {  	[tilespmem:s3], [sflag:$0x3] =	stream.linear.gather [hbm4b:s7+s3], $0x2800, $0x38;
	[tilespmem:$0xE000] =	vst v63  }
0x16: {  	_ =	swait.ge [sflag:s12], $0x2800  }
0x17: {  	[sflag:s12] =	ssyncset.done $0x0  }
0x18: {  	[sflag:s12] =	ssyncadd.s32 $0xFFFFD800  }
0x19: {  	[tilespmem:s13], [sflag:$0x3] =	stream.linear.gather [hbm4b:s8+s3], $0x2800, $0x38;
	[tilespmem:$0xE000] =	vst v63  }
0x1a: {  	_ =	swait.ge [sflag:s12], $0x2800  }
0x1b: {  	[sflag:s12] =	ssyncset.done $0x0  }
0x1c: {  	[sflag:s12] =	ssyncadd.s32 $0xFFFFD800  }
0x1d: {  	s22 =	simm.s32 $0x0;
	[bflag:$0x0] =	sbarrier.arrive $0xFFFF  }
0x1e: {  	[tilespmem:s15], [sflag:$0x1] =	stream.indirect.gather [hbm4b:s4+s14], $0x20, s22, s14, $0xb8;
	[tilespmem:$0xE000] =	vst v63  }
0x1f: {  	s24 =	simm.s32 $0x80  }
0x20: {  	[tilespmem:s16], [sflag:$0x1] =	stream.indirect.gather [hbm4b:s4+s14], $0x20, s24, s14, $0xb8;
	[tilespmem:$0xE000] =	vst v63  }
0x21: {  	s25 =	simm.s32 $0x100  }
0x22: {  	[tilespmem:s17], [sflag:$0x1] =	stream.indirect.gather [hbm4b:s4+s14], $0x20, s25, s14, $0xb8;
	[tilespmem:$0xE000] =	vst v63  }
0x23: {  	s26 =	simm.s32 $0x180  }
0x24: {  	[tilespmem:s18], [sflag:$0x1] =	stream.indirect.gather [hbm4b:s4+s14], $0x20, s26, s14, $0xb8;
	[tilespmem:$0xE000] =	vst v63  }
0x25: {  	_ =	swait.ge [sflag:s19], $0x1000  }
0x26: {  	[sflag:s19] =	ssyncset.done $0x0  }
0x27: {  	[sflag:s19] =	ssyncadd.s32 $0xFFFFF000  }
0x28: {  	_ =	swait.ge [sflag:s19], $0x1000  }
0x29: {  	[sflag:s19] =	ssyncset.done $0x0  }
0x2a: {  	[sflag:s19] =	ssyncadd.s32 $0xFFFFF000  }
0x2b: {  	_ =	swait.ge [sflag:s19], $0x1000  }
0x2c: {  	[sflag:s19] =	ssyncset.done $0x0  }
0x2d: {  	[sflag:s19] =	ssyncadd.s32 $0xFFFFF000  }
0x2e: {  	_ =	swait.ge [sflag:s19], $0x1000  }
0x2f: {  	[sflag:s19] =	ssyncset.done $0x0  }
0x30: {  	s28 =	simm.s32 $0x2800;
	[sflag:s19] =	ssyncadd.s32 $0xFFFFF000  }
0x31: {  	[spmem:s2] =	stream.indirect.scatter.add.f32 [tilespmem:s15], [sflag:$0x2], $0x20, s28, s14, $0xb8;
	[tilespmem:$0xE000] =	vst v63  }
0x32: {  	s29 =	simm.s32 $0x2880  }
0x33: {  	[spmem:s2] =	stream.indirect.scatter.add.f32 [tilespmem:s16], [sflag:$0x2], $0x20, s29, s14, $0xb8;
	[tilespmem:$0xE000] =	vst v63  }
0x34: {  	s30 =	simm.s32 $0x2900  }
0x35: {  	[spmem:s2] =	stream.indirect.scatter.add.f32 [tilespmem:s17], [sflag:$0x2], $0x20, s30, s14, $0xb8;
	[tilespmem:$0xE000] =	vst v63  }
0x36: {  	s31 =	simm.s32 $0x2980  }
0x37: {  	[spmem:s2] =	stream.indirect.scatter.add.f32 [tilespmem:s18], [sflag:$0x2], $0x20, s31, s14, $0xb8;
	[tilespmem:$0xE000] =	vst v63  }
0x38: {  	_ =	swait.ge [sflag:s20], $0x1000  }
0x39: {  	[sflag:s20] =	ssyncset.done $0x0  }
0x3a: {  	[sflag:s20] =	ssyncadd.s32 $0xFFFFF000  }
0x3b: {  	_ =	swait.ge [sflag:s20], $0x1000  }
0x3c: {  	[sflag:s20] =	ssyncset.done $0x0  }
0x3d: {  	[sflag:s20] =	ssyncadd.s32 $0xFFFFF000  }
0x3e: {  	_ =	swait.ge [sflag:s20], $0x1000  }
0x3f: {  	[sflag:s20] =	ssyncset.done $0x0  }
0x40: {  	[sflag:s20] =	ssyncadd.s32 $0xFFFFF000  }
0x41: {  	_ =	swait.ge [sflag:s20], $0x1000  }
0x42: {  	s22 =	simm.s32 $0x800;
	s24 =	simm.s32 $0x1000;
	[sflag:s20] =	ssyncset.done $0x0  }
.LBB2_2:
0x43: {  	s25 =	sshra.s32 s22, $0x2  }
0x44: {  	[sflag:s20] =	ssyncadd.s32 $0xFFFFF000;
	s22 =	smov.u32 s24;
	s23 =	sadd.s32 $0x800, s24  }
0x45: {  	[tilespmem:s15], [sflag:$0x1] =	stream.indirect.gather [hbm4b:s4+s14], $0x20, s25, s14, $0xb8;
	[tilespmem:$0xE000] =	vst v63  }
0x46: {  	p0 =	sne.s32 s24, $0x9800;
	s24 =	sadd.s32 $0x80, s25  }
0x47: {  	[tilespmem:s16], [sflag:$0x1] =	stream.indirect.gather [hbm4b:s4+s14], $0x20, s24, s14, $0xb8;
	[tilespmem:$0xE000] =	vst v63  }
0x48: {  	s24 =	sadd.s32 $0x100, s25  }
0x49: {  	[tilespmem:s17], [sflag:$0x1] =	stream.indirect.gather [hbm4b:s4+s14], $0x20, s24, s14, $0xb8;
	[tilespmem:$0xE000] =	vst v63  }
0x4a: {  	s24 =	sadd.s32 $0x180, s25  }
0x4b: {  	[tilespmem:s18], [sflag:$0x1] =	stream.indirect.gather [hbm4b:s4+s14], $0x20, s24, s14, $0xb8;
	[tilespmem:$0xE000] =	vst v63  }
0x4c: {  	_ =	swait.ge [sflag:s19], $0x1000  }
0x4d: {  	[sflag:s19] =	ssyncset.done $0x0  }
0x4e: {  	[sflag:s19] =	ssyncadd.s32 $0xFFFFF000  }
0x4f: {  	_ =	swait.ge [sflag:s19], $0x1000  }
0x50: {  	[sflag:s19] =	ssyncset.done $0x0  }
0x51: {  	[sflag:s19] =	ssyncadd.s32 $0xFFFFF000  }
0x52: {  	_ =	swait.ge [sflag:s19], $0x1000  }
0x53: {  	[sflag:s19] =	ssyncset.done $0x0  }
0x54: {  	[sflag:s19] =	ssyncadd.s32 $0xFFFFF000  }
0x55: {  	_ =	swait.ge [sflag:s19], $0x1000  }
0x56: {  	[sflag:s19] =	ssyncset.done $0x0  }
0x57: {  	s24 =	sadd.s32 $0x2800, s25;
	[sflag:s19] =	ssyncadd.s32 $0xFFFFF000  }
0x58: {  	[spmem:s2] =	stream.indirect.scatter.add.f32 [tilespmem:s15], [sflag:$0x2], $0x20, s24, s14, $0xb8;
	[tilespmem:$0xE000] =	vst v63  }
0x59: {  	s24 =	sadd.s32 $0x2880, s25  }
0x5a: {  	[spmem:s2] =	stream.indirect.scatter.add.f32 [tilespmem:s16], [sflag:$0x2], $0x20, s24, s14, $0xb8;
	[tilespmem:$0xE000] =	vst v63  }
0x5b: {  	s24 =	sadd.s32 $0x2900, s25  }
0x5c: {  	[spmem:s2] =	stream.indirect.scatter.add.f32 [tilespmem:s17], [sflag:$0x2], $0x20, s24, s14, $0xb8;
	[tilespmem:$0xE000] =	vst v63  }
0x5d: {  	s24 =	sadd.s32 $0x2980, s25  }
0x5e: {  	[spmem:s2] =	stream.indirect.scatter.add.f32 [tilespmem:s18], [sflag:$0x2], $0x20, s24, s14, $0xb8;
	[tilespmem:$0xE000] =	vst v63  }
0x5f: {  	_ =	swait.ge [sflag:s20], $0x1000  }
0x60: {  	[sflag:s20] =	ssyncset.done $0x0  }
0x61: {  	[sflag:s20] =	ssyncadd.s32 $0xFFFFF000  }
0x62: {  	_ =	swait.ge [sflag:s20], $0x1000  }
0x63: {  	[sflag:s20] =	ssyncset.done $0x0  }
0x64: {  	[sflag:s20] =	ssyncadd.s32 $0xFFFFF000  }
.Ltmp0:
0x65: {  	_ =	swait.ge [sflag:s20], $0x1000;
	(pc) =	sbr.rel @p0 .LBB2_2-.Ltmp0, $4  }
0x66: {  	[sflag:s20] =	ssyncset.done $0x0  }
0x67: {  	[sflag:s20] =	ssyncadd.s32 $0xFFFFF000  }
0x68: {  	_ =	swait.ge [sflag:s20], $0x1000  }
0x69: {  	s24 =	smov.u32 s23;
	[sflag:s20] =	ssyncset.done $0x0  }
0x6a: {  	s22 =	sshra.s32 s22, $0x2;
	[sflag:s20] =	ssyncadd.s32 $0xFFFFF000  }
0x6b: {  	[tilespmem:s15], [sflag:$0x1] =	stream.indirect.gather [hbm4b:s4+s14], $0x20, s22, s14, $0xb8;
	[tilespmem:$0xE000] =	vst v63  }
0x6c: {  	s23 =	sadd.s32 $0x80, s22  }
0x6d: {  	[tilespmem:s16], [sflag:$0x1] =	stream.indirect.gather [hbm4b:s4+s14], $0x20, s23, s14, $0xb8;
	[tilespmem:$0xE000] =	vst v63  }
0x6e: {  	s26 =	sadd.s32 $0x100, s22  }
0x6f: {  	[tilespmem:s17], [sflag:$0x1] =	stream.indirect.gather [hbm4b:s4+s14], $0x20, s26, s14, $0xb8;
	[tilespmem:$0xE000] =	vst v63  }
0x70: {  	s28 =	sadd.s32 $0x180, s22  }
0x71: {  	[tilespmem:s18], [sflag:$0x1] =	stream.indirect.gather [hbm4b:s4+s14], $0x20, s28, s14, $0xb8;
	[tilespmem:$0xE000] =	vst v63  }
0x72: {  	_ =	swait.ge [sflag:s19], $0x1000  }
0x73: {  	[sflag:s19] =	ssyncset.done $0x0  }
0x74: {  	[sflag:s19] =	ssyncadd.s32 $0xFFFFF000  }
0x75: {  	_ =	swait.ge [sflag:s19], $0x1000  }
0x76: {  	[sflag:s19] =	ssyncset.done $0x0  }
0x77: {  	[sflag:s19] =	ssyncadd.s32 $0xFFFFF000  }
0x78: {  	_ =	swait.ge [sflag:s19], $0x1000  }
0x79: {  	[sflag:s19] =	ssyncset.done $0x0  }
0x7a: {  	[sflag:s19] =	ssyncadd.s32 $0xFFFFF000  }
0x7b: {  	_ =	swait.ge [sflag:s19], $0x1000  }
0x7c: {  	[sflag:s19] =	ssyncset.done $0x0  }
0x7d: {  	s29 =	sadd.s32 $0x2800, s22;
	[sflag:s19] =	ssyncadd.s32 $0xFFFFF000  }
0x7e: {  	[spmem:s2] =	stream.indirect.scatter.add.f32 [tilespmem:s15], [sflag:$0x2], $0x20, s29, s14, $0xb8;
	[tilespmem:$0xE000] =	vst v63  }
0x7f: {  	s30 =	sadd.s32 $0x2880, s22  }
0x80: {  	[spmem:s2] =	stream.indirect.scatter.add.f32 [tilespmem:s16], [sflag:$0x2], $0x20, s30, s14, $0xb8;
	[tilespmem:$0xE000] =	vst v63  }
0x81: {  	s31 =	sadd.s32 $0x2900, s22  }
0x82: {  	[spmem:s2] =	stream.indirect.scatter.add.f32 [tilespmem:s17], [sflag:$0x2], $0x20, s31, s14, $0xb8;
	[tilespmem:$0xE000] =	vst v63  }
0x83: {  	s22 =	sadd.s32 $0x2980, s22  }
0x84: {  	[spmem:s2] =	stream.indirect.scatter.add.f32 [tilespmem:s18], [sflag:$0x2], $0x20, s22, s14, $0xb8;
	[tilespmem:$0xE000] =	vst v63  }
0x85: {  	_ =	swait.ge [sflag:s20], $0x1000  }
0x86: {  	[sflag:s20] =	ssyncset.done $0x0  }
0x87: {  	[sflag:s20] =	ssyncadd.s32 $0xFFFFF000  }
0x88: {  	_ =	swait.ge [sflag:s20], $0x1000  }
0x89: {  	[sflag:s20] =	ssyncset.done $0x0  }
0x8a: {  	[sflag:s20] =	ssyncadd.s32 $0xFFFFF000  }
0x8b: {  	_ =	swait.ge [sflag:s20], $0x1000  }
0x8c: {  	[sflag:s20] =	ssyncset.done $0x0  }
0x8d: {  	[sflag:s20] =	ssyncadd.s32 $0xFFFFF000  }
0x8e: {  	_ =	swait.ge [sflag:s20], $0x1000  }
0x8f: {  	s21 =	sadd.s32 $0x1, s21;
	[sflag:s20] =	ssyncset.done $0x0  }
0x90: {  	p0 =	sne.s32 s21, s10;
	[sflag:s20] =	ssyncadd.s32 $0xFFFFF000  }
.Ltmp1:
0x91: {  	[bflag:$0x0] =	sbarrier.arrive $0xFFFF;
	(pc) =	sbr.rel @p0 .LBB2_1-.Ltmp1, $4  }
0x92: {  	[hbm:s9], [sflag:s6] =	dma.local [spmem:s11], $0xA00  }
0x93: {  	_ =	swait.ge [sflag:s12], $0xA00  }
0x94: {  	[sflag:s12] =	ssyncset.done $0x0  }
0x95: {  	[sflag:s12] =	ssyncadd.s32 $0xFFFFF600  }
0x96: {  	_ =	sfence.sel $0x180000  }
0x97: {  	[bflag:$0x0] =	sbarrier.arrive $0xFFFF  }
0x98: {  	p0 =	sne.s32 s1, $0x0;
	_ =	strace $0x90000047  }
0x99: {  	s0 =	sadd.s32 @!p0 $0x100000, s0;
	[bflag:$0x2] =	sbarrier.arrive $0xFFFF  }
0x9a: {  	[sflag:s0] =	ssyncadd.tile.s32 @!p0 $0x1;
	_ =	shalt  }
.Lfunc_end2:
_tile_overlayer_lowered:
.L_overlay_start_2:
0x9b: {  	(tag) =	ssettag $0x2  }
0x9c: {  	s0 =	rddreg [dreg:$0x0];
	s2 =	stileid.u32  }
0x9d: {  	s1 =	rddreg [dreg:$0x1];
	p0 =	sne.s32 s2, $0x0  }
0x9e: {  	s3 =	rddreg [dreg:$0x2];
	[bflag:$0x3] =	sbarrier.arrive $0xFFFF;
	s2 =	simm.s32 @!p0 $0x1C03  }
0x9f: {  	[timem:s3], [sflag:s2] =	dma.local @!p0 [hbm:s0], s1  }
0xa0: {  	s0 =	simm.s32 @!p0 $0x3  }
0xa1: {  	_ =	swait.ge @!p0 [sflag:s0], s1  }
0xa2: {  	s1 =	ssub.s32 @!p0 $0x0, s1;
	[sflag:s0] =	ssyncset.done @!p0 $0x0  }
0xa3: {  	[sflag:s0] =	ssyncadd.s32 @!p0 s1  }
0xa4: {  	[bflag:$0x3] =	sbarrier.arrive $0xFFFF  }
0xa5: {  	_ =	shalt  }

// kernel: kernel.13.cloned.1.call-start
scs
__scs_entry_jumppad:
0x0: {  	(pc) =	sbr.rel $0x88, $3  }
0x1: {  	(tag) =	ssettag $0x0;
	lr =	simm.s32 $0x1  }
0x2: {  	[smem:$0x3F96] =	sst lr;
	_ =	strace $0xD0000000  }
0x3: {  	_ = 	snop  }
0x4: {  	_ = 	snop  }
0x5: {  	_ = 	snop  }
0x6: {  	_ = 	snop  }
0x7: {  	_ = 	snop  }
__scs_overlays_trampoline_lowered:
0x8: {  	[smem:$0x3FA5] =	sst s0  }
0x9: {  	[smem:$0x3FA6] =	sst s1  }
0xa: {  	[smem:$0x3FA7] =	sst s2  }
0xb: {  	[smem:$0x3FA8] =	sst s3  }
0xc: {  	[smem:$0x3FA9] =	sst s4  }
0xd: {  	[smem:$0x3FAA] =	sst s5  }
0xe: {  	[smem:$0x3FAB] =	sst s6  }
0xf: {  	[smem:$0x3FAC] =	sst s7  }
0x10: {  	[smem:$0x3FAD] =	sst s8  }
0x11: {  	[smem:$0x3FAE] =	sst s9;
	s0 =	simm.s32 @!p0 $0x0  }
0x12: {  	s1 =	sld [smem:$0x3F94];
	s0 =	simm.s32 @p0 $0x1  }
0x13: {  	[smem:$0x3FAF] =	sst s0;
	s0 =	simm.s32 @!p1 $0x0  }
0x14: {  	s2 =	sld [smem:$0x3F93];
	s0 =	simm.s32 @p1 $0x1  }
0x15: {  	[smem:$0x3FB0] =	sst s0;
	s0 =	simm.s32 @!p2 $0x0  }
0x16: {  	s3 =	sld [smem:$0x3FDB];
	s0 =	simm.s32 @p2 $0x1  }
0x17: {  	s4 =	simm.s32 $0x1BF5;
	[smem:$0x3FB2] =	sst s0  }
0x18: {  	s0 =	sld [smem:$0x3F95];
	_ =	swait.ge [sflag:s4], $0x0  }
0x19: {  	s7 =	sld [smem:$0x3F96]  }
0x1a: {  	s8 =	sadd.s32 $0xFFFFE003, lr  }
0x1b: {  	s9 =	sadd.s32 $0xFFFFFEF7, lr;
	s5 =	simm.s32 $0xFFFFFFFF;
	p2 =	slt.u32 s8, $0xFFFFF086  }
0x1c: {  	p1 =	slt.u32 s9, $0xF7A;
	s5 =	simm.s32 @!p2 $0x0  }
0x1d: {  	s5 =	simm.s32 @p1 $0x1;
	p0 =	seq.s32 s7, s2  }
0x1e: {  	s7 =	smul.u32 @!p0 $0xF7A, s2;
	p2 =	seq.s32 @!p0 s5, $0x0  }
0x1f: {  	s9 =	smul.u32 $0xF7A, s1;
	s8 =	simm.s32 @!p0 $0x1BF5;
	p2 =	por !p2, p0  }
0x20: {  	[sflag:s8] =	ssyncset.s32 @!p0 $0xFFFFF086;
	s6 =	sadd.s32 @!p0 s3, s7;
	s7 =	simm.s32 @!p0 $0x108  }
0x21: {  	s3 =	sadd.s32 s3, s9;
	s6 =	sadd.s32 @!p0 $0x88, s6;
	s7 =	simm.s32 @p2 $0x1082  }
0x22: {  	[simem:s7], [sflag:s8] =	dma.local @!p0 [hbm:s6], $0xF7A  }
0x23: {  	s9 =	sor.u32 $0xD0000000, s2;
	s6 =	simm.s32 $0x108;
	_ =	swait.ge @!p0 [sflag:s8], $0x0  }
0x24: {  	s3 =	sadd.s32 $0x88, s3;
	s6 =	simm.s32 @!p1 $0x1082;
	[sflag:s4] =	ssyncset.s32 $0xFFFFF086  }
0x25: {  	[simem:s6], [sflag:s4] =	dma.local [hbm:s3], $0xF7A  }
0x26: {  	[smem:$0x3F96] =	sst s1;
	(tag) =	ssettag s2;
	_ =	strace s9  }
0x27: {  	s1 =	sld [smem:$0x3FA6]  }
0x28: {  	s2 =	sld [smem:$0x3FA7]  }
0x29: {  	s4 =	sld [smem:$0x3FA9]  }
0x2a: {  	p0 =	seq.s32 s5, $0x0;
	s5 =	sld [smem:$0x3FAA]  }
0x2b: {  	s6 =	sld [smem:$0x3FAB]  }
0x2c: {  	s7 =	sld [smem:$0x3FAC]  }
0x2d: {  	s3 =	simm.s32 $0x108;
	s8 =	sld [smem:$0x3FAD]  }
0x2e: {  	s3 =	simm.s32 @!p0 $0x1082;
	s9 =	sld [smem:$0x3FAE]  }
0x2f: {  	lr =	sadd.s32 s0, s3;
	s0 =	sld [smem:$0x3FA5]  }
0x30: {  	s3 =	sld [smem:$0x3FA8]  }
0x31: {  	[smem:$0x3FB1] =	sst s10  }
0x32: {  	s10 =	sld [smem:$0x3FAF];
	_ =	sdelay $0x3  }
0x33: {  	p0 =	seq.s32 s10, $0x1;
	s10 =	sld [smem:$0x3FB1];
	_ =	sdelay $0x3  }
0x34: {  	[smem:$0x3FB1] =	sst s10  }
0x35: {  	s10 =	sld [smem:$0x3FB0];
	_ =	sdelay $0x3  }
0x36: {  	p1 =	seq.s32 s10, $0x1;
	s10 =	sld [smem:$0x3FB1];
	_ =	sdelay $0x3  }
0x37: {  	[smem:$0x3FB1] =	sst s10  }
0x38: {  	s10 =	sld [smem:$0x3FB2]  }
0x39: {  	_ = 	snop;
	(pc) =	sbr.ind lr, $3  }
0x3a: {  	_ = 	snop  }
0x3b: {  	_ = 	snop  }
0x3c: {  	p2 =	seq.s32 s10, $0x1;
	s10 =	sld [smem:$0x3FB1]  }
0x3d: {  	_ =	shalt  }
0x3e: {  	_ =	shalt  }
0x3f: {  	_ =	shalt  }
0x40: {  	_ =	shalt  }
0x41: {  	_ =	shalt  }
0x42: {  	_ =	shalt  }
0x43: {  	_ =	shalt  }
0x44: {  	_ =	shalt  }
0x45: {  	_ =	shalt  }
0x46: {  	_ =	shalt  }
0x47: {  	_ =	shalt  }
0x48: {  	_ =	shalt  }
0x49: {  	_ =	shalt  }
0x4a: {  	_ =	shalt  }
0x4b: {  	_ =	shalt  }
0x4c: {  	_ =	shalt  }
0x4d: {  	_ =	shalt  }
0x4e: {  	_ =	shalt  }
0x4f: {  	_ =	shalt  }
0x50: {  	_ =	shalt  }
0x51: {  	_ =	shalt  }
0x52: {  	_ =	shalt  }
0x53: {  	_ =	shalt  }
0x54: {  	_ =	shalt  }
0x55: {  	_ =	shalt  }
0x56: {  	_ =	shalt  }
0x57: {  	_ =	shalt  }
0x58: {  	_ =	shalt  }
0x59: {  	_ =	shalt  }
0x5a: {  	_ =	shalt  }
0x5b: {  	_ =	shalt  }
0x5c: {  	_ =	shalt  }
0x5d: {  	_ =	shalt  }
0x5e: {  	_ =	shalt  }
0x5f: {  	_ =	shalt  }
0x60: {  	_ =	shalt  }
0x61: {  	_ =	shalt  }
0x62: {  	_ =	shalt  }
0x63: {  	_ =	shalt  }
0x64: {  	_ =	shalt  }
0x65: {  	_ =	shalt  }
0x66: {  	_ =	shalt  }
0x67: {  	_ =	shalt  }
0x68: {  	_ =	shalt  }
0x69: {  	_ =	shalt  }
0x6a: {  	_ =	shalt  }
0x6b: {  	_ =	shalt  }
0x6c: {  	_ =	shalt  }
0x6d: {  	_ =	shalt  }
0x6e: {  	_ =	shalt  }
0x6f: {  	_ =	shalt  }
0x70: {  	_ =	shalt  }
0x71: {  	_ =	shalt  }
0x72: {  	_ =	shalt  }
0x73: {  	_ =	shalt  }
0x74: {  	_ =	shalt  }
0x75: {  	_ =	shalt  }
0x76: {  	_ =	shalt  }
0x77: {  	_ =	shalt  }
0x78: {  	_ =	shalt  }
0x79: {  	_ =	shalt  }
0x7a: {  	_ =	shalt  }
0x7b: {  	_ =	shalt  }
0x7c: {  	_ =	shalt  }
0x7d: {  	_ =	shalt  }
0x7e: {  	_ =	shalt  }
0x7f: {  	_ =	shalt  }
0x80: {  	_ =	shalt  }
0x81: {  	_ =	shalt  }
0x82: {  	_ =	shalt  }
0x83: {  	_ =	shalt  }
0x84: {  	_ =	shalt  }
0x85: {  	_ =	shalt  }
0x86: {  	_ =	shalt  }
0x87: {  	_ =	shalt  }
.Lfunc_end0:
.L_simem_size_0:
called_computation.1_lowered:
.L_overlay_start_0:
0x88: {  	s2 =	sld [smem:$0x3FD9]  }
0x89: {  	s3 =	sld [smem:$0x3FFE];
	_ =	sdelay $0x1  }
0x8a: {  	s1 =	srdreg.scid  }
0x8b: {  	s0 =	sand.u32 $0x1, s1  }
0x8c: {  	s16 =	sshll.u32 s0, $0xA;
	s2 =	sadd.s32 s3, s2  }
0x8d: {  	s2 =	sadd.s32 s2, s16  }
0x8e: {  	[smem:$0x3FBD] =	sst s2  }
0x8f: {  	_ = 	snop  }
0x90: {  	(tm) =	ssettm $0x1  }
0x91: {  	s17 =	sld [smem:$0x3FFB];
	_ =	sdelay $0x3  }
0x92: {  	_ =	strace s17  }
0x93: {  	s2 =	sld [smem:$0x3FFC];
	_ =	sdelay $0x3  }
0x94: {  	_ =	strace s2  }
0x95: {  	s2 =	sld [smem:$0x3FFD];
	_ =	sdelay $0x3  }
0x96: {  	_ =	strace s2  }
0x97: {  	_ =	strace $0x8FFFFFFF  }
0x98: {  	s18 =	sld [smem:$0x3FDB];
	_ =	sdelay $0x1  }
0x99: {  	s19 =	simm.s32 $_scs_section_size  }
0x9a: {  	s4 =	simm.s32 $_size__tile_overlayer_lowered;
	s5 =	simm.s32 $_tile_overlayer_lowered  }
0x9b: {  	s22 =	simm.s32 $0x1BFF;
	s21 =	sshll.u32 s5, $0x1;
	s2 =	sadd.s32 s19, s18  }
0x9c: {  	s6 =	simm.s32 $0x0;
	s20 =	sshll.u32 s4, $0x1;
	s4 =	sadd.s32 s21, s2  }
0x9d: {  	[timem:s6], [sflag:s22] =	dma.local [hbm:s4], s20  }
0x9e: {  	_ =	swait.ge [sflag:s22], s20  }
0x9f: {  	s3 =	ssub.s32 $0x0, s20;
	[sflag:s22] =	ssyncset.done $0x0  }
0xa0: {  	[sflag:s22] =	ssyncadd.s32 s3;
	_ =	sdelay $0x1  }
0xa1: {  	s23 =	simm.s32 $0x1B8B  }
0xa2: {  	_ =	swait.ge [sflag:s23], $0x1  }
0xa3: {  	[sflag:s23] =	ssyncset.done $0x0  }
0xa4: {  	s25 =	simm.s32 $0x1B8E;
	s24 =	sld [smem:$0x3FFE];
	[sflag:s23] =	ssyncadd.s32 $0xFFFFFFFF  }
0xa5: {  	s26 =	simm.s32 $execute0_lowered;
	[smem:$0x3FD2] =	sst s25  }
0xa6: {  	s4 =	sshll.u32 s26, $0x1;
	_ =	strace $0x80000049;
	[dreg:$0x1] =	wrdreg $0xFFFFFFFF  }
0xa7: {  	s28 =	simm.s32 $_size_execute0_lowered;
	s2 =	sadd.s32 s2, s4;
	[dreg:$0x0] =	wrdreg $0x0  }
0xa8: {  	s4 =	sshll.u32 s28, $0x1;
	[dreg:$0x2] =	wrdreg s2  }
0xa9: {  	[dreg:$0x3] =	wrdreg s4  }
0xaa: {  	[dreg:$0x4] =	wrdreg $0xC0  }
0xab: {  	_ =	task [dreg:s6], $0x5FFFF  }
0xac: {  	[dreg:$0x1] =	wrdreg $0xFFFFFFFF  }
0xad: {  	[dreg:$0x0] =	wrdreg $0x60  }
0xae: {  	[dreg:$0x2] =	wrdreg s24  }
0xaf: {  	[dreg:$0x3] =	wrdreg $0x90000  }
0xb0: {  	[dreg:$0x4] =	wrdreg $0x9  }
0xb1: {  	_ =	task.clear_ibuf [dreg:s6], $0x5FFFF;
	_ =	strace $0x90000049  }
0xb2: {  	s29 =	simm.s32 $0x9;
	_ =	strace $0x8000004B  }
0xb3: {  	_ =	swait.ge [sflag:s29], $0x1  }
0xb4: {  	[sflag:s29] =	ssyncadd.s32 $0xFFFFFFFF  }
0xb5: {  	_ =	strace $0x9000004B  }
0xb6: {  	_ =	sfence  }
0xb7: {  	s30 =	sld [smem:$0x0];
	_ =	sdelay $0x2  }
0xb8: {  	s31 =	sshll.u32 s1, $0xD;
	s1 =	sshrl.u32 s1, $0x2  }
0xb9: {  	s3 =	sand.u32 $0x4000, s31;
	s1 =	sadd.s32 s1, s30  }
0xba: {  	s0 =	sor.u32 s3, s0;
	s1 =	sshll.u32 s1, $0x11  }
0xbb: {  	s0 =	sor.u32 s1, s0  }
0xbc: {  	s0 =	sadd.s32 $0x8F2B, s0  }
0xbd: {  	[sflag:s0] =	ssyncadd.remote.s32 $0x1  }
0xbe: {  	_ =	sfence.sel $0xFFFF  }
0xbf: {  	[dreg:$0x0] =	wrdreg $0xFFFFFFFF;
	(pc) =	sbr.abs _section_cstart, $3  }
0xc0: {  	[dreg:$0x1] =	wrdreg $0xFFFFFFFF  }
0xc1: {  	_ =	task.clear_ibuf [dreg:s6], $0x2FFFF;
	_ =	strace $0x9FFFFFFF  }
0xc2: {  	(tm) =	ssettm $0x7FFFFFFF  }
0xc3: {  	_ =	shalt  }
tec
execute0_lowered:
.L_overlay_start_1:
0x0: {  	(tag) =	ssettag $0x1  }
0x1: {  	s5 =	rddreg [dreg:$0x0]  }
0x2: {  	s2 =	rddreg [dreg:$0x1]  }
0x3: {  	s0 =	rddreg [dreg:$0x2];
	s4 =	srdreg.scid  }
0x4: {  	s3 =	simm.s32 $0x0;
	s1 =	stileid.u32;
	s13 =	simm.s32 $0x2800  }
0x5: {  	s14 =	simm.s32 $0x80;
	s15 =	simm.s32 $0x5000;
	s16 =	simm.s32 $0x6000  }
0x6: {  	s17 =	simm.s32 $0x7000;
	s18 =	simm.s32 $0x8000;
	s19 =	simm.s32 $0x1  }
0x7: {  	s20 =	simm.s32 $0x2;
	s21 =	simm.s32 $0x0;
	s6 =	sand.u32 $0x1, s4  }
0x8: {  	[smem:$0x7FF] =	sst s3;
	s7 =	smul.u32 $0x5000, s1;
	s31 =	sshll.u32 s1, $0x6  }
0x9: {  	s4 =	sshll.u32 s6, $0x4;
	_ =	strace $0x8000004A;
	s9 =	smul.u32 $0x50000, s6  }
0xa: {  	s6 =	ssub.s32 $0x2, s6;
	s8 =	sor.u32 s1, s4;
	s4 =	sadd.s32 $0x18800, s5  }
0xb: {  	s10 =	sshrl.u32 s7, $0x3;
	s11 =	sshrl.u32 s6, $0x1;
	s12 =	sadd.s32 s7, s2  }
0xc: {  	s8 =	smul.u32 $0x500, s8;
	s10 =	sadd.s32 s10, s5;
	s9 =	sadd.s32 s7, s9  }
0xd: {  	s11 =	ssub.s32 s6, s11;
	s6 =	sor.u32 $0x1C03, s31;
	s9 =	sshrl.u32 s9, $0x3  }
0xe: {  	s8 =	sadd.s32 s8, s5;
	s9 =	sadd.s32 s9, s5;
	s5 =	sadd.s32 $0x22800, s10  }
0xf: {  	s10 =	smax.u32 s11, $0x1;
	s11 =	sshrl.u32 s12, $0x3;
	s12 =	simm.s32 $0x3  }
0x10: {  	s7 =	sadd.s32 $0xE800, s8;
	s8 =	sadd.s32 $0x4800, s8;
	s9 =	sadd.s32 $0x2C800, s9  }
.LBB2_1:
0x11: {  	[spmem:s11], [sflag:s6] =	dma.local [hbm:s5], $0xA00  }
0x12: {  	_ =	swait.ge [sflag:s12], $0xA00  }
0x13: {  	[sflag:s12] =	ssyncset.done $0x0  }
0x14: {  	[sflag:s12] =	ssyncadd.s32 $0xFFFFF600  }
0x15: {  	[tilespmem:s3], [sflag:$0x3] =	stream.linear.gather [hbm4b:s7+s3], $0x2800, $0x38;
	[tilespmem:$0xE000] =	vst v63  }
0x16: {  	_ =	swait.ge [sflag:s12], $0x2800  }
0x17: {  	[sflag:s12] =	ssyncset.done $0x0  }
0x18: {  	[sflag:s12] =	ssyncadd.s32 $0xFFFFD800  }
0x19: {  	[tilespmem:s13], [sflag:$0x3] =	stream.linear.gather [hbm4b:s8+s3], $0x2800, $0x38;
	[tilespmem:$0xE000] =	vst v63  }
0x1a: {  	_ =	swait.ge [sflag:s12], $0x2800  }
0x1b: {  	[sflag:s12] =	ssyncset.done $0x0  }
0x1c: {  	[sflag:s12] =	ssyncadd.s32 $0xFFFFD800  }
0x1d: {  	s22 =	simm.s32 $0x0;
	[bflag:$0x0] =	sbarrier.arrive $0xFFFF  }
0x1e: {  	[tilespmem:s15], [sflag:$0x1] =	stream.indirect.gather [hbm4b:s4+s14], $0x20, s22, s14, $0xb8;
	[tilespmem:$0xE000] =	vst v63  }
0x1f: {  	s24 =	simm.s32 $0x80  }
0x20: {  	[tilespmem:s16], [sflag:$0x1] =	stream.indirect.gather [hbm4b:s4+s14], $0x20, s24, s14, $0xb8;
	[tilespmem:$0xE000] =	vst v63  }
0x21: {  	s25 =	simm.s32 $0x100  }
0x22: {  	[tilespmem:s17], [sflag:$0x1] =	stream.indirect.gather [hbm4b:s4+s14], $0x20, s25, s14, $0xb8;
	[tilespmem:$0xE000] =	vst v63  }
0x23: {  	s26 =	simm.s32 $0x180  }
0x24: {  	[tilespmem:s18], [sflag:$0x1] =	stream.indirect.gather [hbm4b:s4+s14], $0x20, s26, s14, $0xb8;
	[tilespmem:$0xE000] =	vst v63  }
0x25: {  	_ =	swait.ge [sflag:s19], $0x1000  }
0x26: {  	[sflag:s19] =	ssyncset.done $0x0  }
0x27: {  	[sflag:s19] =	ssyncadd.s32 $0xFFFFF000  }
0x28: {  	_ =	swait.ge [sflag:s19], $0x1000  }
0x29: {  	[sflag:s19] =	ssyncset.done $0x0  }
0x2a: {  	[sflag:s19] =	ssyncadd.s32 $0xFFFFF000  }
0x2b: {  	_ =	swait.ge [sflag:s19], $0x1000  }
0x2c: {  	[sflag:s19] =	ssyncset.done $0x0  }
0x2d: {  	[sflag:s19] =	ssyncadd.s32 $0xFFFFF000  }
0x2e: {  	_ =	swait.ge [sflag:s19], $0x1000  }
0x2f: {  	[sflag:s19] =	ssyncset.done $0x0  }
0x30: {  	s28 =	simm.s32 $0x2800;
	[sflag:s19] =	ssyncadd.s32 $0xFFFFF000  }
0x31: {  	[spmem:s2] =	stream.indirect.scatter.add.f32 [tilespmem:s15], [sflag:$0x2], $0x20, s28, s14, $0xb8;
	[tilespmem:$0xE000] =	vst v63  }
0x32: {  	s29 =	simm.s32 $0x2880  }
0x33: {  	[spmem:s2] =	stream.indirect.scatter.add.f32 [tilespmem:s16], [sflag:$0x2], $0x20, s29, s14, $0xb8;
	[tilespmem:$0xE000] =	vst v63  }
0x34: {  	s30 =	simm.s32 $0x2900  }
0x35: {  	[spmem:s2] =	stream.indirect.scatter.add.f32 [tilespmem:s17], [sflag:$0x2], $0x20, s30, s14, $0xb8;
	[tilespmem:$0xE000] =	vst v63  }
0x36: {  	s31 =	simm.s32 $0x2980  }
0x37: {  	[spmem:s2] =	stream.indirect.scatter.add.f32 [tilespmem:s18], [sflag:$0x2], $0x20, s31, s14, $0xb8;
	[tilespmem:$0xE000] =	vst v63  }
0x38: {  	_ =	swait.ge [sflag:s20], $0x1000  }
0x39: {  	[sflag:s20] =	ssyncset.done $0x0  }
0x3a: {  	[sflag:s20] =	ssyncadd.s32 $0xFFFFF000  }
0x3b: {  	_ =	swait.ge [sflag:s20], $0x1000  }
0x3c: {  	[sflag:s20] =	ssyncset.done $0x0  }
0x3d: {  	[sflag:s20] =	ssyncadd.s32 $0xFFFFF000  }
0x3e: {  	_ =	swait.ge [sflag:s20], $0x1000  }
0x3f: {  	[sflag:s20] =	ssyncset.done $0x0  }
0x40: {  	[sflag:s20] =	ssyncadd.s32 $0xFFFFF000  }
0x41: {  	_ =	swait.ge [sflag:s20], $0x1000  }
0x42: {  	s22 =	simm.s32 $0x800;
	s24 =	simm.s32 $0x1000;
	[sflag:s20] =	ssyncset.done $0x0  }
.LBB2_2:
0x43: {  	s25 =	sshra.s32 s22, $0x2  }
0x44: {  	[sflag:s20] =	ssyncadd.s32 $0xFFFFF000;
	s22 =	smov.u32 s24;
	s23 =	sadd.s32 $0x800, s24  }
0x45: {  	[tilespmem:s15], [sflag:$0x1] =	stream.indirect.gather [hbm4b:s4+s14], $0x20, s25, s14, $0xb8;
	[tilespmem:$0xE000] =	vst v63  }
0x46: {  	p0 =	sne.s32 s24, $0x9800;
	s24 =	sadd.s32 $0x80, s25  }
0x47: {  	[tilespmem:s16], [sflag:$0x1] =	stream.indirect.gather [hbm4b:s4+s14], $0x20, s24, s14, $0xb8;
	[tilespmem:$0xE000] =	vst v63  }
0x48: {  	s24 =	sadd.s32 $0x100, s25  }
0x49: {  	[tilespmem:s17], [sflag:$0x1] =	stream.indirect.gather [hbm4b:s4+s14], $0x20, s24, s14, $0xb8;
	[tilespmem:$0xE000] =	vst v63  }
0x4a: {  	s24 =	sadd.s32 $0x180, s25  }
0x4b: {  	[tilespmem:s18], [sflag:$0x1] =	stream.indirect.gather [hbm4b:s4+s14], $0x20, s24, s14, $0xb8;
	[tilespmem:$0xE000] =	vst v63  }
0x4c: {  	_ =	swait.ge [sflag:s19], $0x1000  }
0x4d: {  	[sflag:s19] =	ssyncset.done $0x0  }
0x4e: {  	[sflag:s19] =	ssyncadd.s32 $0xFFFFF000  }
0x4f: {  	_ =	swait.ge [sflag:s19], $0x1000  }
0x50: {  	[sflag:s19] =	ssyncset.done $0x0  }
0x51: {  	[sflag:s19] =	ssyncadd.s32 $0xFFFFF000  }
0x52: {  	_ =	swait.ge [sflag:s19], $0x1000  }
0x53: {  	[sflag:s19] =	ssyncset.done $0x0  }
0x54: {  	[sflag:s19] =	ssyncadd.s32 $0xFFFFF000  }
0x55: {  	_ =	swait.ge [sflag:s19], $0x1000  }
0x56: {  	[sflag:s19] =	ssyncset.done $0x0  }
0x57: {  	s24 =	sadd.s32 $0x2800, s25;
	[sflag:s19] =	ssyncadd.s32 $0xFFFFF000  }
0x58: {  	[spmem:s2] =	stream.indirect.scatter.add.f32 [tilespmem:s15], [sflag:$0x2], $0x20, s24, s14, $0xb8;
	[tilespmem:$0xE000] =	vst v63  }
0x59: {  	s24 =	sadd.s32 $0x2880, s25  }
0x5a: {  	[spmem:s2] =	stream.indirect.scatter.add.f32 [tilespmem:s16], [sflag:$0x2], $0x20, s24, s14, $0xb8;
	[tilespmem:$0xE000] =	vst v63  }
0x5b: {  	s24 =	sadd.s32 $0x2900, s25  }
0x5c: {  	[spmem:s2] =	stream.indirect.scatter.add.f32 [tilespmem:s17], [sflag:$0x2], $0x20, s24, s14, $0xb8;
	[tilespmem:$0xE000] =	vst v63  }
0x5d: {  	s24 =	sadd.s32 $0x2980, s25  }
0x5e: {  	[spmem:s2] =	stream.indirect.scatter.add.f32 [tilespmem:s18], [sflag:$0x2], $0x20, s24, s14, $0xb8;
	[tilespmem:$0xE000] =	vst v63  }
0x5f: {  	_ =	swait.ge [sflag:s20], $0x1000  }
0x60: {  	[sflag:s20] =	ssyncset.done $0x0  }
0x61: {  	[sflag:s20] =	ssyncadd.s32 $0xFFFFF000  }
0x62: {  	_ =	swait.ge [sflag:s20], $0x1000  }
0x63: {  	[sflag:s20] =	ssyncset.done $0x0  }
0x64: {  	[sflag:s20] =	ssyncadd.s32 $0xFFFFF000  }
.Ltmp0:
0x65: {  	_ =	swait.ge [sflag:s20], $0x1000;
	(pc) =	sbr.rel @p0 .LBB2_2-.Ltmp0, $4  }
0x66: {  	[sflag:s20] =	ssyncset.done $0x0  }
0x67: {  	[sflag:s20] =	ssyncadd.s32 $0xFFFFF000  }
0x68: {  	_ =	swait.ge [sflag:s20], $0x1000  }
0x69: {  	s24 =	smov.u32 s23;
	[sflag:s20] =	ssyncset.done $0x0  }
0x6a: {  	s22 =	sshra.s32 s22, $0x2;
	[sflag:s20] =	ssyncadd.s32 $0xFFFFF000  }
0x6b: {  	[tilespmem:s15], [sflag:$0x1] =	stream.indirect.gather [hbm4b:s4+s14], $0x20, s22, s14, $0xb8;
	[tilespmem:$0xE000] =	vst v63  }
0x6c: {  	s23 =	sadd.s32 $0x80, s22  }
0x6d: {  	[tilespmem:s16], [sflag:$0x1] =	stream.indirect.gather [hbm4b:s4+s14], $0x20, s23, s14, $0xb8;
	[tilespmem:$0xE000] =	vst v63  }
0x6e: {  	s26 =	sadd.s32 $0x100, s22  }
0x6f: {  	[tilespmem:s17], [sflag:$0x1] =	stream.indirect.gather [hbm4b:s4+s14], $0x20, s26, s14, $0xb8;
	[tilespmem:$0xE000] =	vst v63  }
0x70: {  	s28 =	sadd.s32 $0x180, s22  }
0x71: {  	[tilespmem:s18], [sflag:$0x1] =	stream.indirect.gather [hbm4b:s4+s14], $0x20, s28, s14, $0xb8;
	[tilespmem:$0xE000] =	vst v63  }
0x72: {  	_ =	swait.ge [sflag:s19], $0x1000  }
0x73: {  	[sflag:s19] =	ssyncset.done $0x0  }
0x74: {  	[sflag:s19] =	ssyncadd.s32 $0xFFFFF000  }
0x75: {  	_ =	swait.ge [sflag:s19], $0x1000  }
0x76: {  	[sflag:s19] =	ssyncset.done $0x0  }
0x77: {  	[sflag:s19] =	ssyncadd.s32 $0xFFFFF000  }
0x78: {  	_ =	swait.ge [sflag:s19], $0x1000  }
0x79: {  	[sflag:s19] =	ssyncset.done $0x0  }
0x7a: {  	[sflag:s19] =	ssyncadd.s32 $0xFFFFF000  }
0x7b: {  	_ =	swait.ge [sflag:s19], $0x1000  }
0x7c: {  	[sflag:s19] =	ssyncset.done $0x0  }
0x7d: {  	s29 =	sadd.s32 $0x2800, s22;
	[sflag:s19] =	ssyncadd.s32 $0xFFFFF000  }
0x7e: {  	[spmem:s2] =	stream.indirect.scatter.add.f32 [tilespmem:s15], [sflag:$0x2], $0x20, s29, s14, $0xb8;
	[tilespmem:$0xE000] =	vst v63  }
0x7f: {  	s30 =	sadd.s32 $0x2880, s22  }
0x80: {  	[spmem:s2] =	stream.indirect.scatter.add.f32 [tilespmem:s16], [sflag:$0x2], $0x20, s30, s14, $0xb8;
	[tilespmem:$0xE000] =	vst v63  }
0x81: {  	s31 =	sadd.s32 $0x2900, s22  }
0x82: {  	[spmem:s2] =	stream.indirect.scatter.add.f32 [tilespmem:s17], [sflag:$0x2], $0x20, s31, s14, $0xb8;
	[tilespmem:$0xE000] =	vst v63  }
0x83: {  	s22 =	sadd.s32 $0x2980, s22  }
0x84: {  	[spmem:s2] =	stream.indirect.scatter.add.f32 [tilespmem:s18], [sflag:$0x2], $0x20, s22, s14, $0xb8;
	[tilespmem:$0xE000] =	vst v63  }
0x85: {  	_ =	swait.ge [sflag:s20], $0x1000  }
0x86: {  	[sflag:s20] =	ssyncset.done $0x0  }
0x87: {  	[sflag:s20] =	ssyncadd.s32 $0xFFFFF000  }
0x88: {  	_ =	swait.ge [sflag:s20], $0x1000  }
0x89: {  	[sflag:s20] =	ssyncset.done $0x0  }
0x8a: {  	[sflag:s20] =	ssyncadd.s32 $0xFFFFF000  }
0x8b: {  	_ =	swait.ge [sflag:s20], $0x1000  }
0x8c: {  	[sflag:s20] =	ssyncset.done $0x0  }
0x8d: {  	[sflag:s20] =	ssyncadd.s32 $0xFFFFF000  }
0x8e: {  	_ =	swait.ge [sflag:s20], $0x1000  }
0x8f: {  	s21 =	sadd.s32 $0x1, s21;
	[sflag:s20] =	ssyncset.done $0x0  }
0x90: {  	p0 =	sne.s32 s21, s10;
	[sflag:s20] =	ssyncadd.s32 $0xFFFFF000  }
.Ltmp1:
0x91: {  	[bflag:$0x0] =	sbarrier.arrive $0xFFFF;
	(pc) =	sbr.rel @p0 .LBB2_1-.Ltmp1, $4  }
0x92: {  	[hbm:s9], [sflag:s6] =	dma.local [spmem:s11], $0xA00  }
0x93: {  	_ =	swait.ge [sflag:s12], $0xA00  }
0x94: {  	[sflag:s12] =	ssyncset.done $0x0  }
0x95: {  	[sflag:s12] =	ssyncadd.s32 $0xFFFFF600  }
0x96: {  	_ =	sfence.sel $0x180000  }
0x97: {  	[bflag:$0x0] =	sbarrier.arrive $0xFFFF  }
0x98: {  	p0 =	sne.s32 s1, $0x0;
	_ =	strace $0x9000004A  }
0x99: {  	s0 =	sadd.s32 @!p0 $0x100000, s0;
	[bflag:$0x2] =	sbarrier.arrive $0xFFFF  }
0x9a: {  	[sflag:s0] =	ssyncadd.tile.s32 @!p0 $0x1;
	_ =	shalt  }
.Lfunc_end2:
_tile_overlayer_lowered:
.L_overlay_start_2:
0x9b: {  	(tag) =	ssettag $0x2  }
0x9c: {  	s0 =	rddreg [dreg:$0x0];
	s2 =	stileid.u32  }
0x9d: {  	s1 =	rddreg [dreg:$0x1];
	p0 =	sne.s32 s2, $0x0  }
0x9e: {  	s3 =	rddreg [dreg:$0x2];
	[bflag:$0x3] =	sbarrier.arrive $0xFFFF;
	s2 =	simm.s32 @!p0 $0x1C03  }
0x9f: {  	[timem:s3], [sflag:s2] =	dma.local @!p0 [hbm:s0], s1  }
0xa0: {  	s0 =	simm.s32 @!p0 $0x3  }
0xa1: {  	_ =	swait.ge @!p0 [sflag:s0], s1  }
0xa2: {  	s1 =	ssub.s32 @!p0 $0x0, s1;
	[sflag:s0] =	ssyncset.done @!p0 $0x0  }
0xa3: {  	[sflag:s0] =	ssyncadd.s32 @!p0 s1  }
0xa4: {  	[bflag:$0x3] =	sbarrier.arrive $0xFFFF  }
0xa5: {  	_ =	shalt  }

// kernel: kernel.16.cloned.1.call-start
scs
__scs_entry_jumppad:
0x0: {  	(pc) =	sbr.rel $0x88, $3  }
0x1: {  	(tag) =	ssettag $0x0;
	lr =	simm.s32 $0x1  }
0x2: {  	[smem:$0x3F96] =	sst lr;
	_ =	strace $0xD0000000  }
0x3: {  	_ = 	snop  }
0x4: {  	_ = 	snop  }
0x5: {  	_ = 	snop  }
0x6: {  	_ = 	snop  }
0x7: {  	_ = 	snop  }
__scs_overlays_trampoline_lowered:
0x8: {  	[smem:$0x3FA5] =	sst s0  }
0x9: {  	[smem:$0x3FA6] =	sst s1  }
0xa: {  	[smem:$0x3FA7] =	sst s2  }
0xb: {  	[smem:$0x3FA8] =	sst s3  }
0xc: {  	[smem:$0x3FA9] =	sst s4  }
0xd: {  	[smem:$0x3FAA] =	sst s5  }
0xe: {  	[smem:$0x3FAB] =	sst s6  }
0xf: {  	[smem:$0x3FAC] =	sst s7  }
0x10: {  	[smem:$0x3FAD] =	sst s8  }
0x11: {  	[smem:$0x3FAE] =	sst s9;
	s0 =	simm.s32 @!p0 $0x0  }
0x12: {  	s1 =	sld [smem:$0x3F94];
	s0 =	simm.s32 @p0 $0x1  }
0x13: {  	[smem:$0x3FAF] =	sst s0;
	s0 =	simm.s32 @!p1 $0x0  }
0x14: {  	s2 =	sld [smem:$0x3F93];
	s0 =	simm.s32 @p1 $0x1  }
0x15: {  	[smem:$0x3FB0] =	sst s0;
	s0 =	simm.s32 @!p2 $0x0  }
0x16: {  	s3 =	sld [smem:$0x3FDB];
	s0 =	simm.s32 @p2 $0x1  }
0x17: {  	s4 =	simm.s32 $0x1BF5;
	[smem:$0x3FB2] =	sst s0  }
0x18: {  	s0 =	sld [smem:$0x3F95];
	_ =	swait.ge [sflag:s4], $0x0  }
0x19: {  	s7 =	sld [smem:$0x3F96]  }
0x1a: {  	s8 =	sadd.s32 $0xFFFFE003, lr  }
0x1b: {  	s9 =	sadd.s32 $0xFFFFFEF7, lr;
	s5 =	simm.s32 $0xFFFFFFFF;
	p2 =	slt.u32 s8, $0xFFFFF086  }
0x1c: {  	p1 =	slt.u32 s9, $0xF7A;
	s5 =	simm.s32 @!p2 $0x0  }
0x1d: {  	s5 =	simm.s32 @p1 $0x1;
	p0 =	seq.s32 s7, s2  }
0x1e: {  	s7 =	smul.u32 @!p0 $0xF7A, s2;
	p2 =	seq.s32 @!p0 s5, $0x0  }
0x1f: {  	s9 =	smul.u32 $0xF7A, s1;
	s8 =	simm.s32 @!p0 $0x1BF5;
	p2 =	por !p2, p0  }
0x20: {  	[sflag:s8] =	ssyncset.s32 @!p0 $0xFFFFF086;
	s6 =	sadd.s32 @!p0 s3, s7;
	s7 =	simm.s32 @!p0 $0x108  }
0x21: {  	s3 =	sadd.s32 s3, s9;
	s6 =	sadd.s32 @!p0 $0x88, s6;
	s7 =	simm.s32 @p2 $0x1082  }
0x22: {  	[simem:s7], [sflag:s8] =	dma.local @!p0 [hbm:s6], $0xF7A  }
0x23: {  	s9 =	sor.u32 $0xD0000000, s2;
	s6 =	simm.s32 $0x108;
	_ =	swait.ge @!p0 [sflag:s8], $0x0  }
0x24: {  	s3 =	sadd.s32 $0x88, s3;
	s6 =	simm.s32 @!p1 $0x1082;
	[sflag:s4] =	ssyncset.s32 $0xFFFFF086  }
0x25: {  	[simem:s6], [sflag:s4] =	dma.local [hbm:s3], $0xF7A  }
0x26: {  	[smem:$0x3F96] =	sst s1;
	(tag) =	ssettag s2;
	_ =	strace s9  }
0x27: {  	s1 =	sld [smem:$0x3FA6]  }
0x28: {  	s2 =	sld [smem:$0x3FA7]  }
0x29: {  	s4 =	sld [smem:$0x3FA9]  }
0x2a: {  	p0 =	seq.s32 s5, $0x0;
	s5 =	sld [smem:$0x3FAA]  }
0x2b: {  	s6 =	sld [smem:$0x3FAB]  }
0x2c: {  	s7 =	sld [smem:$0x3FAC]  }
0x2d: {  	s3 =	simm.s32 $0x108;
	s8 =	sld [smem:$0x3FAD]  }
0x2e: {  	s3 =	simm.s32 @!p0 $0x1082;
	s9 =	sld [smem:$0x3FAE]  }
0x2f: {  	lr =	sadd.s32 s0, s3;
	s0 =	sld [smem:$0x3FA5]  }
0x30: {  	s3 =	sld [smem:$0x3FA8]  }
0x31: {  	[smem:$0x3FB1] =	sst s10  }
0x32: {  	s10 =	sld [smem:$0x3FAF];
	_ =	sdelay $0x3  }
0x33: {  	p0 =	seq.s32 s10, $0x1;
	s10 =	sld [smem:$0x3FB1];
	_ =	sdelay $0x3  }
0x34: {  	[smem:$0x3FB1] =	sst s10  }
0x35: {  	s10 =	sld [smem:$0x3FB0];
	_ =	sdelay $0x3  }
0x36: {  	p1 =	seq.s32 s10, $0x1;
	s10 =	sld [smem:$0x3FB1];
	_ =	sdelay $0x3  }
0x37: {  	[smem:$0x3FB1] =	sst s10  }
0x38: {  	s10 =	sld [smem:$0x3FB2]  }
0x39: {  	_ = 	snop;
	(pc) =	sbr.ind lr, $3  }
0x3a: {  	_ = 	snop  }
0x3b: {  	_ = 	snop  }
0x3c: {  	p2 =	seq.s32 s10, $0x1;
	s10 =	sld [smem:$0x3FB1]  }
0x3d: {  	_ =	shalt  }
0x3e: {  	_ =	shalt  }
0x3f: {  	_ =	shalt  }
0x40: {  	_ =	shalt  }
0x41: {  	_ =	shalt  }
0x42: {  	_ =	shalt  }
0x43: {  	_ =	shalt  }
0x44: {  	_ =	shalt  }
0x45: {  	_ =	shalt  }
0x46: {  	_ =	shalt  }
0x47: {  	_ =	shalt  }
0x48: {  	_ =	shalt  }
0x49: {  	_ =	shalt  }
0x4a: {  	_ =	shalt  }
0x4b: {  	_ =	shalt  }
0x4c: {  	_ =	shalt  }
0x4d: {  	_ =	shalt  }
0x4e: {  	_ =	shalt  }
0x4f: {  	_ =	shalt  }
0x50: {  	_ =	shalt  }
0x51: {  	_ =	shalt  }
0x52: {  	_ =	shalt  }
0x53: {  	_ =	shalt  }
0x54: {  	_ =	shalt  }
0x55: {  	_ =	shalt  }
0x56: {  	_ =	shalt  }
0x57: {  	_ =	shalt  }
0x58: {  	_ =	shalt  }
0x59: {  	_ =	shalt  }
0x5a: {  	_ =	shalt  }
0x5b: {  	_ =	shalt  }
0x5c: {  	_ =	shalt  }
0x5d: {  	_ =	shalt  }
0x5e: {  	_ =	shalt  }
0x5f: {  	_ =	shalt  }
0x60: {  	_ =	shalt  }
0x61: {  	_ =	shalt  }
0x62: {  	_ =	shalt  }
0x63: {  	_ =	shalt  }
0x64: {  	_ =	shalt  }
0x65: {  	_ =	shalt  }
0x66: {  	_ =	shalt  }
0x67: {  	_ =	shalt  }
0x68: {  	_ =	shalt  }
0x69: {  	_ =	shalt  }
0x6a: {  	_ =	shalt  }
0x6b: {  	_ =	shalt  }
0x6c: {  	_ =	shalt  }
0x6d: {  	_ =	shalt  }
0x6e: {  	_ =	shalt  }
0x6f: {  	_ =	shalt  }
0x70: {  	_ =	shalt  }
0x71: {  	_ =	shalt  }
0x72: {  	_ =	shalt  }
0x73: {  	_ =	shalt  }
0x74: {  	_ =	shalt  }
0x75: {  	_ =	shalt  }
0x76: {  	_ =	shalt  }
0x77: {  	_ =	shalt  }
0x78: {  	_ =	shalt  }
0x79: {  	_ =	shalt  }
0x7a: {  	_ =	shalt  }
0x7b: {  	_ =	shalt  }
0x7c: {  	_ =	shalt  }
0x7d: {  	_ =	shalt  }
0x7e: {  	_ =	shalt  }
0x7f: {  	_ =	shalt  }
0x80: {  	_ =	shalt  }
0x81: {  	_ =	shalt  }
0x82: {  	_ =	shalt  }
0x83: {  	_ =	shalt  }
0x84: {  	_ =	shalt  }
0x85: {  	_ =	shalt  }
0x86: {  	_ =	shalt  }
0x87: {  	_ =	shalt  }
.Lfunc_end0:
.L_simem_size_0:
called_computation.2_lowered:
.L_overlay_start_0:
0x88: {  	s2 =	sld [smem:$0x3FD9]  }
0x89: {  	s3 =	sld [smem:$0x3FFE];
	_ =	sdelay $0x1  }
0x8a: {  	s1 =	srdreg.scid  }
0x8b: {  	s0 =	sand.u32 $0x1, s1  }
0x8c: {  	s16 =	sshll.u32 s0, $0xA;
	s2 =	sadd.s32 s3, s2  }
0x8d: {  	s2 =	sadd.s32 s2, s16  }
0x8e: {  	[smem:$0x3FBD] =	sst s2  }
0x8f: {  	_ = 	snop  }
0x90: {  	(tm) =	ssettm $0x1  }
0x91: {  	s17 =	sld [smem:$0x3FFB];
	_ =	sdelay $0x3  }
0x92: {  	_ =	strace s17  }
0x93: {  	s2 =	sld [smem:$0x3FFC];
	_ =	sdelay $0x3  }
0x94: {  	_ =	strace s2  }
0x95: {  	s2 =	sld [smem:$0x3FFD];
	_ =	sdelay $0x3  }
0x96: {  	_ =	strace s2  }
0x97: {  	_ =	strace $0x8FFFFFFF  }
0x98: {  	s18 =	sld [smem:$0x3FDB];
	_ =	sdelay $0x1  }
0x99: {  	s19 =	simm.s32 $_scs_section_size  }
0x9a: {  	s4 =	simm.s32 $_size__tile_overlayer_lowered;
	s5 =	simm.s32 $_tile_overlayer_lowered  }
0x9b: {  	s22 =	simm.s32 $0x1BFF;
	s21 =	sshll.u32 s5, $0x1;
	s2 =	sadd.s32 s19, s18  }
0x9c: {  	s6 =	simm.s32 $0x0;
	s20 =	sshll.u32 s4, $0x1;
	s4 =	sadd.s32 s21, s2  }
0x9d: {  	[timem:s6], [sflag:s22] =	dma.local [hbm:s4], s20  }
0x9e: {  	_ =	swait.ge [sflag:s22], s20  }
0x9f: {  	s3 =	ssub.s32 $0x0, s20;
	[sflag:s22] =	ssyncset.done $0x0  }
0xa0: {  	[sflag:s22] =	ssyncadd.s32 s3;
	_ =	sdelay $0x1  }
0xa1: {  	s23 =	simm.s32 $0x1B8B  }
0xa2: {  	_ =	swait.ge [sflag:s23], $0x1  }
0xa3: {  	[sflag:s23] =	ssyncset.done $0x0  }
0xa4: {  	s25 =	simm.s32 $0x1B8E;
	s24 =	sld [smem:$0x3FFE];
	[sflag:s23] =	ssyncadd.s32 $0xFFFFFFFF  }
0xa5: {  	s26 =	simm.s32 $execute0_lowered;
	[smem:$0x3FD2] =	sst s25  }
0xa6: {  	s4 =	sshll.u32 s26, $0x1;
	_ =	strace $0x8000004C;
	[dreg:$0x1] =	wrdreg $0xFFFFFFFF  }
0xa7: {  	s28 =	simm.s32 $_size_execute0_lowered;
	s2 =	sadd.s32 s2, s4;
	[dreg:$0x0] =	wrdreg $0x0  }
0xa8: {  	s4 =	sshll.u32 s28, $0x1;
	[dreg:$0x2] =	wrdreg s2  }
0xa9: {  	[dreg:$0x3] =	wrdreg s4  }
0xaa: {  	[dreg:$0x4] =	wrdreg $0xC0  }
0xab: {  	_ =	task [dreg:s6], $0x5FFFF  }
0xac: {  	[dreg:$0x1] =	wrdreg $0xFFFFFFFF  }
0xad: {  	[dreg:$0x0] =	wrdreg $0x60  }
0xae: {  	[dreg:$0x2] =	wrdreg s24  }
0xaf: {  	[dreg:$0x3] =	wrdreg $0x90000  }
0xb0: {  	[dreg:$0x4] =	wrdreg $0x9  }
0xb1: {  	_ =	task.clear_ibuf [dreg:s6], $0x5FFFF;
	_ =	strace $0x9000004C  }
0xb2: {  	s29 =	simm.s32 $0x9;
	_ =	strace $0x8000004E  }
0xb3: {  	_ =	swait.ge [sflag:s29], $0x1  }
0xb4: {  	[sflag:s29] =	ssyncadd.s32 $0xFFFFFFFF  }
0xb5: {  	_ =	strace $0x9000004E  }
0xb6: {  	_ =	sfence  }
0xb7: {  	s30 =	sld [smem:$0x0];
	_ =	sdelay $0x2  }
0xb8: {  	s31 =	sshll.u32 s1, $0xD;
	s1 =	sshrl.u32 s1, $0x2  }
0xb9: {  	s3 =	sand.u32 $0x4000, s31;
	s1 =	sadd.s32 s1, s30  }
0xba: {  	s0 =	sor.u32 s3, s0;
	s1 =	sshll.u32 s1, $0x11  }
0xbb: {  	s0 =	sor.u32 s1, s0  }
0xbc: {  	s0 =	sadd.s32 $0x8F2B, s0  }
0xbd: {  	[sflag:s0] =	ssyncadd.remote.s32 $0x1  }
0xbe: {  	_ =	sfence.sel $0xFFFF  }
0xbf: {  	[dreg:$0x0] =	wrdreg $0xFFFFFFFF;
	(pc) =	sbr.abs _section_cstart, $3  }
0xc0: {  	[dreg:$0x1] =	wrdreg $0xFFFFFFFF  }
0xc1: {  	_ =	task.clear_ibuf [dreg:s6], $0x2FFFF;
	_ =	strace $0x9FFFFFFF  }
0xc2: {  	(tm) =	ssettm $0x7FFFFFFF  }
0xc3: {  	_ =	shalt  }
tec
execute0_lowered:
.L_overlay_start_1:
0x0: {  	(tag) =	ssettag $0x1  }
0x1: {  	s5 =	rddreg [dreg:$0x0]  }
0x2: {  	s2 =	rddreg [dreg:$0x1]  }
0x3: {  	s0 =	rddreg [dreg:$0x2];
	s4 =	srdreg.scid  }
0x4: {  	s3 =	simm.s32 $0x0;
	s1 =	stileid.u32;
	s13 =	simm.s32 $0x2800  }
0x5: {  	s14 =	simm.s32 $0x80;
	s15 =	simm.s32 $0x5000;
	s16 =	simm.s32 $0x6000  }
0x6: {  	s17 =	simm.s32 $0x7000;
	s18 =	simm.s32 $0x8000;
	s19 =	simm.s32 $0x1  }
0x7: {  	s20 =	simm.s32 $0x2;
	s21 =	simm.s32 $0x0;
	s6 =	sand.u32 $0x1, s4  }
0x8: {  	[smem:$0x7FF] =	sst s3;
	s7 =	smul.u32 $0x5000, s1;
	s31 =	sshll.u32 s1, $0x6  }
0x9: {  	s4 =	sshll.u32 s6, $0x4;
	_ =	strace $0x8000004D;
	s9 =	smul.u32 $0x50000, s6  }
0xa: {  	s6 =	ssub.s32 $0x2, s6;
	s8 =	sor.u32 s1, s4;
	s4 =	sadd.s32 $0x18800, s5  }
0xb: {  	s10 =	sshrl.u32 s7, $0x3;
	s11 =	sshrl.u32 s6, $0x1;
	s12 =	sadd.s32 s7, s2  }
0xc: {  	s8 =	smul.u32 $0x500, s8;
	s10 =	sadd.s32 s10, s5;
	s9 =	sadd.s32 s7, s9  }
0xd: {  	s11 =	ssub.s32 s6, s11;
	s6 =	sor.u32 $0x1C03, s31;
	s9 =	sshrl.u32 s9, $0x3  }
0xe: {  	s8 =	sadd.s32 s8, s5;
	s9 =	sadd.s32 s9, s5;
	s5 =	sadd.s32 $0x22800, s10  }
0xf: {  	s10 =	smax.u32 s11, $0x1;
	s11 =	sshrl.u32 s12, $0x3;
	s12 =	simm.s32 $0x3  }
0x10: {  	s7 =	sadd.s32 $0xE800, s8;
	s8 =	sadd.s32 $0x4800, s8;
	s9 =	sadd.s32 $0x2C800, s9  }
.LBB2_1:
0x11: {  	[spmem:s11], [sflag:s6] =	dma.local [hbm:s5], $0xA00  }
0x12: {  	_ =	swait.ge [sflag:s12], $0xA00  }
0x13: {  	[sflag:s12] =	ssyncset.done $0x0  }
0x14: {  	[sflag:s12] =	ssyncadd.s32 $0xFFFFF600  }
0x15: {  	[tilespmem:s3], [sflag:$0x3] =	stream.linear.gather [hbm4b:s7+s3], $0x2800, $0x38;
	[tilespmem:$0xE000] =	vst v63  }
0x16: {  	_ =	swait.ge [sflag:s12], $0x2800  }
0x17: {  	[sflag:s12] =	ssyncset.done $0x0  }
0x18: {  	[sflag:s12] =	ssyncadd.s32 $0xFFFFD800  }
0x19: {  	[tilespmem:s13], [sflag:$0x3] =	stream.linear.gather [hbm4b:s8+s3], $0x2800, $0x38;
	[tilespmem:$0xE000] =	vst v63  }
0x1a: {  	_ =	swait.ge [sflag:s12], $0x2800  }
0x1b: {  	[sflag:s12] =	ssyncset.done $0x0  }
0x1c: {  	[sflag:s12] =	ssyncadd.s32 $0xFFFFD800  }
0x1d: {  	s22 =	simm.s32 $0x0;
	[bflag:$0x0] =	sbarrier.arrive $0xFFFF  }
0x1e: {  	[tilespmem:s15], [sflag:$0x1] =	stream.indirect.gather [hbm4b:s4+s14], $0x20, s22, s14, $0xb8;
	[tilespmem:$0xE000] =	vst v63  }
0x1f: {  	s24 =	simm.s32 $0x80  }
0x20: {  	[tilespmem:s16], [sflag:$0x1] =	stream.indirect.gather [hbm4b:s4+s14], $0x20, s24, s14, $0xb8;
	[tilespmem:$0xE000] =	vst v63  }
0x21: {  	s25 =	simm.s32 $0x100  }
0x22: {  	[tilespmem:s17], [sflag:$0x1] =	stream.indirect.gather [hbm4b:s4+s14], $0x20, s25, s14, $0xb8;
	[tilespmem:$0xE000] =	vst v63  }
0x23: {  	s26 =	simm.s32 $0x180  }
0x24: {  	[tilespmem:s18], [sflag:$0x1] =	stream.indirect.gather [hbm4b:s4+s14], $0x20, s26, s14, $0xb8;
	[tilespmem:$0xE000] =	vst v63  }
0x25: {  	_ =	swait.ge [sflag:s19], $0x1000  }
0x26: {  	[sflag:s19] =	ssyncset.done $0x0  }
0x27: {  	[sflag:s19] =	ssyncadd.s32 $0xFFFFF000  }
0x28: {  	_ =	swait.ge [sflag:s19], $0x1000  }
0x29: {  	[sflag:s19] =	ssyncset.done $0x0  }
0x2a: {  	[sflag:s19] =	ssyncadd.s32 $0xFFFFF000  }
0x2b: {  	_ =	swait.ge [sflag:s19], $0x1000  }
0x2c: {  	[sflag:s19] =	ssyncset.done $0x0  }
0x2d: {  	[sflag:s19] =	ssyncadd.s32 $0xFFFFF000  }
0x2e: {  	_ =	swait.ge [sflag:s19], $0x1000  }
0x2f: {  	[sflag:s19] =	ssyncset.done $0x0  }
0x30: {  	s28 =	simm.s32 $0x2800;
	[sflag:s19] =	ssyncadd.s32 $0xFFFFF000  }
0x31: {  	[spmem:s2] =	stream.indirect.scatter.add.f32 [tilespmem:s15], [sflag:$0x2], $0x20, s28, s14, $0xb8;
	[tilespmem:$0xE000] =	vst v63  }
0x32: {  	s29 =	simm.s32 $0x2880  }
0x33: {  	[spmem:s2] =	stream.indirect.scatter.add.f32 [tilespmem:s16], [sflag:$0x2], $0x20, s29, s14, $0xb8;
	[tilespmem:$0xE000] =	vst v63  }
0x34: {  	s30 =	simm.s32 $0x2900  }
0x35: {  	[spmem:s2] =	stream.indirect.scatter.add.f32 [tilespmem:s17], [sflag:$0x2], $0x20, s30, s14, $0xb8;
	[tilespmem:$0xE000] =	vst v63  }
0x36: {  	s31 =	simm.s32 $0x2980  }
0x37: {  	[spmem:s2] =	stream.indirect.scatter.add.f32 [tilespmem:s18], [sflag:$0x2], $0x20, s31, s14, $0xb8;
	[tilespmem:$0xE000] =	vst v63  }
0x38: {  	_ =	swait.ge [sflag:s20], $0x1000  }
0x39: {  	[sflag:s20] =	ssyncset.done $0x0  }
0x3a: {  	[sflag:s20] =	ssyncadd.s32 $0xFFFFF000  }
0x3b: {  	_ =	swait.ge [sflag:s20], $0x1000  }
0x3c: {  	[sflag:s20] =	ssyncset.done $0x0  }
0x3d: {  	[sflag:s20] =	ssyncadd.s32 $0xFFFFF000  }
0x3e: {  	_ =	swait.ge [sflag:s20], $0x1000  }
0x3f: {  	[sflag:s20] =	ssyncset.done $0x0  }
0x40: {  	[sflag:s20] =	ssyncadd.s32 $0xFFFFF000  }
0x41: {  	_ =	swait.ge [sflag:s20], $0x1000  }
0x42: {  	s22 =	simm.s32 $0x800;
	s24 =	simm.s32 $0x1000;
	[sflag:s20] =	ssyncset.done $0x0  }
.LBB2_2:
0x43: {  	s25 =	sshra.s32 s22, $0x2  }
0x44: {  	[sflag:s20] =	ssyncadd.s32 $0xFFFFF000;
	s22 =	smov.u32 s24;
	s23 =	sadd.s32 $0x800, s24  }
0x45: {  	[tilespmem:s15], [sflag:$0x1] =	stream.indirect.gather [hbm4b:s4+s14], $0x20, s25, s14, $0xb8;
	[tilespmem:$0xE000] =	vst v63  }
0x46: {  	p0 =	sne.s32 s24, $0x9800;
	s24 =	sadd.s32 $0x80, s25  }
0x47: {  	[tilespmem:s16], [sflag:$0x1] =	stream.indirect.gather [hbm4b:s4+s14], $0x20, s24, s14, $0xb8;
	[tilespmem:$0xE000] =	vst v63  }
0x48: {  	s24 =	sadd.s32 $0x100, s25  }
0x49: {  	[tilespmem:s17], [sflag:$0x1] =	stream.indirect.gather [hbm4b:s4+s14], $0x20, s24, s14, $0xb8;
	[tilespmem:$0xE000] =	vst v63  }
0x4a: {  	s24 =	sadd.s32 $0x180, s25  }
0x4b: {  	[tilespmem:s18], [sflag:$0x1] =	stream.indirect.gather [hbm4b:s4+s14], $0x20, s24, s14, $0xb8;
	[tilespmem:$0xE000] =	vst v63  }
0x4c: {  	_ =	swait.ge [sflag:s19], $0x1000  }
0x4d: {  	[sflag:s19] =	ssyncset.done $0x0  }
0x4e: {  	[sflag:s19] =	ssyncadd.s32 $0xFFFFF000  }
0x4f: {  	_ =	swait.ge [sflag:s19], $0x1000  }
0x50: {  	[sflag:s19] =	ssyncset.done $0x0  }
0x51: {  	[sflag:s19] =	ssyncadd.s32 $0xFFFFF000  }
0x52: {  	_ =	swait.ge [sflag:s19], $0x1000  }
0x53: {  	[sflag:s19] =	ssyncset.done $0x0  }
0x54: {  	[sflag:s19] =	ssyncadd.s32 $0xFFFFF000  }
0x55: {  	_ =	swait.ge [sflag:s19], $0x1000  }
0x56: {  	[sflag:s19] =	ssyncset.done $0x0  }
0x57: {  	s24 =	sadd.s32 $0x2800, s25;
	[sflag:s19] =	ssyncadd.s32 $0xFFFFF000  }
0x58: {  	[spmem:s2] =	stream.indirect.scatter.add.f32 [tilespmem:s15], [sflag:$0x2], $0x20, s24, s14, $0xb8;
	[tilespmem:$0xE000] =	vst v63  }
0x59: {  	s24 =	sadd.s32 $0x2880, s25  }
0x5a: {  	[spmem:s2] =	stream.indirect.scatter.add.f32 [tilespmem:s16], [sflag:$0x2], $0x20, s24, s14, $0xb8;
	[tilespmem:$0xE000] =	vst v63  }
0x5b: {  	s24 =	sadd.s32 $0x2900, s25  }
0x5c: {  	[spmem:s2] =	stream.indirect.scatter.add.f32 [tilespmem:s17], [sflag:$0x2], $0x20, s24, s14, $0xb8;
	[tilespmem:$0xE000] =	vst v63  }
0x5d: {  	s24 =	sadd.s32 $0x2980, s25  }
0x5e: {  	[spmem:s2] =	stream.indirect.scatter.add.f32 [tilespmem:s18], [sflag:$0x2], $0x20, s24, s14, $0xb8;
	[tilespmem:$0xE000] =	vst v63  }
0x5f: {  	_ =	swait.ge [sflag:s20], $0x1000  }
0x60: {  	[sflag:s20] =	ssyncset.done $0x0  }
0x61: {  	[sflag:s20] =	ssyncadd.s32 $0xFFFFF000  }
0x62: {  	_ =	swait.ge [sflag:s20], $0x1000  }
0x63: {  	[sflag:s20] =	ssyncset.done $0x0  }
0x64: {  	[sflag:s20] =	ssyncadd.s32 $0xFFFFF000  }
.Ltmp0:
0x65: {  	_ =	swait.ge [sflag:s20], $0x1000;
	(pc) =	sbr.rel @p0 .LBB2_2-.Ltmp0, $4  }
0x66: {  	[sflag:s20] =	ssyncset.done $0x0  }
0x67: {  	[sflag:s20] =	ssyncadd.s32 $0xFFFFF000  }
0x68: {  	_ =	swait.ge [sflag:s20], $0x1000  }
0x69: {  	s24 =	smov.u32 s23;
	[sflag:s20] =	ssyncset.done $0x0  }
0x6a: {  	s22 =	sshra.s32 s22, $0x2;
	[sflag:s20] =	ssyncadd.s32 $0xFFFFF000  }
0x6b: {  	[tilespmem:s15], [sflag:$0x1] =	stream.indirect.gather [hbm4b:s4+s14], $0x20, s22, s14, $0xb8;
	[tilespmem:$0xE000] =	vst v63  }
0x6c: {  	s23 =	sadd.s32 $0x80, s22  }
0x6d: {  	[tilespmem:s16], [sflag:$0x1] =	stream.indirect.gather [hbm4b:s4+s14], $0x20, s23, s14, $0xb8;
	[tilespmem:$0xE000] =	vst v63  }
0x6e: {  	s26 =	sadd.s32 $0x100, s22  }
0x6f: {  	[tilespmem:s17], [sflag:$0x1] =	stream.indirect.gather [hbm4b:s4+s14], $0x20, s26, s14, $0xb8;
	[tilespmem:$0xE000] =	vst v63  }
0x70: {  	s28 =	sadd.s32 $0x180, s22  }
0x71: {  	[tilespmem:s18], [sflag:$0x1] =	stream.indirect.gather [hbm4b:s4+s14], $0x20, s28, s14, $0xb8;
	[tilespmem:$0xE000] =	vst v63  }
0x72: {  	_ =	swait.ge [sflag:s19], $0x1000  }
0x73: {  	[sflag:s19] =	ssyncset.done $0x0  }
0x74: {  	[sflag:s19] =	ssyncadd.s32 $0xFFFFF000  }
0x75: {  	_ =	swait.ge [sflag:s19], $0x1000  }
0x76: {  	[sflag:s19] =	ssyncset.done $0x0  }
0x77: {  	[sflag:s19] =	ssyncadd.s32 $0xFFFFF000  }
0x78: {  	_ =	swait.ge [sflag:s19], $0x1000  }
0x79: {  	[sflag:s19] =	ssyncset.done $0x0  }
0x7a: {  	[sflag:s19] =	ssyncadd.s32 $0xFFFFF000  }
0x7b: {  	_ =	swait.ge [sflag:s19], $0x1000  }
0x7c: {  	[sflag:s19] =	ssyncset.done $0x0  }
0x7d: {  	s29 =	sadd.s32 $0x2800, s22;
	[sflag:s19] =	ssyncadd.s32 $0xFFFFF000  }
0x7e: {  	[spmem:s2] =	stream.indirect.scatter.add.f32 [tilespmem:s15], [sflag:$0x2], $0x20, s29, s14, $0xb8;
	[tilespmem:$0xE000] =	vst v63  }
0x7f: {  	s30 =	sadd.s32 $0x2880, s22  }
0x80: {  	[spmem:s2] =	stream.indirect.scatter.add.f32 [tilespmem:s16], [sflag:$0x2], $0x20, s30, s14, $0xb8;
	[tilespmem:$0xE000] =	vst v63  }
0x81: {  	s31 =	sadd.s32 $0x2900, s22  }
0x82: {  	[spmem:s2] =	stream.indirect.scatter.add.f32 [tilespmem:s17], [sflag:$0x2], $0x20, s31, s14, $0xb8;
	[tilespmem:$0xE000] =	vst v63  }
0x83: {  	s22 =	sadd.s32 $0x2980, s22  }
0x84: {  	[spmem:s2] =	stream.indirect.scatter.add.f32 [tilespmem:s18], [sflag:$0x2], $0x20, s22, s14, $0xb8;
	[tilespmem:$0xE000] =	vst v63  }
0x85: {  	_ =	swait.ge [sflag:s20], $0x1000  }
0x86: {  	[sflag:s20] =	ssyncset.done $0x0  }
0x87: {  	[sflag:s20] =	ssyncadd.s32 $0xFFFFF000  }
0x88: {  	_ =	swait.ge [sflag:s20], $0x1000  }
0x89: {  	[sflag:s20] =	ssyncset.done $0x0  }
0x8a: {  	[sflag:s20] =	ssyncadd.s32 $0xFFFFF000  }
0x8b: {  	_ =	swait.ge [sflag:s20], $0x1000  }
0x8c: {  	[sflag:s20] =	ssyncset.done $0x0  }
0x8d: {  	[sflag:s20] =	ssyncadd.s32 $0xFFFFF000  }
0x8e: {  	_ =	swait.ge [sflag:s20], $0x1000  }
0x8f: {  	s21 =	sadd.s32 $0x1, s21;
	[sflag:s20] =	ssyncset.done $0x0  }
0x90: {  	p0 =	sne.s32 s21, s10;
	[sflag:s20] =	ssyncadd.s32 $0xFFFFF000  }
.Ltmp1:
0x91: {  	[bflag:$0x0] =	sbarrier.arrive $0xFFFF;
	(pc) =	sbr.rel @p0 .LBB2_1-.Ltmp1, $4  }
0x92: {  	[hbm:s9], [sflag:s6] =	dma.local [spmem:s11], $0xA00  }
0x93: {  	_ =	swait.ge [sflag:s12], $0xA00  }
0x94: {  	[sflag:s12] =	ssyncset.done $0x0  }
0x95: {  	[sflag:s12] =	ssyncadd.s32 $0xFFFFF600  }
0x96: {  	_ =	sfence.sel $0x180000  }
0x97: {  	[bflag:$0x0] =	sbarrier.arrive $0xFFFF  }
0x98: {  	p0 =	sne.s32 s1, $0x0;
	_ =	strace $0x9000004D  }
0x99: {  	s0 =	sadd.s32 @!p0 $0x100000, s0;
	[bflag:$0x2] =	sbarrier.arrive $0xFFFF  }
0x9a: {  	[sflag:s0] =	ssyncadd.tile.s32 @!p0 $0x1;
	_ =	shalt  }
.Lfunc_end2:
_tile_overlayer_lowered:
.L_overlay_start_2:
0x9b: {  	(tag) =	ssettag $0x2  }
0x9c: {  	s0 =	rddreg [dreg:$0x0];
	s2 =	stileid.u32  }
0x9d: {  	s1 =	rddreg [dreg:$0x1];
	p0 =	sne.s32 s2, $0x0  }
0x9e: {  	s3 =	rddreg [dreg:$0x2];
	[bflag:$0x3] =	sbarrier.arrive $0xFFFF;
	s2 =	simm.s32 @!p0 $0x1C03  }
0x9f: {  	[timem:s3], [sflag:s2] =	dma.local @!p0 [hbm:s0], s1  }
0xa0: {  	s0 =	simm.s32 @!p0 $0x3  }
0xa1: {  	_ =	swait.ge @!p0 [sflag:s0], s1  }
0xa2: {  	s1 =	ssub.s32 @!p0 $0x0, s1;
	[sflag:s0] =	ssyncset.done @!p0 $0x0  }
0xa3: {  	[sflag:s0] =	ssyncadd.s32 @!p0 s1  }
0xa4: {  	[bflag:$0x3] =	sbarrier.arrive $0xFFFF  }
0xa5: {  	_ =	shalt  }

// kernel: kernel.19.cloned.1.call-start
scs
__scs_entry_jumppad:
0x0: {  	(pc) =	sbr.rel $0x88, $3  }
0x1: {  	(tag) =	ssettag $0x0;
	lr =	simm.s32 $0x1  }
0x2: {  	[smem:$0x3F96] =	sst lr;
	_ =	strace $0xD0000000  }
0x3: {  	_ = 	snop  }
0x4: {  	_ = 	snop  }
0x5: {  	_ = 	snop  }
0x6: {  	_ = 	snop  }
0x7: {  	_ = 	snop  }
__scs_overlays_trampoline_lowered:
0x8: {  	[smem:$0x3FA5] =	sst s0  }
0x9: {  	[smem:$0x3FA6] =	sst s1  }
0xa: {  	[smem:$0x3FA7] =	sst s2  }
0xb: {  	[smem:$0x3FA8] =	sst s3  }
0xc: {  	[smem:$0x3FA9] =	sst s4  }
0xd: {  	[smem:$0x3FAA] =	sst s5  }
0xe: {  	[smem:$0x3FAB] =	sst s6  }
0xf: {  	[smem:$0x3FAC] =	sst s7  }
0x10: {  	[smem:$0x3FAD] =	sst s8  }
0x11: {  	[smem:$0x3FAE] =	sst s9;
	s0 =	simm.s32 @!p0 $0x0  }
0x12: {  	s1 =	sld [smem:$0x3F94];
	s0 =	simm.s32 @p0 $0x1  }
0x13: {  	[smem:$0x3FAF] =	sst s0;
	s0 =	simm.s32 @!p1 $0x0  }
0x14: {  	s2 =	sld [smem:$0x3F93];
	s0 =	simm.s32 @p1 $0x1  }
0x15: {  	[smem:$0x3FB0] =	sst s0;
	s0 =	simm.s32 @!p2 $0x0  }
0x16: {  	s3 =	sld [smem:$0x3FDB];
	s0 =	simm.s32 @p2 $0x1  }
0x17: {  	s4 =	simm.s32 $0x1BF5;
	[smem:$0x3FB2] =	sst s0  }
0x18: {  	s0 =	sld [smem:$0x3F95];
	_ =	swait.ge [sflag:s4], $0x0  }
0x19: {  	s7 =	sld [smem:$0x3F96]  }
0x1a: {  	s8 =	sadd.s32 $0xFFFFE003, lr  }
0x1b: {  	s9 =	sadd.s32 $0xFFFFFEF7, lr;
	s5 =	simm.s32 $0xFFFFFFFF;
	p2 =	slt.u32 s8, $0xFFFFF086  }
0x1c: {  	p1 =	slt.u32 s9, $0xF7A;
	s5 =	simm.s32 @!p2 $0x0  }
0x1d: {  	s5 =	simm.s32 @p1 $0x1;
	p0 =	seq.s32 s7, s2  }
0x1e: {  	s7 =	smul.u32 @!p0 $0xF7A, s2;
	p2 =	seq.s32 @!p0 s5, $0x0  }
0x1f: {  	s9 =	smul.u32 $0xF7A, s1;
	s8 =	simm.s32 @!p0 $0x1BF5;
	p2 =	por !p2, p0  }
0x20: {  	[sflag:s8] =	ssyncset.s32 @!p0 $0xFFFFF086;
	s6 =	sadd.s32 @!p0 s3, s7;
	s7 =	simm.s32 @!p0 $0x108  }
0x21: {  	s3 =	sadd.s32 s3, s9;
	s6 =	sadd.s32 @!p0 $0x88, s6;
	s7 =	simm.s32 @p2 $0x1082  }
0x22: {  	[simem:s7], [sflag:s8] =	dma.local @!p0 [hbm:s6], $0xF7A  }
0x23: {  	s9 =	sor.u32 $0xD0000000, s2;
	s6 =	simm.s32 $0x108;
	_ =	swait.ge @!p0 [sflag:s8], $0x0  }
0x24: {  	s3 =	sadd.s32 $0x88, s3;
	s6 =	simm.s32 @!p1 $0x1082;
	[sflag:s4] =	ssyncset.s32 $0xFFFFF086  }
0x25: {  	[simem:s6], [sflag:s4] =	dma.local [hbm:s3], $0xF7A  }
0x26: {  	[smem:$0x3F96] =	sst s1;
	(tag) =	ssettag s2;
	_ =	strace s9  }
0x27: {  	s1 =	sld [smem:$0x3FA6]  }
0x28: {  	s2 =	sld [smem:$0x3FA7]  }
0x29: {  	s4 =	sld [smem:$0x3FA9]  }
0x2a: {  	p0 =	seq.s32 s5, $0x0;
	s5 =	sld [smem:$0x3FAA]  }
0x2b: {  	s6 =	sld [smem:$0x3FAB]  }
0x2c: {  	s7 =	sld [smem:$0x3FAC]  }
0x2d: {  	s3 =	simm.s32 $0x108;
	s8 =	sld [smem:$0x3FAD]  }
0x2e: {  	s3 =	simm.s32 @!p0 $0x1082;
	s9 =	sld [smem:$0x3FAE]  }
0x2f: {  	lr =	sadd.s32 s0, s3;
	s0 =	sld [smem:$0x3FA5]  }
0x30: {  	s3 =	sld [smem:$0x3FA8]  }
0x31: {  	[smem:$0x3FB1] =	sst s10  }
0x32: {  	s10 =	sld [smem:$0x3FAF];
	_ =	sdelay $0x3  }
0x33: {  	p0 =	seq.s32 s10, $0x1;
	s10 =	sld [smem:$0x3FB1];
	_ =	sdelay $0x3  }
0x34: {  	[smem:$0x3FB1] =	sst s10  }
0x35: {  	s10 =	sld [smem:$0x3FB0];
	_ =	sdelay $0x3  }
0x36: {  	p1 =	seq.s32 s10, $0x1;
	s10 =	sld [smem:$0x3FB1];
	_ =	sdelay $0x3  }
0x37: {  	[smem:$0x3FB1] =	sst s10  }
0x38: {  	s10 =	sld [smem:$0x3FB2]  }
0x39: {  	_ = 	snop;
	(pc) =	sbr.ind lr, $3  }
0x3a: {  	_ = 	snop  }
0x3b: {  	_ = 	snop  }
0x3c: {  	p2 =	seq.s32 s10, $0x1;
	s10 =	sld [smem:$0x3FB1]  }
0x3d: {  	_ =	shalt  }
0x3e: {  	_ =	shalt  }
0x3f: {  	_ =	shalt  }
0x40: {  	_ =	shalt  }
0x41: {  	_ =	shalt  }
0x42: {  	_ =	shalt  }
0x43: {  	_ =	shalt  }
0x44: {  	_ =	shalt  }
0x45: {  	_ =	shalt  }
0x46: {  	_ =	shalt  }
0x47: {  	_ =	shalt  }
0x48: {  	_ =	shalt  }
0x49: {  	_ =	shalt  }
0x4a: {  	_ =	shalt  }
0x4b: {  	_ =	shalt  }
0x4c: {  	_ =	shalt  }
0x4d: {  	_ =	shalt  }
0x4e: {  	_ =	shalt  }
0x4f: {  	_ =	shalt  }
0x50: {  	_ =	shalt  }
0x51: {  	_ =	shalt  }
0x52: {  	_ =	shalt  }
0x53: {  	_ =	shalt  }
0x54: {  	_ =	shalt  }
0x55: {  	_ =	shalt  }
0x56: {  	_ =	shalt  }
0x57: {  	_ =	shalt  }
0x58: {  	_ =	shalt  }
0x59: {  	_ =	shalt  }
0x5a: {  	_ =	shalt  }
0x5b: {  	_ =	shalt  }
0x5c: {  	_ =	shalt  }
0x5d: {  	_ =	shalt  }
0x5e: {  	_ =	shalt  }
0x5f: {  	_ =	shalt  }
0x60: {  	_ =	shalt  }
0x61: {  	_ =	shalt  }
0x62: {  	_ =	shalt  }
0x63: {  	_ =	shalt  }
0x64: {  	_ =	shalt  }
0x65: {  	_ =	shalt  }
0x66: {  	_ =	shalt  }
0x67: {  	_ =	shalt  }
0x68: {  	_ =	shalt  }
0x69: {  	_ =	shalt  }
0x6a: {  	_ =	shalt  }
0x6b: {  	_ =	shalt  }
0x6c: {  	_ =	shalt  }
0x6d: {  	_ =	shalt  }
0x6e: {  	_ =	shalt  }
0x6f: {  	_ =	shalt  }
0x70: {  	_ =	shalt  }
0x71: {  	_ =	shalt  }
0x72: {  	_ =	shalt  }
0x73: {  	_ =	shalt  }
0x74: {  	_ =	shalt  }
0x75: {  	_ =	shalt  }
0x76: {  	_ =	shalt  }
0x77: {  	_ =	shalt  }
0x78: {  	_ =	shalt  }
0x79: {  	_ =	shalt  }
0x7a: {  	_ =	shalt  }
0x7b: {  	_ =	shalt  }
0x7c: {  	_ =	shalt  }
0x7d: {  	_ =	shalt  }
0x7e: {  	_ =	shalt  }
0x7f: {  	_ =	shalt  }
0x80: {  	_ =	shalt  }
0x81: {  	_ =	shalt  }
0x82: {  	_ =	shalt  }
0x83: {  	_ =	shalt  }
0x84: {  	_ =	shalt  }
0x85: {  	_ =	shalt  }
0x86: {  	_ =	shalt  }
0x87: {  	_ =	shalt  }
.Lfunc_end0:
.L_simem_size_0:
called_computation.3_lowered:
.L_overlay_start_0:
0x88: {  	s2 =	sld [smem:$0x3FD9]  }
0x89: {  	s3 =	sld [smem:$0x3FFE];
	_ =	sdelay $0x1  }
0x8a: {  	s1 =	srdreg.scid  }
0x8b: {  	s0 =	sand.u32 $0x1, s1  }
0x8c: {  	s16 =	sshll.u32 s0, $0xA;
	s2 =	sadd.s32 s3, s2  }
0x8d: {  	s2 =	sadd.s32 s2, s16  }
0x8e: {  	[smem:$0x3FBD] =	sst s2  }
0x8f: {  	_ = 	snop  }
0x90: {  	(tm) =	ssettm $0x1  }
0x91: {  	s17 =	sld [smem:$0x3FFB];
	_ =	sdelay $0x3  }
0x92: {  	_ =	strace s17  }
0x93: {  	s2 =	sld [smem:$0x3FFC];
	_ =	sdelay $0x3  }
0x94: {  	_ =	strace s2  }
0x95: {  	s2 =	sld [smem:$0x3FFD];
	_ =	sdelay $0x3  }
0x96: {  	_ =	strace s2  }
0x97: {  	_ =	strace $0x8FFFFFFF  }
0x98: {  	s18 =	sld [smem:$0x3FDB];
	_ =	sdelay $0x1  }
0x99: {  	s19 =	simm.s32 $_scs_section_size  }
0x9a: {  	s4 =	simm.s32 $_size__tile_overlayer_lowered;
	s5 =	simm.s32 $_tile_overlayer_lowered  }
0x9b: {  	s22 =	simm.s32 $0x1BFF;
	s21 =	sshll.u32 s5, $0x1;
	s2 =	sadd.s32 s19, s18  }
0x9c: {  	s6 =	simm.s32 $0x0;
	s20 =	sshll.u32 s4, $0x1;
	s4 =	sadd.s32 s21, s2  }
0x9d: {  	[timem:s6], [sflag:s22] =	dma.local [hbm:s4], s20  }
0x9e: {  	_ =	swait.ge [sflag:s22], s20  }
0x9f: {  	s3 =	ssub.s32 $0x0, s20;
	[sflag:s22] =	ssyncset.done $0x0  }
0xa0: {  	[sflag:s22] =	ssyncadd.s32 s3;
	_ =	sdelay $0x1  }
0xa1: {  	s23 =	simm.s32 $0x1B8B  }
0xa2: {  	_ =	swait.ge [sflag:s23], $0x1  }
0xa3: {  	[sflag:s23] =	ssyncset.done $0x0  }
0xa4: {  	s25 =	simm.s32 $0x1B8E;
	s24 =	sld [smem:$0x3FFE];
	[sflag:s23] =	ssyncadd.s32 $0xFFFFFFFF  }
0xa5: {  	s26 =	simm.s32 $execute0_lowered;
	[smem:$0x3FD2] =	sst s25  }
0xa6: {  	s4 =	sshll.u32 s26, $0x1;
	_ =	strace $0x8000004F;
	[dreg:$0x1] =	wrdreg $0xFFFFFFFF  }
0xa7: {  	s28 =	simm.s32 $_size_execute0_lowered;
	s2 =	sadd.s32 s2, s4;
	[dreg:$0x0] =	wrdreg $0x0  }
0xa8: {  	s4 =	sshll.u32 s28, $0x1;
	[dreg:$0x2] =	wrdreg s2  }
0xa9: {  	[dreg:$0x3] =	wrdreg s4  }
0xaa: {  	[dreg:$0x4] =	wrdreg $0xC0  }
0xab: {  	_ =	task [dreg:s6], $0x5FFFF  }
0xac: {  	[dreg:$0x1] =	wrdreg $0xFFFFFFFF  }
0xad: {  	[dreg:$0x0] =	wrdreg $0x60  }
0xae: {  	[dreg:$0x2] =	wrdreg s24  }
0xaf: {  	[dreg:$0x3] =	wrdreg $0x90000  }
0xb0: {  	[dreg:$0x4] =	wrdreg $0x9  }
0xb1: {  	_ =	task.clear_ibuf [dreg:s6], $0x5FFFF;
	_ =	strace $0x9000004F  }
0xb2: {  	s29 =	simm.s32 $0x9;
	_ =	strace $0x80000051  }
0xb3: {  	_ =	swait.ge [sflag:s29], $0x1  }
0xb4: {  	[sflag:s29] =	ssyncadd.s32 $0xFFFFFFFF  }
0xb5: {  	_ =	strace $0x90000051  }
0xb6: {  	_ =	sfence  }
0xb7: {  	s30 =	sld [smem:$0x0];
	_ =	sdelay $0x2  }
0xb8: {  	s31 =	sshll.u32 s1, $0xD;
	s1 =	sshrl.u32 s1, $0x2  }
0xb9: {  	s3 =	sand.u32 $0x4000, s31;
	s1 =	sadd.s32 s1, s30  }
0xba: {  	s0 =	sor.u32 s3, s0;
	s1 =	sshll.u32 s1, $0x11  }
0xbb: {  	s0 =	sor.u32 s1, s0  }
0xbc: {  	s0 =	sadd.s32 $0x8F2B, s0  }
0xbd: {  	[sflag:s0] =	ssyncadd.remote.s32 $0x1  }
0xbe: {  	_ =	sfence.sel $0xFFFF  }
0xbf: {  	[dreg:$0x0] =	wrdreg $0xFFFFFFFF;
	(pc) =	sbr.abs _section_cstart, $3  }
0xc0: {  	[dreg:$0x1] =	wrdreg $0xFFFFFFFF  }
0xc1: {  	_ =	task.clear_ibuf [dreg:s6], $0x2FFFF;
	_ =	strace $0x9FFFFFFF  }
0xc2: {  	(tm) =	ssettm $0x7FFFFFFF  }
0xc3: {  	_ =	shalt  }
tec
execute0_lowered:
.L_overlay_start_1:
0x0: {  	(tag) =	ssettag $0x1  }
0x1: {  	s5 =	rddreg [dreg:$0x0]  }
0x2: {  	s2 =	rddreg [dreg:$0x1]  }
0x3: {  	s0 =	rddreg [dreg:$0x2];
	s4 =	srdreg.scid  }
0x4: {  	s3 =	simm.s32 $0x0;
	s1 =	stileid.u32;
	s13 =	simm.s32 $0x2800  }
0x5: {  	s14 =	simm.s32 $0x80;
	s15 =	simm.s32 $0x5000;
	s16 =	simm.s32 $0x6000  }
0x6: {  	s17 =	simm.s32 $0x7000;
	s18 =	simm.s32 $0x8000;
	s19 =	simm.s32 $0x1  }
0x7: {  	s20 =	simm.s32 $0x2;
	s21 =	simm.s32 $0x0;
	s6 =	sand.u32 $0x1, s4  }
0x8: {  	[smem:$0x7FF] =	sst s3;
	s7 =	smul.u32 $0x5000, s1;
	s31 =	sshll.u32 s1, $0x6  }
0x9: {  	s4 =	sshll.u32 s6, $0x4;
	_ =	strace $0x80000050;
	s9 =	smul.u32 $0x50000, s6  }
0xa: {  	s6 =	ssub.s32 $0x2, s6;
	s8 =	sor.u32 s1, s4;
	s4 =	sadd.s32 $0x18800, s5  }
0xb: {  	s10 =	sshrl.u32 s7, $0x3;
	s11 =	sshrl.u32 s6, $0x1;
	s12 =	sadd.s32 s7, s2  }
0xc: {  	s8 =	smul.u32 $0x500, s8;
	s10 =	sadd.s32 s10, s5;
	s9 =	sadd.s32 s7, s9  }
0xd: {  	s11 =	ssub.s32 s6, s11;
	s6 =	sor.u32 $0x1C03, s31;
	s9 =	sshrl.u32 s9, $0x3  }
0xe: {  	s8 =	sadd.s32 s8, s5;
	s9 =	sadd.s32 s9, s5;
	s5 =	sadd.s32 $0x22800, s10  }
0xf: {  	s10 =	smax.u32 s11, $0x1;
	s11 =	sshrl.u32 s12, $0x3;
	s12 =	simm.s32 $0x3  }
0x10: {  	s7 =	sadd.s32 $0xE800, s8;
	s8 =	sadd.s32 $0x4800, s8;
	s9 =	sadd.s32 $0x2C800, s9  }
.LBB2_1:
0x11: {  	[spmem:s11], [sflag:s6] =	dma.local [hbm:s5], $0xA00  }
0x12: {  	_ =	swait.ge [sflag:s12], $0xA00  }
0x13: {  	[sflag:s12] =	ssyncset.done $0x0  }
0x14: {  	[sflag:s12] =	ssyncadd.s32 $0xFFFFF600  }
0x15: {  	[tilespmem:s3], [sflag:$0x3] =	stream.linear.gather [hbm4b:s7+s3], $0x2800, $0x38;
	[tilespmem:$0xE000] =	vst v63  }
0x16: {  	_ =	swait.ge [sflag:s12], $0x2800  }
0x17: {  	[sflag:s12] =	ssyncset.done $0x0  }
0x18: {  	[sflag:s12] =	ssyncadd.s32 $0xFFFFD800  }
0x19: {  	[tilespmem:s13], [sflag:$0x3] =	stream.linear.gather [hbm4b:s8+s3], $0x2800, $0x38;
	[tilespmem:$0xE000] =	vst v63  }
0x1a: {  	_ =	swait.ge [sflag:s12], $0x2800  }
0x1b: {  	[sflag:s12] =	ssyncset.done $0x0  }
0x1c: {  	[sflag:s12] =	ssyncadd.s32 $0xFFFFD800  }
0x1d: {  	s22 =	simm.s32 $0x0;
	[bflag:$0x0] =	sbarrier.arrive $0xFFFF  }
0x1e: {  	[tilespmem:s15], [sflag:$0x1] =	stream.indirect.gather [hbm4b:s4+s14], $0x20, s22, s14, $0xb8;
	[tilespmem:$0xE000] =	vst v63  }
0x1f: {  	s24 =	simm.s32 $0x80  }
0x20: {  	[tilespmem:s16], [sflag:$0x1] =	stream.indirect.gather [hbm4b:s4+s14], $0x20, s24, s14, $0xb8;
	[tilespmem:$0xE000] =	vst v63  }
0x21: {  	s25 =	simm.s32 $0x100  }
0x22: {  	[tilespmem:s17], [sflag:$0x1] =	stream.indirect.gather [hbm4b:s4+s14], $0x20, s25, s14, $0xb8;
	[tilespmem:$0xE000] =	vst v63  }
0x23: {  	s26 =	simm.s32 $0x180  }
0x24: {  	[tilespmem:s18], [sflag:$0x1] =	stream.indirect.gather [hbm4b:s4+s14], $0x20, s26, s14, $0xb8;
	[tilespmem:$0xE000] =	vst v63  }
0x25: {  	_ =	swait.ge [sflag:s19], $0x1000  }
0x26: {  	[sflag:s19] =	ssyncset.done $0x0  }
0x27: {  	[sflag:s19] =	ssyncadd.s32 $0xFFFFF000  }
0x28: {  	_ =	swait.ge [sflag:s19], $0x1000  }
0x29: {  	[sflag:s19] =	ssyncset.done $0x0  }
0x2a: {  	[sflag:s19] =	ssyncadd.s32 $0xFFFFF000  }
0x2b: {  	_ =	swait.ge [sflag:s19], $0x1000  }
0x2c: {  	[sflag:s19] =	ssyncset.done $0x0  }
0x2d: {  	[sflag:s19] =	ssyncadd.s32 $0xFFFFF000  }
0x2e: {  	_ =	swait.ge [sflag:s19], $0x1000  }
0x2f: {  	[sflag:s19] =	ssyncset.done $0x0  }
0x30: {  	s28 =	simm.s32 $0x2800;
	[sflag:s19] =	ssyncadd.s32 $0xFFFFF000  }
0x31: {  	[spmem:s2] =	stream.indirect.scatter.add.f32 [tilespmem:s15], [sflag:$0x2], $0x20, s28, s14, $0xb8;
	[tilespmem:$0xE000] =	vst v63  }
0x32: {  	s29 =	simm.s32 $0x2880  }
0x33: {  	[spmem:s2] =	stream.indirect.scatter.add.f32 [tilespmem:s16], [sflag:$0x2], $0x20, s29, s14, $0xb8;
	[tilespmem:$0xE000] =	vst v63  }
0x34: {  	s30 =	simm.s32 $0x2900  }
0x35: {  	[spmem:s2] =	stream.indirect.scatter.add.f32 [tilespmem:s17], [sflag:$0x2], $0x20, s30, s14, $0xb8;
	[tilespmem:$0xE000] =	vst v63  }
0x36: {  	s31 =	simm.s32 $0x2980  }
0x37: {  	[spmem:s2] =	stream.indirect.scatter.add.f32 [tilespmem:s18], [sflag:$0x2], $0x20, s31, s14, $0xb8;
	[tilespmem:$0xE000] =	vst v63  }
0x38: {  	_ =	swait.ge [sflag:s20], $0x1000  }
0x39: {  	[sflag:s20] =	ssyncset.done $0x0  }
0x3a: {  	[sflag:s20] =	ssyncadd.s32 $0xFFFFF000  }
0x3b: {  	_ =	swait.ge [sflag:s20], $0x1000  }
0x3c: {  	[sflag:s20] =	ssyncset.done $0x0  }
0x3d: {  	[sflag:s20] =	ssyncadd.s32 $0xFFFFF000  }
0x3e: {  	_ =	swait.ge [sflag:s20], $0x1000  }
0x3f: {  	[sflag:s20] =	ssyncset.done $0x0  }
0x40: {  	[sflag:s20] =	ssyncadd.s32 $0xFFFFF000  }
0x41: {  	_ =	swait.ge [sflag:s20], $0x1000  }
0x42: {  	s22 =	simm.s32 $0x800;
	s24 =	simm.s32 $0x1000;
	[sflag:s20] =	ssyncset.done $0x0  }
.LBB2_2:
0x43: {  	s25 =	sshra.s32 s22, $0x2  }
0x44: {  	[sflag:s20] =	ssyncadd.s32 $0xFFFFF000;
	s22 =	smov.u32 s24;
	s23 =	sadd.s32 $0x800, s24  }
0x45: {  	[tilespmem:s15], [sflag:$0x1] =	stream.indirect.gather [hbm4b:s4+s14], $0x20, s25, s14, $0xb8;
	[tilespmem:$0xE000] =	vst v63  }
0x46: {  	p0 =	sne.s32 s24, $0x9800;
	s24 =	sadd.s32 $0x80, s25  }
0x47: {  	[tilespmem:s16], [sflag:$0x1] =	stream.indirect.gather [hbm4b:s4+s14], $0x20, s24, s14, $0xb8;
	[tilespmem:$0xE000] =	vst v63  }
0x48: {  	s24 =	sadd.s32 $0x100, s25  }
0x49: {  	[tilespmem:s17], [sflag:$0x1] =	stream.indirect.gather [hbm4b:s4+s14], $0x20, s24, s14, $0xb8;
	[tilespmem:$0xE000] =	vst v63  }
0x4a: {  	s24 =	sadd.s32 $0x180, s25  }
0x4b: {  	[tilespmem:s18], [sflag:$0x1] =	stream.indirect.gather [hbm4b:s4+s14], $0x20, s24, s14, $0xb8;
	[tilespmem:$0xE000] =	vst v63  }
0x4c: {  	_ =	swait.ge [sflag:s19], $0x1000  }
0x4d: {  	[sflag:s19] =	ssyncset.done $0x0  }
0x4e: {  	[sflag:s19] =	ssyncadd.s32 $0xFFFFF000  }
0x4f: {  	_ =	swait.ge [sflag:s19], $0x1000  }
0x50: {  	[sflag:s19] =	ssyncset.done $0x0  }
0x51: {  	[sflag:s19] =	ssyncadd.s32 $0xFFFFF000  }
0x52: {  	_ =	swait.ge [sflag:s19], $0x1000  }
0x53: {  	[sflag:s19] =	ssyncset.done $0x0  }
0x54: {  	[sflag:s19] =	ssyncadd.s32 $0xFFFFF000  }
0x55: {  	_ =	swait.ge [sflag:s19], $0x1000  }
0x56: {  	[sflag:s19] =	ssyncset.done $0x0  }
0x57: {  	s24 =	sadd.s32 $0x2800, s25;
	[sflag:s19] =	ssyncadd.s32 $0xFFFFF000  }
0x58: {  	[spmem:s2] =	stream.indirect.scatter.add.f32 [tilespmem:s15], [sflag:$0x2], $0x20, s24, s14, $0xb8;
	[tilespmem:$0xE000] =	vst v63  }
0x59: {  	s24 =	sadd.s32 $0x2880, s25  }
0x5a: {  	[spmem:s2] =	stream.indirect.scatter.add.f32 [tilespmem:s16], [sflag:$0x2], $0x20, s24, s14, $0xb8;
	[tilespmem:$0xE000] =	vst v63  }
0x5b: {  	s24 =	sadd.s32 $0x2900, s25  }
0x5c: {  	[spmem:s2] =	stream.indirect.scatter.add.f32 [tilespmem:s17], [sflag:$0x2], $0x20, s24, s14, $0xb8;
	[tilespmem:$0xE000] =	vst v63  }
0x5d: {  	s24 =	sadd.s32 $0x2980, s25  }
0x5e: {  	[spmem:s2] =	stream.indirect.scatter.add.f32 [tilespmem:s18], [sflag:$0x2], $0x20, s24, s14, $0xb8;
	[tilespmem:$0xE000] =	vst v63  }
0x5f: {  	_ =	swait.ge [sflag:s20], $0x1000  }
0x60: {  	[sflag:s20] =	ssyncset.done $0x0  }
0x61: {  	[sflag:s20] =	ssyncadd.s32 $0xFFFFF000  }
0x62: {  	_ =	swait.ge [sflag:s20], $0x1000  }
0x63: {  	[sflag:s20] =	ssyncset.done $0x0  }
0x64: {  	[sflag:s20] =	ssyncadd.s32 $0xFFFFF000  }
.Ltmp0:
0x65: {  	_ =	swait.ge [sflag:s20], $0x1000;
	(pc) =	sbr.rel @p0 .LBB2_2-.Ltmp0, $4  }
0x66: {  	[sflag:s20] =	ssyncset.done $0x0  }
0x67: {  	[sflag:s20] =	ssyncadd.s32 $0xFFFFF000  }
0x68: {  	_ =	swait.ge [sflag:s20], $0x1000  }
0x69: {  	s24 =	smov.u32 s23;
	[sflag:s20] =	ssyncset.done $0x0  }
0x6a: {  	s22 =	sshra.s32 s22, $0x2;
	[sflag:s20] =	ssyncadd.s32 $0xFFFFF000  }
0x6b: {  	[tilespmem:s15], [sflag:$0x1] =	stream.indirect.gather [hbm4b:s4+s14], $0x20, s22, s14, $0xb8;
	[tilespmem:$0xE000] =	vst v63  }
0x6c: {  	s23 =	sadd.s32 $0x80, s22  }
0x6d: {  	[tilespmem:s16], [sflag:$0x1] =	stream.indirect.gather [hbm4b:s4+s14], $0x20, s23, s14, $0xb8;
	[tilespmem:$0xE000] =	vst v63  }
0x6e: {  	s26 =	sadd.s32 $0x100, s22  }
0x6f: {  	[tilespmem:s17], [sflag:$0x1] =	stream.indirect.gather [hbm4b:s4+s14], $0x20, s26, s14, $0xb8;
	[tilespmem:$0xE000] =	vst v63  }
0x70: {  	s28 =	sadd.s32 $0x180, s22  }
0x71: {  	[tilespmem:s18], [sflag:$0x1] =	stream.indirect.gather [hbm4b:s4+s14], $0x20, s28, s14, $0xb8;
	[tilespmem:$0xE000] =	vst v63  }
0x72: {  	_ =	swait.ge [sflag:s19], $0x1000  }
0x73: {  	[sflag:s19] =	ssyncset.done $0x0  }
0x74: {  	[sflag:s19] =	ssyncadd.s32 $0xFFFFF000  }
0x75: {  	_ =	swait.ge [sflag:s19], $0x1000  }
0x76: {  	[sflag:s19] =	ssyncset.done $0x0  }
0x77: {  	[sflag:s19] =	ssyncadd.s32 $0xFFFFF000  }
0x78: {  	_ =	swait.ge [sflag:s19], $0x1000  }
0x79: {  	[sflag:s19] =	ssyncset.done $0x0  }
0x7a: {  	[sflag:s19] =	ssyncadd.s32 $0xFFFFF000  }
0x7b: {  	_ =	swait.ge [sflag:s19], $0x1000  }
0x7c: {  	[sflag:s19] =	ssyncset.done $0x0  }
0x7d: {  	s29 =	sadd.s32 $0x2800, s22;
	[sflag:s19] =	ssyncadd.s32 $0xFFFFF000  }
0x7e: {  	[spmem:s2] =	stream.indirect.scatter.add.f32 [tilespmem:s15], [sflag:$0x2], $0x20, s29, s14, $0xb8;
	[tilespmem:$0xE000] =	vst v63  }
0x7f: {  	s30 =	sadd.s32 $0x2880, s22  }
0x80: {  	[spmem:s2] =	stream.indirect.scatter.add.f32 [tilespmem:s16], [sflag:$0x2], $0x20, s30, s14, $0xb8;
	[tilespmem:$0xE000] =	vst v63  }
0x81: {  	s31 =	sadd.s32 $0x2900, s22  }
0x82: {  	[spmem:s2] =	stream.indirect.scatter.add.f32 [tilespmem:s17], [sflag:$0x2], $0x20, s31, s14, $0xb8;
	[tilespmem:$0xE000] =	vst v63  }
0x83: {  	s22 =	sadd.s32 $0x2980, s22  }
0x84: {  	[spmem:s2] =	stream.indirect.scatter.add.f32 [tilespmem:s18], [sflag:$0x2], $0x20, s22, s14, $0xb8;
	[tilespmem:$0xE000] =	vst v63  }
0x85: {  	_ =	swait.ge [sflag:s20], $0x1000  }
0x86: {  	[sflag:s20] =	ssyncset.done $0x0  }
0x87: {  	[sflag:s20] =	ssyncadd.s32 $0xFFFFF000  }
0x88: {  	_ =	swait.ge [sflag:s20], $0x1000  }
0x89: {  	[sflag:s20] =	ssyncset.done $0x0  }
0x8a: {  	[sflag:s20] =	ssyncadd.s32 $0xFFFFF000  }
0x8b: {  	_ =	swait.ge [sflag:s20], $0x1000  }
0x8c: {  	[sflag:s20] =	ssyncset.done $0x0  }
0x8d: {  	[sflag:s20] =	ssyncadd.s32 $0xFFFFF000  }
0x8e: {  	_ =	swait.ge [sflag:s20], $0x1000  }
0x8f: {  	s21 =	sadd.s32 $0x1, s21;
	[sflag:s20] =	ssyncset.done $0x0  }
0x90: {  	p0 =	sne.s32 s21, s10;
	[sflag:s20] =	ssyncadd.s32 $0xFFFFF000  }
.Ltmp1:
0x91: {  	[bflag:$0x0] =	sbarrier.arrive $0xFFFF;
	(pc) =	sbr.rel @p0 .LBB2_1-.Ltmp1, $4  }
0x92: {  	[hbm:s9], [sflag:s6] =	dma.local [spmem:s11], $0xA00  }
0x93: {  	_ =	swait.ge [sflag:s12], $0xA00  }
0x94: {  	[sflag:s12] =	ssyncset.done $0x0  }
0x95: {  	[sflag:s12] =	ssyncadd.s32 $0xFFFFF600  }
0x96: {  	_ =	sfence.sel $0x180000  }
0x97: {  	[bflag:$0x0] =	sbarrier.arrive $0xFFFF  }
0x98: {  	p0 =	sne.s32 s1, $0x0;
	_ =	strace $0x90000050  }
0x99: {  	s0 =	sadd.s32 @!p0 $0x100000, s0;
	[bflag:$0x2] =	sbarrier.arrive $0xFFFF  }
0x9a: {  	[sflag:s0] =	ssyncadd.tile.s32 @!p0 $0x1;
	_ =	shalt  }
.Lfunc_end2:
_tile_overlayer_lowered:
.L_overlay_start_2:
0x9b: {  	(tag) =	ssettag $0x2  }
0x9c: {  	s0 =	rddreg [dreg:$0x0];
	s2 =	stileid.u32  }
0x9d: {  	s1 =	rddreg [dreg:$0x1];
	p0 =	sne.s32 s2, $0x0  }
0x9e: {  	s3 =	rddreg [dreg:$0x2];
	[bflag:$0x3] =	sbarrier.arrive $0xFFFF;
	s2 =	simm.s32 @!p0 $0x1C03  }
0x9f: {  	[timem:s3], [sflag:s2] =	dma.local @!p0 [hbm:s0], s1  }
0xa0: {  	s0 =	simm.s32 @!p0 $0x3  }
0xa1: {  	_ =	swait.ge @!p0 [sflag:s0], s1  }
0xa2: {  	s1 =	ssub.s32 @!p0 $0x0, s1;
	[sflag:s0] =	ssyncset.done @!p0 $0x0  }
0xa3: {  	[sflag:s0] =	ssyncadd.s32 @!p0 s1  }
0xa4: {  	[bflag:$0x3] =	sbarrier.arrive $0xFFFF  }
0xa5: {  	_ =	shalt  }

// kernel: kernel.22.cloned.1.call-start
scs
__scs_entry_jumppad:
0x0: {  	(pc) =	sbr.rel $0x88, $3  }
0x1: {  	(tag) =	ssettag $0x0;
	lr =	simm.s32 $0x1  }
0x2: {  	[smem:$0x3F96] =	sst lr;
	_ =	strace $0xD0000000  }
0x3: {  	_ = 	snop  }
0x4: {  	_ = 	snop  }
0x5: {  	_ = 	snop  }
0x6: {  	_ = 	snop  }
0x7: {  	_ = 	snop  }
__scs_overlays_trampoline_lowered:
0x8: {  	[smem:$0x3FA5] =	sst s0  }
0x9: {  	[smem:$0x3FA6] =	sst s1  }
0xa: {  	[smem:$0x3FA7] =	sst s2  }
0xb: {  	[smem:$0x3FA8] =	sst s3  }
0xc: {  	[smem:$0x3FA9] =	sst s4  }
0xd: {  	[smem:$0x3FAA] =	sst s5  }
0xe: {  	[smem:$0x3FAB] =	sst s6  }
0xf: {  	[smem:$0x3FAC] =	sst s7  }
0x10: {  	[smem:$0x3FAD] =	sst s8  }
0x11: {  	[smem:$0x3FAE] =	sst s9;
	s0 =	simm.s32 @!p0 $0x0  }
0x12: {  	s1 =	sld [smem:$0x3F94];
	s0 =	simm.s32 @p0 $0x1  }
0x13: {  	[smem:$0x3FAF] =	sst s0;
	s0 =	simm.s32 @!p1 $0x0  }
0x14: {  	s2 =	sld [smem:$0x3F93];
	s0 =	simm.s32 @p1 $0x1  }
0x15: {  	[smem:$0x3FB0] =	sst s0;
	s0 =	simm.s32 @!p2 $0x0  }
0x16: {  	s3 =	sld [smem:$0x3FDB];
	s0 =	simm.s32 @p2 $0x1  }
0x17: {  	s4 =	simm.s32 $0x1BF5;
	[smem:$0x3FB2] =	sst s0  }
0x18: {  	s0 =	sld [smem:$0x3F95];
	_ =	swait.ge [sflag:s4], $0x0  }
0x19: {  	s7 =	sld [smem:$0x3F96]  }
0x1a: {  	s8 =	sadd.s32 $0xFFFFE003, lr  }
0x1b: {  	s9 =	sadd.s32 $0xFFFFFEF7, lr;
	s5 =	simm.s32 $0xFFFFFFFF;
	p2 =	slt.u32 s8, $0xFFFFF086  }
0x1c: {  	p1 =	slt.u32 s9, $0xF7A;
	s5 =	simm.s32 @!p2 $0x0  }
0x1d: {  	s5 =	simm.s32 @p1 $0x1;
	p0 =	seq.s32 s7, s2  }
0x1e: {  	s7 =	smul.u32 @!p0 $0xF7A, s2;
	p2 =	seq.s32 @!p0 s5, $0x0  }
0x1f: {  	s9 =	smul.u32 $0xF7A, s1;
	s8 =	simm.s32 @!p0 $0x1BF5;
	p2 =	por !p2, p0  }
0x20: {  	[sflag:s8] =	ssyncset.s32 @!p0 $0xFFFFF086;
	s6 =	sadd.s32 @!p0 s3, s7;
	s7 =	simm.s32 @!p0 $0x108  }
0x21: {  	s3 =	sadd.s32 s3, s9;
	s6 =	sadd.s32 @!p0 $0x88, s6;
	s7 =	simm.s32 @p2 $0x1082  }
0x22: {  	[simem:s7], [sflag:s8] =	dma.local @!p0 [hbm:s6], $0xF7A  }
0x23: {  	s9 =	sor.u32 $0xD0000000, s2;
	s6 =	simm.s32 $0x108;
	_ =	swait.ge @!p0 [sflag:s8], $0x0  }
0x24: {  	s3 =	sadd.s32 $0x88, s3;
	s6 =	simm.s32 @!p1 $0x1082;
	[sflag:s4] =	ssyncset.s32 $0xFFFFF086  }
0x25: {  	[simem:s6], [sflag:s4] =	dma.local [hbm:s3], $0xF7A  }
0x26: {  	[smem:$0x3F96] =	sst s1;
	(tag) =	ssettag s2;
	_ =	strace s9  }
0x27: {  	s1 =	sld [smem:$0x3FA6]  }
0x28: {  	s2 =	sld [smem:$0x3FA7]  }
0x29: {  	s4 =	sld [smem:$0x3FA9]  }
0x2a: {  	p0 =	seq.s32 s5, $0x0;
	s5 =	sld [smem:$0x3FAA]  }
0x2b: {  	s6 =	sld [smem:$0x3FAB]  }
0x2c: {  	s7 =	sld [smem:$0x3FAC]  }
0x2d: {  	s3 =	simm.s32 $0x108;
	s8 =	sld [smem:$0x3FAD]  }
0x2e: {  	s3 =	simm.s32 @!p0 $0x1082;
	s9 =	sld [smem:$0x3FAE]  }
0x2f: {  	lr =	sadd.s32 s0, s3;
	s0 =	sld [smem:$0x3FA5]  }
0x30: {  	s3 =	sld [smem:$0x3FA8]  }
0x31: {  	[smem:$0x3FB1] =	sst s10  }
0x32: {  	s10 =	sld [smem:$0x3FAF];
	_ =	sdelay $0x3  }
0x33: {  	p0 =	seq.s32 s10, $0x1;
	s10 =	sld [smem:$0x3FB1];
	_ =	sdelay $0x3  }
0x34: {  	[smem:$0x3FB1] =	sst s10  }
0x35: {  	s10 =	sld [smem:$0x3FB0];
	_ =	sdelay $0x3  }
0x36: {  	p1 =	seq.s32 s10, $0x1;
	s10 =	sld [smem:$0x3FB1];
	_ =	sdelay $0x3  }
0x37: {  	[smem:$0x3FB1] =	sst s10  }
0x38: {  	s10 =	sld [smem:$0x3FB2]  }
0x39: {  	_ = 	snop;
	(pc) =	sbr.ind lr, $3  }
0x3a: {  	_ = 	snop  }
0x3b: {  	_ = 	snop  }
0x3c: {  	p2 =	seq.s32 s10, $0x1;
	s10 =	sld [smem:$0x3FB1]  }
0x3d: {  	_ =	shalt  }
0x3e: {  	_ =	shalt  }
0x3f: {  	_ =	shalt  }
0x40: {  	_ =	shalt  }
0x41: {  	_ =	shalt  }
0x42: {  	_ =	shalt  }
0x43: {  	_ =	shalt  }
0x44: {  	_ =	shalt  }
0x45: {  	_ =	shalt  }
0x46: {  	_ =	shalt  }
0x47: {  	_ =	shalt  }
0x48: {  	_ =	shalt  }
0x49: {  	_ =	shalt  }
0x4a: {  	_ =	shalt  }
0x4b: {  	_ =	shalt  }
0x4c: {  	_ =	shalt  }
0x4d: {  	_ =	shalt  }
0x4e: {  	_ =	shalt  }
0x4f: {  	_ =	shalt  }
0x50: {  	_ =	shalt  }
0x51: {  	_ =	shalt  }
0x52: {  	_ =	shalt  }
0x53: {  	_ =	shalt  }
0x54: {  	_ =	shalt  }
0x55: {  	_ =	shalt  }
0x56: {  	_ =	shalt  }
0x57: {  	_ =	shalt  }
0x58: {  	_ =	shalt  }
0x59: {  	_ =	shalt  }
0x5a: {  	_ =	shalt  }
0x5b: {  	_ =	shalt  }
0x5c: {  	_ =	shalt  }
0x5d: {  	_ =	shalt  }
0x5e: {  	_ =	shalt  }
0x5f: {  	_ =	shalt  }
0x60: {  	_ =	shalt  }
0x61: {  	_ =	shalt  }
0x62: {  	_ =	shalt  }
0x63: {  	_ =	shalt  }
0x64: {  	_ =	shalt  }
0x65: {  	_ =	shalt  }
0x66: {  	_ =	shalt  }
0x67: {  	_ =	shalt  }
0x68: {  	_ =	shalt  }
0x69: {  	_ =	shalt  }
0x6a: {  	_ =	shalt  }
0x6b: {  	_ =	shalt  }
0x6c: {  	_ =	shalt  }
0x6d: {  	_ =	shalt  }
0x6e: {  	_ =	shalt  }
0x6f: {  	_ =	shalt  }
0x70: {  	_ =	shalt  }
0x71: {  	_ =	shalt  }
0x72: {  	_ =	shalt  }
0x73: {  	_ =	shalt  }
0x74: {  	_ =	shalt  }
0x75: {  	_ =	shalt  }
0x76: {  	_ =	shalt  }
0x77: {  	_ =	shalt  }
0x78: {  	_ =	shalt  }
0x79: {  	_ =	shalt  }
0x7a: {  	_ =	shalt  }
0x7b: {  	_ =	shalt  }
0x7c: {  	_ =	shalt  }
0x7d: {  	_ =	shalt  }
0x7e: {  	_ =	shalt  }
0x7f: {  	_ =	shalt  }
0x80: {  	_ =	shalt  }
0x81: {  	_ =	shalt  }
0x82: {  	_ =	shalt  }
0x83: {  	_ =	shalt  }
0x84: {  	_ =	shalt  }
0x85: {  	_ =	shalt  }
0x86: {  	_ =	shalt  }
0x87: {  	_ =	shalt  }
.Lfunc_end0:
.L_simem_size_0:
called_computation.4_lowered:
.L_overlay_start_0:
0x88: {  	s2 =	sld [smem:$0x3FD9]  }
0x89: {  	s3 =	sld [smem:$0x3FFE];
	_ =	sdelay $0x1  }
0x8a: {  	s1 =	srdreg.scid  }
0x8b: {  	s0 =	sand.u32 $0x1, s1  }
0x8c: {  	s16 =	sshll.u32 s0, $0xA;
	s2 =	sadd.s32 s3, s2  }
0x8d: {  	s2 =	sadd.s32 s2, s16  }
0x8e: {  	[smem:$0x3FBD] =	sst s2  }
0x8f: {  	_ = 	snop  }
0x90: {  	(tm) =	ssettm $0x1  }
0x91: {  	s17 =	sld [smem:$0x3FFB];
	_ =	sdelay $0x3  }
0x92: {  	_ =	strace s17  }
0x93: {  	s2 =	sld [smem:$0x3FFC];
	_ =	sdelay $0x3  }
0x94: {  	_ =	strace s2  }
0x95: {  	s2 =	sld [smem:$0x3FFD];
	_ =	sdelay $0x3  }
0x96: {  	_ =	strace s2  }
0x97: {  	_ =	strace $0x8FFFFFFF  }
0x98: {  	s18 =	sld [smem:$0x3FDB];
	_ =	sdelay $0x1  }
0x99: {  	s19 =	simm.s32 $_scs_section_size  }
0x9a: {  	s4 =	simm.s32 $_size__tile_overlayer_lowered;
	s5 =	simm.s32 $_tile_overlayer_lowered  }
0x9b: {  	s22 =	simm.s32 $0x1BFF;
	s21 =	sshll.u32 s5, $0x1;
	s2 =	sadd.s32 s19, s18  }
0x9c: {  	s6 =	simm.s32 $0x0;
	s20 =	sshll.u32 s4, $0x1;
	s4 =	sadd.s32 s21, s2  }
0x9d: {  	[timem:s6], [sflag:s22] =	dma.local [hbm:s4], s20  }
0x9e: {  	_ =	swait.ge [sflag:s22], s20  }
0x9f: {  	s3 =	ssub.s32 $0x0, s20;
	[sflag:s22] =	ssyncset.done $0x0  }
0xa0: {  	[sflag:s22] =	ssyncadd.s32 s3;
	_ =	sdelay $0x1  }
0xa1: {  	s23 =	simm.s32 $0x1B8B  }
0xa2: {  	_ =	swait.ge [sflag:s23], $0x1  }
0xa3: {  	[sflag:s23] =	ssyncset.done $0x0  }
0xa4: {  	s25 =	simm.s32 $0x1B8E;
	s24 =	sld [smem:$0x3FFE];
	[sflag:s23] =	ssyncadd.s32 $0xFFFFFFFF  }
0xa5: {  	s26 =	simm.s32 $execute0_lowered;
	[smem:$0x3FD2] =	sst s25  }
0xa6: {  	s4 =	sshll.u32 s26, $0x1;
	_ =	strace $0x80000052;
	[dreg:$0x1] =	wrdreg $0xFFFFFFFF  }
0xa7: {  	s28 =	simm.s32 $_size_execute0_lowered;
	s2 =	sadd.s32 s2, s4;
	[dreg:$0x0] =	wrdreg $0x0  }
0xa8: {  	s4 =	sshll.u32 s28, $0x1;
	[dreg:$0x2] =	wrdreg s2  }
0xa9: {  	[dreg:$0x3] =	wrdreg s4  }
0xaa: {  	[dreg:$0x4] =	wrdreg $0xC0  }
0xab: {  	_ =	task [dreg:s6], $0x5FFFF  }
0xac: {  	[dreg:$0x1] =	wrdreg $0xFFFFFFFF  }
0xad: {  	[dreg:$0x0] =	wrdreg $0x60  }
0xae: {  	[dreg:$0x2] =	wrdreg s24  }
0xaf: {  	[dreg:$0x3] =	wrdreg $0x90000  }
0xb0: {  	[dreg:$0x4] =	wrdreg $0x9  }
0xb1: {  	_ =	task.clear_ibuf [dreg:s6], $0x5FFFF;
	_ =	strace $0x90000052  }
0xb2: {  	s29 =	simm.s32 $0x9;
	_ =	strace $0x80000054  }
0xb3: {  	_ =	swait.ge [sflag:s29], $0x1  }
0xb4: {  	[sflag:s29] =	ssyncadd.s32 $0xFFFFFFFF  }
0xb5: {  	_ =	strace $0x90000054  }
0xb6: {  	_ =	sfence  }
0xb7: {  	s30 =	sld [smem:$0x0];
	_ =	sdelay $0x2  }
0xb8: {  	s31 =	sshll.u32 s1, $0xD;
	s1 =	sshrl.u32 s1, $0x2  }
0xb9: {  	s3 =	sand.u32 $0x4000, s31;
	s1 =	sadd.s32 s1, s30  }
0xba: {  	s0 =	sor.u32 s3, s0;
	s1 =	sshll.u32 s1, $0x11  }
0xbb: {  	s0 =	sor.u32 s1, s0  }
0xbc: {  	s0 =	sadd.s32 $0x8F2B, s0  }
0xbd: {  	[sflag:s0] =	ssyncadd.remote.s32 $0x1  }
0xbe: {  	_ =	sfence.sel $0xFFFF  }
0xbf: {  	[dreg:$0x0] =	wrdreg $0xFFFFFFFF;
	(pc) =	sbr.abs _section_cstart, $3  }
0xc0: {  	[dreg:$0x1] =	wrdreg $0xFFFFFFFF  }
0xc1: {  	_ =	task.clear_ibuf [dreg:s6], $0x2FFFF;
	_ =	strace $0x9FFFFFFF  }
0xc2: {  	(tm) =	ssettm $0x7FFFFFFF  }
0xc3: {  	_ =	shalt  }
tec
execute0_lowered:
.L_overlay_start_1:
0x0: {  	(tag) =	ssettag $0x1  }
0x1: {  	s5 =	rddreg [dreg:$0x0]  }
0x2: {  	s2 =	rddreg [dreg:$0x1]  }
0x3: {  	s0 =	rddreg [dreg:$0x2];
	s4 =	srdreg.scid  }
0x4: {  	s3 =	simm.s32 $0x0;
	s1 =	stileid.u32;
	s13 =	simm.s32 $0x2800  }
0x5: {  	s14 =	simm.s32 $0x80;
	s15 =	simm.s32 $0x5000;
	s16 =	simm.s32 $0x6000  }
0x6: {  	s17 =	simm.s32 $0x7000;
	s18 =	simm.s32 $0x8000;
	s19 =	simm.s32 $0x1  }
0x7: {  	s20 =	simm.s32 $0x2;
	s21 =	simm.s32 $0x0;
	s6 =	sand.u32 $0x1, s4  }
0x8: {  	[smem:$0x7FF] =	sst s3;
	s7 =	smul.u32 $0x5000, s1;
	s31 =	sshll.u32 s1, $0x6  }
0x9: {  	s4 =	sshll.u32 s6, $0x4;
	_ =	strace $0x80000053;
	s9 =	smul.u32 $0x50000, s6  }
0xa: {  	s6 =	ssub.s32 $0x2, s6;
	s8 =	sor.u32 s1, s4;
	s4 =	sadd.s32 $0x18800, s5  }
0xb: {  	s10 =	sshrl.u32 s7, $0x3;
	s11 =	sshrl.u32 s6, $0x1;
	s12 =	sadd.s32 s7, s2  }
0xc: {  	s8 =	smul.u32 $0x500, s8;
	s10 =	sadd.s32 s10, s5;
	s9 =	sadd.s32 s7, s9  }
0xd: {  	s11 =	ssub.s32 s6, s11;
	s6 =	sor.u32 $0x1C03, s31;
	s9 =	sshrl.u32 s9, $0x3  }
0xe: {  	s8 =	sadd.s32 s8, s5;
	s9 =	sadd.s32 s9, s5;
	s5 =	sadd.s32 $0x22800, s10  }
0xf: {  	s10 =	smax.u32 s11, $0x1;
	s11 =	sshrl.u32 s12, $0x3;
	s12 =	simm.s32 $0x3  }
0x10: {  	s7 =	sadd.s32 $0xE800, s8;
	s8 =	sadd.s32 $0x4800, s8;
	s9 =	sadd.s32 $0x40200, s9  }
.LBB2_1:
0x11: {  	[spmem:s11], [sflag:s6] =	dma.local [hbm:s5], $0xA00  }
0x12: {  	_ =	swait.ge [sflag:s12], $0xA00  }
0x13: {  	[sflag:s12] =	ssyncset.done $0x0  }
0x14: {  	[sflag:s12] =	ssyncadd.s32 $0xFFFFF600  }
0x15: {  	[tilespmem:s3], [sflag:$0x3] =	stream.linear.gather [hbm4b:s7+s3], $0x2800, $0x38;
	[tilespmem:$0xE000] =	vst v63  }
0x16: {  	_ =	swait.ge [sflag:s12], $0x2800  }
0x17: {  	[sflag:s12] =	ssyncset.done $0x0  }
0x18: {  	[sflag:s12] =	ssyncadd.s32 $0xFFFFD800  }
0x19: {  	[tilespmem:s13], [sflag:$0x3] =	stream.linear.gather [hbm4b:s8+s3], $0x2800, $0x38;
	[tilespmem:$0xE000] =	vst v63  }
0x1a: {  	_ =	swait.ge [sflag:s12], $0x2800  }
0x1b: {  	[sflag:s12] =	ssyncset.done $0x0  }
0x1c: {  	[sflag:s12] =	ssyncadd.s32 $0xFFFFD800  }
0x1d: {  	s22 =	simm.s32 $0x0;
	[bflag:$0x0] =	sbarrier.arrive $0xFFFF  }
0x1e: {  	[tilespmem:s15], [sflag:$0x1] =	stream.indirect.gather [hbm4b:s4+s14], $0x20, s22, s14, $0xb8;
	[tilespmem:$0xE000] =	vst v63  }
0x1f: {  	s24 =	simm.s32 $0x80  }
0x20: {  	[tilespmem:s16], [sflag:$0x1] =	stream.indirect.gather [hbm4b:s4+s14], $0x20, s24, s14, $0xb8;
	[tilespmem:$0xE000] =	vst v63  }
0x21: {  	s25 =	simm.s32 $0x100  }
0x22: {  	[tilespmem:s17], [sflag:$0x1] =	stream.indirect.gather [hbm4b:s4+s14], $0x20, s25, s14, $0xb8;
	[tilespmem:$0xE000] =	vst v63  }
0x23: {  	s26 =	simm.s32 $0x180  }
0x24: {  	[tilespmem:s18], [sflag:$0x1] =	stream.indirect.gather [hbm4b:s4+s14], $0x20, s26, s14, $0xb8;
	[tilespmem:$0xE000] =	vst v63  }
0x25: {  	_ =	swait.ge [sflag:s19], $0x1000  }
0x26: {  	[sflag:s19] =	ssyncset.done $0x0  }
0x27: {  	[sflag:s19] =	ssyncadd.s32 $0xFFFFF000  }
0x28: {  	_ =	swait.ge [sflag:s19], $0x1000  }
0x29: {  	[sflag:s19] =	ssyncset.done $0x0  }
0x2a: {  	[sflag:s19] =	ssyncadd.s32 $0xFFFFF000  }
0x2b: {  	_ =	swait.ge [sflag:s19], $0x1000  }
0x2c: {  	[sflag:s19] =	ssyncset.done $0x0  }
0x2d: {  	[sflag:s19] =	ssyncadd.s32 $0xFFFFF000  }
0x2e: {  	_ =	swait.ge [sflag:s19], $0x1000  }
0x2f: {  	[sflag:s19] =	ssyncset.done $0x0  }
0x30: {  	s28 =	simm.s32 $0x2800;
	[sflag:s19] =	ssyncadd.s32 $0xFFFFF000  }
0x31: {  	[spmem:s2] =	stream.indirect.scatter.add.f32 [tilespmem:s15], [sflag:$0x2], $0x20, s28, s14, $0xb8;
	[tilespmem:$0xE000] =	vst v63  }
0x32: {  	s29 =	simm.s32 $0x2880  }
0x33: {  	[spmem:s2] =	stream.indirect.scatter.add.f32 [tilespmem:s16], [sflag:$0x2], $0x20, s29, s14, $0xb8;
	[tilespmem:$0xE000] =	vst v63  }
0x34: {  	s30 =	simm.s32 $0x2900  }
0x35: {  	[spmem:s2] =	stream.indirect.scatter.add.f32 [tilespmem:s17], [sflag:$0x2], $0x20, s30, s14, $0xb8;
	[tilespmem:$0xE000] =	vst v63  }
0x36: {  	s31 =	simm.s32 $0x2980  }
0x37: {  	[spmem:s2] =	stream.indirect.scatter.add.f32 [tilespmem:s18], [sflag:$0x2], $0x20, s31, s14, $0xb8;
	[tilespmem:$0xE000] =	vst v63  }
0x38: {  	_ =	swait.ge [sflag:s20], $0x1000  }
0x39: {  	[sflag:s20] =	ssyncset.done $0x0  }
0x3a: {  	[sflag:s20] =	ssyncadd.s32 $0xFFFFF000  }
0x3b: {  	_ =	swait.ge [sflag:s20], $0x1000  }
0x3c: {  	[sflag:s20] =	ssyncset.done $0x0  }
0x3d: {  	[sflag:s20] =	ssyncadd.s32 $0xFFFFF000  }
0x3e: {  	_ =	swait.ge [sflag:s20], $0x1000  }
0x3f: {  	[sflag:s20] =	ssyncset.done $0x0  }
0x40: {  	[sflag:s20] =	ssyncadd.s32 $0xFFFFF000  }
0x41: {  	_ =	swait.ge [sflag:s20], $0x1000  }
0x42: {  	s22 =	simm.s32 $0x800;
	s24 =	simm.s32 $0x1000;
	[sflag:s20] =	ssyncset.done $0x0  }
.LBB2_2:
0x43: {  	s25 =	sshra.s32 s22, $0x2  }
0x44: {  	[sflag:s20] =	ssyncadd.s32 $0xFFFFF000;
	s22 =	smov.u32 s24;
	s23 =	sadd.s32 $0x800, s24  }
0x45: {  	[tilespmem:s15], [sflag:$0x1] =	stream.indirect.gather [hbm4b:s4+s14], $0x20, s25, s14, $0xb8;
	[tilespmem:$0xE000] =	vst v63  }
0x46: {  	p0 =	sne.s32 s24, $0x9800;
	s24 =	sadd.s32 $0x80, s25  }
0x47: {  	[tilespmem:s16], [sflag:$0x1] =	stream.indirect.gather [hbm4b:s4+s14], $0x20, s24, s14, $0xb8;
	[tilespmem:$0xE000] =	vst v63  }
0x48: {  	s24 =	sadd.s32 $0x100, s25  }
0x49: {  	[tilespmem:s17], [sflag:$0x1] =	stream.indirect.gather [hbm4b:s4+s14], $0x20, s24, s14, $0xb8;
	[tilespmem:$0xE000] =	vst v63  }
0x4a: {  	s24 =	sadd.s32 $0x180, s25  }
0x4b: {  	[tilespmem:s18], [sflag:$0x1] =	stream.indirect.gather [hbm4b:s4+s14], $0x20, s24, s14, $0xb8;
	[tilespmem:$0xE000] =	vst v63  }
0x4c: {  	_ =	swait.ge [sflag:s19], $0x1000  }
0x4d: {  	[sflag:s19] =	ssyncset.done $0x0  }
0x4e: {  	[sflag:s19] =	ssyncadd.s32 $0xFFFFF000  }
0x4f: {  	_ =	swait.ge [sflag:s19], $0x1000  }
0x50: {  	[sflag:s19] =	ssyncset.done $0x0  }
0x51: {  	[sflag:s19] =	ssyncadd.s32 $0xFFFFF000  }
0x52: {  	_ =	swait.ge [sflag:s19], $0x1000  }
0x53: {  	[sflag:s19] =	ssyncset.done $0x0  }
0x54: {  	[sflag:s19] =	ssyncadd.s32 $0xFFFFF000  }
0x55: {  	_ =	swait.ge [sflag:s19], $0x1000  }
0x56: {  	[sflag:s19] =	ssyncset.done $0x0  }
0x57: {  	s24 =	sadd.s32 $0x2800, s25;
	[sflag:s19] =	ssyncadd.s32 $0xFFFFF000  }
0x58: {  	[spmem:s2] =	stream.indirect.scatter.add.f32 [tilespmem:s15], [sflag:$0x2], $0x20, s24, s14, $0xb8;
	[tilespmem:$0xE000] =	vst v63  }
0x59: {  	s24 =	sadd.s32 $0x2880, s25  }
0x5a: {  	[spmem:s2] =	stream.indirect.scatter.add.f32 [tilespmem:s16], [sflag:$0x2], $0x20, s24, s14, $0xb8;
	[tilespmem:$0xE000] =	vst v63  }
0x5b: {  	s24 =	sadd.s32 $0x2900, s25  }
0x5c: {  	[spmem:s2] =	stream.indirect.scatter.add.f32 [tilespmem:s17], [sflag:$0x2], $0x20, s24, s14, $0xb8;
	[tilespmem:$0xE000] =	vst v63  }
0x5d: {  	s24 =	sadd.s32 $0x2980, s25  }
0x5e: {  	[spmem:s2] =	stream.indirect.scatter.add.f32 [tilespmem:s18], [sflag:$0x2], $0x20, s24, s14, $0xb8;
	[tilespmem:$0xE000] =	vst v63  }
0x5f: {  	_ =	swait.ge [sflag:s20], $0x1000  }
0x60: {  	[sflag:s20] =	ssyncset.done $0x0  }
0x61: {  	[sflag:s20] =	ssyncadd.s32 $0xFFFFF000  }
0x62: {  	_ =	swait.ge [sflag:s20], $0x1000  }
0x63: {  	[sflag:s20] =	ssyncset.done $0x0  }
0x64: {  	[sflag:s20] =	ssyncadd.s32 $0xFFFFF000  }
.Ltmp0:
0x65: {  	_ =	swait.ge [sflag:s20], $0x1000;
	(pc) =	sbr.rel @p0 .LBB2_2-.Ltmp0, $4  }
0x66: {  	[sflag:s20] =	ssyncset.done $0x0  }
0x67: {  	[sflag:s20] =	ssyncadd.s32 $0xFFFFF000  }
0x68: {  	_ =	swait.ge [sflag:s20], $0x1000  }
0x69: {  	s24 =	smov.u32 s23;
	[sflag:s20] =	ssyncset.done $0x0  }
0x6a: {  	s22 =	sshra.s32 s22, $0x2;
	[sflag:s20] =	ssyncadd.s32 $0xFFFFF000  }
0x6b: {  	[tilespmem:s15], [sflag:$0x1] =	stream.indirect.gather [hbm4b:s4+s14], $0x20, s22, s14, $0xb8;
	[tilespmem:$0xE000] =	vst v63  }
0x6c: {  	s23 =	sadd.s32 $0x80, s22  }
0x6d: {  	[tilespmem:s16], [sflag:$0x1] =	stream.indirect.gather [hbm4b:s4+s14], $0x20, s23, s14, $0xb8;
	[tilespmem:$0xE000] =	vst v63  }
0x6e: {  	s26 =	sadd.s32 $0x100, s22  }
0x6f: {  	[tilespmem:s17], [sflag:$0x1] =	stream.indirect.gather [hbm4b:s4+s14], $0x20, s26, s14, $0xb8;
	[tilespmem:$0xE000] =	vst v63  }
0x70: {  	s28 =	sadd.s32 $0x180, s22  }
0x71: {  	[tilespmem:s18], [sflag:$0x1] =	stream.indirect.gather [hbm4b:s4+s14], $0x20, s28, s14, $0xb8;
	[tilespmem:$0xE000] =	vst v63  }
0x72: {  	_ =	swait.ge [sflag:s19], $0x1000  }
0x73: {  	[sflag:s19] =	ssyncset.done $0x0  }
0x74: {  	[sflag:s19] =	ssyncadd.s32 $0xFFFFF000  }
0x75: {  	_ =	swait.ge [sflag:s19], $0x1000  }
0x76: {  	[sflag:s19] =	ssyncset.done $0x0  }
0x77: {  	[sflag:s19] =	ssyncadd.s32 $0xFFFFF000  }
0x78: {  	_ =	swait.ge [sflag:s19], $0x1000  }
0x79: {  	[sflag:s19] =	ssyncset.done $0x0  }
0x7a: {  	[sflag:s19] =	ssyncadd.s32 $0xFFFFF000  }
0x7b: {  	_ =	swait.ge [sflag:s19], $0x1000  }
0x7c: {  	[sflag:s19] =	ssyncset.done $0x0  }
0x7d: {  	s29 =	sadd.s32 $0x2800, s22;
	[sflag:s19] =	ssyncadd.s32 $0xFFFFF000  }
0x7e: {  	[spmem:s2] =	stream.indirect.scatter.add.f32 [tilespmem:s15], [sflag:$0x2], $0x20, s29, s14, $0xb8;
	[tilespmem:$0xE000] =	vst v63  }
0x7f: {  	s30 =	sadd.s32 $0x2880, s22  }
0x80: {  	[spmem:s2] =	stream.indirect.scatter.add.f32 [tilespmem:s16], [sflag:$0x2], $0x20, s30, s14, $0xb8;
	[tilespmem:$0xE000] =	vst v63  }
0x81: {  	s31 =	sadd.s32 $0x2900, s22  }
0x82: {  	[spmem:s2] =	stream.indirect.scatter.add.f32 [tilespmem:s17], [sflag:$0x2], $0x20, s31, s14, $0xb8;
	[tilespmem:$0xE000] =	vst v63  }
0x83: {  	s22 =	sadd.s32 $0x2980, s22  }
0x84: {  	[spmem:s2] =	stream.indirect.scatter.add.f32 [tilespmem:s18], [sflag:$0x2], $0x20, s22, s14, $0xb8;
	[tilespmem:$0xE000] =	vst v63  }
0x85: {  	_ =	swait.ge [sflag:s20], $0x1000  }
0x86: {  	[sflag:s20] =	ssyncset.done $0x0  }
0x87: {  	[sflag:s20] =	ssyncadd.s32 $0xFFFFF000  }
0x88: {  	_ =	swait.ge [sflag:s20], $0x1000  }
0x89: {  	[sflag:s20] =	ssyncset.done $0x0  }
0x8a: {  	[sflag:s20] =	ssyncadd.s32 $0xFFFFF000  }
0x8b: {  	_ =	swait.ge [sflag:s20], $0x1000  }
0x8c: {  	[sflag:s20] =	ssyncset.done $0x0  }
0x8d: {  	[sflag:s20] =	ssyncadd.s32 $0xFFFFF000  }
0x8e: {  	_ =	swait.ge [sflag:s20], $0x1000  }
0x8f: {  	s21 =	sadd.s32 $0x1, s21;
	[sflag:s20] =	ssyncset.done $0x0  }
0x90: {  	p0 =	sne.s32 s21, s10;
	[sflag:s20] =	ssyncadd.s32 $0xFFFFF000  }
.Ltmp1:
0x91: {  	[bflag:$0x0] =	sbarrier.arrive $0xFFFF;
	(pc) =	sbr.rel @p0 .LBB2_1-.Ltmp1, $4  }
0x92: {  	[hbm:s9], [sflag:s6] =	dma.local [spmem:s11], $0xA00  }
0x93: {  	_ =	swait.ge [sflag:s12], $0xA00  }
0x94: {  	[sflag:s12] =	ssyncset.done $0x0  }
0x95: {  	[sflag:s12] =	ssyncadd.s32 $0xFFFFF600  }
0x96: {  	_ =	sfence.sel $0x180000  }
0x97: {  	[bflag:$0x0] =	sbarrier.arrive $0xFFFF  }
0x98: {  	p0 =	sne.s32 s1, $0x0;
	_ =	strace $0x90000053  }
0x99: {  	s0 =	sadd.s32 @!p0 $0x100000, s0;
	[bflag:$0x2] =	sbarrier.arrive $0xFFFF  }
0x9a: {  	[sflag:s0] =	ssyncadd.tile.s32 @!p0 $0x1;
	_ =	shalt  }
.Lfunc_end2:
_tile_overlayer_lowered:
.L_overlay_start_2:
0x9b: {  	(tag) =	ssettag $0x2  }
0x9c: {  	s0 =	rddreg [dreg:$0x0];
	s2 =	stileid.u32  }
0x9d: {  	s1 =	rddreg [dreg:$0x1];
	p0 =	sne.s32 s2, $0x0  }
0x9e: {  	s3 =	rddreg [dreg:$0x2];
	[bflag:$0x3] =	sbarrier.arrive $0xFFFF;
	s2 =	simm.s32 @!p0 $0x1C03  }
0x9f: {  	[timem:s3], [sflag:s2] =	dma.local @!p0 [hbm:s0], s1  }
0xa0: {  	s0 =	simm.s32 @!p0 $0x3  }
0xa1: {  	_ =	swait.ge @!p0 [sflag:s0], s1  }
0xa2: {  	s1 =	ssub.s32 @!p0 $0x0, s1;
	[sflag:s0] =	ssyncset.done @!p0 $0x0  }
0xa3: {  	[sflag:s0] =	ssyncadd.s32 @!p0 s1  }
0xa4: {  	[bflag:$0x3] =	sbarrier.arrive $0xFFFF  }
0xa5: {  	_ =	shalt  }

// kernel: kernel.25.cloned.1.call-start
scs
__scs_entry_jumppad:
0x0: {  	(pc) =	sbr.rel $0x88, $3  }
0x1: {  	(tag) =	ssettag $0x0;
	lr =	simm.s32 $0x1  }
0x2: {  	[smem:$0x3F96] =	sst lr;
	_ =	strace $0xD0000000  }
0x3: {  	_ = 	snop  }
0x4: {  	_ = 	snop  }
0x5: {  	_ = 	snop  }
0x6: {  	_ = 	snop  }
0x7: {  	_ = 	snop  }
__scs_overlays_trampoline_lowered:
0x8: {  	[smem:$0x3FA5] =	sst s0  }
0x9: {  	[smem:$0x3FA6] =	sst s1  }
0xa: {  	[smem:$0x3FA7] =	sst s2  }
0xb: {  	[smem:$0x3FA8] =	sst s3  }
0xc: {  	[smem:$0x3FA9] =	sst s4  }
0xd: {  	[smem:$0x3FAA] =	sst s5  }
0xe: {  	[smem:$0x3FAB] =	sst s6  }
0xf: {  	[smem:$0x3FAC] =	sst s7  }
0x10: {  	[smem:$0x3FAD] =	sst s8  }
0x11: {  	[smem:$0x3FAE] =	sst s9;
	s0 =	simm.s32 @!p0 $0x0  }
0x12: {  	s1 =	sld [smem:$0x3F94];
	s0 =	simm.s32 @p0 $0x1  }
0x13: {  	[smem:$0x3FAF] =	sst s0;
	s0 =	simm.s32 @!p1 $0x0  }
0x14: {  	s2 =	sld [smem:$0x3F93];
	s0 =	simm.s32 @p1 $0x1  }
0x15: {  	[smem:$0x3FB0] =	sst s0;
	s0 =	simm.s32 @!p2 $0x0  }
0x16: {  	s3 =	sld [smem:$0x3FDB];
	s0 =	simm.s32 @p2 $0x1  }
0x17: {  	s4 =	simm.s32 $0x1BF5;
	[smem:$0x3FB2] =	sst s0  }
0x18: {  	s0 =	sld [smem:$0x3F95];
	_ =	swait.ge [sflag:s4], $0x0  }
0x19: {  	s7 =	sld [smem:$0x3F96]  }
0x1a: {  	s8 =	sadd.s32 $0xFFFFE003, lr  }
0x1b: {  	s9 =	sadd.s32 $0xFFFFFEF7, lr;
	s5 =	simm.s32 $0xFFFFFFFF;
	p2 =	slt.u32 s8, $0xFFFFF086  }
0x1c: {  	p1 =	slt.u32 s9, $0xF7A;
	s5 =	simm.s32 @!p2 $0x0  }
0x1d: {  	s5 =	simm.s32 @p1 $0x1;
	p0 =	seq.s32 s7, s2  }
0x1e: {  	s7 =	smul.u32 @!p0 $0xF7A, s2;
	p2 =	seq.s32 @!p0 s5, $0x0  }
0x1f: {  	s9 =	smul.u32 $0xF7A, s1;
	s8 =	simm.s32 @!p0 $0x1BF5;
	p2 =	por !p2, p0  }
0x20: {  	[sflag:s8] =	ssyncset.s32 @!p0 $0xFFFFF086;
	s6 =	sadd.s32 @!p0 s3, s7;
	s7 =	simm.s32 @!p0 $0x108  }
0x21: {  	s3 =	sadd.s32 s3, s9;
	s6 =	sadd.s32 @!p0 $0x88, s6;
	s7 =	simm.s32 @p2 $0x1082  }
0x22: {  	[simem:s7], [sflag:s8] =	dma.local @!p0 [hbm:s6], $0xF7A  }
0x23: {  	s9 =	sor.u32 $0xD0000000, s2;
	s6 =	simm.s32 $0x108;
	_ =	swait.ge @!p0 [sflag:s8], $0x0  }
0x24: {  	s3 =	sadd.s32 $0x88, s3;
	s6 =	simm.s32 @!p1 $0x1082;
	[sflag:s4] =	ssyncset.s32 $0xFFFFF086  }
0x25: {  	[simem:s6], [sflag:s4] =	dma.local [hbm:s3], $0xF7A  }
0x26: {  	[smem:$0x3F96] =	sst s1;
	(tag) =	ssettag s2;
	_ =	strace s9  }
0x27: {  	s1 =	sld [smem:$0x3FA6]  }
0x28: {  	s2 =	sld [smem:$0x3FA7]  }
0x29: {  	s4 =	sld [smem:$0x3FA9]  }
0x2a: {  	p0 =	seq.s32 s5, $0x0;
	s5 =	sld [smem:$0x3FAA]  }
0x2b: {  	s6 =	sld [smem:$0x3FAB]  }
0x2c: {  	s7 =	sld [smem:$0x3FAC]  }
0x2d: {  	s3 =	simm.s32 $0x108;
	s8 =	sld [smem:$0x3FAD]  }
0x2e: {  	s3 =	simm.s32 @!p0 $0x1082;
	s9 =	sld [smem:$0x3FAE]  }
0x2f: {  	lr =	sadd.s32 s0, s3;
	s0 =	sld [smem:$0x3FA5]  }
0x30: {  	s3 =	sld [smem:$0x3FA8]  }
0x31: {  	[smem:$0x3FB1] =	sst s10  }
0x32: {  	s10 =	sld [smem:$0x3FAF];
	_ =	sdelay $0x3  }
0x33: {  	p0 =	seq.s32 s10, $0x1;
	s10 =	sld [smem:$0x3FB1];
	_ =	sdelay $0x3  }
0x34: {  	[smem:$0x3FB1] =	sst s10  }
0x35: {  	s10 =	sld [smem:$0x3FB0];
	_ =	sdelay $0x3  }
0x36: {  	p1 =	seq.s32 s10, $0x1;
	s10 =	sld [smem:$0x3FB1];
	_ =	sdelay $0x3  }
0x37: {  	[smem:$0x3FB1] =	sst s10  }
0x38: {  	s10 =	sld [smem:$0x3FB2]  }
0x39: {  	_ = 	snop;
	(pc) =	sbr.ind lr, $3  }
0x3a: {  	_ = 	snop  }
0x3b: {  	_ = 	snop  }
0x3c: {  	p2 =	seq.s32 s10, $0x1;
	s10 =	sld [smem:$0x3FB1]  }
0x3d: {  	_ =	shalt  }
0x3e: {  	_ =	shalt  }
0x3f: {  	_ =	shalt  }
0x40: {  	_ =	shalt  }
0x41: {  	_ =	shalt  }
0x42: {  	_ =	shalt  }
0x43: {  	_ =	shalt  }
0x44: {  	_ =	shalt  }
0x45: {  	_ =	shalt  }
0x46: {  	_ =	shalt  }
0x47: {  	_ =	shalt  }
0x48: {  	_ =	shalt  }
0x49: {  	_ =	shalt  }
0x4a: {  	_ =	shalt  }
0x4b: {  	_ =	shalt  }
0x4c: {  	_ =	shalt  }
0x4d: {  	_ =	shalt  }
0x4e: {  	_ =	shalt  }
0x4f: {  	_ =	shalt  }
0x50: {  	_ =	shalt  }
0x51: {  	_ =	shalt  }
0x52: {  	_ =	shalt  }
0x53: {  	_ =	shalt  }
0x54: {  	_ =	shalt  }
0x55: {  	_ =	shalt  }
0x56: {  	_ =	shalt  }
0x57: {  	_ =	shalt  }
0x58: {  	_ =	shalt  }
0x59: {  	_ =	shalt  }
0x5a: {  	_ =	shalt  }
0x5b: {  	_ =	shalt  }
0x5c: {  	_ =	shalt  }
0x5d: {  	_ =	shalt  }
0x5e: {  	_ =	shalt  }
0x5f: {  	_ =	shalt  }
0x60: {  	_ =	shalt  }
0x61: {  	_ =	shalt  }
0x62: {  	_ =	shalt  }
0x63: {  	_ =	shalt  }
0x64: {  	_ =	shalt  }
0x65: {  	_ =	shalt  }
0x66: {  	_ =	shalt  }
0x67: {  	_ =	shalt  }
0x68: {  	_ =	shalt  }
0x69: {  	_ =	shalt  }
0x6a: {  	_ =	shalt  }
0x6b: {  	_ =	shalt  }
0x6c: {  	_ =	shalt  }
0x6d: {  	_ =	shalt  }
0x6e: {  	_ =	shalt  }
0x6f: {  	_ =	shalt  }
0x70: {  	_ =	shalt  }
0x71: {  	_ =	shalt  }
0x72: {  	_ =	shalt  }
0x73: {  	_ =	shalt  }
0x74: {  	_ =	shalt  }
0x75: {  	_ =	shalt  }
0x76: {  	_ =	shalt  }
0x77: {  	_ =	shalt  }
0x78: {  	_ =	shalt  }
0x79: {  	_ =	shalt  }
0x7a: {  	_ =	shalt  }
0x7b: {  	_ =	shalt  }
0x7c: {  	_ =	shalt  }
0x7d: {  	_ =	shalt  }
0x7e: {  	_ =	shalt  }
0x7f: {  	_ =	shalt  }
0x80: {  	_ =	shalt  }
0x81: {  	_ =	shalt  }
0x82: {  	_ =	shalt  }
0x83: {  	_ =	shalt  }
0x84: {  	_ =	shalt  }
0x85: {  	_ =	shalt  }
0x86: {  	_ =	shalt  }
0x87: {  	_ =	shalt  }
.Lfunc_end0:
.L_simem_size_0:
called_computation.5_lowered:
.L_overlay_start_0:
0x88: {  	s2 =	sld [smem:$0x3FD9]  }
0x89: {  	s3 =	sld [smem:$0x3FFE];
	_ =	sdelay $0x1  }
0x8a: {  	s1 =	srdreg.scid  }
0x8b: {  	s0 =	sand.u32 $0x1, s1  }
0x8c: {  	s16 =	sshll.u32 s0, $0xA;
	s2 =	sadd.s32 s3, s2  }
0x8d: {  	s2 =	sadd.s32 s2, s16  }
0x8e: {  	[smem:$0x3FBD] =	sst s2  }
0x8f: {  	_ = 	snop  }
0x90: {  	(tm) =	ssettm $0x1  }
0x91: {  	s17 =	sld [smem:$0x3FFB];
	_ =	sdelay $0x3  }
0x92: {  	_ =	strace s17  }
0x93: {  	s2 =	sld [smem:$0x3FFC];
	_ =	sdelay $0x3  }
0x94: {  	_ =	strace s2  }
0x95: {  	s2 =	sld [smem:$0x3FFD];
	_ =	sdelay $0x3  }
0x96: {  	_ =	strace s2  }
0x97: {  	_ =	strace $0x8FFFFFFF  }
0x98: {  	s18 =	sld [smem:$0x3FDB];
	_ =	sdelay $0x1  }
0x99: {  	s19 =	simm.s32 $_scs_section_size  }
0x9a: {  	s4 =	simm.s32 $_size__tile_overlayer_lowered;
	s5 =	simm.s32 $_tile_overlayer_lowered  }
0x9b: {  	s22 =	simm.s32 $0x1BFF;
	s21 =	sshll.u32 s5, $0x1;
	s2 =	sadd.s32 s19, s18  }
0x9c: {  	s6 =	simm.s32 $0x0;
	s20 =	sshll.u32 s4, $0x1;
	s4 =	sadd.s32 s21, s2  }
0x9d: {  	[timem:s6], [sflag:s22] =	dma.local [hbm:s4], s20  }
0x9e: {  	_ =	swait.ge [sflag:s22], s20  }
0x9f: {  	s3 =	ssub.s32 $0x0, s20;
	[sflag:s22] =	ssyncset.done $0x0  }
0xa0: {  	[sflag:s22] =	ssyncadd.s32 s3;
	_ =	sdelay $0x1  }
0xa1: {  	s23 =	simm.s32 $0x1B8B  }
0xa2: {  	_ =	swait.ge [sflag:s23], $0x1  }
0xa3: {  	[sflag:s23] =	ssyncset.done $0x0  }
0xa4: {  	s25 =	simm.s32 $0x1B8E;
	s24 =	sld [smem:$0x3FFE];
	[sflag:s23] =	ssyncadd.s32 $0xFFFFFFFF  }
0xa5: {  	s26 =	simm.s32 $execute0_lowered;
	[smem:$0x3FD2] =	sst s25  }
0xa6: {  	s4 =	sshll.u32 s26, $0x1;
	_ =	strace $0x80000055;
	[dreg:$0x1] =	wrdreg $0xFFFFFFFF  }
0xa7: {  	s28 =	simm.s32 $_size_execute0_lowered;
	s2 =	sadd.s32 s2, s4;
	[dreg:$0x0] =	wrdreg $0x0  }
0xa8: {  	s4 =	sshll.u32 s28, $0x1;
	[dreg:$0x2] =	wrdreg s2  }
0xa9: {  	[dreg:$0x3] =	wrdreg s4  }
0xaa: {  	[dreg:$0x4] =	wrdreg $0xC0  }
0xab: {  	_ =	task [dreg:s6], $0x5FFFF  }
0xac: {  	[dreg:$0x1] =	wrdreg $0xFFFFFFFF  }
0xad: {  	[dreg:$0x0] =	wrdreg $0x60  }
0xae: {  	[dreg:$0x2] =	wrdreg s24  }
0xaf: {  	[dreg:$0x3] =	wrdreg $0x90000  }
0xb0: {  	[dreg:$0x4] =	wrdreg $0x9  }
0xb1: {  	_ =	task.clear_ibuf [dreg:s6], $0x5FFFF;
	_ =	strace $0x90000055  }
0xb2: {  	s29 =	simm.s32 $0x9;
	_ =	strace $0x80000057  }
0xb3: {  	_ =	swait.ge [sflag:s29], $0x1  }
0xb4: {  	[sflag:s29] =	ssyncadd.s32 $0xFFFFFFFF  }
0xb5: {  	_ =	strace $0x90000057  }
0xb6: {  	_ =	sfence  }
0xb7: {  	s30 =	sld [smem:$0x0];
	_ =	sdelay $0x2  }
0xb8: {  	s31 =	sshll.u32 s1, $0xD;
	s1 =	sshrl.u32 s1, $0x2  }
0xb9: {  	s3 =	sand.u32 $0x4000, s31;
	s1 =	sadd.s32 s1, s30  }
0xba: {  	s0 =	sor.u32 s3, s0;
	s1 =	sshll.u32 s1, $0x11  }
0xbb: {  	s0 =	sor.u32 s1, s0  }
0xbc: {  	s0 =	sadd.s32 $0x8F2B, s0  }
0xbd: {  	[sflag:s0] =	ssyncadd.remote.s32 $0x1  }
0xbe: {  	_ =	sfence.sel $0xFFFF  }
0xbf: {  	[dreg:$0x0] =	wrdreg $0xFFFFFFFF;
	(pc) =	sbr.abs _section_cstart, $3  }
0xc0: {  	[dreg:$0x1] =	wrdreg $0xFFFFFFFF  }
0xc1: {  	_ =	task.clear_ibuf [dreg:s6], $0x2FFFF;
	_ =	strace $0x9FFFFFFF  }
0xc2: {  	(tm) =	ssettm $0x7FFFFFFF  }
0xc3: {  	_ =	shalt  }
tec
execute0_lowered:
.L_overlay_start_1:
0x0: {  	(tag) =	ssettag $0x1  }
0x1: {  	s5 =	rddreg [dreg:$0x0]  }
0x2: {  	s2 =	rddreg [dreg:$0x1]  }
0x3: {  	s0 =	rddreg [dreg:$0x2];
	s4 =	srdreg.scid  }
0x4: {  	s3 =	simm.s32 $0x0;
	s1 =	stileid.u32;
	s13 =	simm.s32 $0x2800  }
0x5: {  	s14 =	simm.s32 $0x80;
	s15 =	simm.s32 $0x5000;
	s16 =	simm.s32 $0x6000  }
0x6: {  	s17 =	simm.s32 $0x7000;
	s18 =	simm.s32 $0x8000;
	s19 =	simm.s32 $0x1  }
0x7: {  	s20 =	simm.s32 $0x2;
	s21 =	simm.s32 $0x0;
	s6 =	sand.u32 $0x1, s4  }
0x8: {  	[smem:$0x7FF] =	sst s3;
	s7 =	smul.u32 $0x5000, s1;
	s31 =	sshll.u32 s1, $0x6  }
0x9: {  	s4 =	sshll.u32 s6, $0x4;
	_ =	strace $0x80000056;
	s9 =	smul.u32 $0x50000, s6  }
0xa: {  	s6 =	ssub.s32 $0x2, s6;
	s8 =	sor.u32 s1, s4;
	s4 =	sadd.s32 $0x18800, s5  }
0xb: {  	s10 =	sshrl.u32 s7, $0x3;
	s11 =	sshrl.u32 s6, $0x1;
	s12 =	sadd.s32 s7, s2  }
0xc: {  	s8 =	smul.u32 $0x500, s8;
	s10 =	sadd.s32 s10, s5;
	s9 =	sadd.s32 s7, s9  }
0xd: {  	s11 =	ssub.s32 s6, s11;
	s6 =	sor.u32 $0x1C03, s31;
	s9 =	sshrl.u32 s9, $0x3  }
0xe: {  	s8 =	sadd.s32 s8, s5;
	s9 =	sadd.s32 s9, s5;
	s5 =	sadd.s32 $0x22800, s10  }
0xf: {  	s10 =	smax.u32 s11, $0x1;
	s11 =	sshrl.u32 s12, $0x3;
	s12 =	simm.s32 $0x3  }
0x10: {  	s7 =	sadd.s32 $0xE800, s8;
	s8 =	sadd.s32 $0x4800, s8;
	s9 =	sadd.s32 $0x2C800, s9  }
.LBB2_1:
0x11: {  	[spmem:s11], [sflag:s6] =	dma.local [hbm:s5], $0xA00  }
0x12: {  	_ =	swait.ge [sflag:s12], $0xA00  }
0x13: {  	[sflag:s12] =	ssyncset.done $0x0  }
0x14: {  	[sflag:s12] =	ssyncadd.s32 $0xFFFFF600  }
0x15: {  	[tilespmem:s3], [sflag:$0x3] =	stream.linear.gather [hbm4b:s7+s3], $0x2800, $0x38;
	[tilespmem:$0xE000] =	vst v63  }
0x16: {  	_ =	swait.ge [sflag:s12], $0x2800  }
0x17: {  	[sflag:s12] =	ssyncset.done $0x0  }
0x18: {  	[sflag:s12] =	ssyncadd.s32 $0xFFFFD800  }
0x19: {  	[tilespmem:s13], [sflag:$0x3] =	stream.linear.gather [hbm4b:s8+s3], $0x2800, $0x38;
	[tilespmem:$0xE000] =	vst v63  }
0x1a: {  	_ =	swait.ge [sflag:s12], $0x2800  }
0x1b: {  	[sflag:s12] =	ssyncset.done $0x0  }
0x1c: {  	[sflag:s12] =	ssyncadd.s32 $0xFFFFD800  }
0x1d: {  	s22 =	simm.s32 $0x0;
	[bflag:$0x0] =	sbarrier.arrive $0xFFFF  }
0x1e: {  	[tilespmem:s15], [sflag:$0x1] =	stream.indirect.gather [hbm4b:s4+s14], $0x20, s22, s14, $0xb8;
	[tilespmem:$0xE000] =	vst v63  }
0x1f: {  	s24 =	simm.s32 $0x80  }
0x20: {  	[tilespmem:s16], [sflag:$0x1] =	stream.indirect.gather [hbm4b:s4+s14], $0x20, s24, s14, $0xb8;
	[tilespmem:$0xE000] =	vst v63  }
0x21: {  	s25 =	simm.s32 $0x100  }
0x22: {  	[tilespmem:s17], [sflag:$0x1] =	stream.indirect.gather [hbm4b:s4+s14], $0x20, s25, s14, $0xb8;
	[tilespmem:$0xE000] =	vst v63  }
0x23: {  	s26 =	simm.s32 $0x180  }
0x24: {  	[tilespmem:s18], [sflag:$0x1] =	stream.indirect.gather [hbm4b:s4+s14], $0x20, s26, s14, $0xb8;
	[tilespmem:$0xE000] =	vst v63  }
0x25: {  	_ =	swait.ge [sflag:s19], $0x1000  }
0x26: {  	[sflag:s19] =	ssyncset.done $0x0  }
0x27: {  	[sflag:s19] =	ssyncadd.s32 $0xFFFFF000  }
0x28: {  	_ =	swait.ge [sflag:s19], $0x1000  }
0x29: {  	[sflag:s19] =	ssyncset.done $0x0  }
0x2a: {  	[sflag:s19] =	ssyncadd.s32 $0xFFFFF000  }
0x2b: {  	_ =	swait.ge [sflag:s19], $0x1000  }
0x2c: {  	[sflag:s19] =	ssyncset.done $0x0  }
0x2d: {  	[sflag:s19] =	ssyncadd.s32 $0xFFFFF000  }
0x2e: {  	_ =	swait.ge [sflag:s19], $0x1000  }
0x2f: {  	[sflag:s19] =	ssyncset.done $0x0  }
0x30: {  	s28 =	simm.s32 $0x2800;
	[sflag:s19] =	ssyncadd.s32 $0xFFFFF000  }
0x31: {  	[spmem:s2] =	stream.indirect.scatter.add.f32 [tilespmem:s15], [sflag:$0x2], $0x20, s28, s14, $0xb8;
	[tilespmem:$0xE000] =	vst v63  }
0x32: {  	s29 =	simm.s32 $0x2880  }
0x33: {  	[spmem:s2] =	stream.indirect.scatter.add.f32 [tilespmem:s16], [sflag:$0x2], $0x20, s29, s14, $0xb8;
	[tilespmem:$0xE000] =	vst v63  }
0x34: {  	s30 =	simm.s32 $0x2900  }
0x35: {  	[spmem:s2] =	stream.indirect.scatter.add.f32 [tilespmem:s17], [sflag:$0x2], $0x20, s30, s14, $0xb8;
	[tilespmem:$0xE000] =	vst v63  }
0x36: {  	s31 =	simm.s32 $0x2980  }
0x37: {  	[spmem:s2] =	stream.indirect.scatter.add.f32 [tilespmem:s18], [sflag:$0x2], $0x20, s31, s14, $0xb8;
	[tilespmem:$0xE000] =	vst v63  }
0x38: {  	_ =	swait.ge [sflag:s20], $0x1000  }
0x39: {  	[sflag:s20] =	ssyncset.done $0x0  }
0x3a: {  	[sflag:s20] =	ssyncadd.s32 $0xFFFFF000  }
0x3b: {  	_ =	swait.ge [sflag:s20], $0x1000  }
0x3c: {  	[sflag:s20] =	ssyncset.done $0x0  }
0x3d: {  	[sflag:s20] =	ssyncadd.s32 $0xFFFFF000  }
0x3e: {  	_ =	swait.ge [sflag:s20], $0x1000  }
0x3f: {  	[sflag:s20] =	ssyncset.done $0x0  }
0x40: {  	[sflag:s20] =	ssyncadd.s32 $0xFFFFF000  }
0x41: {  	_ =	swait.ge [sflag:s20], $0x1000  }
0x42: {  	s22 =	simm.s32 $0x800;
	s24 =	simm.s32 $0x1000;
	[sflag:s20] =	ssyncset.done $0x0  }
.LBB2_2:
0x43: {  	s25 =	sshra.s32 s22, $0x2  }
0x44: {  	[sflag:s20] =	ssyncadd.s32 $0xFFFFF000;
	s22 =	smov.u32 s24;
	s23 =	sadd.s32 $0x800, s24  }
0x45: {  	[tilespmem:s15], [sflag:$0x1] =	stream.indirect.gather [hbm4b:s4+s14], $0x20, s25, s14, $0xb8;
	[tilespmem:$0xE000] =	vst v63  }
0x46: {  	p0 =	sne.s32 s24, $0x9800;
	s24 =	sadd.s32 $0x80, s25  }
0x47: {  	[tilespmem:s16], [sflag:$0x1] =	stream.indirect.gather [hbm4b:s4+s14], $0x20, s24, s14, $0xb8;
	[tilespmem:$0xE000] =	vst v63  }
0x48: {  	s24 =	sadd.s32 $0x100, s25  }
0x49: {  	[tilespmem:s17], [sflag:$0x1] =	stream.indirect.gather [hbm4b:s4+s14], $0x20, s24, s14, $0xb8;
	[tilespmem:$0xE000] =	vst v63  }
0x4a: {  	s24 =	sadd.s32 $0x180, s25  }
0x4b: {  	[tilespmem:s18], [sflag:$0x1] =	stream.indirect.gather [hbm4b:s4+s14], $0x20, s24, s14, $0xb8;
	[tilespmem:$0xE000] =	vst v63  }
0x4c: {  	_ =	swait.ge [sflag:s19], $0x1000  }
0x4d: {  	[sflag:s19] =	ssyncset.done $0x0  }
0x4e: {  	[sflag:s19] =	ssyncadd.s32 $0xFFFFF000  }
0x4f: {  	_ =	swait.ge [sflag:s19], $0x1000  }
0x50: {  	[sflag:s19] =	ssyncset.done $0x0  }
0x51: {  	[sflag:s19] =	ssyncadd.s32 $0xFFFFF000  }
0x52: {  	_ =	swait.ge [sflag:s19], $0x1000  }
0x53: {  	[sflag:s19] =	ssyncset.done $0x0  }
0x54: {  	[sflag:s19] =	ssyncadd.s32 $0xFFFFF000  }
0x55: {  	_ =	swait.ge [sflag:s19], $0x1000  }
0x56: {  	[sflag:s19] =	ssyncset.done $0x0  }
0x57: {  	s24 =	sadd.s32 $0x2800, s25;
	[sflag:s19] =	ssyncadd.s32 $0xFFFFF000  }
0x58: {  	[spmem:s2] =	stream.indirect.scatter.add.f32 [tilespmem:s15], [sflag:$0x2], $0x20, s24, s14, $0xb8;
	[tilespmem:$0xE000] =	vst v63  }
0x59: {  	s24 =	sadd.s32 $0x2880, s25  }
0x5a: {  	[spmem:s2] =	stream.indirect.scatter.add.f32 [tilespmem:s16], [sflag:$0x2], $0x20, s24, s14, $0xb8;
	[tilespmem:$0xE000] =	vst v63  }
0x5b: {  	s24 =	sadd.s32 $0x2900, s25  }
0x5c: {  	[spmem:s2] =	stream.indirect.scatter.add.f32 [tilespmem:s17], [sflag:$0x2], $0x20, s24, s14, $0xb8;
	[tilespmem:$0xE000] =	vst v63  }
0x5d: {  	s24 =	sadd.s32 $0x2980, s25  }
0x5e: {  	[spmem:s2] =	stream.indirect.scatter.add.f32 [tilespmem:s18], [sflag:$0x2], $0x20, s24, s14, $0xb8;
	[tilespmem:$0xE000] =	vst v63  }
0x5f: {  	_ =	swait.ge [sflag:s20], $0x1000  }
0x60: {  	[sflag:s20] =	ssyncset.done $0x0  }
0x61: {  	[sflag:s20] =	ssyncadd.s32 $0xFFFFF000  }
0x62: {  	_ =	swait.ge [sflag:s20], $0x1000  }
0x63: {  	[sflag:s20] =	ssyncset.done $0x0  }
0x64: {  	[sflag:s20] =	ssyncadd.s32 $0xFFFFF000  }
.Ltmp0:
0x65: {  	_ =	swait.ge [sflag:s20], $0x1000;
	(pc) =	sbr.rel @p0 .LBB2_2-.Ltmp0, $4  }
0x66: {  	[sflag:s20] =	ssyncset.done $0x0  }
0x67: {  	[sflag:s20] =	ssyncadd.s32 $0xFFFFF000  }
0x68: {  	_ =	swait.ge [sflag:s20], $0x1000  }
0x69: {  	s24 =	smov.u32 s23;
	[sflag:s20] =	ssyncset.done $0x0  }
0x6a: {  	s22 =	sshra.s32 s22, $0x2;
	[sflag:s20] =	ssyncadd.s32 $0xFFFFF000  }
0x6b: {  	[tilespmem:s15], [sflag:$0x1] =	stream.indirect.gather [hbm4b:s4+s14], $0x20, s22, s14, $0xb8;
	[tilespmem:$0xE000] =	vst v63  }
0x6c: {  	s23 =	sadd.s32 $0x80, s22  }
0x6d: {  	[tilespmem:s16], [sflag:$0x1] =	stream.indirect.gather [hbm4b:s4+s14], $0x20, s23, s14, $0xb8;
	[tilespmem:$0xE000] =	vst v63  }
0x6e: {  	s26 =	sadd.s32 $0x100, s22  }
0x6f: {  	[tilespmem:s17], [sflag:$0x1] =	stream.indirect.gather [hbm4b:s4+s14], $0x20, s26, s14, $0xb8;
	[tilespmem:$0xE000] =	vst v63  }
0x70: {  	s28 =	sadd.s32 $0x180, s22  }
0x71: {  	[tilespmem:s18], [sflag:$0x1] =	stream.indirect.gather [hbm4b:s4+s14], $0x20, s28, s14, $0xb8;
	[tilespmem:$0xE000] =	vst v63  }
0x72: {  	_ =	swait.ge [sflag:s19], $0x1000  }
0x73: {  	[sflag:s19] =	ssyncset.done $0x0  }
0x74: {  	[sflag:s19] =	ssyncadd.s32 $0xFFFFF000  }
0x75: {  	_ =	swait.ge [sflag:s19], $0x1000  }
0x76: {  	[sflag:s19] =	ssyncset.done $0x0  }
0x77: {  	[sflag:s19] =	ssyncadd.s32 $0xFFFFF000  }
0x78: {  	_ =	swait.ge [sflag:s19], $0x1000  }
0x79: {  	[sflag:s19] =	ssyncset.done $0x0  }
0x7a: {  	[sflag:s19] =	ssyncadd.s32 $0xFFFFF000  }
0x7b: {  	_ =	swait.ge [sflag:s19], $0x1000  }
0x7c: {  	[sflag:s19] =	ssyncset.done $0x0  }
0x7d: {  	s29 =	sadd.s32 $0x2800, s22;
	[sflag:s19] =	ssyncadd.s32 $0xFFFFF000  }
0x7e: {  	[spmem:s2] =	stream.indirect.scatter.add.f32 [tilespmem:s15], [sflag:$0x2], $0x20, s29, s14, $0xb8;
	[tilespmem:$0xE000] =	vst v63  }
0x7f: {  	s30 =	sadd.s32 $0x2880, s22  }
0x80: {  	[spmem:s2] =	stream.indirect.scatter.add.f32 [tilespmem:s16], [sflag:$0x2], $0x20, s30, s14, $0xb8;
	[tilespmem:$0xE000] =	vst v63  }
0x81: {  	s31 =	sadd.s32 $0x2900, s22  }
0x82: {  	[spmem:s2] =	stream.indirect.scatter.add.f32 [tilespmem:s17], [sflag:$0x2], $0x20, s31, s14, $0xb8;
	[tilespmem:$0xE000] =	vst v63  }
0x83: {  	s22 =	sadd.s32 $0x2980, s22  }
0x84: {  	[spmem:s2] =	stream.indirect.scatter.add.f32 [tilespmem:s18], [sflag:$0x2], $0x20, s22, s14, $0xb8;
	[tilespmem:$0xE000] =	vst v63  }
0x85: {  	_ =	swait.ge [sflag:s20], $0x1000  }
0x86: {  	[sflag:s20] =	ssyncset.done $0x0  }
0x87: {  	[sflag:s20] =	ssyncadd.s32 $0xFFFFF000  }
0x88: {  	_ =	swait.ge [sflag:s20], $0x1000  }
0x89: {  	[sflag:s20] =	ssyncset.done $0x0  }
0x8a: {  	[sflag:s20] =	ssyncadd.s32 $0xFFFFF000  }
0x8b: {  	_ =	swait.ge [sflag:s20], $0x1000  }
0x8c: {  	[sflag:s20] =	ssyncset.done $0x0  }
0x8d: {  	[sflag:s20] =	ssyncadd.s32 $0xFFFFF000  }
0x8e: {  	_ =	swait.ge [sflag:s20], $0x1000  }
0x8f: {  	s21 =	sadd.s32 $0x1, s21;
	[sflag:s20] =	ssyncset.done $0x0  }
0x90: {  	p0 =	sne.s32 s21, s10;
	[sflag:s20] =	ssyncadd.s32 $0xFFFFF000  }
.Ltmp1:
0x91: {  	[bflag:$0x0] =	sbarrier.arrive $0xFFFF;
	(pc) =	sbr.rel @p0 .LBB2_1-.Ltmp1, $4  }
0x92: {  	[hbm:s9], [sflag:s6] =	dma.local [spmem:s11], $0xA00  }
0x93: {  	_ =	swait.ge [sflag:s12], $0xA00  }
0x94: {  	[sflag:s12] =	ssyncset.done $0x0  }
0x95: {  	[sflag:s12] =	ssyncadd.s32 $0xFFFFF600  }
0x96: {  	_ =	sfence.sel $0x180000  }
0x97: {  	[bflag:$0x0] =	sbarrier.arrive $0xFFFF  }
0x98: {  	p0 =	sne.s32 s1, $0x0;
	_ =	strace $0x90000056  }
0x99: {  	s0 =	sadd.s32 @!p0 $0x100000, s0;
	[bflag:$0x2] =	sbarrier.arrive $0xFFFF  }
0x9a: {  	[sflag:s0] =	ssyncadd.tile.s32 @!p0 $0x1;
	_ =	shalt  }
.Lfunc_end2:
_tile_overlayer_lowered:
.L_overlay_start_2:
0x9b: {  	(tag) =	ssettag $0x2  }
0x9c: {  	s0 =	rddreg [dreg:$0x0];
	s2 =	stileid.u32  }
0x9d: {  	s1 =	rddreg [dreg:$0x1];
	p0 =	sne.s32 s2, $0x0  }
0x9e: {  	s3 =	rddreg [dreg:$0x2];
	[bflag:$0x3] =	sbarrier.arrive $0xFFFF;
	s2 =	simm.s32 @!p0 $0x1C03  }
0x9f: {  	[timem:s3], [sflag:s2] =	dma.local @!p0 [hbm:s0], s1  }
0xa0: {  	s0 =	simm.s32 @!p0 $0x3  }
0xa1: {  	_ =	swait.ge @!p0 [sflag:s0], s1  }
0xa2: {  	s1 =	ssub.s32 @!p0 $0x0, s1;
	[sflag:s0] =	ssyncset.done @!p0 $0x0  }
0xa3: {  	[sflag:s0] =	ssyncadd.s32 @!p0 s1  }
0xa4: {  	[bflag:$0x3] =	sbarrier.arrive $0xFFFF  }
0xa5: {  	_ =	shalt  }

// kernel: kernel.28.cloned.1.call-start
scs
__scs_entry_jumppad:
0x0: {  	(pc) =	sbr.rel $0x88, $3  }
0x1: {  	(tag) =	ssettag $0x0;
	lr =	simm.s32 $0x1  }
0x2: {  	[smem:$0x3F96] =	sst lr;
	_ =	strace $0xD0000000  }
0x3: {  	_ = 	snop  }
0x4: {  	_ = 	snop  }
0x5: {  	_ = 	snop  }
0x6: {  	_ = 	snop  }
0x7: {  	_ = 	snop  }
__scs_overlays_trampoline_lowered:
0x8: {  	[smem:$0x3FA5] =	sst s0  }
0x9: {  	[smem:$0x3FA6] =	sst s1  }
0xa: {  	[smem:$0x3FA7] =	sst s2  }
0xb: {  	[smem:$0x3FA8] =	sst s3  }
0xc: {  	[smem:$0x3FA9] =	sst s4  }
0xd: {  	[smem:$0x3FAA] =	sst s5  }
0xe: {  	[smem:$0x3FAB] =	sst s6  }
0xf: {  	[smem:$0x3FAC] =	sst s7  }
0x10: {  	[smem:$0x3FAD] =	sst s8  }
0x11: {  	[smem:$0x3FAE] =	sst s9;
	s0 =	simm.s32 @!p0 $0x0  }
0x12: {  	s1 =	sld [smem:$0x3F94];
	s0 =	simm.s32 @p0 $0x1  }
0x13: {  	[smem:$0x3FAF] =	sst s0;
	s0 =	simm.s32 @!p1 $0x0  }
0x14: {  	s2 =	sld [smem:$0x3F93];
	s0 =	simm.s32 @p1 $0x1  }
0x15: {  	[smem:$0x3FB0] =	sst s0;
	s0 =	simm.s32 @!p2 $0x0  }
0x16: {  	s3 =	sld [smem:$0x3FDB];
	s0 =	simm.s32 @p2 $0x1  }
0x17: {  	s4 =	simm.s32 $0x1BF5;
	[smem:$0x3FB2] =	sst s0  }
0x18: {  	s0 =	sld [smem:$0x3F95];
	_ =	swait.ge [sflag:s4], $0x0  }
0x19: {  	s7 =	sld [smem:$0x3F96]  }
0x1a: {  	s8 =	sadd.s32 $0xFFFFE003, lr  }
0x1b: {  	s9 =	sadd.s32 $0xFFFFFEF7, lr;
	s5 =	simm.s32 $0xFFFFFFFF;
	p2 =	slt.u32 s8, $0xFFFFF086  }
0x1c: {  	p1 =	slt.u32 s9, $0xF7A;
	s5 =	simm.s32 @!p2 $0x0  }
0x1d: {  	s5 =	simm.s32 @p1 $0x1;
	p0 =	seq.s32 s7, s2  }
0x1e: {  	s7 =	smul.u32 @!p0 $0xF7A, s2;
	p2 =	seq.s32 @!p0 s5, $0x0  }
0x1f: {  	s9 =	smul.u32 $0xF7A, s1;
	s8 =	simm.s32 @!p0 $0x1BF5;
	p2 =	por !p2, p0  }
0x20: {  	[sflag:s8] =	ssyncset.s32 @!p0 $0xFFFFF086;
	s6 =	sadd.s32 @!p0 s3, s7;
	s7 =	simm.s32 @!p0 $0x108  }
0x21: {  	s3 =	sadd.s32 s3, s9;
	s6 =	sadd.s32 @!p0 $0x88, s6;
	s7 =	simm.s32 @p2 $0x1082  }
0x22: {  	[simem:s7], [sflag:s8] =	dma.local @!p0 [hbm:s6], $0xF7A  }
0x23: {  	s9 =	sor.u32 $0xD0000000, s2;
	s6 =	simm.s32 $0x108;
	_ =	swait.ge @!p0 [sflag:s8], $0x0  }
0x24: {  	s3 =	sadd.s32 $0x88, s3;
	s6 =	simm.s32 @!p1 $0x1082;
	[sflag:s4] =	ssyncset.s32 $0xFFFFF086  }
0x25: {  	[simem:s6], [sflag:s4] =	dma.local [hbm:s3], $0xF7A  }
0x26: {  	[smem:$0x3F96] =	sst s1;
	(tag) =	ssettag s2;
	_ =	strace s9  }
0x27: {  	s1 =	sld [smem:$0x3FA6]  }
0x28: {  	s2 =	sld [smem:$0x3FA7]  }
0x29: {  	s4 =	sld [smem:$0x3FA9]  }
0x2a: {  	p0 =	seq.s32 s5, $0x0;
	s5 =	sld [smem:$0x3FAA]  }
0x2b: {  	s6 =	sld [smem:$0x3FAB]  }
0x2c: {  	s7 =	sld [smem:$0x3FAC]  }
0x2d: {  	s3 =	simm.s32 $0x108;
	s8 =	sld [smem:$0x3FAD]  }
0x2e: {  	s3 =	simm.s32 @!p0 $0x1082;
	s9 =	sld [smem:$0x3FAE]  }
0x2f: {  	lr =	sadd.s32 s0, s3;
	s0 =	sld [smem:$0x3FA5]  }
0x30: {  	s3 =	sld [smem:$0x3FA8]  }
0x31: {  	[smem:$0x3FB1] =	sst s10  }
0x32: {  	s10 =	sld [smem:$0x3FAF];
	_ =	sdelay $0x3  }
0x33: {  	p0 =	seq.s32 s10, $0x1;
	s10 =	sld [smem:$0x3FB1];
	_ =	sdelay $0x3  }
0x34: {  	[smem:$0x3FB1] =	sst s10  }
0x35: {  	s10 =	sld [smem:$0x3FB0];
	_ =	sdelay $0x3  }
0x36: {  	p1 =	seq.s32 s10, $0x1;
	s10 =	sld [smem:$0x3FB1];
	_ =	sdelay $0x3  }
0x37: {  	[smem:$0x3FB1] =	sst s10  }
0x38: {  	s10 =	sld [smem:$0x3FB2]  }
0x39: {  	_ = 	snop;
	(pc) =	sbr.ind lr, $3  }
0x3a: {  	_ = 	snop  }
0x3b: {  	_ = 	snop  }
0x3c: {  	p2 =	seq.s32 s10, $0x1;
	s10 =	sld [smem:$0x3FB1]  }
0x3d: {  	_ =	shalt  }
0x3e: {  	_ =	shalt  }
0x3f: {  	_ =	shalt  }
0x40: {  	_ =	shalt  }
0x41: {  	_ =	shalt  }
0x42: {  	_ =	shalt  }
0x43: {  	_ =	shalt  }
0x44: {  	_ =	shalt  }
0x45: {  	_ =	shalt  }
0x46: {  	_ =	shalt  }
0x47: {  	_ =	shalt  }
0x48: {  	_ =	shalt  }
0x49: {  	_ =	shalt  }
0x4a: {  	_ =	shalt  }
0x4b: {  	_ =	shalt  }
0x4c: {  	_ =	shalt  }
0x4d: {  	_ =	shalt  }
0x4e: {  	_ =	shalt  }
0x4f: {  	_ =	shalt  }
0x50: {  	_ =	shalt  }
0x51: {  	_ =	shalt  }
0x52: {  	_ =	shalt  }
0x53: {  	_ =	shalt  }
0x54: {  	_ =	shalt  }
0x55: {  	_ =	shalt  }
0x56: {  	_ =	shalt  }
0x57: {  	_ =	shalt  }
0x58: {  	_ =	shalt  }
0x59: {  	_ =	shalt  }
0x5a: {  	_ =	shalt  }
0x5b: {  	_ =	shalt  }
0x5c: {  	_ =	shalt  }
0x5d: {  	_ =	shalt  }
0x5e: {  	_ =	shalt  }
0x5f: {  	_ =	shalt  }
0x60: {  	_ =	shalt  }
0x61: {  	_ =	shalt  }
0x62: {  	_ =	shalt  }
0x63: {  	_ =	shalt  }
0x64: {  	_ =	shalt  }
0x65: {  	_ =	shalt  }
0x66: {  	_ =	shalt  }
0x67: {  	_ =	shalt  }
0x68: {  	_ =	shalt  }
0x69: {  	_ =	shalt  }
0x6a: {  	_ =	shalt  }
0x6b: {  	_ =	shalt  }
0x6c: {  	_ =	shalt  }
0x6d: {  	_ =	shalt  }
0x6e: {  	_ =	shalt  }
0x6f: {  	_ =	shalt  }
0x70: {  	_ =	shalt  }
0x71: {  	_ =	shalt  }
0x72: {  	_ =	shalt  }
0x73: {  	_ =	shalt  }
0x74: {  	_ =	shalt  }
0x75: {  	_ =	shalt  }
0x76: {  	_ =	shalt  }
0x77: {  	_ =	shalt  }
0x78: {  	_ =	shalt  }
0x79: {  	_ =	shalt  }
0x7a: {  	_ =	shalt  }
0x7b: {  	_ =	shalt  }
0x7c: {  	_ =	shalt  }
0x7d: {  	_ =	shalt  }
0x7e: {  	_ =	shalt  }
0x7f: {  	_ =	shalt  }
0x80: {  	_ =	shalt  }
0x81: {  	_ =	shalt  }
0x82: {  	_ =	shalt  }
0x83: {  	_ =	shalt  }
0x84: {  	_ =	shalt  }
0x85: {  	_ =	shalt  }
0x86: {  	_ =	shalt  }
0x87: {  	_ =	shalt  }
.Lfunc_end0:
.L_simem_size_0:
called_computation.6_lowered:
.L_overlay_start_0:
0x88: {  	s2 =	sld [smem:$0x3FD9]  }
0x89: {  	s3 =	sld [smem:$0x3FFE];
	_ =	sdelay $0x1  }
0x8a: {  	s1 =	srdreg.scid  }
0x8b: {  	s0 =	sand.u32 $0x1, s1  }
0x8c: {  	s16 =	sshll.u32 s0, $0xA;
	s2 =	sadd.s32 s3, s2  }
0x8d: {  	s2 =	sadd.s32 s2, s16  }
0x8e: {  	[smem:$0x3FBD] =	sst s2  }
0x8f: {  	_ = 	snop  }
0x90: {  	(tm) =	ssettm $0x1  }
0x91: {  	s17 =	sld [smem:$0x3FFB];
	_ =	sdelay $0x3  }
0x92: {  	_ =	strace s17  }
0x93: {  	s2 =	sld [smem:$0x3FFC];
	_ =	sdelay $0x3  }
0x94: {  	_ =	strace s2  }
0x95: {  	s2 =	sld [smem:$0x3FFD];
	_ =	sdelay $0x3  }
0x96: {  	_ =	strace s2  }
0x97: {  	_ =	strace $0x8FFFFFFF  }
0x98: {  	s18 =	sld [smem:$0x3FDB];
	_ =	sdelay $0x1  }
0x99: {  	s19 =	simm.s32 $_scs_section_size  }
0x9a: {  	s4 =	simm.s32 $_size__tile_overlayer_lowered;
	s5 =	simm.s32 $_tile_overlayer_lowered  }
0x9b: {  	s22 =	simm.s32 $0x1BFF;
	s21 =	sshll.u32 s5, $0x1;
	s2 =	sadd.s32 s19, s18  }
0x9c: {  	s6 =	simm.s32 $0x0;
	s20 =	sshll.u32 s4, $0x1;
	s4 =	sadd.s32 s21, s2  }
0x9d: {  	[timem:s6], [sflag:s22] =	dma.local [hbm:s4], s20  }
0x9e: {  	_ =	swait.ge [sflag:s22], s20  }
0x9f: {  	s3 =	ssub.s32 $0x0, s20;
	[sflag:s22] =	ssyncset.done $0x0  }
0xa0: {  	[sflag:s22] =	ssyncadd.s32 s3;
	_ =	sdelay $0x1  }
0xa1: {  	s23 =	simm.s32 $0x1B8B  }
0xa2: {  	_ =	swait.ge [sflag:s23], $0x1  }
0xa3: {  	[sflag:s23] =	ssyncset.done $0x0  }
0xa4: {  	s25 =	simm.s32 $0x1B8E;
	s24 =	sld [smem:$0x3FFE];
	[sflag:s23] =	ssyncadd.s32 $0xFFFFFFFF  }
0xa5: {  	s26 =	simm.s32 $execute0_lowered;
	[smem:$0x3FD2] =	sst s25  }
0xa6: {  	s4 =	sshll.u32 s26, $0x1;
	_ =	strace $0x80000058;
	[dreg:$0x1] =	wrdreg $0xFFFFFFFF  }
0xa7: {  	s28 =	simm.s32 $_size_execute0_lowered;
	s2 =	sadd.s32 s2, s4;
	[dreg:$0x0] =	wrdreg $0x0  }
0xa8: {  	s4 =	sshll.u32 s28, $0x1;
	[dreg:$0x2] =	wrdreg s2  }
0xa9: {  	[dreg:$0x3] =	wrdreg s4  }
0xaa: {  	[dreg:$0x4] =	wrdreg $0xC0  }
0xab: {  	_ =	task [dreg:s6], $0x5FFFF  }
0xac: {  	[dreg:$0x1] =	wrdreg $0xFFFFFFFF  }
0xad: {  	[dreg:$0x0] =	wrdreg $0x60  }
0xae: {  	[dreg:$0x2] =	wrdreg s24  }
0xaf: {  	[dreg:$0x3] =	wrdreg $0x90000  }
0xb0: {  	[dreg:$0x4] =	wrdreg $0x9  }
0xb1: {  	_ =	task.clear_ibuf [dreg:s6], $0x5FFFF;
	_ =	strace $0x90000058  }
0xb2: {  	s29 =	simm.s32 $0x9;
	_ =	strace $0x8000005A  }
0xb3: {  	_ =	swait.ge [sflag:s29], $0x1  }
0xb4: {  	[sflag:s29] =	ssyncadd.s32 $0xFFFFFFFF  }
0xb5: {  	_ =	strace $0x9000005A  }
0xb6: {  	_ =	sfence  }
0xb7: {  	s30 =	sld [smem:$0x0];
	_ =	sdelay $0x2  }
0xb8: {  	s31 =	sshll.u32 s1, $0xD;
	s1 =	sshrl.u32 s1, $0x2  }
0xb9: {  	s3 =	sand.u32 $0x4000, s31;
	s1 =	sadd.s32 s1, s30  }
0xba: {  	s0 =	sor.u32 s3, s0;
	s1 =	sshll.u32 s1, $0x11  }
0xbb: {  	s0 =	sor.u32 s1, s0  }
0xbc: {  	s0 =	sadd.s32 $0x8F2B, s0  }
0xbd: {  	[sflag:s0] =	ssyncadd.remote.s32 $0x1  }
0xbe: {  	_ =	sfence.sel $0xFFFF  }
0xbf: {  	[dreg:$0x0] =	wrdreg $0xFFFFFFFF;
	(pc) =	sbr.abs _section_cstart, $3  }
0xc0: {  	[dreg:$0x1] =	wrdreg $0xFFFFFFFF  }
0xc1: {  	_ =	task.clear_ibuf [dreg:s6], $0x2FFFF;
	_ =	strace $0x9FFFFFFF  }
0xc2: {  	(tm) =	ssettm $0x7FFFFFFF  }
0xc3: {  	_ =	shalt  }
tec
execute0_lowered:
.L_overlay_start_1:
0x0: {  	(tag) =	ssettag $0x1  }
0x1: {  	s5 =	rddreg [dreg:$0x0]  }
0x2: {  	s2 =	rddreg [dreg:$0x1]  }
0x3: {  	s0 =	rddreg [dreg:$0x2];
	s4 =	srdreg.scid  }
0x4: {  	s3 =	simm.s32 $0x0;
	s1 =	stileid.u32;
	s13 =	simm.s32 $0x2800  }
0x5: {  	s14 =	simm.s32 $0x80;
	s15 =	simm.s32 $0x5000;
	s16 =	simm.s32 $0x6000  }
0x6: {  	s17 =	simm.s32 $0x7000;
	s18 =	simm.s32 $0x8000;
	s19 =	simm.s32 $0x1  }
0x7: {  	s20 =	simm.s32 $0x2;
	s21 =	simm.s32 $0x0;
	s6 =	sand.u32 $0x1, s4  }
0x8: {  	[smem:$0x7FF] =	sst s3;
	s7 =	smul.u32 $0x5000, s1;
	s31 =	sshll.u32 s1, $0x6  }
0x9: {  	s4 =	sshll.u32 s6, $0x4;
	_ =	strace $0x80000059;
	s9 =	smul.u32 $0x50000, s6  }
0xa: {  	s6 =	ssub.s32 $0x2, s6;
	s8 =	sor.u32 s1, s4;
	s4 =	sadd.s32 $0x18800, s5  }
0xb: {  	s10 =	sshrl.u32 s7, $0x3;
	s11 =	sshrl.u32 s6, $0x1;
	s12 =	sadd.s32 s7, s2  }
0xc: {  	s8 =	smul.u32 $0x500, s8;
	s10 =	sadd.s32 s10, s5;
	s9 =	sadd.s32 s7, s9  }
0xd: {  	s11 =	ssub.s32 s6, s11;
	s6 =	sor.u32 $0x1C03, s31;
	s9 =	sshrl.u32 s9, $0x3  }
0xe: {  	s8 =	sadd.s32 s8, s5;
	s9 =	sadd.s32 s9, s5;
	s5 =	sadd.s32 $0x22800, s10  }
0xf: {  	s10 =	smax.u32 s11, $0x1;
	s11 =	sshrl.u32 s12, $0x3;
	s12 =	simm.s32 $0x3  }
0x10: {  	s7 =	sadd.s32 $0xE800, s8;
	s8 =	sadd.s32 $0x4800, s8;
	s9 =	sadd.s32 $0x2C800, s9  }
.LBB2_1:
0x11: {  	[spmem:s11], [sflag:s6] =	dma.local [hbm:s5], $0xA00  }
0x12: {  	_ =	swait.ge [sflag:s12], $0xA00  }
0x13: {  	[sflag:s12] =	ssyncset.done $0x0  }
0x14: {  	[sflag:s12] =	ssyncadd.s32 $0xFFFFF600  }
0x15: {  	[tilespmem:s3], [sflag:$0x3] =	stream.linear.gather [hbm4b:s7+s3], $0x2800, $0x38;
	[tilespmem:$0xE000] =	vst v63  }
0x16: {  	_ =	swait.ge [sflag:s12], $0x2800  }
0x17: {  	[sflag:s12] =	ssyncset.done $0x0  }
0x18: {  	[sflag:s12] =	ssyncadd.s32 $0xFFFFD800  }
0x19: {  	[tilespmem:s13], [sflag:$0x3] =	stream.linear.gather [hbm4b:s8+s3], $0x2800, $0x38;
	[tilespmem:$0xE000] =	vst v63  }
0x1a: {  	_ =	swait.ge [sflag:s12], $0x2800  }
0x1b: {  	[sflag:s12] =	ssyncset.done $0x0  }
0x1c: {  	[sflag:s12] =	ssyncadd.s32 $0xFFFFD800  }
0x1d: {  	s22 =	simm.s32 $0x0;
	[bflag:$0x0] =	sbarrier.arrive $0xFFFF  }
0x1e: {  	[tilespmem:s15], [sflag:$0x1] =	stream.indirect.gather [hbm4b:s4+s14], $0x20, s22, s14, $0xb8;
	[tilespmem:$0xE000] =	vst v63  }
0x1f: {  	s24 =	simm.s32 $0x80  }
0x20: {  	[tilespmem:s16], [sflag:$0x1] =	stream.indirect.gather [hbm4b:s4+s14], $0x20, s24, s14, $0xb8;
	[tilespmem:$0xE000] =	vst v63  }
0x21: {  	s25 =	simm.s32 $0x100  }
0x22: {  	[tilespmem:s17], [sflag:$0x1] =	stream.indirect.gather [hbm4b:s4+s14], $0x20, s25, s14, $0xb8;
	[tilespmem:$0xE000] =	vst v63  }
0x23: {  	s26 =	simm.s32 $0x180  }
0x24: {  	[tilespmem:s18], [sflag:$0x1] =	stream.indirect.gather [hbm4b:s4+s14], $0x20, s26, s14, $0xb8;
	[tilespmem:$0xE000] =	vst v63  }
0x25: {  	_ =	swait.ge [sflag:s19], $0x1000  }
0x26: {  	[sflag:s19] =	ssyncset.done $0x0  }
0x27: {  	[sflag:s19] =	ssyncadd.s32 $0xFFFFF000  }
0x28: {  	_ =	swait.ge [sflag:s19], $0x1000  }
0x29: {  	[sflag:s19] =	ssyncset.done $0x0  }
0x2a: {  	[sflag:s19] =	ssyncadd.s32 $0xFFFFF000  }
0x2b: {  	_ =	swait.ge [sflag:s19], $0x1000  }
0x2c: {  	[sflag:s19] =	ssyncset.done $0x0  }
0x2d: {  	[sflag:s19] =	ssyncadd.s32 $0xFFFFF000  }
0x2e: {  	_ =	swait.ge [sflag:s19], $0x1000  }
0x2f: {  	[sflag:s19] =	ssyncset.done $0x0  }
0x30: {  	s28 =	simm.s32 $0x2800;
	[sflag:s19] =	ssyncadd.s32 $0xFFFFF000  }
0x31: {  	[spmem:s2] =	stream.indirect.scatter.add.f32 [tilespmem:s15], [sflag:$0x2], $0x20, s28, s14, $0xb8;
	[tilespmem:$0xE000] =	vst v63  }
0x32: {  	s29 =	simm.s32 $0x2880  }
0x33: {  	[spmem:s2] =	stream.indirect.scatter.add.f32 [tilespmem:s16], [sflag:$0x2], $0x20, s29, s14, $0xb8;
	[tilespmem:$0xE000] =	vst v63  }
0x34: {  	s30 =	simm.s32 $0x2900  }
0x35: {  	[spmem:s2] =	stream.indirect.scatter.add.f32 [tilespmem:s17], [sflag:$0x2], $0x20, s30, s14, $0xb8;
	[tilespmem:$0xE000] =	vst v63  }
0x36: {  	s31 =	simm.s32 $0x2980  }
0x37: {  	[spmem:s2] =	stream.indirect.scatter.add.f32 [tilespmem:s18], [sflag:$0x2], $0x20, s31, s14, $0xb8;
	[tilespmem:$0xE000] =	vst v63  }
0x38: {  	_ =	swait.ge [sflag:s20], $0x1000  }
0x39: {  	[sflag:s20] =	ssyncset.done $0x0  }
0x3a: {  	[sflag:s20] =	ssyncadd.s32 $0xFFFFF000  }
0x3b: {  	_ =	swait.ge [sflag:s20], $0x1000  }
0x3c: {  	[sflag:s20] =	ssyncset.done $0x0  }
0x3d: {  	[sflag:s20] =	ssyncadd.s32 $0xFFFFF000  }
0x3e: {  	_ =	swait.ge [sflag:s20], $0x1000  }
0x3f: {  	[sflag:s20] =	ssyncset.done $0x0  }
0x40: {  	[sflag:s20] =	ssyncadd.s32 $0xFFFFF000  }
0x41: {  	_ =	swait.ge [sflag:s20], $0x1000  }
0x42: {  	s22 =	simm.s32 $0x800;
	s24 =	simm.s32 $0x1000;
	[sflag:s20] =	ssyncset.done $0x0  }
.LBB2_2:
0x43: {  	s25 =	sshra.s32 s22, $0x2  }
0x44: {  	[sflag:s20] =	ssyncadd.s32 $0xFFFFF000;
	s22 =	smov.u32 s24;
	s23 =	sadd.s32 $0x800, s24  }
0x45: {  	[tilespmem:s15], [sflag:$0x1] =	stream.indirect.gather [hbm4b:s4+s14], $0x20, s25, s14, $0xb8;
	[tilespmem:$0xE000] =	vst v63  }
0x46: {  	p0 =	sne.s32 s24, $0x9800;
	s24 =	sadd.s32 $0x80, s25  }
0x47: {  	[tilespmem:s16], [sflag:$0x1] =	stream.indirect.gather [hbm4b:s4+s14], $0x20, s24, s14, $0xb8;
	[tilespmem:$0xE000] =	vst v63  }
0x48: {  	s24 =	sadd.s32 $0x100, s25  }
0x49: {  	[tilespmem:s17], [sflag:$0x1] =	stream.indirect.gather [hbm4b:s4+s14], $0x20, s24, s14, $0xb8;
	[tilespmem:$0xE000] =	vst v63  }
0x4a: {  	s24 =	sadd.s32 $0x180, s25  }
0x4b: {  	[tilespmem:s18], [sflag:$0x1] =	stream.indirect.gather [hbm4b:s4+s14], $0x20, s24, s14, $0xb8;
	[tilespmem:$0xE000] =	vst v63  }
0x4c: {  	_ =	swait.ge [sflag:s19], $0x1000  }
0x4d: {  	[sflag:s19] =	ssyncset.done $0x0  }
0x4e: {  	[sflag:s19] =	ssyncadd.s32 $0xFFFFF000  }
0x4f: {  	_ =	swait.ge [sflag:s19], $0x1000  }
0x50: {  	[sflag:s19] =	ssyncset.done $0x0  }
0x51: {  	[sflag:s19] =	ssyncadd.s32 $0xFFFFF000  }
0x52: {  	_ =	swait.ge [sflag:s19], $0x1000  }
0x53: {  	[sflag:s19] =	ssyncset.done $0x0  }
0x54: {  	[sflag:s19] =	ssyncadd.s32 $0xFFFFF000  }
0x55: {  	_ =	swait.ge [sflag:s19], $0x1000  }
0x56: {  	[sflag:s19] =	ssyncset.done $0x0  }
0x57: {  	s24 =	sadd.s32 $0x2800, s25;
	[sflag:s19] =	ssyncadd.s32 $0xFFFFF000  }
0x58: {  	[spmem:s2] =	stream.indirect.scatter.add.f32 [tilespmem:s15], [sflag:$0x2], $0x20, s24, s14, $0xb8;
	[tilespmem:$0xE000] =	vst v63  }
0x59: {  	s24 =	sadd.s32 $0x2880, s25  }
0x5a: {  	[spmem:s2] =	stream.indirect.scatter.add.f32 [tilespmem:s16], [sflag:$0x2], $0x20, s24, s14, $0xb8;
	[tilespmem:$0xE000] =	vst v63  }
0x5b: {  	s24 =	sadd.s32 $0x2900, s25  }
0x5c: {  	[spmem:s2] =	stream.indirect.scatter.add.f32 [tilespmem:s17], [sflag:$0x2], $0x20, s24, s14, $0xb8;
	[tilespmem:$0xE000] =	vst v63  }
0x5d: {  	s24 =	sadd.s32 $0x2980, s25  }
0x5e: {  	[spmem:s2] =	stream.indirect.scatter.add.f32 [tilespmem:s18], [sflag:$0x2], $0x20, s24, s14, $0xb8;
	[tilespmem:$0xE000] =	vst v63  }
0x5f: {  	_ =	swait.ge [sflag:s20], $0x1000  }
0x60: {  	[sflag:s20] =	ssyncset.done $0x0  }
0x61: {  	[sflag:s20] =	ssyncadd.s32 $0xFFFFF000  }
0x62: {  	_ =	swait.ge [sflag:s20], $0x1000  }
0x63: {  	[sflag:s20] =	ssyncset.done $0x0  }
0x64: {  	[sflag:s20] =	ssyncadd.s32 $0xFFFFF000  }
.Ltmp0:
0x65: {  	_ =	swait.ge [sflag:s20], $0x1000;
	(pc) =	sbr.rel @p0 .LBB2_2-.Ltmp0, $4  }
0x66: {  	[sflag:s20] =	ssyncset.done $0x0  }
0x67: {  	[sflag:s20] =	ssyncadd.s32 $0xFFFFF000  }
0x68: {  	_ =	swait.ge [sflag:s20], $0x1000  }
0x69: {  	s24 =	smov.u32 s23;
	[sflag:s20] =	ssyncset.done $0x0  }
0x6a: {  	s22 =	sshra.s32 s22, $0x2;
	[sflag:s20] =	ssyncadd.s32 $0xFFFFF000  }
0x6b: {  	[tilespmem:s15], [sflag:$0x1] =	stream.indirect.gather [hbm4b:s4+s14], $0x20, s22, s14, $0xb8;
	[tilespmem:$0xE000] =	vst v63  }
0x6c: {  	s23 =	sadd.s32 $0x80, s22  }
0x6d: {  	[tilespmem:s16], [sflag:$0x1] =	stream.indirect.gather [hbm4b:s4+s14], $0x20, s23, s14, $0xb8;
	[tilespmem:$0xE000] =	vst v63  }
0x6e: {  	s26 =	sadd.s32 $0x100, s22  }
0x6f: {  	[tilespmem:s17], [sflag:$0x1] =	stream.indirect.gather [hbm4b:s4+s14], $0x20, s26, s14, $0xb8;
	[tilespmem:$0xE000] =	vst v63  }
0x70: {  	s28 =	sadd.s32 $0x180, s22  }
0x71: {  	[tilespmem:s18], [sflag:$0x1] =	stream.indirect.gather [hbm4b:s4+s14], $0x20, s28, s14, $0xb8;
	[tilespmem:$0xE000] =	vst v63  }
0x72: {  	_ =	swait.ge [sflag:s19], $0x1000  }
0x73: {  	[sflag:s19] =	ssyncset.done $0x0  }
0x74: {  	[sflag:s19] =	ssyncadd.s32 $0xFFFFF000  }
0x75: {  	_ =	swait.ge [sflag:s19], $0x1000  }
0x76: {  	[sflag:s19] =	ssyncset.done $0x0  }
0x77: {  	[sflag:s19] =	ssyncadd.s32 $0xFFFFF000  }
0x78: {  	_ =	swait.ge [sflag:s19], $0x1000  }
0x79: {  	[sflag:s19] =	ssyncset.done $0x0  }
0x7a: {  	[sflag:s19] =	ssyncadd.s32 $0xFFFFF000  }
0x7b: {  	_ =	swait.ge [sflag:s19], $0x1000  }
0x7c: {  	[sflag:s19] =	ssyncset.done $0x0  }
0x7d: {  	s29 =	sadd.s32 $0x2800, s22;
	[sflag:s19] =	ssyncadd.s32 $0xFFFFF000  }
0x7e: {  	[spmem:s2] =	stream.indirect.scatter.add.f32 [tilespmem:s15], [sflag:$0x2], $0x20, s29, s14, $0xb8;
	[tilespmem:$0xE000] =	vst v63  }
0x7f: {  	s30 =	sadd.s32 $0x2880, s22  }
0x80: {  	[spmem:s2] =	stream.indirect.scatter.add.f32 [tilespmem:s16], [sflag:$0x2], $0x20, s30, s14, $0xb8;
	[tilespmem:$0xE000] =	vst v63  }
0x81: {  	s31 =	sadd.s32 $0x2900, s22  }
0x82: {  	[spmem:s2] =	stream.indirect.scatter.add.f32 [tilespmem:s17], [sflag:$0x2], $0x20, s31, s14, $0xb8;
	[tilespmem:$0xE000] =	vst v63  }
0x83: {  	s22 =	sadd.s32 $0x2980, s22  }
0x84: {  	[spmem:s2] =	stream.indirect.scatter.add.f32 [tilespmem:s18], [sflag:$0x2], $0x20, s22, s14, $0xb8;
	[tilespmem:$0xE000] =	vst v63  }
0x85: {  	_ =	swait.ge [sflag:s20], $0x1000  }
0x86: {  	[sflag:s20] =	ssyncset.done $0x0  }
0x87: {  	[sflag:s20] =	ssyncadd.s32 $0xFFFFF000  }
0x88: {  	_ =	swait.ge [sflag:s20], $0x1000  }
0x89: {  	[sflag:s20] =	ssyncset.done $0x0  }
0x8a: {  	[sflag:s20] =	ssyncadd.s32 $0xFFFFF000  }
0x8b: {  	_ =	swait.ge [sflag:s20], $0x1000  }
0x8c: {  	[sflag:s20] =	ssyncset.done $0x0  }
0x8d: {  	[sflag:s20] =	ssyncadd.s32 $0xFFFFF000  }
0x8e: {  	_ =	swait.ge [sflag:s20], $0x1000  }
0x8f: {  	s21 =	sadd.s32 $0x1, s21;
	[sflag:s20] =	ssyncset.done $0x0  }
0x90: {  	p0 =	sne.s32 s21, s10;
	[sflag:s20] =	ssyncadd.s32 $0xFFFFF000  }
.Ltmp1:
0x91: {  	[bflag:$0x0] =	sbarrier.arrive $0xFFFF;
	(pc) =	sbr.rel @p0 .LBB2_1-.Ltmp1, $4  }
0x92: {  	[hbm:s9], [sflag:s6] =	dma.local [spmem:s11], $0xA00  }
0x93: {  	_ =	swait.ge [sflag:s12], $0xA00  }
0x94: {  	[sflag:s12] =	ssyncset.done $0x0  }
0x95: {  	[sflag:s12] =	ssyncadd.s32 $0xFFFFF600  }
0x96: {  	_ =	sfence.sel $0x180000  }
0x97: {  	[bflag:$0x0] =	sbarrier.arrive $0xFFFF  }
0x98: {  	p0 =	sne.s32 s1, $0x0;
	_ =	strace $0x90000059  }
0x99: {  	s0 =	sadd.s32 @!p0 $0x100000, s0;
	[bflag:$0x2] =	sbarrier.arrive $0xFFFF  }
0x9a: {  	[sflag:s0] =	ssyncadd.tile.s32 @!p0 $0x1;
	_ =	shalt  }
.Lfunc_end2:
_tile_overlayer_lowered:
.L_overlay_start_2:
0x9b: {  	(tag) =	ssettag $0x2  }
0x9c: {  	s0 =	rddreg [dreg:$0x0];
	s2 =	stileid.u32  }
0x9d: {  	s1 =	rddreg [dreg:$0x1];
	p0 =	sne.s32 s2, $0x0  }
0x9e: {  	s3 =	rddreg [dreg:$0x2];
	[bflag:$0x3] =	sbarrier.arrive $0xFFFF;
	s2 =	simm.s32 @!p0 $0x1C03  }
0x9f: {  	[timem:s3], [sflag:s2] =	dma.local @!p0 [hbm:s0], s1  }
0xa0: {  	s0 =	simm.s32 @!p0 $0x3  }
0xa1: {  	_ =	swait.ge @!p0 [sflag:s0], s1  }
0xa2: {  	s1 =	ssub.s32 @!p0 $0x0, s1;
	[sflag:s0] =	ssyncset.done @!p0 $0x0  }
0xa3: {  	[sflag:s0] =	ssyncadd.s32 @!p0 s1  }
0xa4: {  	[bflag:$0x3] =	sbarrier.arrive $0xFFFF  }
0xa5: {  	_ =	shalt  }

</sc_bundles>
